<compile_context>
chip_gen: v7x
topology: tpu7x:2x2x1
jax: 0.10.2.dev20260603
libtpu: 0.0.44.dev20260713+nightly
codegen_flags: <defaults>
</compile_context>

<pallas_src>
import functools

import jax
import jax.numpy as jnp
from jax import lax
from jax.experimental import pallas as pl
from jax.experimental.pallas import tpu as pltpu
from jax.experimental.pallas import tpu_sc as plsc

E = 8
D = 1024
DFF = 1024
T = 2048
BT = 512
NB = 2 * T // BT + E
NP = NB * BT
NW = 32
CH = 256


_TDIMS = (((1,), (1,)), ((), ()))


def _router_body(x_ref, gate_ref, bias_ref, w3_ref,
                 pos_ref, w0_ref, w1_ref, blk_ref, nact_ref, w3b_ref):
    w3b_ref[...] = w3_ref[...].astype(jnp.bfloat16)

    @pl.when(pl.program_id(0) == 0)
    def _routing():
        _router_compute(x_ref, gate_ref, bias_ref,
                        pos_ref, w0_ref, w1_ref, blk_ref, nact_ref)


def _router_compute(x_ref, gate_ref, bias_ref,
                    pos_ref, w0_ref, w1_ref, blk_ref, nact_ref):
    x = x_ref[...]
    logits = lax.dot_general(x, gate_ref[...], _TDIMS,
                             preferred_element_type=jnp.float32)
    scores = jax.nn.sigmoid(logits)
    sfc = scores + bias_ref[...]
    lane = lax.broadcasted_iota(jnp.int32, (T, E), 1)
    m1 = jnp.max(sfc, axis=1, keepdims=True)
    i1 = jnp.min(jnp.where(sfc == m1, lane, E), axis=1, keepdims=True)
    sfc2 = jnp.where(lane == i1, -jnp.inf, sfc)
    m2 = jnp.max(sfc2, axis=1, keepdims=True)
    i2 = jnp.min(jnp.where(sfc2 == m2, lane, E), axis=1, keepdims=True)
    oh0 = (lane == i1).astype(jnp.float32)
    oh1 = (lane == i2).astype(jnp.float32)
    s0 = jnp.sum(oh0 * scores, axis=1, keepdims=True)
    s1 = jnp.sum(oh1 * scores, axis=1, keepdims=True)
    denom = s0 + s1
    w0_ref[...] = jnp.broadcast_to(s0 / denom, (T, 16))
    w1_ref[...] = jnp.broadcast_to(s1 / denom, (T, 16))

    counts0 = jnp.sum(oh0, axis=0, keepdims=True)
    counts1 = jnp.sum(oh1, axis=0, keepdims=True)
    counts = counts0 + counts1
    padded = jnp.ceil(counts * (1.0 / BT)) * BT
    triu = (lax.broadcasted_iota(jnp.int32, (E, E), 0)
            < lax.broadcasted_iota(jnp.int32, (E, E), 1)).astype(jnp.float32)
    starts = jnp.dot(padded, triu, preferred_element_type=jnp.float32)

    tris = (lax.broadcasted_iota(jnp.int32, (CH, CH), 0)
            > lax.broadcasted_iota(jnp.int32, (CH, CH), 1)).astype(jnp.float32)

    def emit_pos(oh, base, row0):
        carry = jnp.zeros((1, E), jnp.float32)
        for c in range(T // CH):
            ohc = oh[c * CH:(c + 1) * CH]
            before = carry + jnp.dot(tris, ohc,
                                     preferred_element_type=jnp.float32)
            pos = jnp.sum(ohc * (base + before), axis=1, keepdims=True)
            pos_ref[row0 + c * CH:row0 + (c + 1) * CH, :] = pos.astype(jnp.int32)
            carry = carry + jnp.sum(ohc, axis=0, keepdims=True)

    emit_pos(oh0, starts, 0)
    emit_pos(oh1, starts + counts0, T)

    bval = lax.broadcasted_iota(jnp.int32, (NB, E), 0).astype(jnp.float32) * BT
    blk = jnp.sum((bval >= starts).astype(jnp.float32), axis=1,
                  keepdims=True) - 1.0
    blk_ref[...] = blk.astype(jnp.int32)
    nact_ref[...] = (jnp.sum(padded, axis=1, keepdims=True)
                     * (1.0 / BT)).astype(jnp.int32)


def _router_call(x, gate_w, bias, w3):
    full = lambda e: (0, 0)
    outs = pl.pallas_call(
        _router_body,
        grid=(E,),
        in_specs=[
            pl.BlockSpec((T, D), full),
            pl.BlockSpec((E, D), full),
            pl.BlockSpec((1, E), full),
            pl.BlockSpec((DFF, D), lambda e: (e, 0)),
        ],
        out_specs=[
            pl.BlockSpec((2 * T, 1), full),
            pl.BlockSpec((T, 16), full),
            pl.BlockSpec((T, 16), full),
            pl.BlockSpec((NB, 1), full),
            pl.BlockSpec((1, 1), full),
            pl.BlockSpec((DFF, D), lambda e: (e, 0)),
        ],
        out_shape=(
            jax.ShapeDtypeStruct((2 * T, 1), jnp.int32),
            jax.ShapeDtypeStruct((T, 16), jnp.float32),
            jax.ShapeDtypeStruct((T, 16), jnp.float32),
            jax.ShapeDtypeStruct((NB, 1), jnp.int32),
            jax.ShapeDtypeStruct((1, 1), jnp.int32),
            jax.ShapeDtypeStruct((E * DFF, D), jnp.bfloat16),
        ),
    )(x, gate_w, bias, w3.reshape(E * DFF, D))
    return outs[:5] + (outs[5].reshape(E, DFF, D),)


def _wcast_body(w1_ref, w2_ref, o1_ref, o2_ref):
    o1_ref[...] = pltpu.bitcast(w1_ref[...].astype(jnp.bfloat16), jnp.int32)
    o2_ref[...] = pltpu.bitcast(w2_ref[...].astype(jnp.bfloat16), jnp.int32)


def _wcast_call(w1, w2):
    spec = pl.BlockSpec((DFF // 2, D), lambda s: (s, 0))
    ospec = pl.BlockSpec((DFF // 4, D), lambda s: (s, 0))
    outs = pl.pallas_call(
        _wcast_body,
        grid=(2 * E,),
        in_specs=[spec, spec],
        out_specs=[ospec, ospec],
        out_shape=[
            jax.ShapeDtypeStruct((E * DFF // 2, D), jnp.int32),
            jax.ShapeDtypeStruct((E * D // 2, DFF), jnp.int32),
        ],
    )(w1.reshape(E * DFF, D), w2.reshape(E * D, DFF))
    return (outs[0].reshape(E, DFF // 2, D), outs[1].reshape(E, D // 2, DFF))


def _gmm_body(blk_ref, nact_ref, xd_ref, w1_ref, w3_ref, w2_ref, out_ref):
    b = pl.program_id(0)

    @pl.when(b < nact_ref[0])
    def _():
        xb = xd_ref[...].astype(jnp.bfloat16)
        t1 = lax.dot_general(xb, pltpu.bitcast(w1_ref[0], jnp.bfloat16),
                             _TDIMS, preferred_element_type=jnp.float32)
        t3 = lax.dot_general(xb, w3_ref[0], _TDIMS,
                             preferred_element_type=jnp.float32)
        h = (t1 * jax.nn.sigmoid(t1) * t3).astype(jnp.bfloat16)
        out_ref[...] = lax.dot_general(h, pltpu.bitcast(w2_ref[0], jnp.bfloat16),
                                       _TDIMS, preferred_element_type=jnp.float32)


def _gmm_call(blk, nact, xdisp, w1t, w3t, w2t):
    act = lambda b, na: jnp.where(b < na[0], b, NB - 1)
    grid_spec = pltpu.PrefetchScalarGridSpec(
        num_scalar_prefetch=2,
        grid=(NB,),
        in_specs=[
            pl.BlockSpec((BT, D), lambda b, blk, na: (act(b, na), 0)),
            pl.BlockSpec((1, DFF // 2, D), lambda b, blk, na: (blk[b], 0, 0)),
            pl.BlockSpec((1, DFF, D), lambda b, blk, na: (blk[b], 0, 0)),
            pl.BlockSpec((1, D // 2, DFF), lambda b, blk, na: (blk[b], 0, 0)),
        ],
        out_specs=pl.BlockSpec((BT, D), lambda b, blk, na: (act(b, na), 0)),
    )
    return pl.pallas_call(
        _gmm_body,
        grid_spec=grid_spec,
        out_shape=jax.ShapeDtypeStruct((NP, D), jnp.float32),
    )(blk, nact, xdisp, w1t, w3t, w2t)


@functools.cache
def _sc_mesh():
    return plsc.VectorSubcoreMesh(core_axis_name="c", subcore_axis_name="s")


@functools.cache
def _dispatch_kernel():
    @functools.partial(
        pl.kernel,
        out_type=jax.ShapeDtypeStruct((NP, D), jnp.float32),
        mesh=_sc_mesh(),
        scratch_types=[
            pltpu.VMEM((64,), jnp.int32),
            pltpu.VMEM((64, D), jnp.float32),
            pltpu.SemaphoreType.DMA,
        ],
    )
    def _dispatch_call(x_hbm, pos_hbm, xd_hbm, idx_v, buf, sem):
        wid = lax.axis_index("s") * 2 + lax.axis_index("c")
        for c in range(2):
            p0 = wid * 128 + c * 64
            t0 = lax.rem(p0, T)
            pltpu.sync_copy(pos_hbm.at[pl.ds(p0, 64)], idx_v)
            pltpu.sync_copy(x_hbm.at[pl.ds(t0, 64)], buf)
            pltpu.async_copy(buf, xd_hbm.at[idx_v], sem).wait()

    return _dispatch_call


@functools.cache
def _combine_kernel():
    @functools.partial(
        pl.kernel,
        out_type=jax.ShapeDtypeStruct((T, D), jnp.float32),
        mesh=_sc_mesh(),
        scratch_types=[
            pltpu.VMEM((32,), jnp.int32),
            pltpu.VMEM((32,), jnp.int32),
            pltpu.VMEM((32, D), jnp.float32),
            pltpu.VMEM((32, D), jnp.float32),
            pltpu.VMEM((32, 16), jnp.float32),
            pltpu.VMEM((32, 16), jnp.float32),
            pltpu.SemaphoreType.DMA,
        ],
    )
    def _combine_call(y_hbm, pos_hbm, w0_hbm, w1_hbm, out_hbm,
                      idx0, idx1, yb0, yb1, w0s, w1s, sem):
        wid = lax.axis_index("s") * 2 + lax.axis_index("c")
        for c in range(2):
            tb = wid * 64 + c * 32
            pltpu.sync_copy(pos_hbm.at[pl.ds(tb, 32)], idx0)
            pltpu.sync_copy(pos_hbm.at[pl.ds(T + tb, 32)], idx1)
            pltpu.sync_copy(w0_hbm.at[pl.ds(tb, 32)], w0s)
            pltpu.sync_copy(w1_hbm.at[pl.ds(tb, 32)], w1s)
            pltpu.async_copy(y_hbm.at[idx0], yb0, sem).wait()
            pltpu.async_copy(y_hbm.at[idx1], yb1, sem).wait()

            def row(i, _):
                a = w0s[i, :]
                b = w1s[i, :]
                for j in range(D // 16):
                    sl = pl.ds(j * 16, 16)
                    yb0[i, sl] = a * yb0[i, sl] + b * yb1[i, sl]
                return 0

            lax.fori_loop(0, 32, row, 0)
            pltpu.sync_copy(yb0, out_hbm.at[pl.ds(tb, 32)])

    return _combine_call


def kernel(hidden_states, gate_w, e_score_correction_bias, w1, w3, w2):
    orig_shape = hidden_states.shape
    x = hidden_states.reshape(T, D)
    bias = e_score_correction_bias.reshape(1, E)
    w1b, w2b = _wcast_call(w1, w2)

    pos, w0, w1n, blk, nact, w3b = _router_call(x, gate_w, bias, w3)
    pos = pos.reshape(2 * T)
    xdisp = _dispatch_kernel()(x, pos)
    ydisp = _gmm_call(blk.reshape(NB), nact.reshape(1), xdisp, w1b, w3b, w2b)
    out = _combine_kernel()(ydisp, pos, w0, w1n)
    return out.reshape(orig_shape)

# --- scband reference (transcript-rebuilt; emitter-appended) ---
"""Pipeline reference for scband-lfm2-moe-sparse-moe-block-2113123909695 (READ-ONLY COPY).

The authoritative reference and input builder live on the scoring server;
editing this copy changes nothing except your own understanding.
"""

import jax, jax.numpy as jnp
import numpy as np

E = 8
TOPK = 2
D = 1024
DFF = 1024
B = 1
S = 2048
SCALE = 1.0


def setup_inputs(seed: int = 0) -> dict:
    key = jax.random.key(seed)
    ks = jax.random.split(key, 6)
    hidden_states = jax.random.normal(ks[0], (B, S, D), dtype=jnp.float32)
    gate_w = jax.random.normal(ks[1], (E, D), dtype=jnp.float32) * 0.02
    e_score_correction_bias = jax.random.normal(ks[2], (E,), dtype=jnp.float32) * 0.02
    w1 = jax.random.normal(ks[3], (E, DFF, D), dtype=jnp.float32) * 0.02
    w3 = jax.random.normal(ks[4], (E, DFF, D), dtype=jnp.float32) * 0.02
    w2 = jax.random.normal(ks[5], (E, D, DFF), dtype=jnp.float32) * 0.02
    return {
        "hidden_states": hidden_states,
        "gate_w": gate_w,
        "e_score_correction_bias": e_score_correction_bias,
        "w1": w1,
        "w3": w3,
        "w2": w2,
    }


def reference(hidden_states, gate_w, e_score_correction_bias, w1, w3, w2):
    orig_shape = hidden_states.shape
    x = hidden_states.reshape(-1, D)
    # Replicated gate linear (no bias)
    router_logits = x @ gate_w.T  # [T, E]
    # scoring_func='sigmoid'
    scores = jax.nn.sigmoid(router_logits)
    # grouped topk with num_expert_group=1, topk_group=1 reduces to plain topk
    # over bias-corrected scores; weights are taken from the uncorrected scores.
    scores_for_choice = scores + e_score_correction_bias[None, :]
    _, topk_idx = jax.lax.top_k(scores_for_choice, TOPK)  # [T, K]
    topk_w = jnp.take_along_axis(scores, topk_idx, axis=1)  # [T, K]
    # renormalize (norm_topk_prob=True)
    topk_w = topk_w / jnp.sum(topk_w, axis=1, keepdims=True)
    out = jnp.zeros_like(x)
    for e in range(E):
        coef = jnp.sum(jnp.where(topk_idx == e, topk_w, 0.0), axis=1)  # [T]
        h = jax.nn.silu(x @ w1[e].T) * (x @ w3[e].T)  # SiLU-gated MLP
        y = h @ w2[e].T
        out = out + coef[:, None] * y
    out = out * SCALE  # routed_scaling_factor
    return out.reshape(orig_shape)

if __name__ == "__main__":
    import jax
    _d = setup_inputs()
    print(jax.jit(kernel)(*tuple(_d.values())))

</pallas_src>

<mosaic_0001>
#map = affine_map<(d0, d1) -> (0, 0)>
#map1 = affine_map<(d0, d1) -> (0)>
module attributes {stable_mosaic.version = 14 : i64} {
  func.func @_dispatch_call(%arg0: i32, %arg1: i32, %arg2: memref<2048x1024xf32, #tpu.memory_space<hbm>>, %arg3: memref<4096xi32, #tpu.memory_space<hbm>>, %arg4: memref<8192x1024xf32, #tpu.memory_space<hbm>>, %arg5: memref<64xi32, #tpu.memory_space<vmem>>, %arg6: memref<64x1024xf32, #tpu.memory_space<vmem>>, %arg7: memref<!tpu.dma_semaphore, #tpu.memory_space<semaphore_mem>>) attributes {dimension_semantics = [#tpu.dimension_semantics<core_parallel>, #tpu.dimension_semantics<subcore_parallel>], iteration_bounds = array<i64: 2, 16>, scalar_prefetch = 0 : i64, scratch_operands = 3 : i64, tpu.core_type = #tpu.core_type<sc_vector_subcore>, window_params = [{transform_indices = #map}, {transform_indices = #map1}, {transform_indices = #map}]} {
    %mul3A = arith.constant 2 : i32
    %mul3A_0 = arith.muli %arg1, %mul3A : i32
    %add3A = arith.addi %mul3A_0, %arg0 : i32
    %mul3A_1 = arith.constant 128 : i32
    %mul3A_2 = arith.muli %add3A, %mul3A_1 : i32
    %add3A_3 = arith.constant 0 : i32
    %add3A_4 = arith.addi %mul3A_2, %add3A_3 : i32
    %rem3A = arith.constant 2048 : i32
    %rem3A_5 = arith.remsi %add3A_4, %rem3A : i32
    "tpu.region"() ({
      %run_scoped3A = tpu.sem_alloc : memref<!tpu.dma_semaphore, #tpu.memory_space<semaphore_mem>>
      %dma_start3A_22 = tpu.memref_slice %arg3[%add3A_4] : memref<4096xi32, #tpu.memory_space<hbm>> -> memref<64xi32, #tpu.memory_space<hbm>>
      %dma_start3A_23 = tpu.memref_slice %arg3[%add3A_4] : memref<4096xi32, #tpu.memory_space<hbm>> -> memref<64xi32, #tpu.memory_space<hbm>>
      tpu.enqueue_dma source(%dma_start3A_23 : memref<64xi32, #tpu.memory_space<hbm>>) target(%arg5 : memref<64xi32, #tpu.memory_space<vmem>>) target_semaphore(%run_scoped3A : memref<!tpu.dma_semaphore, #tpu.memory_space<semaphore_mem>>)
      %dma_wait3A_24 = tpu.memref_slice %arg3[%add3A_4] : memref<4096xi32, #tpu.memory_space<hbm>> -> memref<64xi32, #tpu.memory_space<hbm>>
      %dma_wait3A_25 = tpu.memref_slice %arg3[%add3A_4] : memref<4096xi32, #tpu.memory_space<hbm>> -> memref<64xi32, #tpu.memory_space<hbm>>
      tpu.wait_dma2 semaphore(%run_scoped3A : memref<!tpu.dma_semaphore, #tpu.memory_space<semaphore_mem>>) src(%dma_wait3A_25 : memref<64xi32, #tpu.memory_space<hbm>>) dst(%arg5 : memref<64xi32, #tpu.memory_space<vmem>>)
      tpu.yield
    }) : () -> ()
    "tpu.region"() ({
      %run_scoped3A = tpu.sem_alloc : memref<!tpu.dma_semaphore, #tpu.memory_space<semaphore_mem>>
      %dma_start3A_22 = arith.constant 0 : i32
      %dma_start3A_23 = tpu.memref_slice %arg2[%rem3A_5, %dma_start3A_22] : memref<2048x1024xf32, #tpu.memory_space<hbm>> -> memref<64x1024xf32, #tpu.memory_space<hbm>>
      %dma_start3A_24 = arith.constant 0 : i32
      %dma_start3A_25 = tpu.memref_slice %arg2[%rem3A_5, %dma_start3A_24] : memref<2048x1024xf32, #tpu.memory_space<hbm>> -> memref<64x1024xf32, #tpu.memory_space<hbm>>
      tpu.enqueue_dma source(%dma_start3A_25 : memref<64x1024xf32, #tpu.memory_space<hbm>>) target(%arg6 : memref<64x1024xf32, #tpu.memory_space<vmem>>) target_semaphore(%run_scoped3A : memref<!tpu.dma_semaphore, #tpu.memory_space<semaphore_mem>>)
      %dma_wait3A_26 = arith.constant 0 : i32
      %dma_wait3A_27 = tpu.memref_slice %arg2[%rem3A_5, %dma_wait3A_26] : memref<2048x1024xf32, #tpu.memory_space<hbm>> -> memref<64x1024xf32, #tpu.memory_space<hbm>>
      %dma_wait3A_28 = arith.constant 0 : i32
      %dma_wait3A_29 = tpu.memref_slice %arg2[%rem3A_5, %dma_wait3A_28] : memref<2048x1024xf32, #tpu.memory_space<hbm>> -> memref<64x1024xf32, #tpu.memory_space<hbm>>
      tpu.wait_dma2 semaphore(%run_scoped3A : memref<!tpu.dma_semaphore, #tpu.memory_space<semaphore_mem>>) src(%dma_wait3A_29 : memref<64x1024xf32, #tpu.memory_space<hbm>>) dst(%arg6 : memref<64x1024xf32, #tpu.memory_space<vmem>>)
      tpu.yield
    }) : () -> ()
    %dma_start3A = arith.constant 0 : i32
    %dma_start3A_6 = arith.constant 0 : i32
    %dma_start3A_7 = tpu.memref_slice %arg4[%dma_start3A, %dma_start3A_6] : memref<8192x1024xf32, #tpu.memory_space<hbm>> -> memref<8192x1024xf32, #tpu.memory_space<hbm>>
    tpu.enqueue_indirect_dma source(%arg6 : memref<64x1024xf32, #tpu.memory_space<vmem>>) target(%dma_start3A_7 : memref<8192x1024xf32, #tpu.memory_space<hbm>>) offsets(%arg5 : memref<64xi32, #tpu.memory_space<vmem>>) semaphore(%arg7 : memref<!tpu.dma_semaphore, #tpu.memory_space<semaphore_mem>>)
    %dma_wait3A = arith.constant 0 : i32
    %dma_wait3A_8 = arith.constant 0 : i32
    %dma_wait3A_9 = tpu.memref_slice %arg4[%dma_wait3A, %dma_wait3A_8] : memref<8192x1024xf32, #tpu.memory_space<hbm>> -> memref<8192x1024xf32, #tpu.memory_space<hbm>>
    tpu.wait_indirect_dma semaphore(%arg7 : memref<!tpu.dma_semaphore, #tpu.memory_space<semaphore_mem>>) src(%arg6 : memref<64x1024xf32, #tpu.memory_space<vmem>>) dst(%dma_wait3A_9 : memref<8192x1024xf32, #tpu.memory_space<hbm>>)
    %mul3A_10 = arith.constant 128 : i32
    %mul3A_11 = arith.muli %add3A, %mul3A_10 : i32
    %add3A_12 = arith.constant 64 : i32
    %add3A_13 = arith.addi %mul3A_11, %add3A_12 : i32
    %rem3A_14 = arith.constant 2048 : i32
    %rem3A_15 = arith.remsi %add3A_13, %rem3A_14 : i32
    "tpu.region"() ({
      %run_scoped3A = tpu.sem_alloc : memref<!tpu.dma_semaphore, #tpu.memory_space<semaphore_mem>>
      %dma_start3A_22 = tpu.memref_slice %arg3[%add3A_13] : memref<4096xi32, #tpu.memory_space<hbm>> -> memref<64xi32, #tpu.memory_space<hbm>>
      %dma_start3A_23 = tpu.memref_slice %arg3[%add3A_13] : memref<4096xi32, #tpu.memory_space<hbm>> -> memref<64xi32, #tpu.memory_space<hbm>>
      tpu.enqueue_dma source(%dma_start3A_23 : memref<64xi32, #tpu.memory_space<hbm>>) target(%arg5 : memref<64xi32, #tpu.memory_space<vmem>>) target_semaphore(%run_scoped3A : memref<!tpu.dma_semaphore, #tpu.memory_space<semaphore_mem>>)
      %dma_wait3A_24 = tpu.memref_slice %arg3[%add3A_13] : memref<4096xi32, #tpu.memory_space<hbm>> -> memref<64xi32, #tpu.memory_space<hbm>>
      %dma_wait3A_25 = tpu.memref_slice %arg3[%add3A_13] : memref<4096xi32, #tpu.memory_space<hbm>> -> memref<64xi32, #tpu.memory_space<hbm>>
      tpu.wait_dma2 semaphore(%run_scoped3A : memref<!tpu.dma_semaphore, #tpu.memory_space<semaphore_mem>>) src(%dma_wait3A_25 : memref<64xi32, #tpu.memory_space<hbm>>) dst(%arg5 : memref<64xi32, #tpu.memory_space<vmem>>)
      tpu.yield
    }) : () -> ()
    "tpu.region"() ({
      %run_scoped3A = tpu.sem_alloc : memref<!tpu.dma_semaphore, #tpu.memory_space<semaphore_mem>>
      %dma_start3A_22 = arith.constant 0 : i32
      %dma_start3A_23 = tpu.memref_slice %arg2[%rem3A_15, %dma_start3A_22] : memref<2048x1024xf32, #tpu.memory_space<hbm>> -> memref<64x1024xf32, #tpu.memory_space<hbm>>
      %dma_start3A_24 = arith.constant 0 : i32
      %dma_start3A_25 = tpu.memref_slice %arg2[%rem3A_15, %dma_start3A_24] : memref<2048x1024xf32, #tpu.memory_space<hbm>> -> memref<64x1024xf32, #tpu.memory_space<hbm>>
      tpu.enqueue_dma source(%dma_start3A_25 : memref<64x1024xf32, #tpu.memory_space<hbm>>) target(%arg6 : memref<64x1024xf32, #tpu.memory_space<vmem>>) target_semaphore(%run_scoped3A : memref<!tpu.dma_semaphore, #tpu.memory_space<semaphore_mem>>)
      %dma_wait3A_26 = arith.constant 0 : i32
      %dma_wait3A_27 = tpu.memref_slice %arg2[%rem3A_15, %dma_wait3A_26] : memref<2048x1024xf32, #tpu.memory_space<hbm>> -> memref<64x1024xf32, #tpu.memory_space<hbm>>
      %dma_wait3A_28 = arith.constant 0 : i32
      %dma_wait3A_29 = tpu.memref_slice %arg2[%rem3A_15, %dma_wait3A_28] : memref<2048x1024xf32, #tpu.memory_space<hbm>> -> memref<64x1024xf32, #tpu.memory_space<hbm>>
      tpu.wait_dma2 semaphore(%run_scoped3A : memref<!tpu.dma_semaphore, #tpu.memory_space<semaphore_mem>>) src(%dma_wait3A_29 : memref<64x1024xf32, #tpu.memory_space<hbm>>) dst(%arg6 : memref<64x1024xf32, #tpu.memory_space<vmem>>)
      tpu.yield
    }) : () -> ()
    %dma_start3A_16 = arith.constant 0 : i32
    %dma_start3A_17 = arith.constant 0 : i32
    %dma_start3A_18 = tpu.memref_slice %arg4[%dma_start3A_16, %dma_start3A_17] : memref<8192x1024xf32, #tpu.memory_space<hbm>> -> memref<8192x1024xf32, #tpu.memory_space<hbm>>
    tpu.enqueue_indirect_dma source(%arg6 : memref<64x1024xf32, #tpu.memory_space<vmem>>) target(%dma_start3A_18 : memref<8192x1024xf32, #tpu.memory_space<hbm>>) offsets(%arg5 : memref<64xi32, #tpu.memory_space<vmem>>) semaphore(%arg7 : memref<!tpu.dma_semaphore, #tpu.memory_space<semaphore_mem>>)
    %dma_wait3A_19 = arith.constant 0 : i32
    %dma_wait3A_20 = arith.constant 0 : i32
    %dma_wait3A_21 = tpu.memref_slice %arg4[%dma_wait3A_19, %dma_wait3A_20] : memref<8192x1024xf32, #tpu.memory_space<hbm>> -> memref<8192x1024xf32, #tpu.memory_space<hbm>>
    tpu.wait_indirect_dma semaphore(%arg7 : memref<!tpu.dma_semaphore, #tpu.memory_space<semaphore_mem>>) src(%arg6 : memref<64x1024xf32, #tpu.memory_space<vmem>>) dst(%dma_wait3A_21 : memref<8192x1024xf32, #tpu.memory_space<hbm>>)
    return
  }
}

#map = affine_map<(d0, d1) -> (0, 0)>
#map1 = affine_map<(d0, d1) -> (0)>
module attributes {stable_mosaic.version = 14 : i64} {
  func.func @_combine_call(%arg0: i32, %arg1: i32, %arg2: memref<8192x1024xf32, #tpu.memory_space<hbm>>, %arg3: memref<4096xi32, #tpu.memory_space<hbm>>, %arg4: memref<2048x16xf32, #tpu.memory_space<hbm>>, %arg5: memref<2048x16xf32, #tpu.memory_space<hbm>>, %arg6: memref<2048x1024xf32, #tpu.memory_space<hbm>>, %arg7: memref<32xi32, #tpu.memory_space<vmem>>, %arg8: memref<32xi32, #tpu.memory_space<vmem>>, %arg9: memref<32x1024xf32, #tpu.memory_space<vmem>>, %arg10: memref<32x1024xf32, #tpu.memory_space<vmem>>, %arg11: memref<32x16xf32, #tpu.memory_space<vmem>>, %arg12: memref<32x16xf32, #tpu.memory_space<vmem>>, %arg13: memref<!tpu.dma_semaphore, #tpu.memory_space<semaphore_mem>>) attributes {dimension_semantics = [#tpu.dimension_semantics<core_parallel>, #tpu.dimension_semantics<subcore_parallel>], iteration_bounds = array<i64: 2, 16>, scalar_prefetch = 0 : i64, scratch_operands = 7 : i64, tpu.core_type = #tpu.core_type<sc_vector_subcore>, window_params = [{transform_indices = #map}, {transform_indices = #map1}, {transform_indices = #map}, {transform_indices = #map}, {transform_indices = #map}]} {
    %mul3A = arith.constant 2 : i32
    %mul3A_0 = arith.muli %arg1, %mul3A : i32
    %add3A = arith.addi %mul3A_0, %arg0 : i32
    %mul3A_1 = arith.constant 64 : i32
    %mul3A_2 = arith.muli %add3A, %mul3A_1 : i32
    %add3A_3 = arith.constant 0 : i32
    %add3A_4 = arith.addi %mul3A_2, %add3A_3 : i32
    "tpu.region"() ({
      %run_scoped3A = tpu.sem_alloc : memref<!tpu.dma_semaphore, #tpu.memory_space<semaphore_mem>>
      %dma_start3A_48 = tpu.memref_slice %arg3[%add3A_4] : memref<4096xi32, #tpu.memory_space<hbm>> -> memref<32xi32, #tpu.memory_space<hbm>>
      %dma_start3A_49 = tpu.memref_slice %arg3[%add3A_4] : memref<4096xi32, #tpu.memory_space<hbm>> -> memref<32xi32, #tpu.memory_space<hbm>>
      tpu.enqueue_dma source(%dma_start3A_49 : memref<32xi32, #tpu.memory_space<hbm>>) target(%arg7 : memref<32xi32, #tpu.memory_space<vmem>>) target_semaphore(%run_scoped3A : memref<!tpu.dma_semaphore, #tpu.memory_space<semaphore_mem>>)
      %dma_wait3A_50 = tpu.memref_slice %arg3[%add3A_4] : memref<4096xi32, #tpu.memory_space<hbm>> -> memref<32xi32, #tpu.memory_space<hbm>>
      %dma_wait3A_51 = tpu.memref_slice %arg3[%add3A_4] : memref<4096xi32, #tpu.memory_space<hbm>> -> memref<32xi32, #tpu.memory_space<hbm>>
      tpu.wait_dma2 semaphore(%run_scoped3A : memref<!tpu.dma_semaphore, #tpu.memory_space<semaphore_mem>>) src(%dma_wait3A_51 : memref<32xi32, #tpu.memory_space<hbm>>) dst(%arg7 : memref<32xi32, #tpu.memory_space<vmem>>)
      tpu.yield
    }) : () -> ()
    %add3A_5 = arith.constant 2048 : i32
    %add3A_6 = arith.addi %add3A_5, %add3A_4 : i32
    "tpu.region"() ({
      %run_scoped3A = tpu.sem_alloc : memref<!tpu.dma_semaphore, #tpu.memory_space<semaphore_mem>>
      %dma_start3A_48 = tpu.memref_slice %arg3[%add3A_6] : memref<4096xi32, #tpu.memory_space<hbm>> -> memref<32xi32, #tpu.memory_space<hbm>>
      %dma_start3A_49 = tpu.memref_slice %arg3[%add3A_6] : memref<4096xi32, #tpu.memory_space<hbm>> -> memref<32xi32, #tpu.memory_space<hbm>>
      tpu.enqueue_dma source(%dma_start3A_49 : memref<32xi32, #tpu.memory_space<hbm>>) target(%arg8 : memref<32xi32, #tpu.memory_space<vmem>>) target_semaphore(%run_scoped3A : memref<!tpu.dma_semaphore, #tpu.memory_space<semaphore_mem>>)
      %dma_wait3A_50 = tpu.memref_slice %arg3[%add3A_6] : memref<4096xi32, #tpu.memory_space<hbm>> -> memref<32xi32, #tpu.memory_space<hbm>>
      %dma_wait3A_51 = tpu.memref_slice %arg3[%add3A_6] : memref<4096xi32, #tpu.memory_space<hbm>> -> memref<32xi32, #tpu.memory_space<hbm>>
      tpu.wait_dma2 semaphore(%run_scoped3A : memref<!tpu.dma_semaphore, #tpu.memory_space<semaphore_mem>>) src(%dma_wait3A_51 : memref<32xi32, #tpu.memory_space<hbm>>) dst(%arg8 : memref<32xi32, #tpu.memory_space<vmem>>)
      tpu.yield
    }) : () -> ()
    "tpu.region"() ({
      %run_scoped3A = tpu.sem_alloc : memref<!tpu.dma_semaphore, #tpu.memory_space<semaphore_mem>>
      %dma_start3A_48 = arith.constant 0 : i32
      %dma_start3A_49 = tpu.memref_slice %arg4[%add3A_4, %dma_start3A_48] : memref<2048x16xf32, #tpu.memory_space<hbm>> -> memref<32x16xf32, #tpu.memory_space<hbm>>
      %dma_start3A_50 = arith.constant 0 : i32
      %dma_start3A_51 = tpu.memref_slice %arg4[%add3A_4, %dma_start3A_50] : memref<2048x16xf32, #tpu.memory_space<hbm>> -> memref<32x16xf32, #tpu.memory_space<hbm>>
      tpu.enqueue_dma source(%dma_start3A_51 : memref<32x16xf32, #tpu.memory_space<hbm>>) target(%arg11 : memref<32x16xf32, #tpu.memory_space<vmem>>) target_semaphore(%run_scoped3A : memref<!tpu.dma_semaphore, #tpu.memory_space<semaphore_mem>>)
      %dma_wait3A_52 = arith.constant 0 : i32
      %dma_wait3A_53 = tpu.memref_slice %arg4[%add3A_4, %dma_wait3A_52] : memref<2048x16xf32, #tpu.memory_space<hbm>> -> memref<32x16xf32, #tpu.memory_space<hbm>>
      %dma_wait3A_54 = arith.constant 0 : i32
      %dma_wait3A_55 = tpu.memref_slice %arg4[%add3A_4, %dma_wait3A_54] : memref<2048x16xf32, #tpu.memory_space<hbm>> -> memref<32x16xf32, #tpu.memory_space<hbm>>
      tpu.wait_dma2 semaphore(%run_scoped3A : memref<!tpu.dma_semaphore, #tpu.memory_space<semaphore_mem>>) src(%dma_wait3A_55 : memref<32x16xf32, #tpu.memory_space<hbm>>) dst(%arg11 : memref<32x16xf32, #tpu.memory_space<vmem>>)
      tpu.yield
    }) : () -> ()
    "tpu.region"() ({
      %run_scoped3A = tpu.sem_alloc : memref<!tpu.dma_semaphore, #tpu.memory_space<semaphore_mem>>
      %dma_start3A_48 = arith.constant 0 : i32
      %dma_start3A_49 = tpu.memref_slice %arg5[%add3A_4, %dma_start3A_48] : memref<2048x16xf32, #tpu.memory_space<hbm>> -> memref<32x16xf32, #tpu.memory_space<hbm>>
      %dma_start3A_50 = arith.constant 0 : i32
      %dma_start3A_51 = tpu.memref_slice %arg5[%add3A_4, %dma_start3A_50] : memref<2048x16xf32, #tpu.memory_space<hbm>> -> memref<32x16xf32, #tpu.memory_space<hbm>>
      tpu.enqueue_dma source(%dma_start3A_51 : memref<32x16xf32, #tpu.memory_space<hbm>>) target(%arg12 : memref<32x16xf32, #tpu.memory_space<vmem>>) target_semaphore(%run_scoped3A : memref<!tpu.dma_semaphore, #tpu.memory_space<semaphore_mem>>)
      %dma_wait3A_52 = arith.constant 0 : i32
      %dma_wait3A_53 = tpu.memref_slice %arg5[%add3A_4, %dma_wait3A_52] : memref<2048x16xf32, #tpu.memory_space<hbm>> -> memref<32x16xf32, #tpu.memory_space<hbm>>
      %dma_wait3A_54 = arith.constant 0 : i32
      %dma_wait3A_55 = tpu.memref_slice %arg5[%add3A_4, %dma_wait3A_54] : memref<2048x16xf32, #tpu.memory_space<hbm>> -> memref<32x16xf32, #tpu.memory_space<hbm>>
      tpu.wait_dma2 semaphore(%run_scoped3A : memref<!tpu.dma_semaphore, #tpu.memory_space<semaphore_mem>>) src(%dma_wait3A_55 : memref<32x16xf32, #tpu.memory_space<hbm>>) dst(%arg12 : memref<32x16xf32, #tpu.memory_space<vmem>>)
      tpu.yield
    }) : () -> ()
    %dma_start3A = arith.constant 0 : i32
    %dma_start3A_7 = arith.constant 0 : i32
    %dma_start3A_8 = tpu.memref_slice %arg2[%dma_start3A, %dma_start3A_7] : memref<8192x1024xf32, #tpu.memory_space<hbm>> -> memref<8192x1024xf32, #tpu.memory_space<hbm>>
    tpu.enqueue_indirect_dma source(%dma_start3A_8 : memref<8192x1024xf32, #tpu.memory_space<hbm>>) target(%arg9 : memref<32x1024xf32, #tpu.memory_space<vmem>>) offsets(%arg7 : memref<32xi32, #tpu.memory_space<vmem>>) semaphore(%arg13 : memref<!tpu.dma_semaphore, #tpu.memory_space<semaphore_mem>>)
    %dma_wait3A = arith.constant 0 : i32
    %dma_wait3A_9 = arith.constant 0 : i32
    %dma_wait3A_10 = tpu.memref_slice %arg2[%dma_wait3A, %dma_wait3A_9] : memref<8192x1024xf32, #tpu.memory_space<hbm>> -> memref<8192x1024xf32, #tpu.memory_space<hbm>>
    tpu.wait_indirect_dma semaphore(%arg13 : memref<!tpu.dma_semaphore, #tpu.memory_space<semaphore_mem>>) src(%dma_wait3A_10 : memref<8192x1024xf32, #tpu.memory_space<hbm>>) dst(%arg9 : memref<32x1024xf32, #tpu.memory_space<vmem>>)
    %dma_start3A_11 = arith.constant 0 : i32
    %dma_start3A_12 = arith.constant 0 : i32
    %dma_start3A_13 = tpu.memref_slice %arg2[%dma_start3A_11, %dma_start3A_12] : memref<8192x1024xf32, #tpu.memory_space<hbm>> -> memref<8192x1024xf32, #tpu.memory_space<hbm>>
    tpu.enqueue_indirect_dma source(%dma_start3A_13 : memref<8192x1024xf32, #tpu.memory_space<hbm>>) target(%arg10 : memref<32x1024xf32, #tpu.memory_space<vmem>>) offsets(%arg8 : memref<32xi32, #tpu.memory_space<vmem>>) semaphore(%arg13 : memref<!tpu.dma_semaphore, #tpu.memory_space<semaphore_mem>>)
    %dma_wait3A_14 = arith.constant 0 : i32
    %dma_wait3A_15 = arith.constant 0 : i32
    %dma_wait3A_16 = tpu.memref_slice %arg2[%dma_wait3A_14, %dma_wait3A_15] : memref<8192x1024xf32, #tpu.memory_space<hbm>> -> memref<8192x1024xf32, #tpu.memory_space<hbm>>
    tpu.wait_indirect_dma semaphore(%arg13 : memref<!tpu.dma_semaphore, #tpu.memory_space<semaphore_mem>>) src(%dma_wait3A_16 : memref<8192x1024xf32, #tpu.memory_space<hbm>>) dst(%arg10 : memref<32x1024xf32, #tpu.memory_space<vmem>>)
    %scan3A = arith.constant 0 : i32
    %scan3A_17 = arith.constant 0 : i32
    %scan3A_18 = arith.constant 32 : i32
    %scan3A_19 = arith.addi %scan3A_17, %scan3A_18 : i32
    %scan3A_20 = arith.constant 1 : i32
    %scan3A_21 = scf.for %scan3A_48 = %scan3A_17 to %scan3A_19 step %scan3A_20 iter_args(%scan3A_49 = %scan3A) -> (i32)  : i32 {
      %get3A = arith.index_cast %scan3A_48 : i32 to index
      %get3A_50 = arith.constant 0 : index
      %get3A_51 = tpu.vector_load %arg11[%get3A, %get3A_50] {strides = array<i32>} : memref<32x16xf32, #tpu.memory_space<vmem>>, vector<1x16xf32>,
      %get3A_52 = vector.shape_cast %get3A_51 : vector<1x16xf32> to vector<16xf32>
      %get3A_53 = arith.index_cast %scan3A_48 : i32 to index
      %get3A_54 = arith.constant 0 : index
      %get3A_55 = tpu.vector_load %arg12[%get3A_53, %get3A_54] {strides = array<i32>} : memref<32x16xf32, #tpu.memory_space<vmem>>, vector<1x16xf32>,
      %get3A_56 = vector.shape_cast %get3A_55 : vector<1x16xf32> to vector<16xf32>
      %get3A_57 = arith.index_cast %scan3A_48 : i32 to index
      %get3A_58 = arith.constant 0 : index
      %get3A_59 = tpu.vector_load %arg9[%get3A_57, %get3A_58] {strides = array<i32>} : memref<32x1024xf32, #tpu.memory_space<vmem>>, vector<1x16xf32>,
      %get3A_60 = vector.shape_cast %get3A_59 : vector<1x16xf32> to vector<16xf32>
      %mul3A_61 = arith.mulf %get3A_52, %get3A_60 : vector<16xf32>
      %get3A_62 = arith.index_cast %scan3A_48 : i32 to index
      %get3A_63 = arith.constant 0 : index
      %get3A_64 = tpu.vector_load %arg10[%get3A_62, %get3A_63] {strides = array<i32>} : memref<32x1024xf32, #tpu.memory_space<vmem>>, vector<1x16xf32>,
      %get3A_65 = vector.shape_cast %get3A_64 : vector<1x16xf32> to vector<16xf32>
      %mul3A_66 = arith.mulf %get3A_56, %get3A_65 : vector<16xf32>
      %add3A_67 = arith.addf %mul3A_61, %mul3A_66 : vector<16xf32>
      %swap3A = arith.index_cast %scan3A_48 : i32 to index
      %swap3A_68 = arith.constant 0 : index
      %swap3A_69 = tpu.vector_load %arg9[%swap3A, %swap3A_68] {strides = array<i32>} : memref<32x1024xf32, #tpu.memory_space<vmem>>, vector<1x16xf32>,
      %swap3A_70 = vector.shape_cast %swap3A_69 : vector<1x16xf32> to vector<16xf32>
      %swap3A_71 = vector.shape_cast %add3A_67 : vector<16xf32> to vector<1x16xf32>
      tpu.vector_store %arg9[%swap3A, %swap3A_68], %swap3A_71 {strides = array<i32>} : memref<32x1024xf32, #tpu.memory_space<vmem>>, vector<1x16xf32>,
      %get3A_72 = arith.index_cast %scan3A_48 : i32 to index
      %get3A_73 = arith.constant 16 : index
      %get3A_74 = tpu.vector_load %arg9[%get3A_72, %get3A_73] {strides = array<i32>} : memref<32x1024xf32, #tpu.memory_space<vmem>>, vector<1x16xf32>,
      %get3A_75 = vector.shape_cast %get3A_74 : vector<1x16xf32> to vector<16xf32>
      %mul3A_76 = arith.mulf %get3A_52, %get3A_75 : vector<16xf32>
      %get3A_77 = arith.index_cast %scan3A_48 : i32 to index
      %get3A_78 = arith.constant 16 : index
      %get3A_79 = tpu.vector_load %arg10[%get3A_77, %get3A_78] {strides = array<i32>} : memref<32x1024xf32, #tpu.memory_space<vmem>>, vector<1x16xf32>,
      %get3A_80 = vector.shape_cast %get3A_79 : vector<1x16xf32> to vector<16xf32>
      %mul3A_81 = arith.mulf %get3A_56, %get3A_80 : vector<16xf32>
      %add3A_82 = arith.addf %mul3A_76, %mul3A_81 : vector<16xf32>
      %swap3A_83 = arith.index_cast %scan3A_48 : i32 to index
      %swap3A_84 = arith.constant 16 : index
      %swap3A_85 = tpu.vector_load %arg9[%swap3A_83, %swap3A_84] {strides = array<i32>} : memref<32x1024xf32, #tpu.memory_space<vmem>>, vector<1x16xf32>,
      %swap3A_86 = vector.shape_cast %swap3A_85 : vector<1x16xf32> to vector<16xf32>
      %swap3A_87 = vector.shape_cast %add3A_82 : vector<16xf32> to vector<1x16xf32>
      tpu.vector_store %arg9[%swap3A_83, %swap3A_84], %swap3A_87 {strides = array<i32>} : memref<32x1024xf32, #tpu.memory_space<vmem>>, vector<1x16xf32>,
      %get3A_88 = arith.index_cast %scan3A_48 : i32 to index
      %get3A_89 = arith.constant 32 : index
      %get3A_90 = tpu.vector_load %arg9[%get3A_88, %get3A_89] {strides = array<i32>} : memref<32x1024xf32, #tpu.memory_space<vmem>>, vector<1x16xf32>,
      %get3A_91 = vector.shape_cast %get3A_90 : vector<1x16xf32> to vector<16xf32>
      %mul3A_92 = arith.mulf %get3A_52, %get3A_91 : vector<16xf32>
      %get3A_93 = arith.index_cast %scan3A_48 : i32 to index
      %get3A_94 = arith.constant 32 : index
      %get3A_95 = tpu.vector_load %arg10[%get3A_93, %get3A_94] {strides = array<i32>} : memref<32x1024xf32, #tpu.memory_space<vmem>>, vector<1x16xf32>,
      %get3A_96 = vector.shape_cast %get3A_95 : vector<1x16xf32> to vector<16xf32>
      %mul3A_97 = arith.mulf %get3A_56, %get3A_96 : vector<16xf32>
      %add3A_98 = arith.addf %mul3A_92, %mul3A_97 : vector<16xf32>
      %swap3A_99 = arith.index_cast %scan3A_48 : i32 to index
      %swap3A_100 = arith.constant 32 : index
      %swap3A_101 = tpu.vector_load %arg9[%swap3A_99, %swap3A_100] {strides = array<i32>} : memref<32x1024xf32, #tpu.memory_space<vmem>>, vector<1x16xf32>,
      %swap3A_102 = vector.shape_cast %swap3A_101 : vector<1x16xf32> to vector<16xf32>
      %swap3A_103 = vector.shape_cast %add3A_98 : vector<16xf32> to vector<1x16xf32>
      tpu.vector_store %arg9[%swap3A_99, %swap3A_100], %swap3A_103 {strides = array<i32>} : memref<32x1024xf32, #tpu.memory_space<vmem>>, vector<1x16xf32>,
      %get3A_104 = arith.index_cast %scan3A_48 : i32 to index
      %get3A_105 = arith.constant 48 : index
      %get3A_106 = tpu.vector_load %arg9[%get3A_104, %get3A_105] {strides = array<i32>} : memref<32x1024xf32, #tpu.memory_space<vmem>>, vector<1x16xf32>,
      %get3A_107 = vector.shape_cast %get3A_106 : vector<1x16xf32> to vector<16xf32>
      %mul3A_108 = arith.mulf %get3A_52, %get3A_107 : vector<16xf32>
      %get3A_109 = arith.index_cast %scan3A_48 : i32 to index
      %get3A_110 = arith.constant 48 : index
      %get3A_111 = tpu.vector_load %arg10[%get3A_109, %get3A_110] {strides = array<i32>} : memref<32x1024xf32, #tpu.memory_space<vmem>>, vector<1x16xf32>,
      %get3A_112 = vector.shape_cast %get3A_111 : vector<1x16xf32> to vector<16xf32>
      %mul3A_113 = arith.mulf %get3A_56, %get3A_112 : vector<16xf32>
      %add3A_114 = arith.addf %mul3A_108, %mul3A_113 : vector<16xf32>
      %swap3A_115 = arith.index_cast %scan3A_48 : i32 to index
      %swap3A_116 = arith.constant 48 : index
      %swap3A_117 = tpu.vector_load %arg9[%swap3A_115, %swap3A_116] {strides = array<i32>} : memref<32x1024xf32, #tpu.memory_space<vmem>>, vector<1x16xf32>,
      %swap3A_118 = vector.shape_cast %swap3A_117 : vector<1x16xf32> to vector<16xf32>
      %swap3A_119 = vector.shape_cast %add3A_114 : vector<16xf32> to vector<1x16xf32>
      tpu.vector_store %arg9[%swap3A_115, %swap3A_116], %swap3A_119 {strides = array<i32>} : memref<32x1024xf32, #tpu.memory_space<vmem>>, vector<1x16xf32>,
      %get3A_120 = arith.index_cast %scan3A_48 : i32 to index
      %get3A_121 = arith.constant 64 : index
      %get3A_122 = tpu.vector_load %arg9[%get3A_120, %get3A_121] {strides = array<i32>} : memref<32x1024xf32, #tpu.memory_space<vmem>>, vector<1x16xf32>,
      %get3A_123 = vector.shape_cast %get3A_122 : vector<1x16xf32> to vector<16xf32>
      %mul3A_124 = arith.mulf %get3A_52, %get3A_123 : vector<16xf32>
      %get3A_125 = arith.index_cast %scan3A_48 : i32 to index
      %get3A_126 = arith.constant 64 : index
      %get3A_127 = tpu.vector_load %arg10[%get3A_125, %get3A_126] {strides = array<i32>} : memref<32x1024xf32, #tpu.memory_space<vmem>>, vector<1x16xf32>,
      %get3A_128 = vector.shape_cast %get3A_127 : vector<1x16xf32> to vector<16xf32>
      %mul3A_129 = arith.mulf %get3A_56, %get3A_128 : vector<16xf32>
      %add3A_130 = arith.addf %mul3A_124, %mul3A_129 : vector<16xf32>
      %swap3A_131 = arith.index_cast %scan3A_48 : i32 to index
      %swap3A_132 = arith.constant 64 : index
      %swap3A_133 = tpu.vector_load %arg9[%swap3A_131, %swap3A_132] {strides = array<i32>} : memref<32x1024xf32, #tpu.memory_space<vmem>>, vector<1x16xf32>,
      %swap3A_134 = vector.shape_cast %swap3A_133 : vector<1x16xf32> to vector<16xf32>
      %swap3A_135 = vector.shape_cast %add3A_130 : vector<16xf32> to vector<1x16xf32>
      tpu.vector_store %arg9[%swap3A_131, %swap3A_132], %swap3A_135 {strides = array<i32>} : memref<32x1024xf32, #tpu.memory_space<vmem>>, vector<1x16xf32>,
      %get3A_136 = arith.index_cast %scan3A_48 : i32 to index
      %get3A_137 = arith.constant 80 : index
      %get3A_138 = tpu.vector_load %arg9[%get3A_136, %get3A_137] {strides = array<i32>} : memref<32x1024xf32, #tpu.memory_space<vmem>>, vector<1x16xf32>,
      %get3A_139 = vector.shape_cast %get3A_138 : vector<1x16xf32> to vector<16xf32>
      %mul3A_140 = arith.mulf %get3A_52, %get3A_139 : vector<16xf32>
      %get3A_141 = arith.index_cast %scan3A_48 : i32 to index
      %get3A_142 = arith.constant 80 : index
      %get3A_143 = tpu.vector_load %arg10[%get3A_141, %get3A_142] {strides = array<i32>} : memref<32x1024xf32, #tpu.memory_space<vmem>>, vector<1x16xf32>,
      %get3A_144 = vector.shape_cast %get3A_143 : vector<1x16xf32> to vector<16xf32>
      %mul3A_145 = arith.mulf %get3A_56, %get3A_144 : vector<16xf32>
      %add3A_146 = arith.addf %mul3A_140, %mul3A_145 : vector<16xf32>
      %swap3A_147 = arith.index_cast %scan3A_48 : i32 to index
      %swap3A_148 = arith.constant 80 : index
      %swap3A_149 = tpu.vector_load %arg9[%swap3A_147, %swap3A_148] {strides = array<i32>} : memref<32x1024xf32, #tpu.memory_space<vmem>>, vector<1x16xf32>,
      %swap3A_150 = vector.shape_cast %swap3A_149 : vector<1x16xf32> to vector<16xf32>
      %swap3A_151 = vector.shape_cast %add3A_146 : vector<16xf32> to vector<1x16xf32>
      tpu.vector_store %arg9[%swap3A_147, %swap3A_148], %swap3A_151 {strides = array<i32>} : memref<32x1024xf32, #tpu.memory_space<vmem>>, vector<1x16xf32>,
      %get3A_152 = arith.index_cast %scan3A_48 : i32 to index
      %get3A_153 = arith.constant 96 : index
      %get3A_154 = tpu.vector_load %arg9[%get3A_152, %get3A_153] {strides = array<i32>} : memref<32x1024xf32, #tpu.memory_space<vmem>>, vector<1x16xf32>,
      %get3A_155 = vector.shape_cast %get3A_154 : vector<1x16xf32> to vector<16xf32>
      %mul3A_156 = arith.mulf %get3A_52, %get3A_155 : vector<16xf32>
      %get3A_157 = arith.index_cast %scan3A_48 : i32 to index
      %get3A_158 = arith.constant 96 : index
      %get3A_159 = tpu.vector_load %arg10[%get3A_157, %get3A_158] {strides = array<i32>} : memref<32x1024xf32, #tpu.memory_space<vmem>>, vector<1x16xf32>,
      %get3A_160 = vector.shape_cast %get3A_159 : vector<1x16xf32> to vector<16xf32>
      %mul3A_161 = arith.mulf %get3A_56, %get3A_160 : vector<16xf32>
      %add3A_162 = arith.addf %mul3A_156, %mul3A_161 : vector<16xf32>
      %swap3A_163 = arith.index_cast %scan3A_48 : i32 to index
      %swap3A_164 = arith.constant 96 : index
      %swap3A_165 = tpu.vector_load %arg9[%swap3A_163, %swap3A_164] {strides = array<i32>} : memref<32x1024xf32, #tpu.memory_space<vmem>>, vector<1x16xf32>,
      %swap3A_166 = vector.shape_cast %swap3A_165 : vector<1x16xf32> to vector<16xf32>
      %swap3A_167 = vector.shape_cast %add3A_162 : vector<16xf32> to vector<1x16xf32>
      tpu.vector_store %arg9[%swap3A_163, %swap3A_164], %swap3A_167 {strides = array<i32>} : memref<32x1024xf32, #tpu.memory_space<vmem>>, vector<1x16xf32>,
      %get3A_168 = arith.index_cast %scan3A_48 : i32 to index
      %get3A_169 = arith.constant 112 : index
      %get3A_170 = tpu.vector_load %arg9[%get3A_168, %get3A_169] {strides = array<i32>} : memref<32x1024xf32, #tpu.memory_space<vmem>>, vector<1x16xf32>,
      %get3A_171 = vector.shape_cast %get3A_170 : vector<1x16xf32> to vector<16xf32>
      %mul3A_172 = arith.mulf %get3A_52, %get3A_171 : vector<16xf32>
      %get3A_173 = arith.index_cast %scan3A_48 : i32 to index
      %get3A_174 = arith.constant 112 : index
      %get3A_175 = tpu.vector_load %arg10[%get3A_173, %get3A_174] {strides = array<i32>} : memref<32x1024xf32, #tpu.memory_space<vmem>>, vector<1x16xf32>,
      %get3A_176 = vector.shape_cast %get3A_175 : vector<1x16xf32> to vector<16xf32>
      %mul3A_177 = arith.mulf %get3A_56, %get3A_176 : vector<16xf32>
      %add3A_178 = arith.addf %mul3A_172, %mul3A_177 : vector<16xf32>
      %swap3A_179 = arith.index_cast %scan3A_48 : i32 to index
      %swap3A_180 = arith.constant 112 : index
      %swap3A_181 = tpu.vector_load %arg9[%swap3A_179, %swap3A_180] {strides = array<i32>} : memref<32x1024xf32, #tpu.memory_space<vmem>>, vector<1x16xf32>,
      %swap3A_182 = vector.shape_cast %swap3A_181 : vector<1x16xf32> to vector<16xf32>
      %swap3A_183 = vector.shape_cast %add3A_178 : vector<16xf32> to vector<1x16xf32>
      tpu.vector_store %arg9[%swap3A_179, %swap3A_180], %swap3A_183 {strides = array<i32>} : memref<32x1024xf32, #tpu.memory_space<vmem>>, vector<1x16xf32>,
      %get3A_184 = arith.index_cast %scan3A_48 : i32 to index
      %get3A_185 = arith.constant 128 : index
      %get3A_186 = tpu.vector_load %arg9[%get3A_184, %get3A_185] {strides = array<i32>} : memref<32x1024xf32, #tpu.memory_space<vmem>>, vector<1x16xf32>,
      %get3A_187 = vector.shape_cast %get3A_186 : vector<1x16xf32> to vector<16xf32>
      %mul3A_188 = arith.mulf %get3A_52, %get3A_187 : vector<16xf32>
      %get3A_189 = arith.index_cast %scan3A_48 : i32 to index
      %get3A_190 = arith.constant 128 : index
      %get3A_191 = tpu.vector_load %arg10[%get3A_189, %get3A_190] {strides = array<i32>} : memref<32x1024xf32, #tpu.memory_space<vmem>>, vector<1x16xf32>,
      %get3A_192 = vector.shape_cast %get3A_191 : vector<1x16xf32> to vector<16xf32>
      %mul3A_193 = arith.mulf %get3A_56, %get3A_192 : vector<16xf32>
      %add3A_194 = arith.addf %mul3A_188, %mul3A_193 : vector<16xf32>
      %swap3A_195 = arith.index_cast %scan3A_48 : i32 to index
      %swap3A_196 = arith.constant 128 : index
      %swap3A_197 = tpu.vector_load %arg9[%swap3A_195, %swap3A_196] {strides = array<i32>} : memref<32x1024xf32, #tpu.memory_space<vmem>>, vector<1x16xf32>,
      %swap3A_198 = vector.shape_cast %swap3A_197 : vector<1x16xf32> to vector<16xf32>
      %swap3A_199 = vector.shape_cast %add3A_194 : vector<16xf32> to vector<1x16xf32>
      tpu.vector_store %arg9[%swap3A_195, %swap3A_196], %swap3A_199 {strides = array<i32>} : memref<32x1024xf32, #tpu.memory_space<vmem>>, vector<1x16xf32>,
      %get3A_200 = arith.index_cast %scan3A_48 : i32 to index
      %get3A_201 = arith.constant 144 : index
      %get3A_202 = tpu.vector_load %arg9[%get3A_200, %get3A_201] {strides = array<i32>} : memref<32x1024xf32, #tpu.memory_space<vmem>>, vector<1x16xf32>,
      %get3A_203 = vector.shape_cast %get3A_202 : vector<1x16xf32> to vector<16xf32>
      %mul3A_204 = arith.mulf %get3A_52, %get3A_203 : vector<16xf32>
      %get3A_205 = arith.index_cast %scan3A_48 : i32 to index
      %get3A_206 = arith.constant 144 : index
      %get3A_207 = tpu.vector_load %arg10[%get3A_205, %get3A_206] {strides = array<i32>} : memref<32x1024xf32, #tpu.memory_space<vmem>>, vector<1x16xf32>,
      %get3A_208 = vector.shape_cast %get3A_207 : vector<1x16xf32> to vector<16xf32>
      %mul3A_209 = arith.mulf %get3A_56, %get3A_208 : vector<16xf32>
      %add3A_210 = arith.addf %mul3A_204, %mul3A_209 : vector<16xf32>
      %swap3A_211 = arith.index_cast %scan3A_48 : i32 to index
      %swap3A_212 = arith.constant 144 : index
      %swap3A_213 = tpu.vector_load %arg9[%swap3A_211, %swap3A_212] {strides = array<i32>} : memref<32x1024xf32, #tpu.memory_space<vmem>>, vector<1x16xf32>,
      %swap3A_214 = vector.shape_cast %swap3A_213 : vector<1x16xf32> to vector<16xf32>
      %swap3A_215 = vector.shape_cast %add3A_210 : vector<16xf32> to vector<1x16xf32>
      tpu.vector_store %arg9[%swap3A_211, %swap3A_212], %swap3A_215 {strides = array<i32>} : memref<32x1024xf32, #tpu.memory_space<vmem>>, vector<1x16xf32>,
      %get3A_216 = arith.index_cast %scan3A_48 : i32 to index
      %get3A_217 = arith.constant 160 : index
      %get3A_218 = tpu.vector_load %arg9[%get3A_216, %get3A_217] {strides = array<i32>} : memref<32x1024xf32, #tpu.memory_space<vmem>>, vector<1x16xf32>,
      %get3A_219 = vector.shape_cast %get3A_218 : vector<1x16xf32> to vector<16xf32>
      %mul3A_220 = arith.mulf %get3A_52, %get3A_219 : vector<16xf32>
      %get3A_221 = arith.index_cast %scan3A_48 : i32 to index
      %get3A_222 = arith.constant 160 : index
      %get3A_223 = tpu.vector_load %arg10[%get3A_221, %get3A_222] {strides = array<i32>} : memref<32x1024xf32, #tpu.memory_space<vmem>>, vector<1x16xf32>,
      %get3A_224 = vector.shape_cast %get3A_223 : vector<1x16xf32> to vector<16xf32>
      %mul3A_225 = arith.mulf %get3A_56, %get3A_224 : vector<16xf32>
      %add3A_226 = arith.addf %mul3A_220, %mul3A_225 : vector<16xf32>
      %swap3A_227 = arith.index_cast %scan3A_48 : i32 to index
      %swap3A_228 = arith.constant 160 : index
      %swap3A_229 = tpu.vector_load %arg9[%swap3A_227, %swap3A_228] {strides = array<i32>} : memref<32x1024xf32, #tpu.memory_space<vmem>>, vector<1x16xf32>,
      %swap3A_230 = vector.shape_cast %swap3A_229 : vector<1x16xf32> to vector<16xf32>
      %swap3A_231 = vector.shape_cast %add3A_226 : vector<16xf32> to vector<1x16xf32>
      tpu.vector_store %arg9[%swap3A_227, %swap3A_228], %swap3A_231 {strides = array<i32>} : memref<32x1024xf32, #tpu.memory_space<vmem>>, vector<1x16xf32>,
      %get3A_232 = arith.index_cast %scan3A_48 : i32 to index
      %get3A_233 = arith.constant 176 : index
      %get3A_234 = tpu.vector_load %arg9[%get3A_232, %get3A_233] {strides = array<i32>} : memref<32x1024xf32, #tpu.memory_space<vmem>>, vector<1x16xf32>,
      %get3A_235 = vector.shape_cast %get3A_234 : vector<1x16xf32> to vector<16xf32>
      %mul3A_236 = arith.mulf %get3A_52, %get3A_235 : vector<16xf32>
      %get3A_237 = arith.index_cast %scan3A_48 : i32 to index
      %get3A_238 = arith.constant 176 : index
      %get3A_239 = tpu.vector_load %arg10[%get3A_237, %get3A_238] {strides = array<i32>} : memref<32x1024xf32, #tpu.memory_space<vmem>>, vector<1x16xf32>,
      %get3A_240 = vector.shape_cast %get3A_239 : vector<1x16xf32> to vector<16xf32>
      %mul3A_241 = arith.mulf %get3A_56, %get3A_240 : vector<16xf32>
      %add3A_242 = arith.addf %mul3A_236, %mul3A_241 : vector<16xf32>
      %swap3A_243 = arith.index_cast %scan3A_48 : i32 to index
      %swap3A_244 = arith.constant 176 : index
      %swap3A_245 = tpu.vector_load %arg9[%swap3A_243, %swap3A_244] {strides = array<i32>} : memref<32x1024xf32, #tpu.memory_space<vmem>>, vector<1x16xf32>,
      %swap3A_246 = vector.shape_cast %swap3A_245 : vector<1x16xf32> to vector<16xf32>
      %swap3A_247 = vector.shape_cast %add3A_242 : vector<16xf32> to vector<1x16xf32>
      tpu.vector_store %arg9[%swap3A_243, %swap3A_244], %swap3A_247 {strides = array<i32>} : memref<32x1024xf32, #tpu.memory_space<vmem>>, vector<1x16xf32>,
      %get3A_248 = arith.index_cast %scan3A_48 : i32 to index
      %get3A_249 = arith.constant 192 : index
      %get3A_250 = tpu.vector_load %arg9[%get3A_248, %get3A_249] {strides = array<i32>} : memref<32x1024xf32, #tpu.memory_space<vmem>>, vector<1x16xf32>,
      %get3A_251 = vector.shape_cast %get3A_250 : vector<1x16xf32> to vector<16xf32>
      %mul3A_252 = arith.mulf %get3A_52, %get3A_251 : vector<16xf32>
      %get3A_253 = arith.index_cast %scan3A_48 : i32 to index
      %get3A_254 = arith.constant 192 : index
      %get3A_255 = tpu.vector_load %arg10[%get3A_253, %get3A_254] {strides = array<i32>} : memref<32x1024xf32, #tpu.memory_space<vmem>>, vector<1x16xf32>,
      %get3A_256 = vector.shape_cast %get3A_255 : vector<1x16xf32> to vector<16xf32>
      %mul3A_257 = arith.mulf %get3A_56, %get3A_256 : vector<16xf32>
      %add3A_258 = arith.addf %mul3A_252, %mul3A_257 : vector<16xf32>
      %swap3A_259 = arith.index_cast %scan3A_48 : i32 to index
      %swap3A_260 = arith.constant 192 : index
      %swap3A_261 = tpu.vector_load %arg9[%swap3A_259, %swap3A_260] {strides = array<i32>} : memref<32x1024xf32, #tpu.memory_space<vmem>>, vector<1x16xf32>,
      %swap3A_262 = vector.shape_cast %swap3A_261 : vector<1x16xf32> to vector<16xf32>
      %swap3A_263 = vector.shape_cast %add3A_258 : vector<16xf32> to vector<1x16xf32>
      tpu.vector_store %arg9[%swap3A_259, %swap3A_260], %swap3A_263 {strides = array<i32>} : memref<32x1024xf32, #tpu.memory_space<vmem>>, vector<1x16xf32>,
      %get3A_264 = arith.index_cast %scan3A_48 : i32 to index
      %get3A_265 = arith.constant 208 : index
      %get3A_266 = tpu.vector_load %arg9[%get3A_264, %get3A_265] {strides = array<i32>} : memref<32x1024xf32, #tpu.memory_space<vmem>>, vector<1x16xf32>,
      %get3A_267 = vector.shape_cast %get3A_266 : vector<1x16xf32> to vector<16xf32>
      %mul3A_268 = arith.mulf %get3A_52, %get3A_267 : vector<16xf32>
      %get3A_269 = arith.index_cast %scan3A_48 : i32 to index
      %get3A_270 = arith.constant 208 : index
      %get3A_271 = tpu.vector_load %arg10[%get3A_269, %get3A_270] {strides = array<i32>} : memref<32x1024xf32, #tpu.memory_space<vmem>>, vector<1x16xf32>,
      %get3A_272 = vector.shape_cast %get3A_271 : vector<1x16xf32> to vector<16xf32>
      %mul3A_273 = arith.mulf %get3A_56, %get3A_272 : vector<16xf32>
      %add3A_274 = arith.addf %mul3A_268, %mul3A_273 : vector<16xf32>
      %swap3A_275 = arith.index_cast %scan3A_48 : i32 to index
      %swap3A_276 = arith.constant 208 : index
      %swap3A_277 = tpu.vector_load %arg9[%swap3A_275, %swap3A_276] {strides = array<i32>} : memref<32x1024xf32, #tpu.memory_space<vmem>>, vector<1x16xf32>,
      %swap3A_278 = vector.shape_cast %swap3A_277 : vector<1x16xf32> to vector<16xf32>
      %swap3A_279 = vector.shape_cast %add3A_274 : vector<16xf32> to vector<1x16xf32>
      tpu.vector_store %arg9[%swap3A_275, %swap3A_276], %swap3A_279 {strides = array<i32>} : memref<32x1024xf32, #tpu.memory_space<vmem>>, vector<1x16xf32>,
      %get3A_280 = arith.index_cast %scan3A_48 : i32 to index
      %get3A_281 = arith.constant 224 : index
      %get3A_282 = tpu.vector_load %arg9[%get3A_280, %get3A_281] {strides = array<i32>} : memref<32x1024xf32, #tpu.memory_space<vmem>>, vector<1x16xf32>,
      %get3A_283 = vector.shape_cast %get3A_282 : vector<1x16xf32> to vector<16xf32>
      %mul3A_284 = arith.mulf %get3A_52, %get3A_283 : vector<16xf32>
      %get3A_285 = arith.index_cast %scan3A_48 : i32 to index
      %get3A_286 = arith.constant 224 : index
      %get3A_287 = tpu.vector_load %arg10[%get3A_285, %get3A_286] {strides = array<i32>} : memref<32x1024xf32, #tpu.memory_space<vmem>>, vector<1x16xf32>,
      %get3A_288 = vector.shape_cast %get3A_287 : vector<1x16xf32> to vector<16xf32>
      %mul3A_289 = arith.mulf %get3A_56, %get3A_288 : vector<16xf32>
      %add3A_290 = arith.addf %mul3A_284, %mul3A_289 : vector<16xf32>
      %swap3A_291 = arith.index_cast %scan3A_48 : i32 to index
      %swap3A_292 = arith.constant 224 : index
      %swap3A_293 = tpu.vector_load %arg9[%swap3A_291, %swap3A_292] {strides = array<i32>} : memref<32x1024xf32, #tpu.memory_space<vmem>>, vector<1x16xf32>,
      %swap3A_294 = vector.shape_cast %swap3A_293 : vector<1x16xf32> to vector<16xf32>
      %swap3A_295 = vector.shape_cast %add3A_290 : vector<16xf32> to vector<1x16xf32>
      tpu.vector_store %arg9[%swap3A_291, %swap3A_292], %swap3A_295 {strides = array<i32>} : memref<32x1024xf32, #tpu.memory_space<vmem>>, vector<1x16xf32>,
      %get3A_296 = arith.index_cast %scan3A_48 : i32 to index
      %get3A_297 = arith.constant 240 : index
      %get3A_298 = tpu.vector_load %arg9[%get3A_296, %get3A_297] {strides = array<i32>} : memref<32x1024xf32, #tpu.memory_space<vmem>>, vector<1x16xf32>,
      %get3A_299 = vector.shape_cast %get3A_298 : vector<1x16xf32> to vector<16xf32>
      %mul3A_300 = arith.mulf %get3A_52, %get3A_299 : vector<16xf32>
      %get3A_301 = arith.index_cast %scan3A_48 : i32 to index
      %get3A_302 = arith.constant 240 : index
      %get3A_303 = tpu.vector_load %arg10[%get3A_301, %get3A_302] {strides = array<i32>} : memref<32x1024xf32, #tpu.memory_space<vmem>>, vector<1x16xf32>,
      %get3A_304 = vector.shape_cast %get3A_303 : vector<1x16xf32> to vector<16xf32>
      %mul3A_305 = arith.mulf %get3A_56, %get3A_304 : vector<16xf32>
      %add3A_306 = arith.addf %mul3A_300, %mul3A_305 : vector<16xf32>
      %swap3A_307 = arith.index_cast %scan3A_48 : i32 to index
      %swap3A_308 = arith.constant 240 : index
      %swap3A_309 = tpu.vector_load %arg9[%swap3A_307, %swap3A_308] {strides = array<i32>} : memref<32x1024xf32, #tpu.memory_space<vmem>>, vector<1x16xf32>,
      %swap3A_310 = vector.shape_cast %swap3A_309 : vector<1x16xf32> to vector<16xf32>
      %swap3A_311 = vector.shape_cast %add3A_306 : vector<16xf32> to vector<1x16xf32>
      tpu.vector_store %arg9[%swap3A_307, %swap3A_308], %swap3A_311 {strides = array<i32>} : memref<32x1024xf32, #tpu.memory_space<vmem>>, vector<1x16xf32>,
      %get3A_312 = arith.index_cast %scan3A_48 : i32 to index
      %get3A_313 = arith.constant 256 : index
      %get3A_314 = tpu.vector_load %arg9[%get3A_312, %get3A_313] {strides = array<i32>} : memref<32x1024xf32, #tpu.memory_space<vmem>>, vector<1x16xf32>,
      %get3A_315 = vector.shape_cast %get3A_314 : vector<1x16xf32> to vector<16xf32>
      %mul3A_316 = arith.mulf %get3A_52, %get3A_315 : vector<16xf32>
      %get3A_317 = arith.index_cast %scan3A_48 : i32 to index
      %get3A_318 = arith.constant 256 : index
      %get3A_319 = tpu.vector_load %arg10[%get3A_317, %get3A_318] {strides = array<i32>} : memref<32x1024xf32, #tpu.memory_space<vmem>>, vector<1x16xf32>,
      %get3A_320 = vector.shape_cast %get3A_319 : vector<1x16xf32> to vector<16xf32>
      %mul3A_321 = arith.mulf %get3A_56, %get3A_320 : vector<16xf32>
      %add3A_322 = arith.addf %mul3A_316, %mul3A_321 : vector<16xf32>
      %swap3A_323 = arith.index_cast %scan3A_48 : i32 to index
      %swap3A_324 = arith.constant 256 : index
      %swap3A_325 = tpu.vector_load %arg9[%swap3A_323, %swap3A_324] {strides = array<i32>} : memref<32x1024xf32, #tpu.memory_space<vmem>>, vector<1x16xf32>,
      %swap3A_326 = vector.shape_cast %swap3A_325 : vector<1x16xf32> to vector<16xf32>
      %swap3A_327 = vector.shape_cast %add3A_322 : vector<16xf32> to vector<1x16xf32>
      tpu.vector_store %arg9[%swap3A_323, %swap3A_324], %swap3A_327 {strides = array<i32>} : memref<32x1024xf32, #tpu.memory_space<vmem>>, vector<1x16xf32>,
      %get3A_328 = arith.index_cast %scan3A_48 : i32 to index
      %get3A_329 = arith.constant 272 : index
      %get3A_330 = tpu.vector_load %arg9[%get3A_328, %get3A_329] {strides = array<i32>} : memref<32x1024xf32, #tpu.memory_space<vmem>>, vector<1x16xf32>,
      %get3A_331 = vector.shape_cast %get3A_330 : vector<1x16xf32> to vector<16xf32>
      %mul3A_332 = arith.mulf %get3A_52, %get3A_331 : vector<16xf32>
      %get3A_333 = arith.index_cast %scan3A_48 : i32 to index
      %get3A_334 = arith.constant 272 : index
      %get3A_335 = tpu.vector_load %arg10[%get3A_333, %get3A_334] {strides = array<i32>} : memref<32x1024xf32, #tpu.memory_space<vmem>>, vector<1x16xf32>,
      %get3A_336 = vector.shape_cast %get3A_335 : vector<1x16xf32> to vector<16xf32>
      %mul3A_337 = arith.mulf %get3A_56, %get3A_336 : vector<16xf32>
      %add3A_338 = arith.addf %mul3A_332, %mul3A_337 : vector<16xf32>
      %swap3A_339 = arith.index_cast %scan3A_48 : i32 to index
      %swap3A_340 = arith.constant 272 : index
      %swap3A_341 = tpu.vector_load %arg9[%swap3A_339, %swap3A_340] {strides = array<i32>} : memref<32x1024xf32, #tpu.memory_space<vmem>>, vector<1x16xf32>,
      %swap3A_342 = vector.shape_cast %swap3A_341 : vector<1x16xf32> to vector<16xf32>
      %swap3A_343 = vector.shape_cast %add3A_338 : vector<16xf32> to vector<1x16xf32>
      tpu.vector_store %arg9[%swap3A_339, %swap3A_340], %swap3A_343 {strides = array<i32>} : memref<32x1024xf32, #tpu.memory_space<vmem>>, vector<1x16xf32>,
      %get3A_344 = arith.index_cast %scan3A_48 : i32 to index
      %get3A_345 = arith.constant 288 : index
      %get3A_346 = tpu.vector_load %arg9[%get3A_344, %get3A_345] {strides = array<i32>} : memref<32x1024xf32, #tpu.memory_space<vmem>>, vector<1x16xf32>,
      %get3A_347 = vector.shape_cast %get3A_346 : vector<1x16xf32> to vector<16xf32>
      %mul3A_348 = arith.mulf %get3A_52, %get3A_347 : vector<16xf32>
      %get3A_349 = arith.index_cast %scan3A_48 : i32 to index
      %get3A_350 = arith.constant 288 : index
      %get3A_351 = tpu.vector_load %arg10[%get3A_349, %get3A_350] {strides = array<i32>} : memref<32x1024xf32, #tpu.memory_space<vmem>>, vector<1x16xf32>,
      %get3A_352 = vector.shape_cast %get3A_351 : vector<1x16xf32> to vector<16xf32>
      %mul3A_353 = arith.mulf %get3A_56, %get3A_352 : vector<16xf32>
      %add3A_354 = arith.addf %mul3A_348, %mul3A_353 : vector<16xf32>
      %swap3A_355 = arith.index_cast %scan3A_48 : i32 to index
      %swap3A_356 = arith.constant 288 : index
      %swap3A_357 = tpu.vector_load %arg9[%swap3A_355, %swap3A_356] {strides = array<i32>} : memref<32x1024xf32, #tpu.memory_space<vmem>>, vector<1x16xf32>,
      %swap3A_358 = vector.shape_cast %swap3A_357 : vector<1x16xf32> to vector<16xf32>
      %swap3A_359 = vector.shape_cast %add3A_354 : vector<16xf32> to vector<1x16xf32>
      tpu.vector_store %arg9[%swap3A_355, %swap3A_356], %swap3A_359 {strides = array<i32>} : memref<32x1024xf32, #tpu.memory_space<vmem>>, vector<1x16xf32>,
      %get3A_360 = arith.index_cast %scan3A_48 : i32 to index
      %get3A_361 = arith.constant 304 : index
      %get3A_362 = tpu.vector_load %arg9[%get3A_360, %get3A_361] {strides = array<i32>} : memref<32x1024xf32, #tpu.memory_space<vmem>>, vector<1x16xf32>,
      %get3A_363 = vector.shape_cast %get3A_362 : vector<1x16xf32> to vector<16xf32>
      %mul3A_364 = arith.mulf %get3A_52, %get3A_363 : vector<16xf32>
      %get3A_365 = arith.index_cast %scan3A_48 : i32 to index
      %get3A_366 = arith.constant 304 : index
      %get3A_367 = tpu.vector_load %arg10[%get3A_365, %get3A_366] {strides = array<i32>} : memref<32x1024xf32, #tpu.memory_space<vmem>>, vector<1x16xf32>,
      %get3A_368 = vector.shape_cast %get3A_367 : vector<1x16xf32> to vector<16xf32>
      %mul3A_369 = arith.mulf %get3A_56, %get3A_368 : vector<16xf32>
      %add3A_370 = arith.addf %mul3A_364, %mul3A_369 : vector<16xf32>
      %swap3A_371 = arith.index_cast %scan3A_48 : i32 to index
      %swap3A_372 = arith.constant 304 : index
      %swap3A_373 = tpu.vector_load %arg9[%swap3A_371, %swap3A_372] {strides = array<i32>} : memref<32x1024xf32, #tpu.memory_space<vmem>>, vector<1x16xf32>,
      %swap3A_374 = vector.shape_cast %swap3A_373 : vector<1x16xf32> to vector<16xf32>
      %swap3A_375 = vector.shape_cast %add3A_370 : vector<16xf32> to vector<1x16xf32>
      tpu.vector_store %arg9[%swap3A_371, %swap3A_372], %swap3A_375 {strides = array<i32>} : memref<32x1024xf32, #tpu.memory_space<vmem>>, vector<1x16xf32>,
      %get3A_376 = arith.index_cast %scan3A_48 : i32 to index
      %get3A_377 = arith.constant 320 : index
      %get3A_378 = tpu.vector_load %arg9[%get3A_376, %get3A_377] {strides = array<i32>} : memref<32x1024xf32, #tpu.memory_space<vmem>>, vector<1x16xf32>,
      %get3A_379 = vector.shape_cast %get3A_378 : vector<1x16xf32> to vector<16xf32>
      %mul3A_380 = arith.mulf %get3A_52, %get3A_379 : vector<16xf32>
      %get3A_381 = arith.index_cast %scan3A_48 : i32 to index
      %get3A_382 = arith.constant 320 : index
      %get3A_383 = tpu.vector_load %arg10[%get3A_381, %get3A_382] {strides = array<i32>} : memref<32x1024xf32, #tpu.memory_space<vmem>>, vector<1x16xf32>,
      %get3A_384 = vector.shape_cast %get3A_383 : vector<1x16xf32> to vector<16xf32>
      %mul3A_385 = arith.mulf %get3A_56, %get3A_384 : vector<16xf32>
      %add3A_386 = arith.addf %mul3A_380, %mul3A_385 : vector<16xf32>
      %swap3A_387 = arith.index_cast %scan3A_48 : i32 to index
      %swap3A_388 = arith.constant 320 : index
      %swap3A_389 = tpu.vector_load %arg9[%swap3A_387, %swap3A_388] {strides = array<i32>} : memref<32x1024xf32, #tpu.memory_space<vmem>>, vector<1x16xf32>,
      %swap3A_390 = vector.shape_cast %swap3A_389 : vector<1x16xf32> to vector<16xf32>
      %swap3A_391 = vector.shape_cast %add3A_386 : vector<16xf32> to vector<1x16xf32>
      tpu.vector_store %arg9[%swap3A_387, %swap3A_388], %swap3A_391 {strides = array<i32>} : memref<32x1024xf32, #tpu.memory_space<vmem>>, vector<1x16xf32>,
      %get3A_392 = arith.index_cast %scan3A_48 : i32 to index
      %get3A_393 = arith.constant 336 : index
      %get3A_394 = tpu.vector_load %arg9[%get3A_392, %get3A_393] {strides = array<i32>} : memref<32x1024xf32, #tpu.memory_space<vmem>>, vector<1x16xf32>,
      %get3A_395 = vector.shape_cast %get3A_394 : vector<1x16xf32> to vector<16xf32>
      %mul3A_396 = arith.mulf %get3A_52, %get3A_395 : vector<16xf32>
      %get3A_397 = arith.index_cast %scan3A_48 : i32 to index
      %get3A_398 = arith.constant 336 : index
      %get3A_399 = tpu.vector_load %arg10[%get3A_397, %get3A_398] {strides = array<i32>} : memref<32x1024xf32, #tpu.memory_space<vmem>>, vector<1x16xf32>,
      %get3A_400 = vector.shape_cast %get3A_399 : vector<1x16xf32> to vector<16xf32>
      %mul3A_401 = arith.mulf %get3A_56, %get3A_400 : vector<16xf32>
      %add3A_402 = arith.addf %mul3A_396, %mul3A_401 : vector<16xf32>
      %swap3A_403 = arith.index_cast %scan3A_48 : i32 to index
      %swap3A_404 = arith.constant 336 : index
      %swap3A_405 = tpu.vector_load %arg9[%swap3A_403, %swap3A_404] {strides = array<i32>} : memref<32x1024xf32, #tpu.memory_space<vmem>>, vector<1x16xf32>,
      %swap3A_406 = vector.shape_cast %swap3A_405 : vector<1x16xf32> to vector<16xf32>
      %swap3A_407 = vector.shape_cast %add3A_402 : vector<16xf32> to vector<1x16xf32>
      tpu.vector_store %arg9[%swap3A_403, %swap3A_404], %swap3A_407 {strides = array<i32>} : memref<32x1024xf32, #tpu.memory_space<vmem>>, vector<1x16xf32>,
      %get3A_408 = arith.index_cast %scan3A_48 : i32 to index
      %get3A_409 = arith.constant 352 : index
      %get3A_410 = tpu.vector_load %arg9[%get3A_408, %get3A_409] {strides = array<i32>} : memref<32x1024xf32, #tpu.memory_space<vmem>>, vector<1x16xf32>,
      %get3A_411 = vector.shape_cast %get3A_410 : vector<1x16xf32> to vector<16xf32>
      %mul3A_412 = arith.mulf %get3A_52, %get3A_411 : vector<16xf32>
      %get3A_413 = arith.index_cast %scan3A_48 : i32 to index
      %get3A_414 = arith.constant 352 : index
      %get3A_415 = tpu.vector_load %arg10[%get3A_413, %get3A_414] {strides = array<i32>} : memref<32x1024xf32, #tpu.memory_space<vmem>>, vector<1x16xf32>,
      %get3A_416 = vector.shape_cast %get3A_415 : vector<1x16xf32> to vector<16xf32>
      %mul3A_417 = arith.mulf %get3A_56, %get3A_416 : vector<16xf32>
      %add3A_418 = arith.addf %mul3A_412, %mul3A_417 : vector<16xf32>
      %swap3A_419 = arith.index_cast %scan3A_48 : i32 to index
      %swap3A_420 = arith.constant 352 : index
      %swap3A_421 = tpu.vector_load %arg9[%swap3A_419, %swap3A_420] {strides = array<i32>} : memref<32x1024xf32, #tpu.memory_space<vmem>>, vector<1x16xf32>,
      %swap3A_422 = vector.shape_cast %swap3A_421 : vector<1x16xf32> to vector<16xf32>
      %swap3A_423 = vector.shape_cast %add3A_418 : vector<16xf32> to vector<1x16xf32>
      tpu.vector_store %arg9[%swap3A_419, %swap3A_420], %swap3A_423 {strides = array<i32>} : memref<32x1024xf32, #tpu.memory_space<vmem>>, vector<1x16xf32>,
      %get3A_424 = arith.index_cast %scan3A_48 : i32 to index
      %get3A_425 = arith.constant 368 : index
      %get3A_426 = tpu.vector_load %arg9[%get3A_424, %get3A_425] {strides = array<i32>} : memref<32x1024xf32, #tpu.memory_space<vmem>>, vector<1x16xf32>,
      %get3A_427 = vector.shape_cast %get3A_426 : vector<1x16xf32> to vector<16xf32>
      %mul3A_428 = arith.mulf %get3A_52, %get3A_427 : vector<16xf32>
      %get3A_429 = arith.index_cast %scan3A_48 : i32 to index
      %get3A_430 = arith.constant 368 : index
      %get3A_431 = tpu.vector_load %arg10[%get3A_429, %get3A_430] {strides = array<i32>} : memref<32x1024xf32, #tpu.memory_space<vmem>>, vector<1x16xf32>,
      %get3A_432 = vector.shape_cast %get3A_431 : vector<1x16xf32> to vector<16xf32>
      %mul3A_433 = arith.mulf %get3A_56, %get3A_432 : vector<16xf32>
      %add3A_434 = arith.addf %mul3A_428, %mul3A_433 : vector<16xf32>
      %swap3A_435 = arith.index_cast %scan3A_48 : i32 to index
      %swap3A_436 = arith.constant 368 : index
      %swap3A_437 = tpu.vector_load %arg9[%swap3A_435, %swap3A_436] {strides = array<i32>} : memref<32x1024xf32, #tpu.memory_space<vmem>>, vector<1x16xf32>,
      %swap3A_438 = vector.shape_cast %swap3A_437 : vector<1x16xf32> to vector<16xf32>
      %swap3A_439 = vector.shape_cast %add3A_434 : vector<16xf32> to vector<1x16xf32>
      tpu.vector_store %arg9[%swap3A_435, %swap3A_436], %swap3A_439 {strides = array<i32>} : memref<32x1024xf32, #tpu.memory_space<vmem>>, vector<1x16xf32>,
      %get3A_440 = arith.index_cast %scan3A_48 : i32 to index
      %get3A_441 = arith.constant 384 : index
      %get3A_442 = tpu.vector_load %arg9[%get3A_440, %get3A_441] {strides = array<i32>} : memref<32x1024xf32, #tpu.memory_space<vmem>>, vector<1x16xf32>,
      %get3A_443 = vector.shape_cast %get3A_442 : vector<1x16xf32> to vector<16xf32>
      %mul3A_444 = arith.mulf %get3A_52, %get3A_443 : vector<16xf32>
      %get3A_445 = arith.index_cast %scan3A_48 : i32 to index
      %get3A_446 = arith.constant 384 : index
      %get3A_447 = tpu.vector_load %arg10[%get3A_445, %get3A_446] {strides = array<i32>} : memref<32x1024xf32, #tpu.memory_space<vmem>>, vector<1x16xf32>,
      %get3A_448 = vector.shape_cast %get3A_447 : vector<1x16xf32> to vector<16xf32>
      %mul3A_449 = arith.mulf %get3A_56, %get3A_448 : vector<16xf32>
      %add3A_450 = arith.addf %mul3A_444, %mul3A_449 : vector<16xf32>
      %swap3A_451 = arith.index_cast %scan3A_48 : i32 to index
      %swap3A_452 = arith.constant 384 : index
      %swap3A_453 = tpu.vector_load %arg9[%swap3A_451, %swap3A_452] {strides = array<i32>} : memref<32x1024xf32, #tpu.memory_space<vmem>>, vector<1x16xf32>,
      %swap3A_454 = vector.shape_cast %swap3A_453 : vector<1x16xf32> to vector<16xf32>
      %swap3A_455 = vector.shape_cast %add3A_450 : vector<16xf32> to vector<1x16xf32>
      tpu.vector_store %arg9[%swap3A_451, %swap3A_452], %swap3A_455 {strides = array<i32>} : memref<32x1024xf32, #tpu.memory_space<vmem>>, vector<1x16xf32>,
      %get3A_456 = arith.index_cast %scan3A_48 : i32 to index
      %get3A_457 = arith.constant 400 : index
      %get3A_458 = tpu.vector_load %arg9[%get3A_456, %get3A_457] {strides = array<i32>} : memref<32x1024xf32, #tpu.memory_space<vmem>>, vector<1x16xf32>,
      %get3A_459 = vector.shape_cast %get3A_458 : vector<1x16xf32> to vector<16xf32>
      %mul3A_460 = arith.mulf %get3A_52, %get3A_459 : vector<16xf32>
      %get3A_461 = arith.index_cast %scan3A_48 : i32 to index
      %get3A_462 = arith.constant 400 : index
      %get3A_463 = tpu.vector_load %arg10[%get3A_461, %get3A_462] {strides = array<i32>} : memref<32x1024xf32, #tpu.memory_space<vmem>>, vector<1x16xf32>,
      %get3A_464 = vector.shape_cast %get3A_463 : vector<1x16xf32> to vector<16xf32>
      %mul3A_465 = arith.mulf %get3A_56, %get3A_464 : vector<16xf32>
      %add3A_466 = arith.addf %mul3A_460, %mul3A_465 : vector<16xf32>
      %swap3A_467 = arith.index_cast %scan3A_48 : i32 to index
      %swap3A_468 = arith.constant 400 : index
      %swap3A_469 = tpu.vector_load %arg9[%swap3A_467, %swap3A_468] {strides = array<i32>} : memref<32x1024xf32, #tpu.memory_space<vmem>>, vector<1x16xf32>,
      %swap3A_470 = vector.shape_cast %swap3A_469 : vector<1x16xf32> to vector<16xf32>
      %swap3A_471 = vector.shape_cast %add3A_466 : vector<16xf32> to vector<1x16xf32>
      tpu.vector_store %arg9[%swap3A_467, %swap3A_468], %swap3A_471 {strides = array<i32>} : memref<32x1024xf32, #tpu.memory_space<vmem>>, vector<1x16xf32>,
      %get3A_472 = arith.index_cast %scan3A_48 : i32 to index
      %get3A_473 = arith.constant 416 : index
      %get3A_474 = tpu.vector_load %arg9[%get3A_472, %get3A_473] {strides = array<i32>} : memref<32x1024xf32, #tpu.memory_space<vmem>>, vector<1x16xf32>,
      %get3A_475 = vector.shape_cast %get3A_474 : vector<1x16xf32> to vector<16xf32>
      %mul3A_476 = arith.mulf %get3A_52, %get3A_475 : vector<16xf32>
      %get3A_477 = arith.index_cast %scan3A_48 : i32 to index
      %get3A_478 = arith.constant 416 : index
      %get3A_479 = tpu.vector_load %arg10[%get3A_477, %get3A_478] {strides = array<i32>} : memref<32x1024xf32, #tpu.memory_space<vmem>>, vector<1x16xf32>,
      %get3A_480 = vector.shape_cast %get3A_479 : vector<1x16xf32> to vector<16xf32>
      %mul3A_481 = arith.mulf %get3A_56, %get3A_480 : vector<16xf32>
      %add3A_482 = arith.addf %mul3A_476, %mul3A_481 : vector<16xf32>
      %swap3A_483 = arith.index_cast %scan3A_48 : i32 to index
      %swap3A_484 = arith.constant 416 : index
      %swap3A_485 = tpu.vector_load %arg9[%swap3A_483, %swap3A_484] {strides = array<i32>} : memref<32x1024xf32, #tpu.memory_space<vmem>>, vector<1x16xf32>,
      %swap3A_486 = vector.shape_cast %swap3A_485 : vector<1x16xf32> to vector<16xf32>
      %swap3A_487 = vector.shape_cast %add3A_482 : vector<16xf32> to vector<1x16xf32>
      tpu.vector_store %arg9[%swap3A_483, %swap3A_484], %swap3A_487 {strides = array<i32>} : memref<32x1024xf32, #tpu.memory_space<vmem>>, vector<1x16xf32>,
      %get3A_488 = arith.index_cast %scan3A_48 : i32 to index
      %get3A_489 = arith.constant 432 : index
      %get3A_490 = tpu.vector_load %arg9[%get3A_488, %get3A_489] {strides = array<i32>} : memref<32x1024xf32, #tpu.memory_space<vmem>>, vector<1x16xf32>,
      %get3A_491 = vector.shape_cast %get3A_490 : vector<1x16xf32> to vector<16xf32>
      %mul3A_492 = arith.mulf %get3A_52, %get3A_491 : vector<16xf32>
      %get3A_493 = arith.index_cast %scan3A_48 : i32 to index
      %get3A_494 = arith.constant 432 : index
      %get3A_495 = tpu.vector_load %arg10[%get3A_493, %get3A_494] {strides = array<i32>} : memref<32x1024xf32, #tpu.memory_space<vmem>>, vector<1x16xf32>,
      %get3A_496 = vector.shape_cast %get3A_495 : vector<1x16xf32> to vector<16xf32>
      %mul3A_497 = arith.mulf %get3A_56, %get3A_496 : vector<16xf32>
      %add3A_498 = arith.addf %mul3A_492, %mul3A_497 : vector<16xf32>
      %swap3A_499 = arith.index_cast %scan3A_48 : i32 to index
      %swap3A_500 = arith.constant 432 : index
      %swap3A_501 = tpu.vector_load %arg9[%swap3A_499, %swap3A_500] {strides = array<i32>} : memref<32x1024xf32, #tpu.memory_space<vmem>>, vector<1x16xf32>,
      %swap3A_502 = vector.shape_cast %swap3A_501 : vector<1x16xf32> to vector<16xf32>
      %swap3A_503 = vector.shape_cast %add3A_498 : vector<16xf32> to vector<1x16xf32>
      tpu.vector_store %arg9[%swap3A_499, %swap3A_500], %swap3A_503 {strides = array<i32>} : memref<32x1024xf32, #tpu.memory_space<vmem>>, vector<1x16xf32>,
      %get3A_504 = arith.index_cast %scan3A_48 : i32 to index
      %get3A_505 = arith.constant 448 : index
      %get3A_506 = tpu.vector_load %arg9[%get3A_504, %get3A_505] {strides = array<i32>} : memref<32x1024xf32, #tpu.memory_space<vmem>>, vector<1x16xf32>,
      %get3A_507 = vector.shape_cast %get3A_506 : vector<1x16xf32> to vector<16xf32>
      %mul3A_508 = arith.mulf %get3A_52, %get3A_507 : vector<16xf32>
      %get3A_509 = arith.index_cast %scan3A_48 : i32 to index
      %get3A_510 = arith.constant 448 : index
      %get3A_511 = tpu.vector_load %arg10[%get3A_509, %get3A_510] {strides = array<i32>} : memref<32x1024xf32, #tpu.memory_space<vmem>>, vector<1x16xf32>,
      %get3A_512 = vector.shape_cast %get3A_511 : vector<1x16xf32> to vector<16xf32>
      %mul3A_513 = arith.mulf %get3A_56, %get3A_512 : vector<16xf32>
      %add3A_514 = arith.addf %mul3A_508, %mul3A_513 : vector<16xf32>
      %swap3A_515 = arith.index_cast %scan3A_48 : i32 to index
      %swap3A_516 = arith.constant 448 : index
      %swap3A_517 = tpu.vector_load %arg9[%swap3A_515, %swap3A_516] {strides = array<i32>} : memref<32x1024xf32, #tpu.memory_space<vmem>>, vector<1x16xf32>,
      %swap3A_518 = vector.shape_cast %swap3A_517 : vector<1x16xf32> to vector<16xf32>
      %swap3A_519 = vector.shape_cast %add3A_514 : vector<16xf32> to vector<1x16xf32>
      tpu.vector_store %arg9[%swap3A_515, %swap3A_516], %swap3A_519 {strides = array<i32>} : memref<32x1024xf32, #tpu.memory_space<vmem>>, vector<1x16xf32>,
      %get3A_520 = arith.index_cast %scan3A_48 : i32 to index
      %get3A_521 = arith.constant 464 : index
      %get3A_522 = tpu.vector_load %arg9[%get3A_520, %get3A_521] {strides = array<i32>} : memref<32x1024xf32, #tpu.memory_space<vmem>>, vector<1x16xf32>,
      %get3A_523 = vector.shape_cast %get3A_522 : vector<1x16xf32> to vector<16xf32>
      %mul3A_524 = arith.mulf %get3A_52, %get3A_523 : vector<16xf32>
      %get3A_525 = arith.index_cast %scan3A_48 : i32 to index
      %get3A_526 = arith.constant 464 : index
      %get3A_527 = tpu.vector_load %arg10[%get3A_525, %get3A_526] {strides = array<i32>} : memref<32x1024xf32, #tpu.memory_space<vmem>>, vector<1x16xf32>,
      %get3A_528 = vector.shape_cast %get3A_527 : vector<1x16xf32> to vector<16xf32>
      %mul3A_529 = arith.mulf %get3A_56, %get3A_528 : vector<16xf32>
      %add3A_530 = arith.addf %mul3A_524, %mul3A_529 : vector<16xf32>
      %swap3A_531 = arith.index_cast %scan3A_48 : i32 to index
      %swap3A_532 = arith.constant 464 : index
      %swap3A_533 = tpu.vector_load %arg9[%swap3A_531, %swap3A_532] {strides = array<i32>} : memref<32x1024xf32, #tpu.memory_space<vmem>>, vector<1x16xf32>,
      %swap3A_534 = vector.shape_cast %swap3A_533 : vector<1x16xf32> to vector<16xf32>
      %swap3A_535 = vector.shape_cast %add3A_530 : vector<16xf32> to vector<1x16xf32>
      tpu.vector_store %arg9[%swap3A_531, %swap3A_532], %swap3A_535 {strides = array<i32>} : memref<32x1024xf32, #tpu.memory_space<vmem>>, vector<1x16xf32>,
      %get3A_536 = arith.index_cast %scan3A_48 : i32 to index
      %get3A_537 = arith.constant 480 : index
      %get3A_538 = tpu.vector_load %arg9[%get3A_536, %get3A_537] {strides = array<i32>} : memref<32x1024xf32, #tpu.memory_space<vmem>>, vector<1x16xf32>,
      %get3A_539 = vector.shape_cast %get3A_538 : vector<1x16xf32> to vector<16xf32>
      %mul3A_540 = arith.mulf %get3A_52, %get3A_539 : vector<16xf32>
      %get3A_541 = arith.index_cast %scan3A_48 : i32 to index
      %get3A_542 = arith.constant 480 : index
      %get3A_543 = tpu.vector_load %arg10[%get3A_541, %get3A_542] {strides = array<i32>} : memref<32x1024xf32, #tpu.memory_space<vmem>>, vector<1x16xf32>,
      %get3A_544 = vector.shape_cast %get3A_543 : vector<1x16xf32> to vector<16xf32>
      %mul3A_545 = arith.mulf %get3A_56, %get3A_544 : vector<16xf32>
      %add3A_546 = arith.addf %mul3A_540, %mul3A_545 : vector<16xf32>
      %swap3A_547 = arith.index_cast %scan3A_48 : i32 to index
      %swap3A_548 = arith.constant 480 : index
      %swap3A_549 = tpu.vector_load %arg9[%swap3A_547, %swap3A_548] {strides = array<i32>} : memref<32x1024xf32, #tpu.memory_space<vmem>>, vector<1x16xf32>,
      %swap3A_550 = vector.shape_cast %swap3A_549 : vector<1x16xf32> to vector<16xf32>
      %swap3A_551 = vector.shape_cast %add3A_546 : vector<16xf32> to vector<1x16xf32>
      tpu.vector_store %arg9[%swap3A_547, %swap3A_548], %swap3A_551 {strides = array<i32>} : memref<32x1024xf32, #tpu.memory_space<vmem>>, vector<1x16xf32>,
      %get3A_552 = arith.index_cast %scan3A_48 : i32 to index
      %get3A_553 = arith.constant 496 : index
      %get3A_554 = tpu.vector_load %arg9[%get3A_552, %get3A_553] {strides = array<i32>} : memref<32x1024xf32, #tpu.memory_space<vmem>>, vector<1x16xf32>,
      %get3A_555 = vector.shape_cast %get3A_554 : vector<1x16xf32> to vector<16xf32>
      %mul3A_556 = arith.mulf %get3A_52, %get3A_555 : vector<16xf32>
      %get3A_557 = arith.index_cast %scan3A_48 : i32 to index
      %get3A_558 = arith.constant 496 : index
      %get3A_559 = tpu.vector_load %arg10[%get3A_557, %get3A_558] {strides = array<i32>} : memref<32x1024xf32, #tpu.memory_space<vmem>>, vector<1x16xf32>,
      %get3A_560 = vector.shape_cast %get3A_559 : vector<1x16xf32> to vector<16xf32>
      %mul3A_561 = arith.mulf %get3A_56, %get3A_560 : vector<16xf32>
      %add3A_562 = arith.addf %mul3A_556, %mul3A_561 : vector<16xf32>
      %swap3A_563 = arith.index_cast %scan3A_48 : i32 to index
      %swap3A_564 = arith.constant 496 : index
      %swap3A_565 = tpu.vector_load %arg9[%swap3A_563, %swap3A_564] {strides = array<i32>} : memref<32x1024xf32, #tpu.memory_space<vmem>>, vector<1x16xf32>,
      %swap3A_566 = vector.shape_cast %swap3A_565 : vector<1x16xf32> to vector<16xf32>
      %swap3A_567 = vector.shape_cast %add3A_562 : vector<16xf32> to vector<1x16xf32>
      tpu.vector_store %arg9[%swap3A_563, %swap3A_564], %swap3A_567 {strides = array<i32>} : memref<32x1024xf32, #tpu.memory_space<vmem>>, vector<1x16xf32>,
      %get3A_568 = arith.index_cast %scan3A_48 : i32 to index
      %get3A_569 = arith.constant 512 : index
      %get3A_570 = tpu.vector_load %arg9[%get3A_568, %get3A_569] {strides = array<i32>} : memref<32x1024xf32, #tpu.memory_space<vmem>>, vector<1x16xf32>,
      %get3A_571 = vector.shape_cast %get3A_570 : vector<1x16xf32> to vector<16xf32>
      %mul3A_572 = arith.mulf %get3A_52, %get3A_571 : vector<16xf32>
      %get3A_573 = arith.index_cast %scan3A_48 : i32 to index
      %get3A_574 = arith.constant 512 : index
      %get3A_575 = tpu.vector_load %arg10[%get3A_573, %get3A_574] {strides = array<i32>} : memref<32x1024xf32, #tpu.memory_space<vmem>>, vector<1x16xf32>,
      %get3A_576 = vector.shape_cast %get3A_575 : vector<1x16xf32> to vector<16xf32>
      %mul3A_577 = arith.mulf %get3A_56, %get3A_576 : vector<16xf32>
      %add3A_578 = arith.addf %mul3A_572, %mul3A_577 : vector<16xf32>
      %swap3A_579 = arith.index_cast %scan3A_48 : i32 to index
      %swap3A_580 = arith.constant 512 : index
      %swap3A_581 = tpu.vector_load %arg9[%swap3A_579, %swap3A_580] {strides = array<i32>} : memref<32x1024xf32, #tpu.memory_space<vmem>>, vector<1x16xf32>,
      %swap3A_582 = vector.shape_cast %swap3A_581 : vector<1x16xf32> to vector<16xf32>
      %swap3A_583 = vector.shape_cast %add3A_578 : vector<16xf32> to vector<1x16xf32>
      tpu.vector_store %arg9[%swap3A_579, %swap3A_580], %swap3A_583 {strides = array<i32>} : memref<32x1024xf32, #tpu.memory_space<vmem>>, vector<1x16xf32>,
      %get3A_584 = arith.index_cast %scan3A_48 : i32 to index
      %get3A_585 = arith.constant 528 : index
      %get3A_586 = tpu.vector_load %arg9[%get3A_584, %get3A_585] {strides = array<i32>} : memref<32x1024xf32, #tpu.memory_space<vmem>>, vector<1x16xf32>,
      %get3A_587 = vector.shape_cast %get3A_586 : vector<1x16xf32> to vector<16xf32>
      %mul3A_588 = arith.mulf %get3A_52, %get3A_587 : vector<16xf32>
      %get3A_589 = arith.index_cast %scan3A_48 : i32 to index
      %get3A_590 = arith.constant 528 : index
      %get3A_591 = tpu.vector_load %arg10[%get3A_589, %get3A_590] {strides = array<i32>} : memref<32x1024xf32, #tpu.memory_space<vmem>>, vector<1x16xf32>,
      %get3A_592 = vector.shape_cast %get3A_591 : vector<1x16xf32> to vector<16xf32>
      %mul3A_593 = arith.mulf %get3A_56, %get3A_592 : vector<16xf32>
      %add3A_594 = arith.addf %mul3A_588, %mul3A_593 : vector<16xf32>
      %swap3A_595 = arith.index_cast %scan3A_48 : i32 to index
      %swap3A_596 = arith.constant 528 : index
      %swap3A_597 = tpu.vector_load %arg9[%swap3A_595, %swap3A_596] {strides = array<i32>} : memref<32x1024xf32, #tpu.memory_space<vmem>>, vector<1x16xf32>,
      %swap3A_598 = vector.shape_cast %swap3A_597 : vector<1x16xf32> to vector<16xf32>
      %swap3A_599 = vector.shape_cast %add3A_594 : vector<16xf32> to vector<1x16xf32>
      tpu.vector_store %arg9[%swap3A_595, %swap3A_596], %swap3A_599 {strides = array<i32>} : memref<32x1024xf32, #tpu.memory_space<vmem>>, vector<1x16xf32>,
      %get3A_600 = arith.index_cast %scan3A_48 : i32 to index
      %get3A_601 = arith.constant 544 : index
      %get3A_602 = tpu.vector_load %arg9[%get3A_600, %get3A_601] {strides = array<i32>} : memref<32x1024xf32, #tpu.memory_space<vmem>>, vector<1x16xf32>,
      %get3A_603 = vector.shape_cast %get3A_602 : vector<1x16xf32> to vector<16xf32>
      %mul3A_604 = arith.mulf %get3A_52, %get3A_603 : vector<16xf32>
      %get3A_605 = arith.index_cast %scan3A_48 : i32 to index
      %get3A_606 = arith.constant 544 : index
      %get3A_607 = tpu.vector_load %arg10[%get3A_605, %get3A_606] {strides = array<i32>} : memref<32x1024xf32, #tpu.memory_space<vmem>>, vector<1x16xf32>,
      %get3A_608 = vector.shape_cast %get3A_607 : vector<1x16xf32> to vector<16xf32>
      %mul3A_609 = arith.mulf %get3A_56, %get3A_608 : vector<16xf32>
      %add3A_610 = arith.addf %mul3A_604, %mul3A_609 : vector<16xf32>
      %swap3A_611 = arith.index_cast %scan3A_48 : i32 to index
      %swap3A_612 = arith.constant 544 : index
      %swap3A_613 = tpu.vector_load %arg9[%swap3A_611, %swap3A_612] {strides = array<i32>} : memref<32x1024xf32, #tpu.memory_space<vmem>>, vector<1x16xf32>,
      %swap3A_614 = vector.shape_cast %swap3A_613 : vector<1x16xf32> to vector<16xf32>
      %swap3A_615 = vector.shape_cast %add3A_610 : vector<16xf32> to vector<1x16xf32>
      tpu.vector_store %arg9[%swap3A_611, %swap3A_612], %swap3A_615 {strides = array<i32>} : memref<32x1024xf32, #tpu.memory_space<vmem>>, vector<1x16xf32>,
      %get3A_616 = arith.index_cast %scan3A_48 : i32 to index
      %get3A_617 = arith.constant 560 : index
      %get3A_618 = tpu.vector_load %arg9[%get3A_616, %get3A_617] {strides = array<i32>} : memref<32x1024xf32, #tpu.memory_space<vmem>>, vector<1x16xf32>,
      %get3A_619 = vector.shape_cast %get3A_618 : vector<1x16xf32> to vector<16xf32>
      %mul3A_620 = arith.mulf %get3A_52, %get3A_619 : vector<16xf32>
      %get3A_621 = arith.index_cast %scan3A_48 : i32 to index
      %get3A_622 = arith.constant 560 : index
      %get3A_623 = tpu.vector_load %arg10[%get3A_621, %get3A_622] {strides = array<i32>} : memref<32x1024xf32, #tpu.memory_space<vmem>>, vector<1x16xf32>,
      %get3A_624 = vector.shape_cast %get3A_623 : vector<1x16xf32> to vector<16xf32>
      %mul3A_625 = arith.mulf %get3A_56, %get3A_624 : vector<16xf32>
      %add3A_626 = arith.addf %mul3A_620, %mul3A_625 : vector<16xf32>
      %swap3A_627 = arith.index_cast %scan3A_48 : i32 to index
      %swap3A_628 = arith.constant 560 : index
      %swap3A_629 = tpu.vector_load %arg9[%swap3A_627, %swap3A_628] {strides = array<i32>} : memref<32x1024xf32, #tpu.memory_space<vmem>>, vector<1x16xf32>,
      %swap3A_630 = vector.shape_cast %swap3A_629 : vector<1x16xf32> to vector<16xf32>
      %swap3A_631 = vector.shape_cast %add3A_626 : vector<16xf32> to vector<1x16xf32>
      tpu.vector_store %arg9[%swap3A_627, %swap3A_628], %swap3A_631 {strides = array<i32>} : memref<32x1024xf32, #tpu.memory_space<vmem>>, vector<1x16xf32>,
      %get3A_632 = arith.index_cast %scan3A_48 : i32 to index
      %get3A_633 = arith.constant 576 : index
      %get3A_634 = tpu.vector_load %arg9[%get3A_632, %get3A_633] {strides = array<i32>} : memref<32x1024xf32, #tpu.memory_space<vmem>>, vector<1x16xf32>,
      %get3A_635 = vector.shape_cast %get3A_634 : vector<1x16xf32> to vector<16xf32>
      %mul3A_636 = arith.mulf %get3A_52, %get3A_635 : vector<16xf32>
      %get3A_637 = arith.index_cast %scan3A_48 : i32 to index
      %get3A_638 = arith.constant 576 : index
      %get3A_639 = tpu.vector_load %arg10[%get3A_637, %get3A_638] {strides = array<i32>} : memref<32x1024xf32, #tpu.memory_space<vmem>>, vector<1x16xf32>,
      %get3A_640 = vector.shape_cast %get3A_639 : vector<1x16xf32> to vector<16xf32>
      %mul3A_641 = arith.mulf %get3A_56, %get3A_640 : vector<16xf32>
      %add3A_642 = arith.addf %mul3A_636, %mul3A_641 : vector<16xf32>
      %swap3A_643 = arith.index_cast %scan3A_48 : i32 to index
      %swap3A_644 = arith.constant 576 : index
      %swap3A_645 = tpu.vector_load %arg9[%swap3A_643, %swap3A_644] {strides = array<i32>} : memref<32x1024xf32, #tpu.memory_space<vmem>>, vector<1x16xf32>,
      %swap3A_646 = vector.shape_cast %swap3A_645 : vector<1x16xf32> to vector<16xf32>
      %swap3A_647 = vector.shape_cast %add3A_642 : vector<16xf32> to vector<1x16xf32>
      tpu.vector_store %arg9[%swap3A_643, %swap3A_644], %swap3A_647 {strides = array<i32>} : memref<32x1024xf32, #tpu.memory_space<vmem>>, vector<1x16xf32>,
      %get3A_648 = arith.index_cast %scan3A_48 : i32 to index
      %get3A_649 = arith.constant 592 : index
      %get3A_650 = tpu.vector_load %arg9[%get3A_648, %get3A_649] {strides = array<i32>} : memref<32x1024xf32, #tpu.memory_space<vmem>>, vector<1x16xf32>,
      %get3A_651 = vector.shape_cast %get3A_650 : vector<1x16xf32> to vector<16xf32>
      %mul3A_652 = arith.mulf %get3A_52, %get3A_651 : vector<16xf32>
      %get3A_653 = arith.index_cast %scan3A_48 : i32 to index
      %get3A_654 = arith.constant 592 : index
      %get3A_655 = tpu.vector_load %arg10[%get3A_653, %get3A_654] {strides = array<i32>} : memref<32x1024xf32, #tpu.memory_space<vmem>>, vector<1x16xf32>,
      %get3A_656 = vector.shape_cast %get3A_655 : vector<1x16xf32> to vector<16xf32>
      %mul3A_657 = arith.mulf %get3A_56, %get3A_656 : vector<16xf32>
      %add3A_658 = arith.addf %mul3A_652, %mul3A_657 : vector<16xf32>
      %swap3A_659 = arith.index_cast %scan3A_48 : i32 to index
      %swap3A_660 = arith.constant 592 : index
      %swap3A_661 = tpu.vector_load %arg9[%swap3A_659, %swap3A_660] {strides = array<i32>} : memref<32x1024xf32, #tpu.memory_space<vmem>>, vector<1x16xf32>,
      %swap3A_662 = vector.shape_cast %swap3A_661 : vector<1x16xf32> to vector<16xf32>
      %swap3A_663 = vector.shape_cast %add3A_658 : vector<16xf32> to vector<1x16xf32>
      tpu.vector_store %arg9[%swap3A_659, %swap3A_660], %swap3A_663 {strides = array<i32>} : memref<32x1024xf32, #tpu.memory_space<vmem>>, vector<1x16xf32>,
      %get3A_664 = arith.index_cast %scan3A_48 : i32 to index
      %get3A_665 = arith.constant 608 : index
      %get3A_666 = tpu.vector_load %arg9[%get3A_664, %get3A_665] {strides = array<i32>} : memref<32x1024xf32, #tpu.memory_space<vmem>>, vector<1x16xf32>,
      %get3A_667 = vector.shape_cast %get3A_666 : vector<1x16xf32> to vector<16xf32>
      %mul3A_668 = arith.mulf %get3A_52, %get3A_667 : vector<16xf32>
      %get3A_669 = arith.index_cast %scan3A_48 : i32 to index
      %get3A_670 = arith.constant 608 : index
      %get3A_671 = tpu.vector_load %arg10[%get3A_669, %get3A_670] {strides = array<i32>} : memref<32x1024xf32, #tpu.memory_space<vmem>>, vector<1x16xf32>,
      %get3A_672 = vector.shape_cast %get3A_671 : vector<1x16xf32> to vector<16xf32>
      %mul3A_673 = arith.mulf %get3A_56, %get3A_672 : vector<16xf32>
      %add3A_674 = arith.addf %mul3A_668, %mul3A_673 : vector<16xf32>
      %swap3A_675 = arith.index_cast %scan3A_48 : i32 to index
      %swap3A_676 = arith.constant 608 : index
      %swap3A_677 = tpu.vector_load %arg9[%swap3A_675, %swap3A_676] {strides = array<i32>} : memref<32x1024xf32, #tpu.memory_space<vmem>>, vector<1x16xf32>,
      %swap3A_678 = vector.shape_cast %swap3A_677 : vector<1x16xf32> to vector<16xf32>
      %swap3A_679 = vector.shape_cast %add3A_674 : vector<16xf32> to vector<1x16xf32>
      tpu.vector_store %arg9[%swap3A_675, %swap3A_676], %swap3A_679 {strides = array<i32>} : memref<32x1024xf32, #tpu.memory_space<vmem>>, vector<1x16xf32>,
      %get3A_680 = arith.index_cast %scan3A_48 : i32 to index
      %get3A_681 = arith.constant 624 : index
      %get3A_682 = tpu.vector_load %arg9[%get3A_680, %get3A_681] {strides = array<i32>} : memref<32x1024xf32, #tpu.memory_space<vmem>>, vector<1x16xf32>,
      %get3A_683 = vector.shape_cast %get3A_682 : vector<1x16xf32> to vector<16xf32>
      %mul3A_684 = arith.mulf %get3A_52, %get3A_683 : vector<16xf32>
      %get3A_685 = arith.index_cast %scan3A_48 : i32 to index
      %get3A_686 = arith.constant 624 : index
      %get3A_687 = tpu.vector_load %arg10[%get3A_685, %get3A_686] {strides = array<i32>} : memref<32x1024xf32, #tpu.memory_space<vmem>>, vector<1x16xf32>,
      %get3A_688 = vector.shape_cast %get3A_687 : vector<1x16xf32> to vector<16xf32>
      %mul3A_689 = arith.mulf %get3A_56, %get3A_688 : vector<16xf32>
      %add3A_690 = arith.addf %mul3A_684, %mul3A_689 : vector<16xf32>
      %swap3A_691 = arith.index_cast %scan3A_48 : i32 to index
      %swap3A_692 = arith.constant 624 : index
      %swap3A_693 = tpu.vector_load %arg9[%swap3A_691, %swap3A_692] {strides = array<i32>} : memref<32x1024xf32, #tpu.memory_space<vmem>>, vector<1x16xf32>,
      %swap3A_694 = vector.shape_cast %swap3A_693 : vector<1x16xf32> to vector<16xf32>
      %swap3A_695 = vector.shape_cast %add3A_690 : vector<16xf32> to vector<1x16xf32>
      tpu.vector_store %arg9[%swap3A_691, %swap3A_692], %swap3A_695 {strides = array<i32>} : memref<32x1024xf32, #tpu.memory_space<vmem>>, vector<1x16xf32>,
      %get3A_696 = arith.index_cast %scan3A_48 : i32 to index
      %get3A_697 = arith.constant 640 : index
      %get3A_698 = tpu.vector_load %arg9[%get3A_696, %get3A_697] {strides = array<i32>} : memref<32x1024xf32, #tpu.memory_space<vmem>>, vector<1x16xf32>,
      %get3A_699 = vector.shape_cast %get3A_698 : vector<1x16xf32> to vector<16xf32>
      %mul3A_700 = arith.mulf %get3A_52, %get3A_699 : vector<16xf32>
      %get3A_701 = arith.index_cast %scan3A_48 : i32 to index
      %get3A_702 = arith.constant 640 : index
      %get3A_703 = tpu.vector_load %arg10[%get3A_701, %get3A_702] {strides = array<i32>} : memref<32x1024xf32, #tpu.memory_space<vmem>>, vector<1x16xf32>,
      %get3A_704 = vector.shape_cast %get3A_703 : vector<1x16xf32> to vector<16xf32>
      %mul3A_705 = arith.mulf %get3A_56, %get3A_704 : vector<16xf32>
      %add3A_706 = arith.addf %mul3A_700, %mul3A_705 : vector<16xf32>
      %swap3A_707 = arith.index_cast %scan3A_48 : i32 to index
      %swap3A_708 = arith.constant 640 : index
      %swap3A_709 = tpu.vector_load %arg9[%swap3A_707, %swap3A_708] {strides = array<i32>} : memref<32x1024xf32, #tpu.memory_space<vmem>>, vector<1x16xf32>,
      %swap3A_710 = vector.shape_cast %swap3A_709 : vector<1x16xf32> to vector<16xf32>
      %swap3A_711 = vector.shape_cast %add3A_706 : vector<16xf32> to vector<1x16xf32>
      tpu.vector_store %arg9[%swap3A_707, %swap3A_708], %swap3A_711 {strides = array<i32>} : memref<32x1024xf32, #tpu.memory_space<vmem>>, vector<1x16xf32>,
      %get3A_712 = arith.index_cast %scan3A_48 : i32 to index
      %get3A_713 = arith.constant 656 : index
      %get3A_714 = tpu.vector_load %arg9[%get3A_712, %get3A_713] {strides = array<i32>} : memref<32x1024xf32, #tpu.memory_space<vmem>>, vector<1x16xf32>,
      %get3A_715 = vector.shape_cast %get3A_714 : vector<1x16xf32> to vector<16xf32>
      %mul3A_716 = arith.mulf %get3A_52, %get3A_715 : vector<16xf32>
      %get3A_717 = arith.index_cast %scan3A_48 : i32 to index
      %get3A_718 = arith.constant 656 : index
      %get3A_719 = tpu.vector_load %arg10[%get3A_717, %get3A_718] {strides = array<i32>} : memref<32x1024xf32, #tpu.memory_space<vmem>>, vector<1x16xf32>,
      %get3A_720 = vector.shape_cast %get3A_719 : vector<1x16xf32> to vector<16xf32>
      %mul3A_721 = arith.mulf %get3A_56, %get3A_720 : vector<16xf32>
      %add3A_722 = arith.addf %mul3A_716, %mul3A_721 : vector<16xf32>
      %swap3A_723 = arith.index_cast %scan3A_48 : i32 to index
      %swap3A_724 = arith.constant 656 : index
      %swap3A_725 = tpu.vector_load %arg9[%swap3A_723, %swap3A_724] {strides = array<i32>} : memref<32x1024xf32, #tpu.memory_space<vmem>>, vector<1x16xf32>,
      %swap3A_726 = vector.shape_cast %swap3A_725 : vector<1x16xf32> to vector<16xf32>
      %swap3A_727 = vector.shape_cast %add3A_722 : vector<16xf32> to vector<1x16xf32>
      tpu.vector_store %arg9[%swap3A_723, %swap3A_724], %swap3A_727 {strides = array<i32>} : memref<32x1024xf32, #tpu.memory_space<vmem>>, vector<1x16xf32>,
      %get3A_728 = arith.index_cast %scan3A_48 : i32 to index
      %get3A_729 = arith.constant 672 : index
      %get3A_730 = tpu.vector_load %arg9[%get3A_728, %get3A_729] {strides = array<i32>} : memref<32x1024xf32, #tpu.memory_space<vmem>>, vector<1x16xf32>,
      %get3A_731 = vector.shape_cast %get3A_730 : vector<1x16xf32> to vector<16xf32>
      %mul3A_732 = arith.mulf %get3A_52, %get3A_731 : vector<16xf32>
      %get3A_733 = arith.index_cast %scan3A_48 : i32 to index
      %get3A_734 = arith.constant 672 : index
      %get3A_735 = tpu.vector_load %arg10[%get3A_733, %get3A_734] {strides = array<i32>} : memref<32x1024xf32, #tpu.memory_space<vmem>>, vector<1x16xf32>,
      %get3A_736 = vector.shape_cast %get3A_735 : vector<1x16xf32> to vector<16xf32>
      %mul3A_737 = arith.mulf %get3A_56, %get3A_736 : vector<16xf32>
      %add3A_738 = arith.addf %mul3A_732, %mul3A_737 : vector<16xf32>
      %swap3A_739 = arith.index_cast %scan3A_48 : i32 to index
      %swap3A_740 = arith.constant 672 : index
      %swap3A_741 = tpu.vector_load %arg9[%swap3A_739, %swap3A_740] {strides = array<i32>} : memref<32x1024xf32, #tpu.memory_space<vmem>>, vector<1x16xf32>,
      %swap3A_742 = vector.shape_cast %swap3A_741 : vector<1x16xf32> to vector<16xf32>
      %swap3A_743 = vector.shape_cast %add3A_738 : vector<16xf32> to vector<1x16xf32>
      tpu.vector_store %arg9[%swap3A_739, %swap3A_740], %swap3A_743 {strides = array<i32>} : memref<32x1024xf32, #tpu.memory_space<vmem>>, vector<1x16xf32>,
      %get3A_744 = arith.index_cast %scan3A_48 : i32 to index
      %get3A_745 = arith.constant 688 : index
      %get3A_746 = tpu.vector_load %arg9[%get3A_744, %get3A_745] {strides = array<i32>} : memref<32x1024xf32, #tpu.memory_space<vmem>>, vector<1x16xf32>,
      %get3A_747 = vector.shape_cast %get3A_746 : vector<1x16xf32> to vector<16xf32>
      %mul3A_748 = arith.mulf %get3A_52, %get3A_747 : vector<16xf32>
      %get3A_749 = arith.index_cast %scan3A_48 : i32 to index
      %get3A_750 = arith.constant 688 : index
      %get3A_751 = tpu.vector_load %arg10[%get3A_749, %get3A_750] {strides = array<i32>} : memref<32x1024xf32, #tpu.memory_space<vmem>>, vector<1x16xf32>,
      %get3A_752 = vector.shape_cast %get3A_751 : vector<1x16xf32> to vector<16xf32>
      %mul3A_753 = arith.mulf %get3A_56, %get3A_752 : vector<16xf32>
      %add3A_754 = arith.addf %mul3A_748, %mul3A_753 : vector<16xf32>
      %swap3A_755 = arith.index_cast %scan3A_48 : i32 to index
      %swap3A_756 = arith.constant 688 : index
      %swap3A_757 = tpu.vector_load %arg9[%swap3A_755, %swap3A_756] {strides = array<i32>} : memref<32x1024xf32, #tpu.memory_space<vmem>>, vector<1x16xf32>,
      %swap3A_758 = vector.shape_cast %swap3A_757 : vector<1x16xf32> to vector<16xf32>
      %swap3A_759 = vector.shape_cast %add3A_754 : vector<16xf32> to vector<1x16xf32>
      tpu.vector_store %arg9[%swap3A_755, %swap3A_756], %swap3A_759 {strides = array<i32>} : memref<32x1024xf32, #tpu.memory_space<vmem>>, vector<1x16xf32>,
      %get3A_760 = arith.index_cast %scan3A_48 : i32 to index
      %get3A_761 = arith.constant 704 : index
      %get3A_762 = tpu.vector_load %arg9[%get3A_760, %get3A_761] {strides = array<i32>} : memref<32x1024xf32, #tpu.memory_space<vmem>>, vector<1x16xf32>,
      %get3A_763 = vector.shape_cast %get3A_762 : vector<1x16xf32> to vector<16xf32>
      %mul3A_764 = arith.mulf %get3A_52, %get3A_763 : vector<16xf32>
      %get3A_765 = arith.index_cast %scan3A_48 : i32 to index
      %get3A_766 = arith.constant 704 : index
      %get3A_767 = tpu.vector_load %arg10[%get3A_765, %get3A_766] {strides = array<i32>} : memref<32x1024xf32, #tpu.memory_space<vmem>>, vector<1x16xf32>,
      %get3A_768 = vector.shape_cast %get3A_767 : vector<1x16xf32> to vector<16xf32>
      %mul3A_769 = arith.mulf %get3A_56, %get3A_768 : vector<16xf32>
      %add3A_770 = arith.addf %mul3A_764, %mul3A_769 : vector<16xf32>
      %swap3A_771 = arith.index_cast %scan3A_48 : i32 to index
      %swap3A_772 = arith.constant 704 : index
      %swap3A_773 = tpu.vector_load %arg9[%swap3A_771, %swap3A_772] {strides = array<i32>} : memref<32x1024xf32, #tpu.memory_space<vmem>>, vector<1x16xf32>,
      %swap3A_774 = vector.shape_cast %swap3A_773 : vector<1x16xf32> to vector<16xf32>
      %swap3A_775 = vector.shape_cast %add3A_770 : vector<16xf32> to vector<1x16xf32>
      tpu.vector_store %arg9[%swap3A_771, %swap3A_772], %swap3A_775 {strides = array<i32>} : memref<32x1024xf32, #tpu.memory_space<vmem>>, vector<1x16xf32>,
      %get3A_776 = arith.index_cast %scan3A_48 : i32 to index
      %get3A_777 = arith.constant 720 : index
      %get3A_778 = tpu.vector_load %arg9[%get3A_776, %get3A_777] {strides = array<i32>} : memref<32x1024xf32, #tpu.memory_space<vmem>>, vector<1x16xf32>,
      %get3A_779 = vector.shape_cast %get3A_778 : vector<1x16xf32> to vector<16xf32>
      %mul3A_780 = arith.mulf %get3A_52, %get3A_779 : vector<16xf32>
      %get3A_781 = arith.index_cast %scan3A_48 : i32 to index
      %get3A_782 = arith.constant 720 : index
      %get3A_783 = tpu.vector_load %arg10[%get3A_781, %get3A_782] {strides = array<i32>} : memref<32x1024xf32, #tpu.memory_space<vmem>>, vector<1x16xf32>,
      %get3A_784 = vector.shape_cast %get3A_783 : vector<1x16xf32> to vector<16xf32>
      %mul3A_785 = arith.mulf %get3A_56, %get3A_784 : vector<16xf32>
      %add3A_786 = arith.addf %mul3A_780, %mul3A_785 : vector<16xf32>
      %swap3A_787 = arith.index_cast %scan3A_48 : i32 to index
      %swap3A_788 = arith.constant 720 : index
      %swap3A_789 = tpu.vector_load %arg9[%swap3A_787, %swap3A_788] {strides = array<i32>} : memref<32x1024xf32, #tpu.memory_space<vmem>>, vector<1x16xf32>,
      %swap3A_790 = vector.shape_cast %swap3A_789 : vector<1x16xf32> to vector<16xf32>
      %swap3A_791 = vector.shape_cast %add3A_786 : vector<16xf32> to vector<1x16xf32>
      tpu.vector_store %arg9[%swap3A_787, %swap3A_788], %swap3A_791 {strides = array<i32>} : memref<32x1024xf32, #tpu.memory_space<vmem>>, vector<1x16xf32>,
      %get3A_792 = arith.index_cast %scan3A_48 : i32 to index
      %get3A_793 = arith.constant 736 : index
      %get3A_794 = tpu.vector_load %arg9[%get3A_792, %get3A_793] {strides = array<i32>} : memref<32x1024xf32, #tpu.memory_space<vmem>>, vector<1x16xf32>,
      %get3A_795 = vector.shape_cast %get3A_794 : vector<1x16xf32> to vector<16xf32>
      %mul3A_796 = arith.mulf %get3A_52, %get3A_795 : vector<16xf32>
      %get3A_797 = arith.index_cast %scan3A_48 : i32 to index
      %get3A_798 = arith.constant 736 : index
      %get3A_799 = tpu.vector_load %arg10[%get3A_797, %get3A_798] {strides = array<i32>} : memref<32x1024xf32, #tpu.memory_space<vmem>>, vector<1x16xf32>,
      %get3A_800 = vector.shape_cast %get3A_799 : vector<1x16xf32> to vector<16xf32>
      %mul3A_801 = arith.mulf %get3A_56, %get3A_800 : vector<16xf32>
      %add3A_802 = arith.addf %mul3A_796, %mul3A_801 : vector<16xf32>
      %swap3A_803 = arith.index_cast %scan3A_48 : i32 to index
      %swap3A_804 = arith.constant 736 : index
      %swap3A_805 = tpu.vector_load %arg9[%swap3A_803, %swap3A_804] {strides = array<i32>} : memref<32x1024xf32, #tpu.memory_space<vmem>>, vector<1x16xf32>,
      %swap3A_806 = vector.shape_cast %swap3A_805 : vector<1x16xf32> to vector<16xf32>
      %swap3A_807 = vector.shape_cast %add3A_802 : vector<16xf32> to vector<1x16xf32>
      tpu.vector_store %arg9[%swap3A_803, %swap3A_804], %swap3A_807 {strides = array<i32>} : memref<32x1024xf32, #tpu.memory_space<vmem>>, vector<1x16xf32>,
      %get3A_808 = arith.index_cast %scan3A_48 : i32 to index
      %get3A_809 = arith.constant 752 : index
      %get3A_810 = tpu.vector_load %arg9[%get3A_808, %get3A_809] {strides = array<i32>} : memref<32x1024xf32, #tpu.memory_space<vmem>>, vector<1x16xf32>,
      %get3A_811 = vector.shape_cast %get3A_810 : vector<1x16xf32> to vector<16xf32>
      %mul3A_812 = arith.mulf %get3A_52, %get3A_811 : vector<16xf32>
      %get3A_813 = arith.index_cast %scan3A_48 : i32 to index
      %get3A_814 = arith.constant 752 : index
      %get3A_815 = tpu.vector_load %arg10[%get3A_813, %get3A_814] {strides = array<i32>} : memref<32x1024xf32, #tpu.memory_space<vmem>>, vector<1x16xf32>,
      %get3A_816 = vector.shape_cast %get3A_815 : vector<1x16xf32> to vector<16xf32>
      %mul3A_817 = arith.mulf %get3A_56, %get3A_816 : vector<16xf32>
      %add3A_818 = arith.addf %mul3A_812, %mul3A_817 : vector<16xf32>
      %swap3A_819 = arith.index_cast %scan3A_48 : i32 to index
      %swap3A_820 = arith.constant 752 : index
      %swap3A_821 = tpu.vector_load %arg9[%swap3A_819, %swap3A_820] {strides = array<i32>} : memref<32x1024xf32, #tpu.memory_space<vmem>>, vector<1x16xf32>,
      %swap3A_822 = vector.shape_cast %swap3A_821 : vector<1x16xf32> to vector<16xf32>
      %swap3A_823 = vector.shape_cast %add3A_818 : vector<16xf32> to vector<1x16xf32>
      tpu.vector_store %arg9[%swap3A_819, %swap3A_820], %swap3A_823 {strides = array<i32>} : memref<32x1024xf32, #tpu.memory_space<vmem>>, vector<1x16xf32>,
      %get3A_824 = arith.index_cast %scan3A_48 : i32 to index
      %get3A_825 = arith.constant 768 : index
      %get3A_826 = tpu.vector_load %arg9[%get3A_824, %get3A_825] {strides = array<i32>} : memref<32x1024xf32, #tpu.memory_space<vmem>>, vector<1x16xf32>,
      %get3A_827 = vector.shape_cast %get3A_826 : vector<1x16xf32> to vector<16xf32>
      %mul3A_828 = arith.mulf %get3A_52, %get3A_827 : vector<16xf32>
      %get3A_829 = arith.index_cast %scan3A_48 : i32 to index
      %get3A_830 = arith.constant 768 : index
      %get3A_831 = tpu.vector_load %arg10[%get3A_829, %get3A_830] {strides = array<i32>} : memref<32x1024xf32, #tpu.memory_space<vmem>>, vector<1x16xf32>,
      %get3A_832 = vector.shape_cast %get3A_831 : vector<1x16xf32> to vector<16xf32>
      %mul3A_833 = arith.mulf %get3A_56, %get3A_832 : vector<16xf32>
      %add3A_834 = arith.addf %mul3A_828, %mul3A_833 : vector<16xf32>
      %swap3A_835 = arith.index_cast %scan3A_48 : i32 to index
      %swap3A_836 = arith.constant 768 : index
      %swap3A_837 = tpu.vector_load %arg9[%swap3A_835, %swap3A_836] {strides = array<i32>} : memref<32x1024xf32, #tpu.memory_space<vmem>>, vector<1x16xf32>,
      %swap3A_838 = vector.shape_cast %swap3A_837 : vector<1x16xf32> to vector<16xf32>
      %swap3A_839 = vector.shape_cast %add3A_834 : vector<16xf32> to vector<1x16xf32>
      tpu.vector_store %arg9[%swap3A_835, %swap3A_836], %swap3A_839 {strides = array<i32>} : memref<32x1024xf32, #tpu.memory_space<vmem>>, vector<1x16xf32>,
      %get3A_840 = arith.index_cast %scan3A_48 : i32 to index
      %get3A_841 = arith.constant 784 : index
      %get3A_842 = tpu.vector_load %arg9[%get3A_840, %get3A_841] {strides = array<i32>} : memref<32x1024xf32, #tpu.memory_space<vmem>>, vector<1x16xf32>,
      %get3A_843 = vector.shape_cast %get3A_842 : vector<1x16xf32> to vector<16xf32>
      %mul3A_844 = arith.mulf %get3A_52, %get3A_843 : vector<16xf32>
      %get3A_845 = arith.index_cast %scan3A_48 : i32 to index
      %get3A_846 = arith.constant 784 : index
      %get3A_847 = tpu.vector_load %arg10[%get3A_845, %get3A_846] {strides = array<i32>} : memref<32x1024xf32, #tpu.memory_space<vmem>>, vector<1x16xf32>,
      %get3A_848 = vector.shape_cast %get3A_847 : vector<1x16xf32> to vector<16xf32>
      %mul3A_849 = arith.mulf %get3A_56, %get3A_848 : vector<16xf32>
      %add3A_850 = arith.addf %mul3A_844, %mul3A_849 : vector<16xf32>
      %swap3A_851 = arith.index_cast %scan3A_48 : i32 to index
      %swap3A_852 = arith.constant 784 : index
      %swap3A_853 = tpu.vector_load %arg9[%swap3A_851, %swap3A_852] {strides = array<i32>} : memref<32x1024xf32, #tpu.memory_space<vmem>>, vector<1x16xf32>,
      %swap3A_854 = vector.shape_cast %swap3A_853 : vector<1x16xf32> to vector<16xf32>
      %swap3A_855 = vector.shape_cast %add3A_850 : vector<16xf32> to vector<1x16xf32>
      tpu.vector_store %arg9[%swap3A_851, %swap3A_852], %swap3A_855 {strides = array<i32>} : memref<32x1024xf32, #tpu.memory_space<vmem>>, vector<1x16xf32>,
      %get3A_856 = arith.index_cast %scan3A_48 : i32 to index
      %get3A_857 = arith.constant 800 : index
      %get3A_858 = tpu.vector_load %arg9[%get3A_856, %get3A_857] {strides = array<i32>} : memref<32x1024xf32, #tpu.memory_space<vmem>>, vector<1x16xf32>,
      %get3A_859 = vector.shape_cast %get3A_858 : vector<1x16xf32> to vector<16xf32>
      %mul3A_860 = arith.mulf %get3A_52, %get3A_859 : vector<16xf32>
      %get3A_861 = arith.index_cast %scan3A_48 : i32 to index
      %get3A_862 = arith.constant 800 : index
      %get3A_863 = tpu.vector_load %arg10[%get3A_861, %get3A_862] {strides = array<i32>} : memref<32x1024xf32, #tpu.memory_space<vmem>>, vector<1x16xf32>,
      %get3A_864 = vector.shape_cast %get3A_863 : vector<1x16xf32> to vector<16xf32>
      %mul3A_865 = arith.mulf %get3A_56, %get3A_864 : vector<16xf32>
      %add3A_866 = arith.addf %mul3A_860, %mul3A_865 : vector<16xf32>
      %swap3A_867 = arith.index_cast %scan3A_48 : i32 to index
      %swap3A_868 = arith.constant 800 : index
      %swap3A_869 = tpu.vector_load %arg9[%swap3A_867, %swap3A_868] {strides = array<i32>} : memref<32x1024xf32, #tpu.memory_space<vmem>>, vector<1x16xf32>,
      %swap3A_870 = vector.shape_cast %swap3A_869 : vector<1x16xf32> to vector<16xf32>
      %swap3A_871 = vector.shape_cast %add3A_866 : vector<16xf32> to vector<1x16xf32>
      tpu.vector_store %arg9[%swap3A_867, %swap3A_868], %swap3A_871 {strides = array<i32>} : memref<32x1024xf32, #tpu.memory_space<vmem>>, vector<1x16xf32>,
      %get3A_872 = arith.index_cast %scan3A_48 : i32 to index
      %get3A_873 = arith.constant 816 : index
      %get3A_874 = tpu.vector_load %arg9[%get3A_872, %get3A_873] {strides = array<i32>} : memref<32x1024xf32, #tpu.memory_space<vmem>>, vector<1x16xf32>,
      %get3A_875 = vector.shape_cast %get3A_874 : vector<1x16xf32> to vector<16xf32>
      %mul3A_876 = arith.mulf %get3A_52, %get3A_875 : vector<16xf32>
      %get3A_877 = arith.index_cast %scan3A_48 : i32 to index
      %get3A_878 = arith.constant 816 : index
      %get3A_879 = tpu.vector_load %arg10[%get3A_877, %get3A_878] {strides = array<i32>} : memref<32x1024xf32, #tpu.memory_space<vmem>>, vector<1x16xf32>,
      %get3A_880 = vector.shape_cast %get3A_879 : vector<1x16xf32> to vector<16xf32>
      %mul3A_881 = arith.mulf %get3A_56, %get3A_880 : vector<16xf32>
      %add3A_882 = arith.addf %mul3A_876, %mul3A_881 : vector<16xf32>
      %swap3A_883 = arith.index_cast %scan3A_48 : i32 to index
      %swap3A_884 = arith.constant 816 : index
      %swap3A_885 = tpu.vector_load %arg9[%swap3A_883, %swap3A_884] {strides = array<i32>} : memref<32x1024xf32, #tpu.memory_space<vmem>>, vector<1x16xf32>,
      %swap3A_886 = vector.shape_cast %swap3A_885 : vector<1x16xf32> to vector<16xf32>
      %swap3A_887 = vector.shape_cast %add3A_882 : vector<16xf32> to vector<1x16xf32>
      tpu.vector_store %arg9[%swap3A_883, %swap3A_884], %swap3A_887 {strides = array<i32>} : memref<32x1024xf32, #tpu.memory_space<vmem>>, vector<1x16xf32>,
      %get3A_888 = arith.index_cast %scan3A_48 : i32 to index
      %get3A_889 = arith.constant 832 : index
      %get3A_890 = tpu.vector_load %arg9[%get3A_888, %get3A_889] {strides = array<i32>} : memref<32x1024xf32, #tpu.memory_space<vmem>>, vector<1x16xf32>,
      %get3A_891 = vector.shape_cast %get3A_890 : vector<1x16xf32> to vector<16xf32>
      %mul3A_892 = arith.mulf %get3A_52, %get3A_891 : vector<16xf32>
      %get3A_893 = arith.index_cast %scan3A_48 : i32 to index
      %get3A_894 = arith.constant 832 : index
      %get3A_895 = tpu.vector_load %arg10[%get3A_893, %get3A_894] {strides = array<i32>} : memref<32x1024xf32, #tpu.memory_space<vmem>>, vector<1x16xf32>,
      %get3A_896 = vector.shape_cast %get3A_895 : vector<1x16xf32> to vector<16xf32>
      %mul3A_897 = arith.mulf %get3A_56, %get3A_896 : vector<16xf32>
      %add3A_898 = arith.addf %mul3A_892, %mul3A_897 : vector<16xf32>
      %swap3A_899 = arith.index_cast %scan3A_48 : i32 to index
      %swap3A_900 = arith.constant 832 : index
      %swap3A_901 = tpu.vector_load %arg9[%swap3A_899, %swap3A_900] {strides = array<i32>} : memref<32x1024xf32, #tpu.memory_space<vmem>>, vector<1x16xf32>,
      %swap3A_902 = vector.shape_cast %swap3A_901 : vector<1x16xf32> to vector<16xf32>
      %swap3A_903 = vector.shape_cast %add3A_898 : vector<16xf32> to vector<1x16xf32>
      tpu.vector_store %arg9[%swap3A_899, %swap3A_900], %swap3A_903 {strides = array<i32>} : memref<32x1024xf32, #tpu.memory_space<vmem>>, vector<1x16xf32>,
      %get3A_904 = arith.index_cast %scan3A_48 : i32 to index
      %get3A_905 = arith.constant 848 : index
      %get3A_906 = tpu.vector_load %arg9[%get3A_904, %get3A_905] {strides = array<i32>} : memref<32x1024xf32, #tpu.memory_space<vmem>>, vector<1x16xf32>,
      %get3A_907 = vector.shape_cast %get3A_906 : vector<1x16xf32> to vector<16xf32>
      %mul3A_908 = arith.mulf %get3A_52, %get3A_907 : vector<16xf32>
      %get3A_909 = arith.index_cast %scan3A_48 : i32 to index
      %get3A_910 = arith.constant 848 : index
      %get3A_911 = tpu.vector_load %arg10[%get3A_909, %get3A_910] {strides = array<i32>} : memref<32x1024xf32, #tpu.memory_space<vmem>>, vector<1x16xf32>,
      %get3A_912 = vector.shape_cast %get3A_911 : vector<1x16xf32> to vector<16xf32>
      %mul3A_913 = arith.mulf %get3A_56, %get3A_912 : vector<16xf32>
      %add3A_914 = arith.addf %mul3A_908, %mul3A_913 : vector<16xf32>
      %swap3A_915 = arith.index_cast %scan3A_48 : i32 to index
      %swap3A_916 = arith.constant 848 : index
      %swap3A_917 = tpu.vector_load %arg9[%swap3A_915, %swap3A_916] {strides = array<i32>} : memref<32x1024xf32, #tpu.memory_space<vmem>>, vector<1x16xf32>,
      %swap3A_918 = vector.shape_cast %swap3A_917 : vector<1x16xf32> to vector<16xf32>
      %swap3A_919 = vector.shape_cast %add3A_914 : vector<16xf32> to vector<1x16xf32>
      tpu.vector_store %arg9[%swap3A_915, %swap3A_916], %swap3A_919 {strides = array<i32>} : memref<32x1024xf32, #tpu.memory_space<vmem>>, vector<1x16xf32>,
      %get3A_920 = arith.index_cast %scan3A_48 : i32 to index
      %get3A_921 = arith.constant 864 : index
      %get3A_922 = tpu.vector_load %arg9[%get3A_920, %get3A_921] {strides = array<i32>} : memref<32x1024xf32, #tpu.memory_space<vmem>>, vector<1x16xf32>,
      %get3A_923 = vector.shape_cast %get3A_922 : vector<1x16xf32> to vector<16xf32>
      %mul3A_924 = arith.mulf %get3A_52, %get3A_923 : vector<16xf32>
      %get3A_925 = arith.index_cast %scan3A_48 : i32 to index
      %get3A_926 = arith.constant 864 : index
      %get3A_927 = tpu.vector_load %arg10[%get3A_925, %get3A_926] {strides = array<i32>} : memref<32x1024xf32, #tpu.memory_space<vmem>>, vector<1x16xf32>,
      %get3A_928 = vector.shape_cast %get3A_927 : vector<1x16xf32> to vector<16xf32>
      %mul3A_929 = arith.mulf %get3A_56, %get3A_928 : vector<16xf32>
      %add3A_930 = arith.addf %mul3A_924, %mul3A_929 : vector<16xf32>
      %swap3A_931 = arith.index_cast %scan3A_48 : i32 to index
      %swap3A_932 = arith.constant 864 : index
      %swap3A_933 = tpu.vector_load %arg9[%swap3A_931, %swap3A_932] {strides = array<i32>} : memref<32x1024xf32, #tpu.memory_space<vmem>>, vector<1x16xf32>,
      %swap3A_934 = vector.shape_cast %swap3A_933 : vector<1x16xf32> to vector<16xf32>
      %swap3A_935 = vector.shape_cast %add3A_930 : vector<16xf32> to vector<1x16xf32>
      tpu.vector_store %arg9[%swap3A_931, %swap3A_932], %swap3A_935 {strides = array<i32>} : memref<32x1024xf32, #tpu.memory_space<vmem>>, vector<1x16xf32>,
      %get3A_936 = arith.index_cast %scan3A_48 : i32 to index
      %get3A_937 = arith.constant 880 : index
      %get3A_938 = tpu.vector_load %arg9[%get3A_936, %get3A_937] {strides = array<i32>} : memref<32x1024xf32, #tpu.memory_space<vmem>>, vector<1x16xf32>,
      %get3A_939 = vector.shape_cast %get3A_938 : vector<1x16xf32> to vector<16xf32>
      %mul3A_940 = arith.mulf %get3A_52, %get3A_939 : vector<16xf32>
      %get3A_941 = arith.index_cast %scan3A_48 : i32 to index
      %get3A_942 = arith.constant 880 : index
      %get3A_943 = tpu.vector_load %arg10[%get3A_941, %get3A_942] {strides = array<i32>} : memref<32x1024xf32, #tpu.memory_space<vmem>>, vector<1x16xf32>,
      %get3A_944 = vector.shape_cast %get3A_943 : vector<1x16xf32> to vector<16xf32>
      %mul3A_945 = arith.mulf %get3A_56, %get3A_944 : vector<16xf32>
      %add3A_946 = arith.addf %mul3A_940, %mul3A_945 : vector<16xf32>
      %swap3A_947 = arith.index_cast %scan3A_48 : i32 to index
      %swap3A_948 = arith.constant 880 : index
      %swap3A_949 = tpu.vector_load %arg9[%swap3A_947, %swap3A_948] {strides = array<i32>} : memref<32x1024xf32, #tpu.memory_space<vmem>>, vector<1x16xf32>,
      %swap3A_950 = vector.shape_cast %swap3A_949 : vector<1x16xf32> to vector<16xf32>
      %swap3A_951 = vector.shape_cast %add3A_946 : vector<16xf32> to vector<1x16xf32>
      tpu.vector_store %arg9[%swap3A_947, %swap3A_948], %swap3A_951 {strides = array<i32>} : memref<32x1024xf32, #tpu.memory_space<vmem>>, vector<1x16xf32>,
      %get3A_952 = arith.index_cast %scan3A_48 : i32 to index
      %get3A_953 = arith.constant 896 : index
      %get3A_954 = tpu.vector_load %arg9[%get3A_952, %get3A_953] {strides = array<i32>} : memref<32x1024xf32, #tpu.memory_space<vmem>>, vector<1x16xf32>,
      %get3A_955 = vector.shape_cast %get3A_954 : vector<1x16xf32> to vector<16xf32>
      %mul3A_956 = arith.mulf %get3A_52, %get3A_955 : vector<16xf32>
      %get3A_957 = arith.index_cast %scan3A_48 : i32 to index
      %get3A_958 = arith.constant 896 : index
      %get3A_959 = tpu.vector_load %arg10[%get3A_957, %get3A_958] {strides = array<i32>} : memref<32x1024xf32, #tpu.memory_space<vmem>>, vector<1x16xf32>,
      %get3A_960 = vector.shape_cast %get3A_959 : vector<1x16xf32> to vector<16xf32>
      %mul3A_961 = arith.mulf %get3A_56, %get3A_960 : vector<16xf32>
      %add3A_962 = arith.addf %mul3A_956, %mul3A_961 : vector<16xf32>
      %swap3A_963 = arith.index_cast %scan3A_48 : i32 to index
      %swap3A_964 = arith.constant 896 : index
      %swap3A_965 = tpu.vector_load %arg9[%swap3A_963, %swap3A_964] {strides = array<i32>} : memref<32x1024xf32, #tpu.memory_space<vmem>>, vector<1x16xf32>,
      %swap3A_966 = vector.shape_cast %swap3A_965 : vector<1x16xf32> to vector<16xf32>
      %swap3A_967 = vector.shape_cast %add3A_962 : vector<16xf32> to vector<1x16xf32>
      tpu.vector_store %arg9[%swap3A_963, %swap3A_964], %swap3A_967 {strides = array<i32>} : memref<32x1024xf32, #tpu.memory_space<vmem>>, vector<1x16xf32>,
      %get3A_968 = arith.index_cast %scan3A_48 : i32 to index
      %get3A_969 = arith.constant 912 : index
      %get3A_970 = tpu.vector_load %arg9[%get3A_968, %get3A_969] {strides = array<i32>} : memref<32x1024xf32, #tpu.memory_space<vmem>>, vector<1x16xf32>,
      %get3A_971 = vector.shape_cast %get3A_970 : vector<1x16xf32> to vector<16xf32>
      %mul3A_972 = arith.mulf %get3A_52, %get3A_971 : vector<16xf32>
      %get3A_973 = arith.index_cast %scan3A_48 : i32 to index
      %get3A_974 = arith.constant 912 : index
      %get3A_975 = tpu.vector_load %arg10[%get3A_973, %get3A_974] {strides = array<i32>} : memref<32x1024xf32, #tpu.memory_space<vmem>>, vector<1x16xf32>,
      %get3A_976 = vector.shape_cast %get3A_975 : vector<1x16xf32> to vector<16xf32>
      %mul3A_977 = arith.mulf %get3A_56, %get3A_976 : vector<16xf32>
      %add3A_978 = arith.addf %mul3A_972, %mul3A_977 : vector<16xf32>
      %swap3A_979 = arith.index_cast %scan3A_48 : i32 to index
      %swap3A_980 = arith.constant 912 : index
      %swap3A_981 = tpu.vector_load %arg9[%swap3A_979, %swap3A_980] {strides = array<i32>} : memref<32x1024xf32, #tpu.memory_space<vmem>>, vector<1x16xf32>,
      %swap3A_982 = vector.shape_cast %swap3A_981 : vector<1x16xf32> to vector<16xf32>
      %swap3A_983 = vector.shape_cast %add3A_978 : vector<16xf32> to vector<1x16xf32>
      tpu.vector_store %arg9[%swap3A_979, %swap3A_980], %swap3A_983 {strides = array<i32>} : memref<32x1024xf32, #tpu.memory_space<vmem>>, vector<1x16xf32>,
      %get3A_984 = arith.index_cast %scan3A_48 : i32 to index
      %get3A_985 = arith.constant 928 : index
      %get3A_986 = tpu.vector_load %arg9[%get3A_984, %get3A_985] {strides = array<i32>} : memref<32x1024xf32, #tpu.memory_space<vmem>>, vector<1x16xf32>,
      %get3A_987 = vector.shape_cast %get3A_986 : vector<1x16xf32> to vector<16xf32>
      %mul3A_988 = arith.mulf %get3A_52, %get3A_987 : vector<16xf32>
      %get3A_989 = arith.index_cast %scan3A_48 : i32 to index
      %get3A_990 = arith.constant 928 : index
      %get3A_991 = tpu.vector_load %arg10[%get3A_989, %get3A_990] {strides = array<i32>} : memref<32x1024xf32, #tpu.memory_space<vmem>>, vector<1x16xf32>,
      %get3A_992 = vector.shape_cast %get3A_991 : vector<1x16xf32> to vector<16xf32>
      %mul3A_993 = arith.mulf %get3A_56, %get3A_992 : vector<16xf32>
      %add3A_994 = arith.addf %mul3A_988, %mul3A_993 : vector<16xf32>
      %swap3A_995 = arith.index_cast %scan3A_48 : i32 to index
      %swap3A_996 = arith.constant 928 : index
      %swap3A_997 = tpu.vector_load %arg9[%swap3A_995, %swap3A_996] {strides = array<i32>} : memref<32x1024xf32, #tpu.memory_space<vmem>>, vector<1x16xf32>,
      %swap3A_998 = vector.shape_cast %swap3A_997 : vector<1x16xf32> to vector<16xf32>
      %swap3A_999 = vector.shape_cast %add3A_994 : vector<16xf32> to vector<1x16xf32>
      tpu.vector_store %arg9[%swap3A_995, %swap3A_996], %swap3A_999 {strides = array<i32>} : memref<32x1024xf32, #tpu.memory_space<vmem>>, vector<1x16xf32>,
      %get3A_1000 = arith.index_cast %scan3A_48 : i32 to index
      %get3A_1001 = arith.constant 944 : index
      %get3A_1002 = tpu.vector_load %arg9[%get3A_1000, %get3A_1001] {strides = array<i32>} : memref<32x1024xf32, #tpu.memory_space<vmem>>, vector<1x16xf32>,
      %get3A_1003 = vector.shape_cast %get3A_1002 : vector<1x16xf32> to vector<16xf32>
      %mul3A_1004 = arith.mulf %get3A_52, %get3A_1003 : vector<16xf32>
      %get3A_1005 = arith.index_cast %scan3A_48 : i32 to index
      %get3A_1006 = arith.constant 944 : index
      %get3A_1007 = tpu.vector_load %arg10[%get3A_1005, %get3A_1006] {strides = array<i32>} : memref<32x1024xf32, #tpu.memory_space<vmem>>, vector<1x16xf32>,
      %get3A_1008 = vector.shape_cast %get3A_1007 : vector<1x16xf32> to vector<16xf32>
      %mul3A_1009 = arith.mulf %get3A_56, %get3A_1008 : vector<16xf32>
      %add3A_1010 = arith.addf %mul3A_1004, %mul3A_1009 : vector<16xf32>
      %swap3A_1011 = arith.index_cast %scan3A_48 : i32 to index
      %swap3A_1012 = arith.constant 944 : index
      %swap3A_1013 = tpu.vector_load %arg9[%swap3A_1011, %swap3A_1012] {strides = array<i32>} : memref<32x1024xf32, #tpu.memory_space<vmem>>, vector<1x16xf32>,
      %swap3A_1014 = vector.shape_cast %swap3A_1013 : vector<1x16xf32> to vector<16xf32>
      %swap3A_1015 = vector.shape_cast %add3A_1010 : vector<16xf32> to vector<1x16xf32>
      tpu.vector_store %arg9[%swap3A_1011, %swap3A_1012], %swap3A_1015 {strides = array<i32>} : memref<32x1024xf32, #tpu.memory_space<vmem>>, vector<1x16xf32>,
      %get3A_1016 = arith.index_cast %scan3A_48 : i32 to index
      %get3A_1017 = arith.constant 960 : index
      %get3A_1018 = tpu.vector_load %arg9[%get3A_1016, %get3A_1017] {strides = array<i32>} : memref<32x1024xf32, #tpu.memory_space<vmem>>, vector<1x16xf32>,
      %get3A_1019 = vector.shape_cast %get3A_1018 : vector<1x16xf32> to vector<16xf32>
      %mul3A_1020 = arith.mulf %get3A_52, %get3A_1019 : vector<16xf32>
      %get3A_1021 = arith.index_cast %scan3A_48 : i32 to index
      %get3A_1022 = arith.constant 960 : index
      %get3A_1023 = tpu.vector_load %arg10[%get3A_1021, %get3A_1022] {strides = array<i32>} : memref<32x1024xf32, #tpu.memory_space<vmem>>, vector<1x16xf32>,
      %get3A_1024 = vector.shape_cast %get3A_1023 : vector<1x16xf32> to vector<16xf32>
      %mul3A_1025 = arith.mulf %get3A_56, %get3A_1024 : vector<16xf32>
      %add3A_1026 = arith.addf %mul3A_1020, %mul3A_1025 : vector<16xf32>
      %swap3A_1027 = arith.index_cast %scan3A_48 : i32 to index
      %swap3A_1028 = arith.constant 960 : index
      %swap3A_1029 = tpu.vector_load %arg9[%swap3A_1027, %swap3A_1028] {strides = array<i32>} : memref<32x1024xf32, #tpu.memory_space<vmem>>, vector<1x16xf32>,
      %swap3A_1030 = vector.shape_cast %swap3A_1029 : vector<1x16xf32> to vector<16xf32>
      %swap3A_1031 = vector.shape_cast %add3A_1026 : vector<16xf32> to vector<1x16xf32>
      tpu.vector_store %arg9[%swap3A_1027, %swap3A_1028], %swap3A_1031 {strides = array<i32>} : memref<32x1024xf32, #tpu.memory_space<vmem>>, vector<1x16xf32>,
      %get3A_1032 = arith.index_cast %scan3A_48 : i32 to index
      %get3A_1033 = arith.constant 976 : index
      %get3A_1034 = tpu.vector_load %arg9[%get3A_1032, %get3A_1033] {strides = array<i32>} : memref<32x1024xf32, #tpu.memory_space<vmem>>, vector<1x16xf32>,
      %get3A_1035 = vector.shape_cast %get3A_1034 : vector<1x16xf32> to vector<16xf32>
      %mul3A_1036 = arith.mulf %get3A_52, %get3A_1035 : vector<16xf32>
      %get3A_1037 = arith.index_cast %scan3A_48 : i32 to index
      %get3A_1038 = arith.constant 976 : index
      %get3A_1039 = tpu.vector_load %arg10[%get3A_1037, %get3A_1038] {strides = array<i32>} : memref<32x1024xf32, #tpu.memory_space<vmem>>, vector<1x16xf32>,
      %get3A_1040 = vector.shape_cast %get3A_1039 : vector<1x16xf32> to vector<16xf32>
      %mul3A_1041 = arith.mulf %get3A_56, %get3A_1040 : vector<16xf32>
      %add3A_1042 = arith.addf %mul3A_1036, %mul3A_1041 : vector<16xf32>
      %swap3A_1043 = arith.index_cast %scan3A_48 : i32 to index
      %swap3A_1044 = arith.constant 976 : index
      %swap3A_1045 = tpu.vector_load %arg9[%swap3A_1043, %swap3A_1044] {strides = array<i32>} : memref<32x1024xf32, #tpu.memory_space<vmem>>, vector<1x16xf32>,
      %swap3A_1046 = vector.shape_cast %swap3A_1045 : vector<1x16xf32> to vector<16xf32>
      %swap3A_1047 = vector.shape_cast %add3A_1042 : vector<16xf32> to vector<1x16xf32>
      tpu.vector_store %arg9[%swap3A_1043, %swap3A_1044], %swap3A_1047 {strides = array<i32>} : memref<32x1024xf32, #tpu.memory_space<vmem>>, vector<1x16xf32>,
      %get3A_1048 = arith.index_cast %scan3A_48 : i32 to index
      %get3A_1049 = arith.constant 992 : index
      %get3A_1050 = tpu.vector_load %arg9[%get3A_1048, %get3A_1049] {strides = array<i32>} : memref<32x1024xf32, #tpu.memory_space<vmem>>, vector<1x16xf32>,
      %get3A_1051 = vector.shape_cast %get3A_1050 : vector<1x16xf32> to vector<16xf32>
      %mul3A_1052 = arith.mulf %get3A_52, %get3A_1051 : vector<16xf32>
      %get3A_1053 = arith.index_cast %scan3A_48 : i32 to index
      %get3A_1054 = arith.constant 992 : index
      %get3A_1055 = tpu.vector_load %arg10[%get3A_1053, %get3A_1054] {strides = array<i32>} : memref<32x1024xf32, #tpu.memory_space<vmem>>, vector<1x16xf32>,
      %get3A_1056 = vector.shape_cast %get3A_1055 : vector<1x16xf32> to vector<16xf32>
      %mul3A_1057 = arith.mulf %get3A_56, %get3A_1056 : vector<16xf32>
      %add3A_1058 = arith.addf %mul3A_1052, %mul3A_1057 : vector<16xf32>
      %swap3A_1059 = arith.index_cast %scan3A_48 : i32 to index
      %swap3A_1060 = arith.constant 992 : index
      %swap3A_1061 = tpu.vector_load %arg9[%swap3A_1059, %swap3A_1060] {strides = array<i32>} : memref<32x1024xf32, #tpu.memory_space<vmem>>, vector<1x16xf32>,
      %swap3A_1062 = vector.shape_cast %swap3A_1061 : vector<1x16xf32> to vector<16xf32>
      %swap3A_1063 = vector.shape_cast %add3A_1058 : vector<16xf32> to vector<1x16xf32>
      tpu.vector_store %arg9[%swap3A_1059, %swap3A_1060], %swap3A_1063 {strides = array<i32>} : memref<32x1024xf32, #tpu.memory_space<vmem>>, vector<1x16xf32>,
      %get3A_1064 = arith.index_cast %scan3A_48 : i32 to index
      %get3A_1065 = arith.constant 1008 : index
      %get3A_1066 = tpu.vector_load %arg9[%get3A_1064, %get3A_1065] {strides = array<i32>} : memref<32x1024xf32, #tpu.memory_space<vmem>>, vector<1x16xf32>,
      %get3A_1067 = vector.shape_cast %get3A_1066 : vector<1x16xf32> to vector<16xf32>
      %mul3A_1068 = arith.mulf %get3A_52, %get3A_1067 : vector<16xf32>
      %get3A_1069 = arith.index_cast %scan3A_48 : i32 to index
      %get3A_1070 = arith.constant 1008 : index
      %get3A_1071 = tpu.vector_load %arg10[%get3A_1069, %get3A_1070] {strides = array<i32>} : memref<32x1024xf32, #tpu.memory_space<vmem>>, vector<1x16xf32>,
      %get3A_1072 = vector.shape_cast %get3A_1071 : vector<1x16xf32> to vector<16xf32>
      %mul3A_1073 = arith.mulf %get3A_56, %get3A_1072 : vector<16xf32>
      %add3A_1074 = arith.addf %mul3A_1068, %mul3A_1073 : vector<16xf32>
      %swap3A_1075 = arith.index_cast %scan3A_48 : i32 to index
      %swap3A_1076 = arith.constant 1008 : index
      %swap3A_1077 = tpu.vector_load %arg9[%swap3A_1075, %swap3A_1076] {strides = array<i32>} : memref<32x1024xf32, #tpu.memory_space<vmem>>, vector<1x16xf32>,
      %swap3A_1078 = vector.shape_cast %swap3A_1077 : vector<1x16xf32> to vector<16xf32>
      %swap3A_1079 = vector.shape_cast %add3A_1074 : vector<16xf32> to vector<1x16xf32>
      tpu.vector_store %arg9[%swap3A_1075, %swap3A_1076], %swap3A_1079 {strides = array<i32>} : memref<32x1024xf32, #tpu.memory_space<vmem>>, vector<1x16xf32>,
      %scan3A_1080 = arith.constant 0 : i32
      scf.yield %scan3A_1080 : i32
    }
    %scan3A_22 = arith.constant 32 : i32
    "tpu.region"() ({
      %run_scoped3A = tpu.sem_alloc : memref<!tpu.dma_semaphore, #tpu.memory_space<semaphore_mem>>
      %dma_start3A_48 = arith.constant 0 : i32
      %dma_start3A_49 = tpu.memref_slice %arg6[%add3A_4, %dma_start3A_48] : memref<2048x1024xf32, #tpu.memory_space<hbm>> -> memref<32x1024xf32, #tpu.memory_space<hbm>>
      %dma_start3A_50 = arith.constant 0 : i32
      %dma_start3A_51 = tpu.memref_slice %arg6[%add3A_4, %dma_start3A_50] : memref<2048x1024xf32, #tpu.memory_space<hbm>> -> memref<32x1024xf32, #tpu.memory_space<hbm>>
      tpu.enqueue_dma source(%arg9 : memref<32x1024xf32, #tpu.memory_space<vmem>>) target(%dma_start3A_51 : memref<32x1024xf32, #tpu.memory_space<hbm>>) target_semaphore(%run_scoped3A : memref<!tpu.dma_semaphore, #tpu.memory_space<semaphore_mem>>)
      %dma_wait3A_52 = arith.constant 0 : i32
      %dma_wait3A_53 = tpu.memref_slice %arg6[%add3A_4, %dma_wait3A_52] : memref<2048x1024xf32, #tpu.memory_space<hbm>> -> memref<32x1024xf32, #tpu.memory_space<hbm>>
      %dma_wait3A_54 = arith.constant 0 : i32
      %dma_wait3A_55 = tpu.memref_slice %arg6[%add3A_4, %dma_wait3A_54] : memref<2048x1024xf32, #tpu.memory_space<hbm>> -> memref<32x1024xf32, #tpu.memory_space<hbm>>
      tpu.wait_dma2 semaphore(%run_scoped3A : memref<!tpu.dma_semaphore, #tpu.memory_space<semaphore_mem>>) src(%arg9 : memref<32x1024xf32, #tpu.memory_space<vmem>>) dst(%dma_wait3A_55 : memref<32x1024xf32, #tpu.memory_space<hbm>>)
      tpu.yield
    }) : () -> ()
    %mul3A_23 = arith.constant 64 : i32
    %mul3A_24 = arith.muli %add3A, %mul3A_23 : i32
    %add3A_25 = arith.constant 32 : i32
    %add3A_26 = arith.addi %mul3A_24, %add3A_25 : i32
    "tpu.region"() ({
      %run_scoped3A = tpu.sem_alloc : memref<!tpu.dma_semaphore, #tpu.memory_space<semaphore_mem>>
      %dma_start3A_48 = tpu.memref_slice %arg3[%add3A_26] : memref<4096xi32, #tpu.memory_space<hbm>> -> memref<32xi32, #tpu.memory_space<hbm>>
      %dma_start3A_49 = tpu.memref_slice %arg3[%add3A_26] : memref<4096xi32, #tpu.memory_space<hbm>> -> memref<32xi32, #tpu.memory_space<hbm>>
      tpu.enqueue_dma source(%dma_start3A_49 : memref<32xi32, #tpu.memory_space<hbm>>) target(%arg7 : memref<32xi32, #tpu.memory_space<vmem>>) target_semaphore(%run_scoped3A : memref<!tpu.dma_semaphore, #tpu.memory_space<semaphore_mem>>)
      %dma_wait3A_50 = tpu.memref_slice %arg3[%add3A_26] : memref<4096xi32, #tpu.memory_space<hbm>> -> memref<32xi32, #tpu.memory_space<hbm>>
      %dma_wait3A_51 = tpu.memref_slice %arg3[%add3A_26] : memref<4096xi32, #tpu.memory_space<hbm>> -> memref<32xi32, #tpu.memory_space<hbm>>
      tpu.wait_dma2 semaphore(%run_scoped3A : memref<!tpu.dma_semaphore, #tpu.memory_space<semaphore_mem>>) src(%dma_wait3A_51 : memref<32xi32, #tpu.memory_space<hbm>>) dst(%arg7 : memref<32xi32, #tpu.memory_space<vmem>>)
      tpu.yield
    }) : () -> ()
    %add3A_27 = arith.constant 2048 : i32
    %add3A_28 = arith.addi %add3A_27, %add3A_26 : i32
    "tpu.region"() ({
      %run_scoped3A = tpu.sem_alloc : memref<!tpu.dma_semaphore, #tpu.memory_space<semaphore_mem>>
      %dma_start3A_48 = tpu.memref_slice %arg3[%add3A_28] : memref<4096xi32, #tpu.memory_space<hbm>> -> memref<32xi32, #tpu.memory_space<hbm>>
      %dma_start3A_49 = tpu.memref_slice %arg3[%add3A_28] : memref<4096xi32, #tpu.memory_space<hbm>> -> memref<32xi32, #tpu.memory_space<hbm>>
      tpu.enqueue_dma source(%dma_start3A_49 : memref<32xi32, #tpu.memory_space<hbm>>) target(%arg8 : memref<32xi32, #tpu.memory_space<vmem>>) target_semaphore(%run_scoped3A : memref<!tpu.dma_semaphore, #tpu.memory_space<semaphore_mem>>)
      %dma_wait3A_50 = tpu.memref_slice %arg3[%add3A_28] : memref<4096xi32, #tpu.memory_space<hbm>> -> memref<32xi32, #tpu.memory_space<hbm>>
      %dma_wait3A_51 = tpu.memref_slice %arg3[%add3A_28] : memref<4096xi32, #tpu.memory_space<hbm>> -> memref<32xi32, #tpu.memory_space<hbm>>
      tpu.wait_dma2 semaphore(%run_scoped3A : memref<!tpu.dma_semaphore, #tpu.memory_space<semaphore_mem>>) src(%dma_wait3A_51 : memref<32xi32, #tpu.memory_space<hbm>>) dst(%arg8 : memref<32xi32, #tpu.memory_space<vmem>>)
      tpu.yield
    }) : () -> ()
    "tpu.region"() ({
      %run_scoped3A = tpu.sem_alloc : memref<!tpu.dma_semaphore, #tpu.memory_space<semaphore_mem>>
      %dma_start3A_48 = arith.constant 0 : i32
      %dma_start3A_49 = tpu.memref_slice %arg4[%add3A_26, %dma_start3A_48] : memref<2048x16xf32, #tpu.memory_space<hbm>> -> memref<32x16xf32, #tpu.memory_space<hbm>>
      %dma_start3A_50 = arith.constant 0 : i32
      %dma_start3A_51 = tpu.memref_slice %arg4[%add3A_26, %dma_start3A_50] : memref<2048x16xf32, #tpu.memory_space<hbm>> -> memref<32x16xf32, #tpu.memory_space<hbm>>
      tpu.enqueue_dma source(%dma_start3A_51 : memref<32x16xf32, #tpu.memory_space<hbm>>) target(%arg11 : memref<32x16xf32, #tpu.memory_space<vmem>>) target_semaphore(%run_scoped3A : memref<!tpu.dma_semaphore, #tpu.memory_space<semaphore_mem>>)
      %dma_wait3A_52 = arith.constant 0 : i32
      %dma_wait3A_53 = tpu.memref_slice %arg4[%add3A_26, %dma_wait3A_52] : memref<2048x16xf32, #tpu.memory_space<hbm>> -> memref<32x16xf32, #tpu.memory_space<hbm>>
      %dma_wait3A_54 = arith.constant 0 : i32
      %dma_wait3A_55 = tpu.memref_slice %arg4[%add3A_26, %dma_wait3A_54] : memref<2048x16xf32, #tpu.memory_space<hbm>> -> memref<32x16xf32, #tpu.memory_space<hbm>>
      tpu.wait_dma2 semaphore(%run_scoped3A : memref<!tpu.dma_semaphore, #tpu.memory_space<semaphore_mem>>) src(%dma_wait3A_55 : memref<32x16xf32, #tpu.memory_space<hbm>>) dst(%arg11 : memref<32x16xf32, #tpu.memory_space<vmem>>)
      tpu.yield
    }) : () -> ()
    "tpu.region"() ({
      %run_scoped3A = tpu.sem_alloc : memref<!tpu.dma_semaphore, #tpu.memory_space<semaphore_mem>>
      %dma_start3A_48 = arith.constant 0 : i32
      %dma_start3A_49 = tpu.memref_slice %arg5[%add3A_26, %dma_start3A_48] : memref<2048x16xf32, #tpu.memory_space<hbm>> -> memref<32x16xf32, #tpu.memory_space<hbm>>
      %dma_start3A_50 = arith.constant 0 : i32
      %dma_start3A_51 = tpu.memref_slice %arg5[%add3A_26, %dma_start3A_50] : memref<2048x16xf32, #tpu.memory_space<hbm>> -> memref<32x16xf32, #tpu.memory_space<hbm>>
      tpu.enqueue_dma source(%dma_start3A_51 : memref<32x16xf32, #tpu.memory_space<hbm>>) target(%arg12 : memref<32x16xf32, #tpu.memory_space<vmem>>) target_semaphore(%run_scoped3A : memref<!tpu.dma_semaphore, #tpu.memory_space<semaphore_mem>>)
      %dma_wait3A_52 = arith.constant 0 : i32
      %dma_wait3A_53 = tpu.memref_slice %arg5[%add3A_26, %dma_wait3A_52] : memref<2048x16xf32, #tpu.memory_space<hbm>> -> memref<32x16xf32, #tpu.memory_space<hbm>>
      %dma_wait3A_54 = arith.constant 0 : i32
      %dma_wait3A_55 = tpu.memref_slice %arg5[%add3A_26, %dma_wait3A_54] : memref<2048x16xf32, #tpu.memory_space<hbm>> -> memref<32x16xf32, #tpu.memory_space<hbm>>
      tpu.wait_dma2 semaphore(%run_scoped3A : memref<!tpu.dma_semaphore, #tpu.memory_space<semaphore_mem>>) src(%dma_wait3A_55 : memref<32x16xf32, #tpu.memory_space<hbm>>) dst(%arg12 : memref<32x16xf32, #tpu.memory_space<vmem>>)
      tpu.yield
    }) : () -> ()
    %dma_start3A_29 = arith.constant 0 : i32
    %dma_start3A_30 = arith.constant 0 : i32
    %dma_start3A_31 = tpu.memref_slice %arg2[%dma_start3A_29, %dma_start3A_30] : memref<8192x1024xf32, #tpu.memory_space<hbm>> -> memref<8192x1024xf32, #tpu.memory_space<hbm>>
    tpu.enqueue_indirect_dma source(%dma_start3A_31 : memref<8192x1024xf32, #tpu.memory_space<hbm>>) target(%arg9 : memref<32x1024xf32, #tpu.memory_space<vmem>>) offsets(%arg7 : memref<32xi32, #tpu.memory_space<vmem>>) semaphore(%arg13 : memref<!tpu.dma_semaphore, #tpu.memory_space<semaphore_mem>>)
    %dma_wait3A_32 = arith.constant 0 : i32
    %dma_wait3A_33 = arith.constant 0 : i32
    %dma_wait3A_34 = tpu.memref_slice %arg2[%dma_wait3A_32, %dma_wait3A_33] : memref<8192x1024xf32, #tpu.memory_space<hbm>> -> memref<8192x1024xf32, #tpu.memory_space<hbm>>
    tpu.wait_indirect_dma semaphore(%arg13 : memref<!tpu.dma_semaphore, #tpu.memory_space<semaphore_mem>>) src(%dma_wait3A_34 : memref<8192x1024xf32, #tpu.memory_space<hbm>>) dst(%arg9 : memref<32x1024xf32, #tpu.memory_space<vmem>>)
    %dma_start3A_35 = arith.constant 0 : i32
    %dma_start3A_36 = arith.constant 0 : i32
    %dma_start3A_37 = tpu.memref_slice %arg2[%dma_start3A_35, %dma_start3A_36] : memref<8192x1024xf32, #tpu.memory_space<hbm>> -> memref<8192x1024xf32, #tpu.memory_space<hbm>>
    tpu.enqueue_indirect_dma source(%dma_start3A_37 : memref<8192x1024xf32, #tpu.memory_space<hbm>>) target(%arg10 : memref<32x1024xf32, #tpu.memory_space<vmem>>) offsets(%arg8 : memref<32xi32, #tpu.memory_space<vmem>>) semaphore(%arg13 : memref<!tpu.dma_semaphore, #tpu.memory_space<semaphore_mem>>)
    %dma_wait3A_38 = arith.constant 0 : i32
    %dma_wait3A_39 = arith.constant 0 : i32
    %dma_wait3A_40 = tpu.memref_slice %arg2[%dma_wait3A_38, %dma_wait3A_39] : memref<8192x1024xf32, #tpu.memory_space<hbm>> -> memref<8192x1024xf32, #tpu.memory_space<hbm>>
    tpu.wait_indirect_dma semaphore(%arg13 : memref<!tpu.dma_semaphore, #tpu.memory_space<semaphore_mem>>) src(%dma_wait3A_40 : memref<8192x1024xf32, #tpu.memory_space<hbm>>) dst(%arg10 : memref<32x1024xf32, #tpu.memory_space<vmem>>)
    %scan3A_41 = arith.constant 0 : i32
    %scan3A_42 = arith.constant 0 : i32
    %scan3A_43 = arith.constant 32 : i32
    %scan3A_44 = arith.addi %scan3A_42, %scan3A_43 : i32
    %scan3A_45 = arith.constant 1 : i32
    %scan3A_46 = scf.for %scan3A_48 = %scan3A_42 to %scan3A_44 step %scan3A_45 iter_args(%scan3A_49 = %scan3A_41) -> (i32)  : i32 {
      %get3A = arith.index_cast %scan3A_48 : i32 to index
      %get3A_50 = arith.constant 0 : index
      %get3A_51 = tpu.vector_load %arg11[%get3A, %get3A_50] {strides = array<i32>} : memref<32x16xf32, #tpu.memory_space<vmem>>, vector<1x16xf32>,
      %get3A_52 = vector.shape_cast %get3A_51 : vector<1x16xf32> to vector<16xf32>
      %get3A_53 = arith.index_cast %scan3A_48 : i32 to index
      %get3A_54 = arith.constant 0 : index
      %get3A_55 = tpu.vector_load %arg12[%get3A_53, %get3A_54] {strides = array<i32>} : memref<32x16xf32, #tpu.memory_space<vmem>>, vector<1x16xf32>,
      %get3A_56 = vector.shape_cast %get3A_55 : vector<1x16xf32> to vector<16xf32>
      %get3A_57 = arith.index_cast %scan3A_48 : i32 to index
      %get3A_58 = arith.constant 0 : index
      %get3A_59 = tpu.vector_load %arg9[%get3A_57, %get3A_58] {strides = array<i32>} : memref<32x1024xf32, #tpu.memory_space<vmem>>, vector<1x16xf32>,
      %get3A_60 = vector.shape_cast %get3A_59 : vector<1x16xf32> to vector<16xf32>
      %mul3A_61 = arith.mulf %get3A_52, %get3A_60 : vector<16xf32>
      %get3A_62 = arith.index_cast %scan3A_48 : i32 to index
      %get3A_63 = arith.constant 0 : index
      %get3A_64 = tpu.vector_load %arg10[%get3A_62, %get3A_63] {strides = array<i32>} : memref<32x1024xf32, #tpu.memory_space<vmem>>, vector<1x16xf32>,
      %get3A_65 = vector.shape_cast %get3A_64 : vector<1x16xf32> to vector<16xf32>
      %mul3A_66 = arith.mulf %get3A_56, %get3A_65 : vector<16xf32>
      %add3A_67 = arith.addf %mul3A_61, %mul3A_66 : vector<16xf32>
      %swap3A = arith.index_cast %scan3A_48 : i32 to index
      %swap3A_68 = arith.constant 0 : index
      %swap3A_69 = tpu.vector_load %arg9[%swap3A, %swap3A_68] {strides = array<i32>} : memref<32x1024xf32, #tpu.memory_space<vmem>>, vector<1x16xf32>,
      %swap3A_70 = vector.shape_cast %swap3A_69 : vector<1x16xf32> to vector<16xf32>
      %swap3A_71 = vector.shape_cast %add3A_67 : vector<16xf32> to vector<1x16xf32>
      tpu.vector_store %arg9[%swap3A, %swap3A_68], %swap3A_71 {strides = array<i32>} : memref<32x1024xf32, #tpu.memory_space<vmem>>, vector<1x16xf32>,
      %get3A_72 = arith.index_cast %scan3A_48 : i32 to index
      %get3A_73 = arith.constant 16 : index
      %get3A_74 = tpu.vector_load %arg9[%get3A_72, %get3A_73] {strides = array<i32>} : memref<32x1024xf32, #tpu.memory_space<vmem>>, vector<1x16xf32>,
      %get3A_75 = vector.shape_cast %get3A_74 : vector<1x16xf32> to vector<16xf32>
      %mul3A_76 = arith.mulf %get3A_52, %get3A_75 : vector<16xf32>
      %get3A_77 = arith.index_cast %scan3A_48 : i32 to index
      %get3A_78 = arith.constant 16 : index
      %get3A_79 = tpu.vector_load %arg10[%get3A_77, %get3A_78] {strides = array<i32>} : memref<32x1024xf32, #tpu.memory_space<vmem>>, vector<1x16xf32>,
      %get3A_80 = vector.shape_cast %get3A_79 : vector<1x16xf32> to vector<16xf32>
      %mul3A_81 = arith.mulf %get3A_56, %get3A_80 : vector<16xf32>
      %add3A_82 = arith.addf %mul3A_76, %mul3A_81 : vector<16xf32>
      %swap3A_83 = arith.index_cast %scan3A_48 : i32 to index
      %swap3A_84 = arith.constant 16 : index
      %swap3A_85 = tpu.vector_load %arg9[%swap3A_83, %swap3A_84] {strides = array<i32>} : memref<32x1024xf32, #tpu.memory_space<vmem>>, vector<1x16xf32>,
      %swap3A_86 = vector.shape_cast %swap3A_85 : vector<1x16xf32> to vector<16xf32>
      %swap3A_87 = vector.shape_cast %add3A_82 : vector<16xf32> to vector<1x16xf32>
      tpu.vector_store %arg9[%swap3A_83, %swap3A_84], %swap3A_87 {strides = array<i32>} : memref<32x1024xf32, #tpu.memory_space<vmem>>, vector<1x16xf32>,
      %get3A_88 = arith.index_cast %scan3A_48 : i32 to index
      %get3A_89 = arith.constant 32 : index
      %get3A_90 = tpu.vector_load %arg9[%get3A_88, %get3A_89] {strides = array<i32>} : memref<32x1024xf32, #tpu.memory_space<vmem>>, vector<1x16xf32>,
      %get3A_91 = vector.shape_cast %get3A_90 : vector<1x16xf32> to vector<16xf32>
      %mul3A_92 = arith.mulf %get3A_52, %get3A_91 : vector<16xf32>
      %get3A_93 = arith.index_cast %scan3A_48 : i32 to index
      %get3A_94 = arith.constant 32 : index
      %get3A_95 = tpu.vector_load %arg10[%get3A_93, %get3A_94] {strides = array<i32>} : memref<32x1024xf32, #tpu.memory_space<vmem>>, vector<1x16xf32>,
      %get3A_96 = vector.shape_cast %get3A_95 : vector<1x16xf32> to vector<16xf32>
      %mul3A_97 = arith.mulf %get3A_56, %get3A_96 : vector<16xf32>
      %add3A_98 = arith.addf %mul3A_92, %mul3A_97 : vector<16xf32>
      %swap3A_99 = arith.index_cast %scan3A_48 : i32 to index
      %swap3A_100 = arith.constant 32 : index
      %swap3A_101 = tpu.vector_load %arg9[%swap3A_99, %swap3A_100] {strides = array<i32>} : memref<32x1024xf32, #tpu.memory_space<vmem>>, vector<1x16xf32>,
      %swap3A_102 = vector.shape_cast %swap3A_101 : vector<1x16xf32> to vector<16xf32>
      %swap3A_103 = vector.shape_cast %add3A_98 : vector<16xf32> to vector<1x16xf32>
      tpu.vector_store %arg9[%swap3A_99, %swap3A_100], %swap3A_103 {strides = array<i32>} : memref<32x1024xf32, #tpu.memory_space<vmem>>, vector<1x16xf32>,
      %get3A_104 = arith.index_cast %scan3A_48 : i32 to index
      %get3A_105 = arith.constant 48 : index
      %get3A_106 = tpu.vector_load %arg9[%get3A_104, %get3A_105] {strides = array<i32>} : memref<32x1024xf32, #tpu.memory_space<vmem>>, vector<1x16xf32>,
      %get3A_107 = vector.shape_cast %get3A_106 : vector<1x16xf32> to vector<16xf32>
      %mul3A_108 = arith.mulf %get3A_52, %get3A_107 : vector<16xf32>
      %get3A_109 = arith.index_cast %scan3A_48 : i32 to index
      %get3A_110 = arith.constant 48 : index
      %get3A_111 = tpu.vector_load %arg10[%get3A_109, %get3A_110] {strides = array<i32>} : memref<32x1024xf32, #tpu.memory_space<vmem>>, vector<1x16xf32>,
      %get3A_112 = vector.shape_cast %get3A_111 : vector<1x16xf32> to vector<16xf32>
      %mul3A_113 = arith.mulf %get3A_56, %get3A_112 : vector<16xf32>
      %add3A_114 = arith.addf %mul3A_108, %mul3A_113 : vector<16xf32>
      %swap3A_115 = arith.index_cast %scan3A_48 : i32 to index
      %swap3A_116 = arith.constant 48 : index
      %swap3A_117 = tpu.vector_load %arg9[%swap3A_115, %swap3A_116] {strides = array<i32>} : memref<32x1024xf32, #tpu.memory_space<vmem>>, vector<1x16xf32>,
      %swap3A_118 = vector.shape_cast %swap3A_117 : vector<1x16xf32> to vector<16xf32>
      %swap3A_119 = vector.shape_cast %add3A_114 : vector<16xf32> to vector<1x16xf32>
      tpu.vector_store %arg9[%swap3A_115, %swap3A_116], %swap3A_119 {strides = array<i32>} : memref<32x1024xf32, #tpu.memory_space<vmem>>, vector<1x16xf32>,
      %get3A_120 = arith.index_cast %scan3A_48 : i32 to index
      %get3A_121 = arith.constant 64 : index
      %get3A_122 = tpu.vector_load %arg9[%get3A_120, %get3A_121] {strides = array<i32>} : memref<32x1024xf32, #tpu.memory_space<vmem>>, vector<1x16xf32>,
      %get3A_123 = vector.shape_cast %get3A_122 : vector<1x16xf32> to vector<16xf32>
      %mul3A_124 = arith.mulf %get3A_52, %get3A_123 : vector<16xf32>
      %get3A_125 = arith.index_cast %scan3A_48 : i32 to index
      %get3A_126 = arith.constant 64 : index
      %get3A_127 = tpu.vector_load %arg10[%get3A_125, %get3A_126] {strides = array<i32>} : memref<32x1024xf32, #tpu.memory_space<vmem>>, vector<1x16xf32>,
      %get3A_128 = vector.shape_cast %get3A_127 : vector<1x16xf32> to vector<16xf32>
      %mul3A_129 = arith.mulf %get3A_56, %get3A_128 : vector<16xf32>
      %add3A_130 = arith.addf %mul3A_124, %mul3A_129 : vector<16xf32>
      %swap3A_131 = arith.index_cast %scan3A_48 : i32 to index
      %swap3A_132 = arith.constant 64 : index
      %swap3A_133 = tpu.vector_load %arg9[%swap3A_131, %swap3A_132] {strides = array<i32>} : memref<32x1024xf32, #tpu.memory_space<vmem>>, vector<1x16xf32>,
      %swap3A_134 = vector.shape_cast %swap3A_133 : vector<1x16xf32> to vector<16xf32>
      %swap3A_135 = vector.shape_cast %add3A_130 : vector<16xf32> to vector<1x16xf32>
      tpu.vector_store %arg9[%swap3A_131, %swap3A_132], %swap3A_135 {strides = array<i32>} : memref<32x1024xf32, #tpu.memory_space<vmem>>, vector<1x16xf32>,
      %get3A_136 = arith.index_cast %scan3A_48 : i32 to index
      %get3A_137 = arith.constant 80 : index
      %get3A_138 = tpu.vector_load %arg9[%get3A_136, %get3A_137] {strides = array<i32>} : memref<32x1024xf32, #tpu.memory_space<vmem>>, vector<1x16xf32>,
      %get3A_139 = vector.shape_cast %get3A_138 : vector<1x16xf32> to vector<16xf32>
      %mul3A_140 = arith.mulf %get3A_52, %get3A_139 : vector<16xf32>
      %get3A_141 = arith.index_cast %scan3A_48 : i32 to index
      %get3A_142 = arith.constant 80 : index
      %get3A_143 = tpu.vector_load %arg10[%get3A_141, %get3A_142] {strides = array<i32>} : memref<32x1024xf32, #tpu.memory_space<vmem>>, vector<1x16xf32>,
      %get3A_144 = vector.shape_cast %get3A_143 : vector<1x16xf32> to vector<16xf32>
      %mul3A_145 = arith.mulf %get3A_56, %get3A_144 : vector<16xf32>
      %add3A_146 = arith.addf %mul3A_140, %mul3A_145 : vector<16xf32>
      %swap3A_147 = arith.index_cast %scan3A_48 : i32 to index
      %swap3A_148 = arith.constant 80 : index
      %swap3A_149 = tpu.vector_load %arg9[%swap3A_147, %swap3A_148] {strides = array<i32>} : memref<32x1024xf32, #tpu.memory_space<vmem>>, vector<1x16xf32>,
      %swap3A_150 = vector.shape_cast %swap3A_149 : vector<1x16xf32> to vector<16xf32>
      %swap3A_151 = vector.shape_cast %add3A_146 : vector<16xf32> to vector<1x16xf32>
      tpu.vector_store %arg9[%swap3A_147, %swap3A_148], %swap3A_151 {strides = array<i32>} : memref<32x1024xf32, #tpu.memory_space<vmem>>, vector<1x16xf32>,
      %get3A_152 = arith.index_cast %scan3A_48 : i32 to index
      %get3A_153 = arith.constant 96 : index
      %get3A_154 = tpu.vector_load %arg9[%get3A_152, %get3A_153] {strides = array<i32>} : memref<32x1024xf32, #tpu.memory_space<vmem>>, vector<1x16xf32>,
      %get3A_155 = vector.shape_cast %get3A_154 : vector<1x16xf32> to vector<16xf32>
      %mul3A_156 = arith.mulf %get3A_52, %get3A_155 : vector<16xf32>
      %get3A_157 = arith.index_cast %scan3A_48 : i32 to index
      %get3A_158 = arith.constant 96 : index
      %get3A_159 = tpu.vector_load %arg10[%get3A_157, %get3A_158] {strides = array<i32>} : memref<32x1024xf32, #tpu.memory_space<vmem>>, vector<1x16xf32>,
      %get3A_160 = vector.shape_cast %get3A_159 : vector<1x16xf32> to vector<16xf32>
      %mul3A_161 = arith.mulf %get3A_56, %get3A_160 : vector<16xf32>
      %add3A_162 = arith.addf %mul3A_156, %mul3A_161 : vector<16xf32>
      %swap3A_163 = arith.index_cast %scan3A_48 : i32 to index
      %swap3A_164 = arith.constant 96 : index
      %swap3A_165 = tpu.vector_load %arg9[%swap3A_163, %swap3A_164] {strides = array<i32>} : memref<32x1024xf32, #tpu.memory_space<vmem>>, vector<1x16xf32>,
      %swap3A_166 = vector.shape_cast %swap3A_165 : vector<1x16xf32> to vector<16xf32>
      %swap3A_167 = vector.shape_cast %add3A_162 : vector<16xf32> to vector<1x16xf32>
      tpu.vector_store %arg9[%swap3A_163, %swap3A_164], %swap3A_167 {strides = array<i32>} : memref<32x1024xf32, #tpu.memory_space<vmem>>, vector<1x16xf32>,
      %get3A_168 = arith.index_cast %scan3A_48 : i32 to index
      %get3A_169 = arith.constant 112 : index
      %get3A_170 = tpu.vector_load %arg9[%get3A_168, %get3A_169] {strides = array<i32>} : memref<32x1024xf32, #tpu.memory_space<vmem>>, vector<1x16xf32>,
      %get3A_171 = vector.shape_cast %get3A_170 : vector<1x16xf32> to vector<16xf32>
      %mul3A_172 = arith.mulf %get3A_52, %get3A_171 : vector<16xf32>
      %get3A_173 = arith.index_cast %scan3A_48 : i32 to index
      %get3A_174 = arith.constant 112 : index
      %get3A_175 = tpu.vector_load %arg10[%get3A_173, %get3A_174] {strides = array<i32>} : memref<32x1024xf32, #tpu.memory_space<vmem>>, vector<1x16xf32>,
      %get3A_176 = vector.shape_cast %get3A_175 : vector<1x16xf32> to vector<16xf32>
      %mul3A_177 = arith.mulf %get3A_56, %get3A_176 : vector<16xf32>
      %add3A_178 = arith.addf %mul3A_172, %mul3A_177 : vector<16xf32>
      %swap3A_179 = arith.index_cast %scan3A_48 : i32 to index
      %swap3A_180 = arith.constant 112 : index
      %swap3A_181 = tpu.vector_load %arg9[%swap3A_179, %swap3A_180] {strides = array<i32>} : memref<32x1024xf32, #tpu.memory_space<vmem>>, vector<1x16xf32>,
      %swap3A_182 = vector.shape_cast %swap3A_181 : vector<1x16xf32> to vector<16xf32>
      %swap3A_183 = vector.shape_cast %add3A_178 : vector<16xf32> to vector<1x16xf32>
      tpu.vector_store %arg9[%swap3A_179, %swap3A_180], %swap3A_183 {strides = array<i32>} : memref<32x1024xf32, #tpu.memory_space<vmem>>, vector<1x16xf32>,
      %get3A_184 = arith.index_cast %scan3A_48 : i32 to index
      %get3A_185 = arith.constant 128 : index
      %get3A_186 = tpu.vector_load %arg9[%get3A_184, %get3A_185] {strides = array<i32>} : memref<32x1024xf32, #tpu.memory_space<vmem>>, vector<1x16xf32>,
      %get3A_187 = vector.shape_cast %get3A_186 : vector<1x16xf32> to vector<16xf32>
      %mul3A_188 = arith.mulf %get3A_52, %get3A_187 : vector<16xf32>
      %get3A_189 = arith.index_cast %scan3A_48 : i32 to index
      %get3A_190 = arith.constant 128 : index
      %get3A_191 = tpu.vector_load %arg10[%get3A_189, %get3A_190] {strides = array<i32>} : memref<32x1024xf32, #tpu.memory_space<vmem>>, vector<1x16xf32>,
      %get3A_192 = vector.shape_cast %get3A_191 : vector<1x16xf32> to vector<16xf32>
      %mul3A_193 = arith.mulf %get3A_56, %get3A_192 : vector<16xf32>
      %add3A_194 = arith.addf %mul3A_188, %mul3A_193 : vector<16xf32>
      %swap3A_195 = arith.index_cast %scan3A_48 : i32 to index
      %swap3A_196 = arith.constant 128 : index
      %swap3A_197 = tpu.vector_load %arg9[%swap3A_195, %swap3A_196] {strides = array<i32>} : memref<32x1024xf32, #tpu.memory_space<vmem>>, vector<1x16xf32>,
      %swap3A_198 = vector.shape_cast %swap3A_197 : vector<1x16xf32> to vector<16xf32>
      %swap3A_199 = vector.shape_cast %add3A_194 : vector<16xf32> to vector<1x16xf32>
      tpu.vector_store %arg9[%swap3A_195, %swap3A_196], %swap3A_199 {strides = array<i32>} : memref<32x1024xf32, #tpu.memory_space<vmem>>, vector<1x16xf32>,
      %get3A_200 = arith.index_cast %scan3A_48 : i32 to index
      %get3A_201 = arith.constant 144 : index
      %get3A_202 = tpu.vector_load %arg9[%get3A_200, %get3A_201] {strides = array<i32>} : memref<32x1024xf32, #tpu.memory_space<vmem>>, vector<1x16xf32>,
      %get3A_203 = vector.shape_cast %get3A_202 : vector<1x16xf32> to vector<16xf32>
      %mul3A_204 = arith.mulf %get3A_52, %get3A_203 : vector<16xf32>
      %get3A_205 = arith.index_cast %scan3A_48 : i32 to index
      %get3A_206 = arith.constant 144 : index
      %get3A_207 = tpu.vector_load %arg10[%get3A_205, %get3A_206] {strides = array<i32>} : memref<32x1024xf32, #tpu.memory_space<vmem>>, vector<1x16xf32>,
      %get3A_208 = vector.shape_cast %get3A_207 : vector<1x16xf32> to vector<16xf32>
      %mul3A_209 = arith.mulf %get3A_56, %get3A_208 : vector<16xf32>
      %add3A_210 = arith.addf %mul3A_204, %mul3A_209 : vector<16xf32>
      %swap3A_211 = arith.index_cast %scan3A_48 : i32 to index
      %swap3A_212 = arith.constant 144 : index
      %swap3A_213 = tpu.vector_load %arg9[%swap3A_211, %swap3A_212] {strides = array<i32>} : memref<32x1024xf32, #tpu.memory_space<vmem>>, vector<1x16xf32>,
      %swap3A_214 = vector.shape_cast %swap3A_213 : vector<1x16xf32> to vector<16xf32>
      %swap3A_215 = vector.shape_cast %add3A_210 : vector<16xf32> to vector<1x16xf32>
      tpu.vector_store %arg9[%swap3A_211, %swap3A_212], %swap3A_215 {strides = array<i32>} : memref<32x1024xf32, #tpu.memory_space<vmem>>, vector<1x16xf32>,
      %get3A_216 = arith.index_cast %scan3A_48 : i32 to index
      %get3A_217 = arith.constant 160 : index
      %get3A_218 = tpu.vector_load %arg9[%get3A_216, %get3A_217] {strides = array<i32>} : memref<32x1024xf32, #tpu.memory_space<vmem>>, vector<1x16xf32>,
      %get3A_219 = vector.shape_cast %get3A_218 : vector<1x16xf32> to vector<16xf32>
      %mul3A_220 = arith.mulf %get3A_52, %get3A_219 : vector<16xf32>
      %get3A_221 = arith.index_cast %scan3A_48 : i32 to index
      %get3A_222 = arith.constant 160 : index
      %get3A_223 = tpu.vector_load %arg10[%get3A_221, %get3A_222] {strides = array<i32>} : memref<32x1024xf32, #tpu.memory_space<vmem>>, vector<1x16xf32>,
      %get3A_224 = vector.shape_cast %get3A_223 : vector<1x16xf32> to vector<16xf32>
      %mul3A_225 = arith.mulf %get3A_56, %get3A_224 : vector<16xf32>
      %add3A_226 = arith.addf %mul3A_220, %mul3A_225 : vector<16xf32>
      %swap3A_227 = arith.index_cast %scan3A_48 : i32 to index
      %swap3A_228 = arith.constant 160 : index
      %swap3A_229 = tpu.vector_load %arg9[%swap3A_227, %swap3A_228] {strides = array<i32>} : memref<32x1024xf32, #tpu.memory_space<vmem>>, vector<1x16xf32>,
      %swap3A_230 = vector.shape_cast %swap3A_229 : vector<1x16xf32> to vector<16xf32>
      %swap3A_231 = vector.shape_cast %add3A_226 : vector<16xf32> to vector<1x16xf32>
      tpu.vector_store %arg9[%swap3A_227, %swap3A_228], %swap3A_231 {strides = array<i32>} : memref<32x1024xf32, #tpu.memory_space<vmem>>, vector<1x16xf32>,
      %get3A_232 = arith.index_cast %scan3A_48 : i32 to index
      %get3A_233 = arith.constant 176 : index
      %get3A_234 = tpu.vector_load %arg9[%get3A_232, %get3A_233] {strides = array<i32>} : memref<32x1024xf32, #tpu.memory_space<vmem>>, vector<1x16xf32>,
      %get3A_235 = vector.shape_cast %get3A_234 : vector<1x16xf32> to vector<16xf32>
      %mul3A_236 = arith.mulf %get3A_52, %get3A_235 : vector<16xf32>
      %get3A_237 = arith.index_cast %scan3A_48 : i32 to index
      %get3A_238 = arith.constant 176 : index
      %get3A_239 = tpu.vector_load %arg10[%get3A_237, %get3A_238] {strides = array<i32>} : memref<32x1024xf32, #tpu.memory_space<vmem>>, vector<1x16xf32>,
      %get3A_240 = vector.shape_cast %get3A_239 : vector<1x16xf32> to vector<16xf32>
      %mul3A_241 = arith.mulf %get3A_56, %get3A_240 : vector<16xf32>
      %add3A_242 = arith.addf %mul3A_236, %mul3A_241 : vector<16xf32>
      %swap3A_243 = arith.index_cast %scan3A_48 : i32 to index
      %swap3A_244 = arith.constant 176 : index
      %swap3A_245 = tpu.vector_load %arg9[%swap3A_243, %swap3A_244] {strides = array<i32>} : memref<32x1024xf32, #tpu.memory_space<vmem>>, vector<1x16xf32>,
      %swap3A_246 = vector.shape_cast %swap3A_245 : vector<1x16xf32> to vector<16xf32>
      %swap3A_247 = vector.shape_cast %add3A_242 : vector<16xf32> to vector<1x16xf32>
      tpu.vector_store %arg9[%swap3A_243, %swap3A_244], %swap3A_247 {strides = array<i32>} : memref<32x1024xf32, #tpu.memory_space<vmem>>, vector<1x16xf32>,
      %get3A_248 = arith.index_cast %scan3A_48 : i32 to index
      %get3A_249 = arith.constant 192 : index
      %get3A_250 = tpu.vector_load %arg9[%get3A_248, %get3A_249] {strides = array<i32>} : memref<32x1024xf32, #tpu.memory_space<vmem>>, vector<1x16xf32>,
      %get3A_251 = vector.shape_cast %get3A_250 : vector<1x16xf32> to vector<16xf32>
      %mul3A_252 = arith.mulf %get3A_52, %get3A_251 : vector<16xf32>
      %get3A_253 = arith.index_cast %scan3A_48 : i32 to index
      %get3A_254 = arith.constant 192 : index
      %get3A_255 = tpu.vector_load %arg10[%get3A_253, %get3A_254] {strides = array<i32>} : memref<32x1024xf32, #tpu.memory_space<vmem>>, vector<1x16xf32>,
      %get3A_256 = vector.shape_cast %get3A_255 : vector<1x16xf32> to vector<16xf32>
      %mul3A_257 = arith.mulf %get3A_56, %get3A_256 : vector<16xf32>
      %add3A_258 = arith.addf %mul3A_252, %mul3A_257 : vector<16xf32>
      %swap3A_259 = arith.index_cast %scan3A_48 : i32 to index
      %swap3A_260 = arith.constant 192 : index
      %swap3A_261 = tpu.vector_load %arg9[%swap3A_259, %swap3A_260] {strides = array<i32>} : memref<32x1024xf32, #tpu.memory_space<vmem>>, vector<1x16xf32>,
      %swap3A_262 = vector.shape_cast %swap3A_261 : vector<1x16xf32> to vector<16xf32>
      %swap3A_263 = vector.shape_cast %add3A_258 : vector<16xf32> to vector<1x16xf32>
      tpu.vector_store %arg9[%swap3A_259, %swap3A_260], %swap3A_263 {strides = array<i32>} : memref<32x1024xf32, #tpu.memory_space<vmem>>, vector<1x16xf32>,
      %get3A_264 = arith.index_cast %scan3A_48 : i32 to index
      %get3A_265 = arith.constant 208 : index
      %get3A_266 = tpu.vector_load %arg9[%get3A_264, %get3A_265] {strides = array<i32>} : memref<32x1024xf32, #tpu.memory_space<vmem>>, vector<1x16xf32>,
      %get3A_267 = vector.shape_cast %get3A_266 : vector<1x16xf32> to vector<16xf32>
      %mul3A_268 = arith.mulf %get3A_52, %get3A_267 : vector<16xf32>
      %get3A_269 = arith.index_cast %scan3A_48 : i32 to index
      %get3A_270 = arith.constant 208 : index
      %get3A_271 = tpu.vector_load %arg10[%get3A_269, %get3A_270] {strides = array<i32>} : memref<32x1024xf32, #tpu.memory_space<vmem>>, vector<1x16xf32>,
      %get3A_272 = vector.shape_cast %get3A_271 : vector<1x16xf32> to vector<16xf32>
      %mul3A_273 = arith.mulf %get3A_56, %get3A_272 : vector<16xf32>
      %add3A_274 = arith.addf %mul3A_268, %mul3A_273 : vector<16xf32>
      %swap3A_275 = arith.index_cast %scan3A_48 : i32 to index
      %swap3A_276 = arith.constant 208 : index
      %swap3A_277 = tpu.vector_load %arg9[%swap3A_275, %swap3A_276] {strides = array<i32>} : memref<32x1024xf32, #tpu.memory_space<vmem>>, vector<1x16xf32>,
      %swap3A_278 = vector.shape_cast %swap3A_277 : vector<1x16xf32> to vector<16xf32>
      %swap3A_279 = vector.shape_cast %add3A_274 : vector<16xf32> to vector<1x16xf32>
      tpu.vector_store %arg9[%swap3A_275, %swap3A_276], %swap3A_279 {strides = array<i32>} : memref<32x1024xf32, #tpu.memory_space<vmem>>, vector<1x16xf32>,
      %get3A_280 = arith.index_cast %scan3A_48 : i32 to index
      %get3A_281 = arith.constant 224 : index
      %get3A_282 = tpu.vector_load %arg9[%get3A_280, %get3A_281] {strides = array<i32>} : memref<32x1024xf32, #tpu.memory_space<vmem>>, vector<1x16xf32>,
      %get3A_283 = vector.shape_cast %get3A_282 : vector<1x16xf32> to vector<16xf32>
      %mul3A_284 = arith.mulf %get3A_52, %get3A_283 : vector<16xf32>
      %get3A_285 = arith.index_cast %scan3A_48 : i32 to index
      %get3A_286 = arith.constant 224 : index
      %get3A_287 = tpu.vector_load %arg10[%get3A_285, %get3A_286] {strides = array<i32>} : memref<32x1024xf32, #tpu.memory_space<vmem>>, vector<1x16xf32>,
      %get3A_288 = vector.shape_cast %get3A_287 : vector<1x16xf32> to vector<16xf32>
      %mul3A_289 = arith.mulf %get3A_56, %get3A_288 : vector<16xf32>
      %add3A_290 = arith.addf %mul3A_284, %mul3A_289 : vector<16xf32>
      %swap3A_291 = arith.index_cast %scan3A_48 : i32 to index
      %swap3A_292 = arith.constant 224 : index
      %swap3A_293 = tpu.vector_load %arg9[%swap3A_291, %swap3A_292] {strides = array<i32>} : memref<32x1024xf32, #tpu.memory_space<vmem>>, vector<1x16xf32>,
      %swap3A_294 = vector.shape_cast %swap3A_293 : vector<1x16xf32> to vector<16xf32>
      %swap3A_295 = vector.shape_cast %add3A_290 : vector<16xf32> to vector<1x16xf32>
      tpu.vector_store %arg9[%swap3A_291, %swap3A_292], %swap3A_295 {strides = array<i32>} : memref<32x1024xf32, #tpu.memory_space<vmem>>, vector<1x16xf32>,
      %get3A_296 = arith.index_cast %scan3A_48 : i32 to index
      %get3A_297 = arith.constant 240 : index
      %get3A_298 = tpu.vector_load %arg9[%get3A_296, %get3A_297] {strides = array<i32>} : memref<32x1024xf32, #tpu.memory_space<vmem>>, vector<1x16xf32>,
      %get3A_299 = vector.shape_cast %get3A_298 : vector<1x16xf32> to vector<16xf32>
      %mul3A_300 = arith.mulf %get3A_52, %get3A_299 : vector<16xf32>
      %get3A_301 = arith.index_cast %scan3A_48 : i32 to index
      %get3A_302 = arith.constant 240 : index
      %get3A_303 = tpu.vector_load %arg10[%get3A_301, %get3A_302] {strides = array<i32>} : memref<32x1024xf32, #tpu.memory_space<vmem>>, vector<1x16xf32>,
      %get3A_304 = vector.shape_cast %get3A_303 : vector<1x16xf32> to vector<16xf32>
      %mul3A_305 = arith.mulf %get3A_56, %get3A_304 : vector<16xf32>
      %add3A_306 = arith.addf %mul3A_300, %mul3A_305 : vector<16xf32>
      %swap3A_307 = arith.index_cast %scan3A_48 : i32 to index
      %swap3A_308 = arith.constant 240 : index
      %swap3A_309 = tpu.vector_load %arg9[%swap3A_307, %swap3A_308] {strides = array<i32>} : memref<32x1024xf32, #tpu.memory_space<vmem>>, vector<1x16xf32>,
      %swap3A_310 = vector.shape_cast %swap3A_309 : vector<1x16xf32> to vector<16xf32>
      %swap3A_311 = vector.shape_cast %add3A_306 : vector<16xf32> to vector<1x16xf32>
      tpu.vector_store %arg9[%swap3A_307, %swap3A_308], %swap3A_311 {strides = array<i32>} : memref<32x1024xf32, #tpu.memory_space<vmem>>, vector<1x16xf32>,
      %get3A_312 = arith.index_cast %scan3A_48 : i32 to index
      %get3A_313 = arith.constant 256 : index
      %get3A_314 = tpu.vector_load %arg9[%get3A_312, %get3A_313] {strides = array<i32>} : memref<32x1024xf32, #tpu.memory_space<vmem>>, vector<1x16xf32>,
      %get3A_315 = vector.shape_cast %get3A_314 : vector<1x16xf32> to vector<16xf32>
      %mul3A_316 = arith.mulf %get3A_52, %get3A_315 : vector<16xf32>
      %get3A_317 = arith.index_cast %scan3A_48 : i32 to index
      %get3A_318 = arith.constant 256 : index
      %get3A_319 = tpu.vector_load %arg10[%get3A_317, %get3A_318] {strides = array<i32>} : memref<32x1024xf32, #tpu.memory_space<vmem>>, vector<1x16xf32>,
      %get3A_320 = vector.shape_cast %get3A_319 : vector<1x16xf32> to vector<16xf32>
      %mul3A_321 = arith.mulf %get3A_56, %get3A_320 : vector<16xf32>
      %add3A_322 = arith.addf %mul3A_316, %mul3A_321 : vector<16xf32>
      %swap3A_323 = arith.index_cast %scan3A_48 : i32 to index
      %swap3A_324 = arith.constant 256 : index
      %swap3A_325 = tpu.vector_load %arg9[%swap3A_323, %swap3A_324] {strides = array<i32>} : memref<32x1024xf32, #tpu.memory_space<vmem>>, vector<1x16xf32>,
      %swap3A_326 = vector.shape_cast %swap3A_325 : vector<1x16xf32> to vector<16xf32>
      %swap3A_327 = vector.shape_cast %add3A_322 : vector<16xf32> to vector<1x16xf32>
      tpu.vector_store %arg9[%swap3A_323, %swap3A_324], %swap3A_327 {strides = array<i32>} : memref<32x1024xf32, #tpu.memory_space<vmem>>, vector<1x16xf32>,
      %get3A_328 = arith.index_cast %scan3A_48 : i32 to index
      %get3A_329 = arith.constant 272 : index
      %get3A_330 = tpu.vector_load %arg9[%get3A_328, %get3A_329] {strides = array<i32>} : memref<32x1024xf32, #tpu.memory_space<vmem>>, vector<1x16xf32>,
      %get3A_331 = vector.shape_cast %get3A_330 : vector<1x16xf32> to vector<16xf32>
      %mul3A_332 = arith.mulf %get3A_52, %get3A_331 : vector<16xf32>
      %get3A_333 = arith.index_cast %scan3A_48 : i32 to index
      %get3A_334 = arith.constant 272 : index
      %get3A_335 = tpu.vector_load %arg10[%get3A_333, %get3A_334] {strides = array<i32>} : memref<32x1024xf32, #tpu.memory_space<vmem>>, vector<1x16xf32>,
      %get3A_336 = vector.shape_cast %get3A_335 : vector<1x16xf32> to vector<16xf32>
      %mul3A_337 = arith.mulf %get3A_56, %get3A_336 : vector<16xf32>
      %add3A_338 = arith.addf %mul3A_332, %mul3A_337 : vector<16xf32>
      %swap3A_339 = arith.index_cast %scan3A_48 : i32 to index
      %swap3A_340 = arith.constant 272 : index
      %swap3A_341 = tpu.vector_load %arg9[%swap3A_339, %swap3A_340] {strides = array<i32>} : memref<32x1024xf32, #tpu.memory_space<vmem>>, vector<1x16xf32>,
      %swap3A_342 = vector.shape_cast %swap3A_341 : vector<1x16xf32> to vector<16xf32>
      %swap3A_343 = vector.shape_cast %add3A_338 : vector<16xf32> to vector<1x16xf32>
      tpu.vector_store %arg9[%swap3A_339, %swap3A_340], %swap3A_343 {strides = array<i32>} : memref<32x1024xf32, #tpu.memory_space<vmem>>, vector<1x16xf32>,
      %get3A_344 = arith.index_cast %scan3A_48 : i32 to index
      %get3A_345 = arith.constant 288 : index
      %get3A_346 = tpu.vector_load %arg9[%get3A_344, %get3A_345] {strides = array<i32>} : memref<32x1024xf32, #tpu.memory_space<vmem>>, vector<1x16xf32>,
      %get3A_347 = vector.shape_cast %get3A_346 : vector<1x16xf32> to vector<16xf32>
      %mul3A_348 = arith.mulf %get3A_52, %get3A_347 : vector<16xf32>
      %get3A_349 = arith.index_cast %scan3A_48 : i32 to index
      %get3A_350 = arith.constant 288 : index
      %get3A_351 = tpu.vector_load %arg10[%get3A_349, %get3A_350] {strides = array<i32>} : memref<32x1024xf32, #tpu.memory_space<vmem>>, vector<1x16xf32>,
      %get3A_352 = vector.shape_cast %get3A_351 : vector<1x16xf32> to vector<16xf32>
      %mul3A_353 = arith.mulf %get3A_56, %get3A_352 : vector<16xf32>
      %add3A_354 = arith.addf %mul3A_348, %mul3A_353 : vector<16xf32>
      %swap3A_355 = arith.index_cast %scan3A_48 : i32 to index
      %swap3A_356 = arith.constant 288 : index
      %swap3A_357 = tpu.vector_load %arg9[%swap3A_355, %swap3A_356] {strides = array<i32>} : memref<32x1024xf32, #tpu.memory_space<vmem>>, vector<1x16xf32>,
      %swap3A_358 = vector.shape_cast %swap3A_357 : vector<1x16xf32> to vector<16xf32>
      %swap3A_359 = vector.shape_cast %add3A_354 : vector<16xf32> to vector<1x16xf32>
      tpu.vector_store %arg9[%swap3A_355, %swap3A_356], %swap3A_359 {strides = array<i32>} : memref<32x1024xf32, #tpu.memory_space<vmem>>, vector<1x16xf32>,
      %get3A_360 = arith.index_cast %scan3A_48 : i32 to index
      %get3A_361 = arith.constant 304 : index
      %get3A_362 = tpu.vector_load %arg9[%get3A_360, %get3A_361] {strides = array<i32>} : memref<32x1024xf32, #tpu.memory_space<vmem>>, vector<1x16xf32>,
      %get3A_363 = vector.shape_cast %get3A_362 : vector<1x16xf32> to vector<16xf32>
      %mul3A_364 = arith.mulf %get3A_52, %get3A_363 : vector<16xf32>
      %get3A_365 = arith.index_cast %scan3A_48 : i32 to index
      %get3A_366 = arith.constant 304 : index
      %get3A_367 = tpu.vector_load %arg10[%get3A_365, %get3A_366] {strides = array<i32>} : memref<32x1024xf32, #tpu.memory_space<vmem>>, vector<1x16xf32>,
      %get3A_368 = vector.shape_cast %get3A_367 : vector<1x16xf32> to vector<16xf32>
      %mul3A_369 = arith.mulf %get3A_56, %get3A_368 : vector<16xf32>
      %add3A_370 = arith.addf %mul3A_364, %mul3A_369 : vector<16xf32>
      %swap3A_371 = arith.index_cast %scan3A_48 : i32 to index
      %swap3A_372 = arith.constant 304 : index
      %swap3A_373 = tpu.vector_load %arg9[%swap3A_371, %swap3A_372] {strides = array<i32>} : memref<32x1024xf32, #tpu.memory_space<vmem>>, vector<1x16xf32>,
      %swap3A_374 = vector.shape_cast %swap3A_373 : vector<1x16xf32> to vector<16xf32>
      %swap3A_375 = vector.shape_cast %add3A_370 : vector<16xf32> to vector<1x16xf32>
      tpu.vector_store %arg9[%swap3A_371, %swap3A_372], %swap3A_375 {strides = array<i32>} : memref<32x1024xf32, #tpu.memory_space<vmem>>, vector<1x16xf32>,
      %get3A_376 = arith.index_cast %scan3A_48 : i32 to index
      %get3A_377 = arith.constant 320 : index
      %get3A_378 = tpu.vector_load %arg9[%get3A_376, %get3A_377] {strides = array<i32>} : memref<32x1024xf32, #tpu.memory_space<vmem>>, vector<1x16xf32>,
      %get3A_379 = vector.shape_cast %get3A_378 : vector<1x16xf32> to vector<16xf32>
      %mul3A_380 = arith.mulf %get3A_52, %get3A_379 : vector<16xf32>
      %get3A_381 = arith.index_cast %scan3A_48 : i32 to index
      %get3A_382 = arith.constant 320 : index
      %get3A_383 = tpu.vector_load %arg10[%get3A_381, %get3A_382] {strides = array<i32>} : memref<32x1024xf32, #tpu.memory_space<vmem>>, vector<1x16xf32>,
      %get3A_384 = vector.shape_cast %get3A_383 : vector<1x16xf32> to vector<16xf32>
      %mul3A_385 = arith.mulf %get3A_56, %get3A_384 : vector<16xf32>
      %add3A_386 = arith.addf %mul3A_380, %mul3A_385 : vector<16xf32>
      %swap3A_387 = arith.index_cast %scan3A_48 : i32 to index
      %swap3A_388 = arith.constant 320 : index
      %swap3A_389 = tpu.vector_load %arg9[%swap3A_387, %swap3A_388] {strides = array<i32>} : memref<32x1024xf32, #tpu.memory_space<vmem>>, vector<1x16xf32>,
      %swap3A_390 = vector.shape_cast %swap3A_389 : vector<1x16xf32> to vector<16xf32>
      %swap3A_391 = vector.shape_cast %add3A_386 : vector<16xf32> to vector<1x16xf32>
      tpu.vector_store %arg9[%swap3A_387, %swap3A_388], %swap3A_391 {strides = array<i32>} : memref<32x1024xf32, #tpu.memory_space<vmem>>, vector<1x16xf32>,
      %get3A_392 = arith.index_cast %scan3A_48 : i32 to index
      %get3A_393 = arith.constant 336 : index
      %get3A_394 = tpu.vector_load %arg9[%get3A_392, %get3A_393] {strides = array<i32>} : memref<32x1024xf32, #tpu.memory_space<vmem>>, vector<1x16xf32>,
      %get3A_395 = vector.shape_cast %get3A_394 : vector<1x16xf32> to vector<16xf32>
      %mul3A_396 = arith.mulf %get3A_52, %get3A_395 : vector<16xf32>
      %get3A_397 = arith.index_cast %scan3A_48 : i32 to index
      %get3A_398 = arith.constant 336 : index
      %get3A_399 = tpu.vector_load %arg10[%get3A_397, %get3A_398] {strides = array<i32>} : memref<32x1024xf32, #tpu.memory_space<vmem>>, vector<1x16xf32>,
      %get3A_400 = vector.shape_cast %get3A_399 : vector<1x16xf32> to vector<16xf32>
      %mul3A_401 = arith.mulf %get3A_56, %get3A_400 : vector<16xf32>
      %add3A_402 = arith.addf %mul3A_396, %mul3A_401 : vector<16xf32>
      %swap3A_403 = arith.index_cast %scan3A_48 : i32 to index
      %swap3A_404 = arith.constant 336 : index
      %swap3A_405 = tpu.vector_load %arg9[%swap3A_403, %swap3A_404] {strides = array<i32>} : memref<32x1024xf32, #tpu.memory_space<vmem>>, vector<1x16xf32>,
      %swap3A_406 = vector.shape_cast %swap3A_405 : vector<1x16xf32> to vector<16xf32>
      %swap3A_407 = vector.shape_cast %add3A_402 : vector<16xf32> to vector<1x16xf32>
      tpu.vector_store %arg9[%swap3A_403, %swap3A_404], %swap3A_407 {strides = array<i32>} : memref<32x1024xf32, #tpu.memory_space<vmem>>, vector<1x16xf32>,
      %get3A_408 = arith.index_cast %scan3A_48 : i32 to index
      %get3A_409 = arith.constant 352 : index
      %get3A_410 = tpu.vector_load %arg9[%get3A_408, %get3A_409] {strides = array<i32>} : memref<32x1024xf32, #tpu.memory_space<vmem>>, vector<1x16xf32>,
      %get3A_411 = vector.shape_cast %get3A_410 : vector<1x16xf32> to vector<16xf32>
      %mul3A_412 = arith.mulf %get3A_52, %get3A_411 : vector<16xf32>
      %get3A_413 = arith.index_cast %scan3A_48 : i32 to index
      %get3A_414 = arith.constant 352 : index
      %get3A_415 = tpu.vector_load %arg10[%get3A_413, %get3A_414] {strides = array<i32>} : memref<32x1024xf32, #tpu.memory_space<vmem>>, vector<1x16xf32>,
      %get3A_416 = vector.shape_cast %get3A_415 : vector<1x16xf32> to vector<16xf32>
      %mul3A_417 = arith.mulf %get3A_56, %get3A_416 : vector<16xf32>
      %add3A_418 = arith.addf %mul3A_412, %mul3A_417 : vector<16xf32>
      %swap3A_419 = arith.index_cast %scan3A_48 : i32 to index
      %swap3A_420 = arith.constant 352 : index
      %swap3A_421 = tpu.vector_load %arg9[%swap3A_419, %swap3A_420] {strides = array<i32>} : memref<32x1024xf32, #tpu.memory_space<vmem>>, vector<1x16xf32>,
      %swap3A_422 = vector.shape_cast %swap3A_421 : vector<1x16xf32> to vector<16xf32>
      %swap3A_423 = vector.shape_cast %add3A_418 : vector<16xf32> to vector<1x16xf32>
      tpu.vector_store %arg9[%swap3A_419, %swap3A_420], %swap3A_423 {strides = array<i32>} : memref<32x1024xf32, #tpu.memory_space<vmem>>, vector<1x16xf32>,
      %get3A_424 = arith.index_cast %scan3A_48 : i32 to index
      %get3A_425 = arith.constant 368 : index
      %get3A_426 = tpu.vector_load %arg9[%get3A_424, %get3A_425] {strides = array<i32>} : memref<32x1024xf32, #tpu.memory_space<vmem>>, vector<1x16xf32>,
      %get3A_427 = vector.shape_cast %get3A_426 : vector<1x16xf32> to vector<16xf32>
      %mul3A_428 = arith.mulf %get3A_52, %get3A_427 : vector<16xf32>
      %get3A_429 = arith.index_cast %scan3A_48 : i32 to index
      %get3A_430 = arith.constant 368 : index
      %get3A_431 = tpu.vector_load %arg10[%get3A_429, %get3A_430] {strides = array<i32>} : memref<32x1024xf32, #tpu.memory_space<vmem>>, vector<1x16xf32>,
      %get3A_432 = vector.shape_cast %get3A_431 : vector<1x16xf32> to vector<16xf32>
      %mul3A_433 = arith.mulf %get3A_56, %get3A_432 : vector<16xf32>
      %add3A_434 = arith.addf %mul3A_428, %mul3A_433 : vector<16xf32>
      %swap3A_435 = arith.index_cast %scan3A_48 : i32 to index
      %swap3A_436 = arith.constant 368 : index
      %swap3A_437 = tpu.vector_load %arg9[%swap3A_435, %swap3A_436] {strides = array<i32>} : memref<32x1024xf32, #tpu.memory_space<vmem>>, vector<1x16xf32>,
      %swap3A_438 = vector.shape_cast %swap3A_437 : vector<1x16xf32> to vector<16xf32>
      %swap3A_439 = vector.shape_cast %add3A_434 : vector<16xf32> to vector<1x16xf32>
      tpu.vector_store %arg9[%swap3A_435, %swap3A_436], %swap3A_439 {strides = array<i32>} : memref<32x1024xf32, #tpu.memory_space<vmem>>, vector<1x16xf32>,
      %get3A_440 = arith.index_cast %scan3A_48 : i32 to index
      %get3A_441 = arith.constant 384 : index
      %get3A_442 = tpu.vector_load %arg9[%get3A_440, %get3A_441] {strides = array<i32>} : memref<32x1024xf32, #tpu.memory_space<vmem>>, vector<1x16xf32>,
      %get3A_443 = vector.shape_cast %get3A_442 : vector<1x16xf32> to vector<16xf32>
      %mul3A_444 = arith.mulf %get3A_52, %get3A_443 : vector<16xf32>
      %get3A_445 = arith.index_cast %scan3A_48 : i32 to index
      %get3A_446 = arith.constant 384 : index
      %get3A_447 = tpu.vector_load %arg10[%get3A_445, %get3A_446] {strides = array<i32>} : memref<32x1024xf32, #tpu.memory_space<vmem>>, vector<1x16xf32>,
      %get3A_448 = vector.shape_cast %get3A_447 : vector<1x16xf32> to vector<16xf32>
      %mul3A_449 = arith.mulf %get3A_56, %get3A_448 : vector<16xf32>
      %add3A_450 = arith.addf %mul3A_444, %mul3A_449 : vector<16xf32>
      %swap3A_451 = arith.index_cast %scan3A_48 : i32 to index
      %swap3A_452 = arith.constant 384 : index
      %swap3A_453 = tpu.vector_load %arg9[%swap3A_451, %swap3A_452] {strides = array<i32>} : memref<32x1024xf32, #tpu.memory_space<vmem>>, vector<1x16xf32>,
      %swap3A_454 = vector.shape_cast %swap3A_453 : vector<1x16xf32> to vector<16xf32>
      %swap3A_455 = vector.shape_cast %add3A_450 : vector<16xf32> to vector<1x16xf32>
      tpu.vector_store %arg9[%swap3A_451, %swap3A_452], %swap3A_455 {strides = array<i32>} : memref<32x1024xf32, #tpu.memory_space<vmem>>, vector<1x16xf32>,
      %get3A_456 = arith.index_cast %scan3A_48 : i32 to index
      %get3A_457 = arith.constant 400 : index
      %get3A_458 = tpu.vector_load %arg9[%get3A_456, %get3A_457] {strides = array<i32>} : memref<32x1024xf32, #tpu.memory_space<vmem>>, vector<1x16xf32>,
      %get3A_459 = vector.shape_cast %get3A_458 : vector<1x16xf32> to vector<16xf32>
      %mul3A_460 = arith.mulf %get3A_52, %get3A_459 : vector<16xf32>
      %get3A_461 = arith.index_cast %scan3A_48 : i32 to index
      %get3A_462 = arith.constant 400 : index
      %get3A_463 = tpu.vector_load %arg10[%get3A_461, %get3A_462] {strides = array<i32>} : memref<32x1024xf32, #tpu.memory_space<vmem>>, vector<1x16xf32>,
      %get3A_464 = vector.shape_cast %get3A_463 : vector<1x16xf32> to vector<16xf32>
      %mul3A_465 = arith.mulf %get3A_56, %get3A_464 : vector<16xf32>
      %add3A_466 = arith.addf %mul3A_460, %mul3A_465 : vector<16xf32>
      %swap3A_467 = arith.index_cast %scan3A_48 : i32 to index
      %swap3A_468 = arith.constant 400 : index
      %swap3A_469 = tpu.vector_load %arg9[%swap3A_467, %swap3A_468] {strides = array<i32>} : memref<32x1024xf32, #tpu.memory_space<vmem>>, vector<1x16xf32>,
      %swap3A_470 = vector.shape_cast %swap3A_469 : vector<1x16xf32> to vector<16xf32>
      %swap3A_471 = vector.shape_cast %add3A_466 : vector<16xf32> to vector<1x16xf32>
      tpu.vector_store %arg9[%swap3A_467, %swap3A_468], %swap3A_471 {strides = array<i32>} : memref<32x1024xf32, #tpu.memory_space<vmem>>, vector<1x16xf32>,
      %get3A_472 = arith.index_cast %scan3A_48 : i32 to index
      %get3A_473 = arith.constant 416 : index
      %get3A_474 = tpu.vector_load %arg9[%get3A_472, %get3A_473] {strides = array<i32>} : memref<32x1024xf32, #tpu.memory_space<vmem>>, vector<1x16xf32>,
      %get3A_475 = vector.shape_cast %get3A_474 : vector<1x16xf32> to vector<16xf32>
      %mul3A_476 = arith.mulf %get3A_52, %get3A_475 : vector<16xf32>
      %get3A_477 = arith.index_cast %scan3A_48 : i32 to index
      %get3A_478 = arith.constant 416 : index
      %get3A_479 = tpu.vector_load %arg10[%get3A_477, %get3A_478] {strides = array<i32>} : memref<32x1024xf32, #tpu.memory_space<vmem>>, vector<1x16xf32>,
      %get3A_480 = vector.shape_cast %get3A_479 : vector<1x16xf32> to vector<16xf32>
      %mul3A_481 = arith.mulf %get3A_56, %get3A_480 : vector<16xf32>
      %add3A_482 = arith.addf %mul3A_476, %mul3A_481 : vector<16xf32>
      %swap3A_483 = arith.index_cast %scan3A_48 : i32 to index
      %swap3A_484 = arith.constant 416 : index
      %swap3A_485 = tpu.vector_load %arg9[%swap3A_483, %swap3A_484] {strides = array<i32>} : memref<32x1024xf32, #tpu.memory_space<vmem>>, vector<1x16xf32>,
      %swap3A_486 = vector.shape_cast %swap3A_485 : vector<1x16xf32> to vector<16xf32>
      %swap3A_487 = vector.shape_cast %add3A_482 : vector<16xf32> to vector<1x16xf32>
      tpu.vector_store %arg9[%swap3A_483, %swap3A_484], %swap3A_487 {strides = array<i32>} : memref<32x1024xf32, #tpu.memory_space<vmem>>, vector<1x16xf32>,
      %get3A_488 = arith.index_cast %scan3A_48 : i32 to index
      %get3A_489 = arith.constant 432 : index
      %get3A_490 = tpu.vector_load %arg9[%get3A_488, %get3A_489] {strides = array<i32>} : memref<32x1024xf32, #tpu.memory_space<vmem>>, vector<1x16xf32>,
      %get3A_491 = vector.shape_cast %get3A_490 : vector<1x16xf32> to vector<16xf32>
      %mul3A_492 = arith.mulf %get3A_52, %get3A_491 : vector<16xf32>
      %get3A_493 = arith.index_cast %scan3A_48 : i32 to index
      %get3A_494 = arith.constant 432 : index
      %get3A_495 = tpu.vector_load %arg10[%get3A_493, %get3A_494] {strides = array<i32>} : memref<32x1024xf32, #tpu.memory_space<vmem>>, vector<1x16xf32>,
      %get3A_496 = vector.shape_cast %get3A_495 : vector<1x16xf32> to vector<16xf32>
      %mul3A_497 = arith.mulf %get3A_56, %get3A_496 : vector<16xf32>
      %add3A_498 = arith.addf %mul3A_492, %mul3A_497 : vector<16xf32>
      %swap3A_499 = arith.index_cast %scan3A_48 : i32 to index
      %swap3A_500 = arith.constant 432 : index
      %swap3A_501 = tpu.vector_load %arg9[%swap3A_499, %swap3A_500] {strides = array<i32>} : memref<32x1024xf32, #tpu.memory_space<vmem>>, vector<1x16xf32>,
      %swap3A_502 = vector.shape_cast %swap3A_501 : vector<1x16xf32> to vector<16xf32>
      %swap3A_503 = vector.shape_cast %add3A_498 : vector<16xf32> to vector<1x16xf32>
      tpu.vector_store %arg9[%swap3A_499, %swap3A_500], %swap3A_503 {strides = array<i32>} : memref<32x1024xf32, #tpu.memory_space<vmem>>, vector<1x16xf32>,
      %get3A_504 = arith.index_cast %scan3A_48 : i32 to index
      %get3A_505 = arith.constant 448 : index
      %get3A_506 = tpu.vector_load %arg9[%get3A_504, %get3A_505] {strides = array<i32>} : memref<32x1024xf32, #tpu.memory_space<vmem>>, vector<1x16xf32>,
      %get3A_507 = vector.shape_cast %get3A_506 : vector<1x16xf32> to vector<16xf32>
      %mul3A_508 = arith.mulf %get3A_52, %get3A_507 : vector<16xf32>
      %get3A_509 = arith.index_cast %scan3A_48 : i32 to index
      %get3A_510 = arith.constant 448 : index
      %get3A_511 = tpu.vector_load %arg10[%get3A_509, %get3A_510] {strides = array<i32>} : memref<32x1024xf32, #tpu.memory_space<vmem>>, vector<1x16xf32>,
      %get3A_512 = vector.shape_cast %get3A_511 : vector<1x16xf32> to vector<16xf32>
      %mul3A_513 = arith.mulf %get3A_56, %get3A_512 : vector<16xf32>
      %add3A_514 = arith.addf %mul3A_508, %mul3A_513 : vector<16xf32>
      %swap3A_515 = arith.index_cast %scan3A_48 : i32 to index
      %swap3A_516 = arith.constant 448 : index
      %swap3A_517 = tpu.vector_load %arg9[%swap3A_515, %swap3A_516] {strides = array<i32>} : memref<32x1024xf32, #tpu.memory_space<vmem>>, vector<1x16xf32>,
      %swap3A_518 = vector.shape_cast %swap3A_517 : vector<1x16xf32> to vector<16xf32>
      %swap3A_519 = vector.shape_cast %add3A_514 : vector<16xf32> to vector<1x16xf32>
      tpu.vector_store %arg9[%swap3A_515, %swap3A_516], %swap3A_519 {strides = array<i32>} : memref<32x1024xf32, #tpu.memory_space<vmem>>, vector<1x16xf32>,
      %get3A_520 = arith.index_cast %scan3A_48 : i32 to index
      %get3A_521 = arith.constant 464 : index
      %get3A_522 = tpu.vector_load %arg9[%get3A_520, %get3A_521] {strides = array<i32>} : memref<32x1024xf32, #tpu.memory_space<vmem>>, vector<1x16xf32>,
      %get3A_523 = vector.shape_cast %get3A_522 : vector<1x16xf32> to vector<16xf32>
      %mul3A_524 = arith.mulf %get3A_52, %get3A_523 : vector<16xf32>
      %get3A_525 = arith.index_cast %scan3A_48 : i32 to index
      %get3A_526 = arith.constant 464 : index
      %get3A_527 = tpu.vector_load %arg10[%get3A_525, %get3A_526] {strides = array<i32>} : memref<32x1024xf32, #tpu.memory_space<vmem>>, vector<1x16xf32>,
      %get3A_528 = vector.shape_cast %get3A_527 : vector<1x16xf32> to vector<16xf32>
      %mul3A_529 = arith.mulf %get3A_56, %get3A_528 : vector<16xf32>
      %add3A_530 = arith.addf %mul3A_524, %mul3A_529 : vector<16xf32>
      %swap3A_531 = arith.index_cast %scan3A_48 : i32 to index
      %swap3A_532 = arith.constant 464 : index
      %swap3A_533 = tpu.vector_load %arg9[%swap3A_531, %swap3A_532] {strides = array<i32>} : memref<32x1024xf32, #tpu.memory_space<vmem>>, vector<1x16xf32>,
      %swap3A_534 = vector.shape_cast %swap3A_533 : vector<1x16xf32> to vector<16xf32>
      %swap3A_535 = vector.shape_cast %add3A_530 : vector<16xf32> to vector<1x16xf32>
      tpu.vector_store %arg9[%swap3A_531, %swap3A_532], %swap3A_535 {strides = array<i32>} : memref<32x1024xf32, #tpu.memory_space<vmem>>, vector<1x16xf32>,
      %get3A_536 = arith.index_cast %scan3A_48 : i32 to index
      %get3A_537 = arith.constant 480 : index
      %get3A_538 = tpu.vector_load %arg9[%get3A_536, %get3A_537] {strides = array<i32>} : memref<32x1024xf32, #tpu.memory_space<vmem>>, vector<1x16xf32>,
      %get3A_539 = vector.shape_cast %get3A_538 : vector<1x16xf32> to vector<16xf32>
      %mul3A_540 = arith.mulf %get3A_52, %get3A_539 : vector<16xf32>
      %get3A_541 = arith.index_cast %scan3A_48 : i32 to index
      %get3A_542 = arith.constant 480 : index
      %get3A_543 = tpu.vector_load %arg10[%get3A_541, %get3A_542] {strides = array<i32>} : memref<32x1024xf32, #tpu.memory_space<vmem>>, vector<1x16xf32>,
      %get3A_544 = vector.shape_cast %get3A_543 : vector<1x16xf32> to vector<16xf32>
      %mul3A_545 = arith.mulf %get3A_56, %get3A_544 : vector<16xf32>
      %add3A_546 = arith.addf %mul3A_540, %mul3A_545 : vector<16xf32>
      %swap3A_547 = arith.index_cast %scan3A_48 : i32 to index
      %swap3A_548 = arith.constant 480 : index
      %swap3A_549 = tpu.vector_load %arg9[%swap3A_547, %swap3A_548] {strides = array<i32>} : memref<32x1024xf32, #tpu.memory_space<vmem>>, vector<1x16xf32>,
      %swap3A_550 = vector.shape_cast %swap3A_549 : vector<1x16xf32> to vector<16xf32>
      %swap3A_551 = vector.shape_cast %add3A_546 : vector<16xf32> to vector<1x16xf32>
      tpu.vector_store %arg9[%swap3A_547, %swap3A_548], %swap3A_551 {strides = array<i32>} : memref<32x1024xf32, #tpu.memory_space<vmem>>, vector<1x16xf32>,
      %get3A_552 = arith.index_cast %scan3A_48 : i32 to index
      %get3A_553 = arith.constant 496 : index
      %get3A_554 = tpu.vector_load %arg9[%get3A_552, %get3A_553] {strides = array<i32>} : memref<32x1024xf32, #tpu.memory_space<vmem>>, vector<1x16xf32>,
      %get3A_555 = vector.shape_cast %get3A_554 : vector<1x16xf32> to vector<16xf32>
      %mul3A_556 = arith.mulf %get3A_52, %get3A_555 : vector<16xf32>
      %get3A_557 = arith.index_cast %scan3A_48 : i32 to index
      %get3A_558 = arith.constant 496 : index
      %get3A_559 = tpu.vector_load %arg10[%get3A_557, %get3A_558] {strides = array<i32>} : memref<32x1024xf32, #tpu.memory_space<vmem>>, vector<1x16xf32>,
      %get3A_560 = vector.shape_cast %get3A_559 : vector<1x16xf32> to vector<16xf32>
      %mul3A_561 = arith.mulf %get3A_56, %get3A_560 : vector<16xf32>
      %add3A_562 = arith.addf %mul3A_556, %mul3A_561 : vector<16xf32>
      %swap3A_563 = arith.index_cast %scan3A_48 : i32 to index
      %swap3A_564 = arith.constant 496 : index
      %swap3A_565 = tpu.vector_load %arg9[%swap3A_563, %swap3A_564] {strides = array<i32>} : memref<32x1024xf32, #tpu.memory_space<vmem>>, vector<1x16xf32>,
      %swap3A_566 = vector.shape_cast %swap3A_565 : vector<1x16xf32> to vector<16xf32>
      %swap3A_567 = vector.shape_cast %add3A_562 : vector<16xf32> to vector<1x16xf32>
      tpu.vector_store %arg9[%swap3A_563, %swap3A_564], %swap3A_567 {strides = array<i32>} : memref<32x1024xf32, #tpu.memory_space<vmem>>, vector<1x16xf32>,
      %get3A_568 = arith.index_cast %scan3A_48 : i32 to index
      %get3A_569 = arith.constant 512 : index
      %get3A_570 = tpu.vector_load %arg9[%get3A_568, %get3A_569] {strides = array<i32>} : memref<32x1024xf32, #tpu.memory_space<vmem>>, vector<1x16xf32>,
      %get3A_571 = vector.shape_cast %get3A_570 : vector<1x16xf32> to vector<16xf32>
      %mul3A_572 = arith.mulf %get3A_52, %get3A_571 : vector<16xf32>
      %get3A_573 = arith.index_cast %scan3A_48 : i32 to index
      %get3A_574 = arith.constant 512 : index
      %get3A_575 = tpu.vector_load %arg10[%get3A_573, %get3A_574] {strides = array<i32>} : memref<32x1024xf32, #tpu.memory_space<vmem>>, vector<1x16xf32>,
      %get3A_576 = vector.shape_cast %get3A_575 : vector<1x16xf32> to vector<16xf32>
      %mul3A_577 = arith.mulf %get3A_56, %get3A_576 : vector<16xf32>
      %add3A_578 = arith.addf %mul3A_572, %mul3A_577 : vector<16xf32>
      %swap3A_579 = arith.index_cast %scan3A_48 : i32 to index
      %swap3A_580 = arith.constant 512 : index
      %swap3A_581 = tpu.vector_load %arg9[%swap3A_579, %swap3A_580] {strides = array<i32>} : memref<32x1024xf32, #tpu.memory_space<vmem>>, vector<1x16xf32>,
      %swap3A_582 = vector.shape_cast %swap3A_581 : vector<1x16xf32> to vector<16xf32>
      %swap3A_583 = vector.shape_cast %add3A_578 : vector<16xf32> to vector<1x16xf32>
      tpu.vector_store %arg9[%swap3A_579, %swap3A_580], %swap3A_583 {strides = array<i32>} : memref<32x1024xf32, #tpu.memory_space<vmem>>, vector<1x16xf32>,
      %get3A_584 = arith.index_cast %scan3A_48 : i32 to index
      %get3A_585 = arith.constant 528 : index
      %get3A_586 = tpu.vector_load %arg9[%get3A_584, %get3A_585] {strides = array<i32>} : memref<32x1024xf32, #tpu.memory_space<vmem>>, vector<1x16xf32>,
      %get3A_587 = vector.shape_cast %get3A_586 : vector<1x16xf32> to vector<16xf32>
      %mul3A_588 = arith.mulf %get3A_52, %get3A_587 : vector<16xf32>
      %get3A_589 = arith.index_cast %scan3A_48 : i32 to index
      %get3A_590 = arith.constant 528 : index
      %get3A_591 = tpu.vector_load %arg10[%get3A_589, %get3A_590] {strides = array<i32>} : memref<32x1024xf32, #tpu.memory_space<vmem>>, vector<1x16xf32>,
      %get3A_592 = vector.shape_cast %get3A_591 : vector<1x16xf32> to vector<16xf32>
      %mul3A_593 = arith.mulf %get3A_56, %get3A_592 : vector<16xf32>
      %add3A_594 = arith.addf %mul3A_588, %mul3A_593 : vector<16xf32>
      %swap3A_595 = arith.index_cast %scan3A_48 : i32 to index
      %swap3A_596 = arith.constant 528 : index
      %swap3A_597 = tpu.vector_load %arg9[%swap3A_595, %swap3A_596] {strides = array<i32>} : memref<32x1024xf32, #tpu.memory_space<vmem>>, vector<1x16xf32>,
      %swap3A_598 = vector.shape_cast %swap3A_597 : vector<1x16xf32> to vector<16xf32>
      %swap3A_599 = vector.shape_cast %add3A_594 : vector<16xf32> to vector<1x16xf32>
      tpu.vector_store %arg9[%swap3A_595, %swap3A_596], %swap3A_599 {strides = array<i32>} : memref<32x1024xf32, #tpu.memory_space<vmem>>, vector<1x16xf32>,
      %get3A_600 = arith.index_cast %scan3A_48 : i32 to index
      %get3A_601 = arith.constant 544 : index
      %get3A_602 = tpu.vector_load %arg9[%get3A_600, %get3A_601] {strides = array<i32>} : memref<32x1024xf32, #tpu.memory_space<vmem>>, vector<1x16xf32>,
      %get3A_603 = vector.shape_cast %get3A_602 : vector<1x16xf32> to vector<16xf32>
      %mul3A_604 = arith.mulf %get3A_52, %get3A_603 : vector<16xf32>
      %get3A_605 = arith.index_cast %scan3A_48 : i32 to index
      %get3A_606 = arith.constant 544 : index
      %get3A_607 = tpu.vector_load %arg10[%get3A_605, %get3A_606] {strides = array<i32>} : memref<32x1024xf32, #tpu.memory_space<vmem>>, vector<1x16xf32>,
      %get3A_608 = vector.shape_cast %get3A_607 : vector<1x16xf32> to vector<16xf32>
      %mul3A_609 = arith.mulf %get3A_56, %get3A_608 : vector<16xf32>
      %add3A_610 = arith.addf %mul3A_604, %mul3A_609 : vector<16xf32>
      %swap3A_611 = arith.index_cast %scan3A_48 : i32 to index
      %swap3A_612 = arith.constant 544 : index
      %swap3A_613 = tpu.vector_load %arg9[%swap3A_611, %swap3A_612] {strides = array<i32>} : memref<32x1024xf32, #tpu.memory_space<vmem>>, vector<1x16xf32>,
      %swap3A_614 = vector.shape_cast %swap3A_613 : vector<1x16xf32> to vector<16xf32>
      %swap3A_615 = vector.shape_cast %add3A_610 : vector<16xf32> to vector<1x16xf32>
      tpu.vector_store %arg9[%swap3A_611, %swap3A_612], %swap3A_615 {strides = array<i32>} : memref<32x1024xf32, #tpu.memory_space<vmem>>, vector<1x16xf32>,
      %get3A_616 = arith.index_cast %scan3A_48 : i32 to index
      %get3A_617 = arith.constant 560 : index
      %get3A_618 = tpu.vector_load %arg9[%get3A_616, %get3A_617] {strides = array<i32>} : memref<32x1024xf32, #tpu.memory_space<vmem>>, vector<1x16xf32>,
      %get3A_619 = vector.shape_cast %get3A_618 : vector<1x16xf32> to vector<16xf32>
      %mul3A_620 = arith.mulf %get3A_52, %get3A_619 : vector<16xf32>
      %get3A_621 = arith.index_cast %scan3A_48 : i32 to index
      %get3A_622 = arith.constant 560 : index
      %get3A_623 = tpu.vector_load %arg10[%get3A_621, %get3A_622] {strides = array<i32>} : memref<32x1024xf32, #tpu.memory_space<vmem>>, vector<1x16xf32>,
      %get3A_624 = vector.shape_cast %get3A_623 : vector<1x16xf32> to vector<16xf32>
      %mul3A_625 = arith.mulf %get3A_56, %get3A_624 : vector<16xf32>
      %add3A_626 = arith.addf %mul3A_620, %mul3A_625 : vector<16xf32>
      %swap3A_627 = arith.index_cast %scan3A_48 : i32 to index
      %swap3A_628 = arith.constant 560 : index
      %swap3A_629 = tpu.vector_load %arg9[%swap3A_627, %swap3A_628] {strides = array<i32>} : memref<32x1024xf32, #tpu.memory_space<vmem>>, vector<1x16xf32>,
      %swap3A_630 = vector.shape_cast %swap3A_629 : vector<1x16xf32> to vector<16xf32>
      %swap3A_631 = vector.shape_cast %add3A_626 : vector<16xf32> to vector<1x16xf32>
      tpu.vector_store %arg9[%swap3A_627, %swap3A_628], %swap3A_631 {strides = array<i32>} : memref<32x1024xf32, #tpu.memory_space<vmem>>, vector<1x16xf32>,
      %get3A_632 = arith.index_cast %scan3A_48 : i32 to index
      %get3A_633 = arith.constant 576 : index
      %get3A_634 = tpu.vector_load %arg9[%get3A_632, %get3A_633] {strides = array<i32>} : memref<32x1024xf32, #tpu.memory_space<vmem>>, vector<1x16xf32>,
      %get3A_635 = vector.shape_cast %get3A_634 : vector<1x16xf32> to vector<16xf32>
      %mul3A_636 = arith.mulf %get3A_52, %get3A_635 : vector<16xf32>
      %get3A_637 = arith.index_cast %scan3A_48 : i32 to index
      %get3A_638 = arith.constant 576 : index
      %get3A_639 = tpu.vector_load %arg10[%get3A_637, %get3A_638] {strides = array<i32>} : memref<32x1024xf32, #tpu.memory_space<vmem>>, vector<1x16xf32>,
      %get3A_640 = vector.shape_cast %get3A_639 : vector<1x16xf32> to vector<16xf32>
      %mul3A_641 = arith.mulf %get3A_56, %get3A_640 : vector<16xf32>
      %add3A_642 = arith.addf %mul3A_636, %mul3A_641 : vector<16xf32>
      %swap3A_643 = arith.index_cast %scan3A_48 : i32 to index
      %swap3A_644 = arith.constant 576 : index
      %swap3A_645 = tpu.vector_load %arg9[%swap3A_643, %swap3A_644] {strides = array<i32>} : memref<32x1024xf32, #tpu.memory_space<vmem>>, vector<1x16xf32>,
      %swap3A_646 = vector.shape_cast %swap3A_645 : vector<1x16xf32> to vector<16xf32>
      %swap3A_647 = vector.shape_cast %add3A_642 : vector<16xf32> to vector<1x16xf32>
      tpu.vector_store %arg9[%swap3A_643, %swap3A_644], %swap3A_647 {strides = array<i32>} : memref<32x1024xf32, #tpu.memory_space<vmem>>, vector<1x16xf32>,
      %get3A_648 = arith.index_cast %scan3A_48 : i32 to index
      %get3A_649 = arith.constant 592 : index
      %get3A_650 = tpu.vector_load %arg9[%get3A_648, %get3A_649] {strides = array<i32>} : memref<32x1024xf32, #tpu.memory_space<vmem>>, vector<1x16xf32>,
      %get3A_651 = vector.shape_cast %get3A_650 : vector<1x16xf32> to vector<16xf32>
      %mul3A_652 = arith.mulf %get3A_52, %get3A_651 : vector<16xf32>
      %get3A_653 = arith.index_cast %scan3A_48 : i32 to index
      %get3A_654 = arith.constant 592 : index
      %get3A_655 = tpu.vector_load %arg10[%get3A_653, %get3A_654] {strides = array<i32>} : memref<32x1024xf32, #tpu.memory_space<vmem>>, vector<1x16xf32>,
      %get3A_656 = vector.shape_cast %get3A_655 : vector<1x16xf32> to vector<16xf32>
      %mul3A_657 = arith.mulf %get3A_56, %get3A_656 : vector<16xf32>
      %add3A_658 = arith.addf %mul3A_652, %mul3A_657 : vector<16xf32>
      %swap3A_659 = arith.index_cast %scan3A_48 : i32 to index
      %swap3A_660 = arith.constant 592 : index
      %swap3A_661 = tpu.vector_load %arg9[%swap3A_659, %swap3A_660] {strides = array<i32>} : memref<32x1024xf32, #tpu.memory_space<vmem>>, vector<1x16xf32>,
      %swap3A_662 = vector.shape_cast %swap3A_661 : vector<1x16xf32> to vector<16xf32>
      %swap3A_663 = vector.shape_cast %add3A_658 : vector<16xf32> to vector<1x16xf32>
      tpu.vector_store %arg9[%swap3A_659, %swap3A_660], %swap3A_663 {strides = array<i32>} : memref<32x1024xf32, #tpu.memory_space<vmem>>, vector<1x16xf32>,
      %get3A_664 = arith.index_cast %scan3A_48 : i32 to index
      %get3A_665 = arith.constant 608 : index
      %get3A_666 = tpu.vector_load %arg9[%get3A_664, %get3A_665] {strides = array<i32>} : memref<32x1024xf32, #tpu.memory_space<vmem>>, vector<1x16xf32>,
      %get3A_667 = vector.shape_cast %get3A_666 : vector<1x16xf32> to vector<16xf32>
      %mul3A_668 = arith.mulf %get3A_52, %get3A_667 : vector<16xf32>
      %get3A_669 = arith.index_cast %scan3A_48 : i32 to index
      %get3A_670 = arith.constant 608 : index
      %get3A_671 = tpu.vector_load %arg10[%get3A_669, %get3A_670] {strides = array<i32>} : memref<32x1024xf32, #tpu.memory_space<vmem>>, vector<1x16xf32>,
      %get3A_672 = vector.shape_cast %get3A_671 : vector<1x16xf32> to vector<16xf32>
      %mul3A_673 = arith.mulf %get3A_56, %get3A_672 : vector<16xf32>
      %add3A_674 = arith.addf %mul3A_668, %mul3A_673 : vector<16xf32>
      %swap3A_675 = arith.index_cast %scan3A_48 : i32 to index
      %swap3A_676 = arith.constant 608 : index
      %swap3A_677 = tpu.vector_load %arg9[%swap3A_675, %swap3A_676] {strides = array<i32>} : memref<32x1024xf32, #tpu.memory_space<vmem>>, vector<1x16xf32>,
      %swap3A_678 = vector.shape_cast %swap3A_677 : vector<1x16xf32> to vector<16xf32>
      %swap3A_679 = vector.shape_cast %add3A_674 : vector<16xf32> to vector<1x16xf32>
      tpu.vector_store %arg9[%swap3A_675, %swap3A_676], %swap3A_679 {strides = array<i32>} : memref<32x1024xf32, #tpu.memory_space<vmem>>, vector<1x16xf32>,
      %get3A_680 = arith.index_cast %scan3A_48 : i32 to index
      %get3A_681 = arith.constant 624 : index
      %get3A_682 = tpu.vector_load %arg9[%get3A_680, %get3A_681] {strides = array<i32>} : memref<32x1024xf32, #tpu.memory_space<vmem>>, vector<1x16xf32>,
      %get3A_683 = vector.shape_cast %get3A_682 : vector<1x16xf32> to vector<16xf32>
      %mul3A_684 = arith.mulf %get3A_52, %get3A_683 : vector<16xf32>
      %get3A_685 = arith.index_cast %scan3A_48 : i32 to index
      %get3A_686 = arith.constant 624 : index
      %get3A_687 = tpu.vector_load %arg10[%get3A_685, %get3A_686] {strides = array<i32>} : memref<32x1024xf32, #tpu.memory_space<vmem>>, vector<1x16xf32>,
      %get3A_688 = vector.shape_cast %get3A_687 : vector<1x16xf32> to vector<16xf32>
      %mul3A_689 = arith.mulf %get3A_56, %get3A_688 : vector<16xf32>
      %add3A_690 = arith.addf %mul3A_684, %mul3A_689 : vector<16xf32>
      %swap3A_691 = arith.index_cast %scan3A_48 : i32 to index
      %swap3A_692 = arith.constant 624 : index
      %swap3A_693 = tpu.vector_load %arg9[%swap3A_691, %swap3A_692] {strides = array<i32>} : memref<32x1024xf32, #tpu.memory_space<vmem>>, vector<1x16xf32>,
      %swap3A_694 = vector.shape_cast %swap3A_693 : vector<1x16xf32> to vector<16xf32>
      %swap3A_695 = vector.shape_cast %add3A_690 : vector<16xf32> to vector<1x16xf32>
      tpu.vector_store %arg9[%swap3A_691, %swap3A_692], %swap3A_695 {strides = array<i32>} : memref<32x1024xf32, #tpu.memory_space<vmem>>, vector<1x16xf32>,
      %get3A_696 = arith.index_cast %scan3A_48 : i32 to index
      %get3A_697 = arith.constant 640 : index
      %get3A_698 = tpu.vector_load %arg9[%get3A_696, %get3A_697] {strides = array<i32>} : memref<32x1024xf32, #tpu.memory_space<vmem>>, vector<1x16xf32>,
      %get3A_699 = vector.shape_cast %get3A_698 : vector<1x16xf32> to vector<16xf32>
      %mul3A_700 = arith.mulf %get3A_52, %get3A_699 : vector<16xf32>
      %get3A_701 = arith.index_cast %scan3A_48 : i32 to index
      %get3A_702 = arith.constant 640 : index
      %get3A_703 = tpu.vector_load %arg10[%get3A_701, %get3A_702] {strides = array<i32>} : memref<32x1024xf32, #tpu.memory_space<vmem>>, vector<1x16xf32>,
      %get3A_704 = vector.shape_cast %get3A_703 : vector<1x16xf32> to vector<16xf32>
      %mul3A_705 = arith.mulf %get3A_56, %get3A_704 : vector<16xf32>
      %add3A_706 = arith.addf %mul3A_700, %mul3A_705 : vector<16xf32>
      %swap3A_707 = arith.index_cast %scan3A_48 : i32 to index
      %swap3A_708 = arith.constant 640 : index
      %swap3A_709 = tpu.vector_load %arg9[%swap3A_707, %swap3A_708] {strides = array<i32>} : memref<32x1024xf32, #tpu.memory_space<vmem>>, vector<1x16xf32>,
      %swap3A_710 = vector.shape_cast %swap3A_709 : vector<1x16xf32> to vector<16xf32>
      %swap3A_711 = vector.shape_cast %add3A_706 : vector<16xf32> to vector<1x16xf32>
      tpu.vector_store %arg9[%swap3A_707, %swap3A_708], %swap3A_711 {strides = array<i32>} : memref<32x1024xf32, #tpu.memory_space<vmem>>, vector<1x16xf32>,
      %get3A_712 = arith.index_cast %scan3A_48 : i32 to index
      %get3A_713 = arith.constant 656 : index
      %get3A_714 = tpu.vector_load %arg9[%get3A_712, %get3A_713] {strides = array<i32>} : memref<32x1024xf32, #tpu.memory_space<vmem>>, vector<1x16xf32>,
      %get3A_715 = vector.shape_cast %get3A_714 : vector<1x16xf32> to vector<16xf32>
      %mul3A_716 = arith.mulf %get3A_52, %get3A_715 : vector<16xf32>
      %get3A_717 = arith.index_cast %scan3A_48 : i32 to index
      %get3A_718 = arith.constant 656 : index
      %get3A_719 = tpu.vector_load %arg10[%get3A_717, %get3A_718] {strides = array<i32>} : memref<32x1024xf32, #tpu.memory_space<vmem>>, vector<1x16xf32>,
      %get3A_720 = vector.shape_cast %get3A_719 : vector<1x16xf32> to vector<16xf32>
      %mul3A_721 = arith.mulf %get3A_56, %get3A_720 : vector<16xf32>
      %add3A_722 = arith.addf %mul3A_716, %mul3A_721 : vector<16xf32>
      %swap3A_723 = arith.index_cast %scan3A_48 : i32 to index
      %swap3A_724 = arith.constant 656 : index
      %swap3A_725 = tpu.vector_load %arg9[%swap3A_723, %swap3A_724] {strides = array<i32>} : memref<32x1024xf32, #tpu.memory_space<vmem>>, vector<1x16xf32>,
      %swap3A_726 = vector.shape_cast %swap3A_725 : vector<1x16xf32> to vector<16xf32>
      %swap3A_727 = vector.shape_cast %add3A_722 : vector<16xf32> to vector<1x16xf32>
      tpu.vector_store %arg9[%swap3A_723, %swap3A_724], %swap3A_727 {strides = array<i32>} : memref<32x1024xf32, #tpu.memory_space<vmem>>, vector<1x16xf32>,
      %get3A_728 = arith.index_cast %scan3A_48 : i32 to index
      %get3A_729 = arith.constant 672 : index
      %get3A_730 = tpu.vector_load %arg9[%get3A_728, %get3A_729] {strides = array<i32>} : memref<32x1024xf32, #tpu.memory_space<vmem>>, vector<1x16xf32>,
      %get3A_731 = vector.shape_cast %get3A_730 : vector<1x16xf32> to vector<16xf32>
      %mul3A_732 = arith.mulf %get3A_52, %get3A_731 : vector<16xf32>
      %get3A_733 = arith.index_cast %scan3A_48 : i32 to index
      %get3A_734 = arith.constant 672 : index
      %get3A_735 = tpu.vector_load %arg10[%get3A_733, %get3A_734] {strides = array<i32>} : memref<32x1024xf32, #tpu.memory_space<vmem>>, vector<1x16xf32>,
      %get3A_736 = vector.shape_cast %get3A_735 : vector<1x16xf32> to vector<16xf32>
      %mul3A_737 = arith.mulf %get3A_56, %get3A_736 : vector<16xf32>
      %add3A_738 = arith.addf %mul3A_732, %mul3A_737 : vector<16xf32>
      %swap3A_739 = arith.index_cast %scan3A_48 : i32 to index
      %swap3A_740 = arith.constant 672 : index
      %swap3A_741 = tpu.vector_load %arg9[%swap3A_739, %swap3A_740] {strides = array<i32>} : memref<32x1024xf32, #tpu.memory_space<vmem>>, vector<1x16xf32>,
      %swap3A_742 = vector.shape_cast %swap3A_741 : vector<1x16xf32> to vector<16xf32>
      %swap3A_743 = vector.shape_cast %add3A_738 : vector<16xf32> to vector<1x16xf32>
      tpu.vector_store %arg9[%swap3A_739, %swap3A_740], %swap3A_743 {strides = array<i32>} : memref<32x1024xf32, #tpu.memory_space<vmem>>, vector<1x16xf32>,
      %get3A_744 = arith.index_cast %scan3A_48 : i32 to index
      %get3A_745 = arith.constant 688 : index
      %get3A_746 = tpu.vector_load %arg9[%get3A_744, %get3A_745] {strides = array<i32>} : memref<32x1024xf32, #tpu.memory_space<vmem>>, vector<1x16xf32>,
      %get3A_747 = vector.shape_cast %get3A_746 : vector<1x16xf32> to vector<16xf32>
      %mul3A_748 = arith.mulf %get3A_52, %get3A_747 : vector<16xf32>
      %get3A_749 = arith.index_cast %scan3A_48 : i32 to index
      %get3A_750 = arith.constant 688 : index
      %get3A_751 = tpu.vector_load %arg10[%get3A_749, %get3A_750] {strides = array<i32>} : memref<32x1024xf32, #tpu.memory_space<vmem>>, vector<1x16xf32>,
      %get3A_752 = vector.shape_cast %get3A_751 : vector<1x16xf32> to vector<16xf32>
      %mul3A_753 = arith.mulf %get3A_56, %get3A_752 : vector<16xf32>
      %add3A_754 = arith.addf %mul3A_748, %mul3A_753 : vector<16xf32>
      %swap3A_755 = arith.index_cast %scan3A_48 : i32 to index
      %swap3A_756 = arith.constant 688 : index
      %swap3A_757 = tpu.vector_load %arg9[%swap3A_755, %swap3A_756] {strides = array<i32>} : memref<32x1024xf32, #tpu.memory_space<vmem>>, vector<1x16xf32>,
      %swap3A_758 = vector.shape_cast %swap3A_757 : vector<1x16xf32> to vector<16xf32>
      %swap3A_759 = vector.shape_cast %add3A_754 : vector<16xf32> to vector<1x16xf32>
      tpu.vector_store %arg9[%swap3A_755, %swap3A_756], %swap3A_759 {strides = array<i32>} : memref<32x1024xf32, #tpu.memory_space<vmem>>, vector<1x16xf32>,
      %get3A_760 = arith.index_cast %scan3A_48 : i32 to index
      %get3A_761 = arith.constant 704 : index
      %get3A_762 = tpu.vector_load %arg9[%get3A_760, %get3A_761] {strides = array<i32>} : memref<32x1024xf32, #tpu.memory_space<vmem>>, vector<1x16xf32>,
      %get3A_763 = vector.shape_cast %get3A_762 : vector<1x16xf32> to vector<16xf32>
      %mul3A_764 = arith.mulf %get3A_52, %get3A_763 : vector<16xf32>
      %get3A_765 = arith.index_cast %scan3A_48 : i32 to index
      %get3A_766 = arith.constant 704 : index
      %get3A_767 = tpu.vector_load %arg10[%get3A_765, %get3A_766] {strides = array<i32>} : memref<32x1024xf32, #tpu.memory_space<vmem>>, vector<1x16xf32>,
      %get3A_768 = vector.shape_cast %get3A_767 : vector<1x16xf32> to vector<16xf32>
      %mul3A_769 = arith.mulf %get3A_56, %get3A_768 : vector<16xf32>
      %add3A_770 = arith.addf %mul3A_764, %mul3A_769 : vector<16xf32>
      %swap3A_771 = arith.index_cast %scan3A_48 : i32 to index
      %swap3A_772 = arith.constant 704 : index
      %swap3A_773 = tpu.vector_load %arg9[%swap3A_771, %swap3A_772] {strides = array<i32>} : memref<32x1024xf32, #tpu.memory_space<vmem>>, vector<1x16xf32>,
      %swap3A_774 = vector.shape_cast %swap3A_773 : vector<1x16xf32> to vector<16xf32>
      %swap3A_775 = vector.shape_cast %add3A_770 : vector<16xf32> to vector<1x16xf32>
      tpu.vector_store %arg9[%swap3A_771, %swap3A_772], %swap3A_775 {strides = array<i32>} : memref<32x1024xf32, #tpu.memory_space<vmem>>, vector<1x16xf32>,
      %get3A_776 = arith.index_cast %scan3A_48 : i32 to index
      %get3A_777 = arith.constant 720 : index
      %get3A_778 = tpu.vector_load %arg9[%get3A_776, %get3A_777] {strides = array<i32>} : memref<32x1024xf32, #tpu.memory_space<vmem>>, vector<1x16xf32>,
      %get3A_779 = vector.shape_cast %get3A_778 : vector<1x16xf32> to vector<16xf32>
      %mul3A_780 = arith.mulf %get3A_52, %get3A_779 : vector<16xf32>
      %get3A_781 = arith.index_cast %scan3A_48 : i32 to index
      %get3A_782 = arith.constant 720 : index
      %get3A_783 = tpu.vector_load %arg10[%get3A_781, %get3A_782] {strides = array<i32>} : memref<32x1024xf32, #tpu.memory_space<vmem>>, vector<1x16xf32>,
      %get3A_784 = vector.shape_cast %get3A_783 : vector<1x16xf32> to vector<16xf32>
      %mul3A_785 = arith.mulf %get3A_56, %get3A_784 : vector<16xf32>
      %add3A_786 = arith.addf %mul3A_780, %mul3A_785 : vector<16xf32>
      %swap3A_787 = arith.index_cast %scan3A_48 : i32 to index
      %swap3A_788 = arith.constant 720 : index
      %swap3A_789 = tpu.vector_load %arg9[%swap3A_787, %swap3A_788] {strides = array<i32>} : memref<32x1024xf32, #tpu.memory_space<vmem>>, vector<1x16xf32>,
      %swap3A_790 = vector.shape_cast %swap3A_789 : vector<1x16xf32> to vector<16xf32>
      %swap3A_791 = vector.shape_cast %add3A_786 : vector<16xf32> to vector<1x16xf32>
      tpu.vector_store %arg9[%swap3A_787, %swap3A_788], %swap3A_791 {strides = array<i32>} : memref<32x1024xf32, #tpu.memory_space<vmem>>, vector<1x16xf32>,
      %get3A_792 = arith.index_cast %scan3A_48 : i32 to index
      %get3A_793 = arith.constant 736 : index
      %get3A_794 = tpu.vector_load %arg9[%get3A_792, %get3A_793] {strides = array<i32>} : memref<32x1024xf32, #tpu.memory_space<vmem>>, vector<1x16xf32>,
      %get3A_795 = vector.shape_cast %get3A_794 : vector<1x16xf32> to vector<16xf32>
      %mul3A_796 = arith.mulf %get3A_52, %get3A_795 : vector<16xf32>
      %get3A_797 = arith.index_cast %scan3A_48 : i32 to index
      %get3A_798 = arith.constant 736 : index
      %get3A_799 = tpu.vector_load %arg10[%get3A_797, %get3A_798] {strides = array<i32>} : memref<32x1024xf32, #tpu.memory_space<vmem>>, vector<1x16xf32>,
      %get3A_800 = vector.shape_cast %get3A_799 : vector<1x16xf32> to vector<16xf32>
      %mul3A_801 = arith.mulf %get3A_56, %get3A_800 : vector<16xf32>
      %add3A_802 = arith.addf %mul3A_796, %mul3A_801 : vector<16xf32>
      %swap3A_803 = arith.index_cast %scan3A_48 : i32 to index
      %swap3A_804 = arith.constant 736 : index
      %swap3A_805 = tpu.vector_load %arg9[%swap3A_803, %swap3A_804] {strides = array<i32>} : memref<32x1024xf32, #tpu.memory_space<vmem>>, vector<1x16xf32>,
      %swap3A_806 = vector.shape_cast %swap3A_805 : vector<1x16xf32> to vector<16xf32>
      %swap3A_807 = vector.shape_cast %add3A_802 : vector<16xf32> to vector<1x16xf32>
      tpu.vector_store %arg9[%swap3A_803, %swap3A_804], %swap3A_807 {strides = array<i32>} : memref<32x1024xf32, #tpu.memory_space<vmem>>, vector<1x16xf32>,
      %get3A_808 = arith.index_cast %scan3A_48 : i32 to index
      %get3A_809 = arith.constant 752 : index
      %get3A_810 = tpu.vector_load %arg9[%get3A_808, %get3A_809] {strides = array<i32>} : memref<32x1024xf32, #tpu.memory_space<vmem>>, vector<1x16xf32>,
      %get3A_811 = vector.shape_cast %get3A_810 : vector<1x16xf32> to vector<16xf32>
      %mul3A_812 = arith.mulf %get3A_52, %get3A_811 : vector<16xf32>
      %get3A_813 = arith.index_cast %scan3A_48 : i32 to index
      %get3A_814 = arith.constant 752 : index
      %get3A_815 = tpu.vector_load %arg10[%get3A_813, %get3A_814] {strides = array<i32>} : memref<32x1024xf32, #tpu.memory_space<vmem>>, vector<1x16xf32>,
      %get3A_816 = vector.shape_cast %get3A_815 : vector<1x16xf32> to vector<16xf32>
      %mul3A_817 = arith.mulf %get3A_56, %get3A_816 : vector<16xf32>
      %add3A_818 = arith.addf %mul3A_812, %mul3A_817 : vector<16xf32>
      %swap3A_819 = arith.index_cast %scan3A_48 : i32 to index
      %swap3A_820 = arith.constant 752 : index
      %swap3A_821 = tpu.vector_load %arg9[%swap3A_819, %swap3A_820] {strides = array<i32>} : memref<32x1024xf32, #tpu.memory_space<vmem>>, vector<1x16xf32>,
      %swap3A_822 = vector.shape_cast %swap3A_821 : vector<1x16xf32> to vector<16xf32>
      %swap3A_823 = vector.shape_cast %add3A_818 : vector<16xf32> to vector<1x16xf32>
      tpu.vector_store %arg9[%swap3A_819, %swap3A_820], %swap3A_823 {strides = array<i32>} : memref<32x1024xf32, #tpu.memory_space<vmem>>, vector<1x16xf32>,
      %get3A_824 = arith.index_cast %scan3A_48 : i32 to index
      %get3A_825 = arith.constant 768 : index
      %get3A_826 = tpu.vector_load %arg9[%get3A_824, %get3A_825] {strides = array<i32>} : memref<32x1024xf32, #tpu.memory_space<vmem>>, vector<1x16xf32>,
      %get3A_827 = vector.shape_cast %get3A_826 : vector<1x16xf32> to vector<16xf32>
      %mul3A_828 = arith.mulf %get3A_52, %get3A_827 : vector<16xf32>
      %get3A_829 = arith.index_cast %scan3A_48 : i32 to index
      %get3A_830 = arith.constant 768 : index
      %get3A_831 = tpu.vector_load %arg10[%get3A_829, %get3A_830] {strides = array<i32>} : memref<32x1024xf32, #tpu.memory_space<vmem>>, vector<1x16xf32>,
      %get3A_832 = vector.shape_cast %get3A_831 : vector<1x16xf32> to vector<16xf32>
      %mul3A_833 = arith.mulf %get3A_56, %get3A_832 : vector<16xf32>
      %add3A_834 = arith.addf %mul3A_828, %mul3A_833 : vector<16xf32>
      %swap3A_835 = arith.index_cast %scan3A_48 : i32 to index
      %swap3A_836 = arith.constant 768 : index
      %swap3A_837 = tpu.vector_load %arg9[%swap3A_835, %swap3A_836] {strides = array<i32>} : memref<32x1024xf32, #tpu.memory_space<vmem>>, vector<1x16xf32>,
      %swap3A_838 = vector.shape_cast %swap3A_837 : vector<1x16xf32> to vector<16xf32>
      %swap3A_839 = vector.shape_cast %add3A_834 : vector<16xf32> to vector<1x16xf32>
      tpu.vector_store %arg9[%swap3A_835, %swap3A_836], %swap3A_839 {strides = array<i32>} : memref<32x1024xf32, #tpu.memory_space<vmem>>, vector<1x16xf32>,
      %get3A_840 = arith.index_cast %scan3A_48 : i32 to index
      %get3A_841 = arith.constant 784 : index
      %get3A_842 = tpu.vector_load %arg9[%get3A_840, %get3A_841] {strides = array<i32>} : memref<32x1024xf32, #tpu.memory_space<vmem>>, vector<1x16xf32>,
      %get3A_843 = vector.shape_cast %get3A_842 : vector<1x16xf32> to vector<16xf32>
      %mul3A_844 = arith.mulf %get3A_52, %get3A_843 : vector<16xf32>
      %get3A_845 = arith.index_cast %scan3A_48 : i32 to index
      %get3A_846 = arith.constant 784 : index
      %get3A_847 = tpu.vector_load %arg10[%get3A_845, %get3A_846] {strides = array<i32>} : memref<32x1024xf32, #tpu.memory_space<vmem>>, vector<1x16xf32>,
      %get3A_848 = vector.shape_cast %get3A_847 : vector<1x16xf32> to vector<16xf32>
      %mul3A_849 = arith.mulf %get3A_56, %get3A_848 : vector<16xf32>
      %add3A_850 = arith.addf %mul3A_844, %mul3A_849 : vector<16xf32>
      %swap3A_851 = arith.index_cast %scan3A_48 : i32 to index
      %swap3A_852 = arith.constant 784 : index
      %swap3A_853 = tpu.vector_load %arg9[%swap3A_851, %swap3A_852] {strides = array<i32>} : memref<32x1024xf32, #tpu.memory_space<vmem>>, vector<1x16xf32>,
      %swap3A_854 = vector.shape_cast %swap3A_853 : vector<1x16xf32> to vector<16xf32>
      %swap3A_855 = vector.shape_cast %add3A_850 : vector<16xf32> to vector<1x16xf32>
      tpu.vector_store %arg9[%swap3A_851, %swap3A_852], %swap3A_855 {strides = array<i32>} : memref<32x1024xf32, #tpu.memory_space<vmem>>, vector<1x16xf32>,
      %get3A_856 = arith.index_cast %scan3A_48 : i32 to index
      %get3A_857 = arith.constant 800 : index
      %get3A_858 = tpu.vector_load %arg9[%get3A_856, %get3A_857] {strides = array<i32>} : memref<32x1024xf32, #tpu.memory_space<vmem>>, vector<1x16xf32>,
      %get3A_859 = vector.shape_cast %get3A_858 : vector<1x16xf32> to vector<16xf32>
      %mul3A_860 = arith.mulf %get3A_52, %get3A_859 : vector<16xf32>
      %get3A_861 = arith.index_cast %scan3A_48 : i32 to index
      %get3A_862 = arith.constant 800 : index
      %get3A_863 = tpu.vector_load %arg10[%get3A_861, %get3A_862] {strides = array<i32>} : memref<32x1024xf32, #tpu.memory_space<vmem>>, vector<1x16xf32>,
      %get3A_864 = vector.shape_cast %get3A_863 : vector<1x16xf32> to vector<16xf32>
      %mul3A_865 = arith.mulf %get3A_56, %get3A_864 : vector<16xf32>
      %add3A_866 = arith.addf %mul3A_860, %mul3A_865 : vector<16xf32>
      %swap3A_867 = arith.index_cast %scan3A_48 : i32 to index
      %swap3A_868 = arith.constant 800 : index
      %swap3A_869 = tpu.vector_load %arg9[%swap3A_867, %swap3A_868] {strides = array<i32>} : memref<32x1024xf32, #tpu.memory_space<vmem>>, vector<1x16xf32>,
      %swap3A_870 = vector.shape_cast %swap3A_869 : vector<1x16xf32> to vector<16xf32>
      %swap3A_871 = vector.shape_cast %add3A_866 : vector<16xf32> to vector<1x16xf32>
      tpu.vector_store %arg9[%swap3A_867, %swap3A_868], %swap3A_871 {strides = array<i32>} : memref<32x1024xf32, #tpu.memory_space<vmem>>, vector<1x16xf32>,
      %get3A_872 = arith.index_cast %scan3A_48 : i32 to index
      %get3A_873 = arith.constant 816 : index
      %get3A_874 = tpu.vector_load %arg9[%get3A_872, %get3A_873] {strides = array<i32>} : memref<32x1024xf32, #tpu.memory_space<vmem>>, vector<1x16xf32>,
      %get3A_875 = vector.shape_cast %get3A_874 : vector<1x16xf32> to vector<16xf32>
      %mul3A_876 = arith.mulf %get3A_52, %get3A_875 : vector<16xf32>
      %get3A_877 = arith.index_cast %scan3A_48 : i32 to index
      %get3A_878 = arith.constant 816 : index
      %get3A_879 = tpu.vector_load %arg10[%get3A_877, %get3A_878] {strides = array<i32>} : memref<32x1024xf32, #tpu.memory_space<vmem>>, vector<1x16xf32>,
      %get3A_880 = vector.shape_cast %get3A_879 : vector<1x16xf32> to vector<16xf32>
      %mul3A_881 = arith.mulf %get3A_56, %get3A_880 : vector<16xf32>
      %add3A_882 = arith.addf %mul3A_876, %mul3A_881 : vector<16xf32>
      %swap3A_883 = arith.index_cast %scan3A_48 : i32 to index
      %swap3A_884 = arith.constant 816 : index
      %swap3A_885 = tpu.vector_load %arg9[%swap3A_883, %swap3A_884] {strides = array<i32>} : memref<32x1024xf32, #tpu.memory_space<vmem>>, vector<1x16xf32>,
      %swap3A_886 = vector.shape_cast %swap3A_885 : vector<1x16xf32> to vector<16xf32>
      %swap3A_887 = vector.shape_cast %add3A_882 : vector<16xf32> to vector<1x16xf32>
      tpu.vector_store %arg9[%swap3A_883, %swap3A_884], %swap3A_887 {strides = array<i32>} : memref<32x1024xf32, #tpu.memory_space<vmem>>, vector<1x16xf32>,
      %get3A_888 = arith.index_cast %scan3A_48 : i32 to index
      %get3A_889 = arith.constant 832 : index
      %get3A_890 = tpu.vector_load %arg9[%get3A_888, %get3A_889] {strides = array<i32>} : memref<32x1024xf32, #tpu.memory_space<vmem>>, vector<1x16xf32>,
      %get3A_891 = vector.shape_cast %get3A_890 : vector<1x16xf32> to vector<16xf32>
      %mul3A_892 = arith.mulf %get3A_52, %get3A_891 : vector<16xf32>
      %get3A_893 = arith.index_cast %scan3A_48 : i32 to index
      %get3A_894 = arith.constant 832 : index
      %get3A_895 = tpu.vector_load %arg10[%get3A_893, %get3A_894] {strides = array<i32>} : memref<32x1024xf32, #tpu.memory_space<vmem>>, vector<1x16xf32>,
      %get3A_896 = vector.shape_cast %get3A_895 : vector<1x16xf32> to vector<16xf32>
      %mul3A_897 = arith.mulf %get3A_56, %get3A_896 : vector<16xf32>
      %add3A_898 = arith.addf %mul3A_892, %mul3A_897 : vector<16xf32>
      %swap3A_899 = arith.index_cast %scan3A_48 : i32 to index
      %swap3A_900 = arith.constant 832 : index
      %swap3A_901 = tpu.vector_load %arg9[%swap3A_899, %swap3A_900] {strides = array<i32>} : memref<32x1024xf32, #tpu.memory_space<vmem>>, vector<1x16xf32>,
      %swap3A_902 = vector.shape_cast %swap3A_901 : vector<1x16xf32> to vector<16xf32>
      %swap3A_903 = vector.shape_cast %add3A_898 : vector<16xf32> to vector<1x16xf32>
      tpu.vector_store %arg9[%swap3A_899, %swap3A_900], %swap3A_903 {strides = array<i32>} : memref<32x1024xf32, #tpu.memory_space<vmem>>, vector<1x16xf32>,
      %get3A_904 = arith.index_cast %scan3A_48 : i32 to index
      %get3A_905 = arith.constant 848 : index
      %get3A_906 = tpu.vector_load %arg9[%get3A_904, %get3A_905] {strides = array<i32>} : memref<32x1024xf32, #tpu.memory_space<vmem>>, vector<1x16xf32>,
      %get3A_907 = vector.shape_cast %get3A_906 : vector<1x16xf32> to vector<16xf32>
      %mul3A_908 = arith.mulf %get3A_52, %get3A_907 : vector<16xf32>
      %get3A_909 = arith.index_cast %scan3A_48 : i32 to index
      %get3A_910 = arith.constant 848 : index
      %get3A_911 = tpu.vector_load %arg10[%get3A_909, %get3A_910] {strides = array<i32>} : memref<32x1024xf32, #tpu.memory_space<vmem>>, vector<1x16xf32>,
      %get3A_912 = vector.shape_cast %get3A_911 : vector<1x16xf32> to vector<16xf32>
      %mul3A_913 = arith.mulf %get3A_56, %get3A_912 : vector<16xf32>
      %add3A_914 = arith.addf %mul3A_908, %mul3A_913 : vector<16xf32>
      %swap3A_915 = arith.index_cast %scan3A_48 : i32 to index
      %swap3A_916 = arith.constant 848 : index
      %swap3A_917 = tpu.vector_load %arg9[%swap3A_915, %swap3A_916] {strides = array<i32>} : memref<32x1024xf32, #tpu.memory_space<vmem>>, vector<1x16xf32>,
      %swap3A_918 = vector.shape_cast %swap3A_917 : vector<1x16xf32> to vector<16xf32>
      %swap3A_919 = vector.shape_cast %add3A_914 : vector<16xf32> to vector<1x16xf32>
      tpu.vector_store %arg9[%swap3A_915, %swap3A_916], %swap3A_919 {strides = array<i32>} : memref<32x1024xf32, #tpu.memory_space<vmem>>, vector<1x16xf32>,
      %get3A_920 = arith.index_cast %scan3A_48 : i32 to index
      %get3A_921 = arith.constant 864 : index
      %get3A_922 = tpu.vector_load %arg9[%get3A_920, %get3A_921] {strides = array<i32>} : memref<32x1024xf32, #tpu.memory_space<vmem>>, vector<1x16xf32>,
      %get3A_923 = vector.shape_cast %get3A_922 : vector<1x16xf32> to vector<16xf32>
      %mul3A_924 = arith.mulf %get3A_52, %get3A_923 : vector<16xf32>
      %get3A_925 = arith.index_cast %scan3A_48 : i32 to index
      %get3A_926 = arith.constant 864 : index
      %get3A_927 = tpu.vector_load %arg10[%get3A_925, %get3A_926] {strides = array<i32>} : memref<32x1024xf32, #tpu.memory_space<vmem>>, vector<1x16xf32>,
      %get3A_928 = vector.shape_cast %get3A_927 : vector<1x16xf32> to vector<16xf32>
      %mul3A_929 = arith.mulf %get3A_56, %get3A_928 : vector<16xf32>
      %add3A_930 = arith.addf %mul3A_924, %mul3A_929 : vector<16xf32>
      %swap3A_931 = arith.index_cast %scan3A_48 : i32 to index
      %swap3A_932 = arith.constant 864 : index
      %swap3A_933 = tpu.vector_load %arg9[%swap3A_931, %swap3A_932] {strides = array<i32>} : memref<32x1024xf32, #tpu.memory_space<vmem>>, vector<1x16xf32>,
      %swap3A_934 = vector.shape_cast %swap3A_933 : vector<1x16xf32> to vector<16xf32>
      %swap3A_935 = vector.shape_cast %add3A_930 : vector<16xf32> to vector<1x16xf32>
      tpu.vector_store %arg9[%swap3A_931, %swap3A_932], %swap3A_935 {strides = array<i32>} : memref<32x1024xf32, #tpu.memory_space<vmem>>, vector<1x16xf32>,
      %get3A_936 = arith.index_cast %scan3A_48 : i32 to index
      %get3A_937 = arith.constant 880 : index
      %get3A_938 = tpu.vector_load %arg9[%get3A_936, %get3A_937] {strides = array<i32>} : memref<32x1024xf32, #tpu.memory_space<vmem>>, vector<1x16xf32>,
      %get3A_939 = vector.shape_cast %get3A_938 : vector<1x16xf32> to vector<16xf32>
      %mul3A_940 = arith.mulf %get3A_52, %get3A_939 : vector<16xf32>
      %get3A_941 = arith.index_cast %scan3A_48 : i32 to index
      %get3A_942 = arith.constant 880 : index
      %get3A_943 = tpu.vector_load %arg10[%get3A_941, %get3A_942] {strides = array<i32>} : memref<32x1024xf32, #tpu.memory_space<vmem>>, vector<1x16xf32>,
      %get3A_944 = vector.shape_cast %get3A_943 : vector<1x16xf32> to vector<16xf32>
      %mul3A_945 = arith.mulf %get3A_56, %get3A_944 : vector<16xf32>
      %add3A_946 = arith.addf %mul3A_940, %mul3A_945 : vector<16xf32>
      %swap3A_947 = arith.index_cast %scan3A_48 : i32 to index
      %swap3A_948 = arith.constant 880 : index
      %swap3A_949 = tpu.vector_load %arg9[%swap3A_947, %swap3A_948] {strides = array<i32>} : memref<32x1024xf32, #tpu.memory_space<vmem>>, vector<1x16xf32>,
      %swap3A_950 = vector.shape_cast %swap3A_949 : vector<1x16xf32> to vector<16xf32>
      %swap3A_951 = vector.shape_cast %add3A_946 : vector<16xf32> to vector<1x16xf32>
      tpu.vector_store %arg9[%swap3A_947, %swap3A_948], %swap3A_951 {strides = array<i32>} : memref<32x1024xf32, #tpu.memory_space<vmem>>, vector<1x16xf32>,
      %get3A_952 = arith.index_cast %scan3A_48 : i32 to index
      %get3A_953 = arith.constant 896 : index
      %get3A_954 = tpu.vector_load %arg9[%get3A_952, %get3A_953] {strides = array<i32>} : memref<32x1024xf32, #tpu.memory_space<vmem>>, vector<1x16xf32>,
      %get3A_955 = vector.shape_cast %get3A_954 : vector<1x16xf32> to vector<16xf32>
      %mul3A_956 = arith.mulf %get3A_52, %get3A_955 : vector<16xf32>
      %get3A_957 = arith.index_cast %scan3A_48 : i32 to index
      %get3A_958 = arith.constant 896 : index
      %get3A_959 = tpu.vector_load %arg10[%get3A_957, %get3A_958] {strides = array<i32>} : memref<32x1024xf32, #tpu.memory_space<vmem>>, vector<1x16xf32>,
      %get3A_960 = vector.shape_cast %get3A_959 : vector<1x16xf32> to vector<16xf32>
      %mul3A_961 = arith.mulf %get3A_56, %get3A_960 : vector<16xf32>
      %add3A_962 = arith.addf %mul3A_956, %mul3A_961 : vector<16xf32>
      %swap3A_963 = arith.index_cast %scan3A_48 : i32 to index
      %swap3A_964 = arith.constant 896 : index
      %swap3A_965 = tpu.vector_load %arg9[%swap3A_963, %swap3A_964] {strides = array<i32>} : memref<32x1024xf32, #tpu.memory_space<vmem>>, vector<1x16xf32>,
      %swap3A_966 = vector.shape_cast %swap3A_965 : vector<1x16xf32> to vector<16xf32>
      %swap3A_967 = vector.shape_cast %add3A_962 : vector<16xf32> to vector<1x16xf32>
      tpu.vector_store %arg9[%swap3A_963, %swap3A_964], %swap3A_967 {strides = array<i32>} : memref<32x1024xf32, #tpu.memory_space<vmem>>, vector<1x16xf32>,
      %get3A_968 = arith.index_cast %scan3A_48 : i32 to index
      %get3A_969 = arith.constant 912 : index
      %get3A_970 = tpu.vector_load %arg9[%get3A_968, %get3A_969] {strides = array<i32>} : memref<32x1024xf32, #tpu.memory_space<vmem>>, vector<1x16xf32>,
      %get3A_971 = vector.shape_cast %get3A_970 : vector<1x16xf32> to vector<16xf32>
      %mul3A_972 = arith.mulf %get3A_52, %get3A_971 : vector<16xf32>
      %get3A_973 = arith.index_cast %scan3A_48 : i32 to index
      %get3A_974 = arith.constant 912 : index
      %get3A_975 = tpu.vector_load %arg10[%get3A_973, %get3A_974] {strides = array<i32>} : memref<32x1024xf32, #tpu.memory_space<vmem>>, vector<1x16xf32>,
      %get3A_976 = vector.shape_cast %get3A_975 : vector<1x16xf32> to vector<16xf32>
      %mul3A_977 = arith.mulf %get3A_56, %get3A_976 : vector<16xf32>
      %add3A_978 = arith.addf %mul3A_972, %mul3A_977 : vector<16xf32>
      %swap3A_979 = arith.index_cast %scan3A_48 : i32 to index
      %swap3A_980 = arith.constant 912 : index
      %swap3A_981 = tpu.vector_load %arg9[%swap3A_979, %swap3A_980] {strides = array<i32>} : memref<32x1024xf32, #tpu.memory_space<vmem>>, vector<1x16xf32>,
      %swap3A_982 = vector.shape_cast %swap3A_981 : vector<1x16xf32> to vector<16xf32>
      %swap3A_983 = vector.shape_cast %add3A_978 : vector<16xf32> to vector<1x16xf32>
      tpu.vector_store %arg9[%swap3A_979, %swap3A_980], %swap3A_983 {strides = array<i32>} : memref<32x1024xf32, #tpu.memory_space<vmem>>, vector<1x16xf32>,
      %get3A_984 = arith.index_cast %scan3A_48 : i32 to index
      %get3A_985 = arith.constant 928 : index
      %get3A_986 = tpu.vector_load %arg9[%get3A_984, %get3A_985] {strides = array<i32>} : memref<32x1024xf32, #tpu.memory_space<vmem>>, vector<1x16xf32>,
      %get3A_987 = vector.shape_cast %get3A_986 : vector<1x16xf32> to vector<16xf32>
      %mul3A_988 = arith.mulf %get3A_52, %get3A_987 : vector<16xf32>
      %get3A_989 = arith.index_cast %scan3A_48 : i32 to index
      %get3A_990 = arith.constant 928 : index
      %get3A_991 = tpu.vector_load %arg10[%get3A_989, %get3A_990] {strides = array<i32>} : memref<32x1024xf32, #tpu.memory_space<vmem>>, vector<1x16xf32>,
      %get3A_992 = vector.shape_cast %get3A_991 : vector<1x16xf32> to vector<16xf32>
      %mul3A_993 = arith.mulf %get3A_56, %get3A_992 : vector<16xf32>
      %add3A_994 = arith.addf %mul3A_988, %mul3A_993 : vector<16xf32>
      %swap3A_995 = arith.index_cast %scan3A_48 : i32 to index
      %swap3A_996 = arith.constant 928 : index
      %swap3A_997 = tpu.vector_load %arg9[%swap3A_995, %swap3A_996] {strides = array<i32>} : memref<32x1024xf32, #tpu.memory_space<vmem>>, vector<1x16xf32>,
      %swap3A_998 = vector.shape_cast %swap3A_997 : vector<1x16xf32> to vector<16xf32>
      %swap3A_999 = vector.shape_cast %add3A_994 : vector<16xf32> to vector<1x16xf32>
      tpu.vector_store %arg9[%swap3A_995, %swap3A_996], %swap3A_999 {strides = array<i32>} : memref<32x1024xf32, #tpu.memory_space<vmem>>, vector<1x16xf32>,
      %get3A_1000 = arith.index_cast %scan3A_48 : i32 to index
      %get3A_1001 = arith.constant 944 : index
      %get3A_1002 = tpu.vector_load %arg9[%get3A_1000, %get3A_1001] {strides = array<i32>} : memref<32x1024xf32, #tpu.memory_space<vmem>>, vector<1x16xf32>,
      %get3A_1003 = vector.shape_cast %get3A_1002 : vector<1x16xf32> to vector<16xf32>
      %mul3A_1004 = arith.mulf %get3A_52, %get3A_1003 : vector<16xf32>
      %get3A_1005 = arith.index_cast %scan3A_48 : i32 to index
      %get3A_1006 = arith.constant 944 : index
      %get3A_1007 = tpu.vector_load %arg10[%get3A_1005, %get3A_1006] {strides = array<i32>} : memref<32x1024xf32, #tpu.memory_space<vmem>>, vector<1x16xf32>,
      %get3A_1008 = vector.shape_cast %get3A_1007 : vector<1x16xf32> to vector<16xf32>
      %mul3A_1009 = arith.mulf %get3A_56, %get3A_1008 : vector<16xf32>
      %add3A_1010 = arith.addf %mul3A_1004, %mul3A_1009 : vector<16xf32>
      %swap3A_1011 = arith.index_cast %scan3A_48 : i32 to index
      %swap3A_1012 = arith.constant 944 : index
      %swap3A_1013 = tpu.vector_load %arg9[%swap3A_1011, %swap3A_1012] {strides = array<i32>} : memref<32x1024xf32, #tpu.memory_space<vmem>>, vector<1x16xf32>,
      %swap3A_1014 = vector.shape_cast %swap3A_1013 : vector<1x16xf32> to vector<16xf32>
      %swap3A_1015 = vector.shape_cast %add3A_1010 : vector<16xf32> to vector<1x16xf32>
      tpu.vector_store %arg9[%swap3A_1011, %swap3A_1012], %swap3A_1015 {strides = array<i32>} : memref<32x1024xf32, #tpu.memory_space<vmem>>, vector<1x16xf32>,
      %get3A_1016 = arith.index_cast %scan3A_48 : i32 to index
      %get3A_1017 = arith.constant 960 : index
      %get3A_1018 = tpu.vector_load %arg9[%get3A_1016, %get3A_1017] {strides = array<i32>} : memref<32x1024xf32, #tpu.memory_space<vmem>>, vector<1x16xf32>,
      %get3A_1019 = vector.shape_cast %get3A_1018 : vector<1x16xf32> to vector<16xf32>
      %mul3A_1020 = arith.mulf %get3A_52, %get3A_1019 : vector<16xf32>
      %get3A_1021 = arith.index_cast %scan3A_48 : i32 to index
      %get3A_1022 = arith.constant 960 : index
      %get3A_1023 = tpu.vector_load %arg10[%get3A_1021, %get3A_1022] {strides = array<i32>} : memref<32x1024xf32, #tpu.memory_space<vmem>>, vector<1x16xf32>,
      %get3A_1024 = vector.shape_cast %get3A_1023 : vector<1x16xf32> to vector<16xf32>
      %mul3A_1025 = arith.mulf %get3A_56, %get3A_1024 : vector<16xf32>
      %add3A_1026 = arith.addf %mul3A_1020, %mul3A_1025 : vector<16xf32>
      %swap3A_1027 = arith.index_cast %scan3A_48 : i32 to index
      %swap3A_1028 = arith.constant 960 : index
      %swap3A_1029 = tpu.vector_load %arg9[%swap3A_1027, %swap3A_1028] {strides = array<i32>} : memref<32x1024xf32, #tpu.memory_space<vmem>>, vector<1x16xf32>,
      %swap3A_1030 = vector.shape_cast %swap3A_1029 : vector<1x16xf32> to vector<16xf32>
      %swap3A_1031 = vector.shape_cast %add3A_1026 : vector<16xf32> to vector<1x16xf32>
      tpu.vector_store %arg9[%swap3A_1027, %swap3A_1028], %swap3A_1031 {strides = array<i32>} : memref<32x1024xf32, #tpu.memory_space<vmem>>, vector<1x16xf32>,
      %get3A_1032 = arith.index_cast %scan3A_48 : i32 to index
      %get3A_1033 = arith.constant 976 : index
      %get3A_1034 = tpu.vector_load %arg9[%get3A_1032, %get3A_1033] {strides = array<i32>} : memref<32x1024xf32, #tpu.memory_space<vmem>>, vector<1x16xf32>,
      %get3A_1035 = vector.shape_cast %get3A_1034 : vector<1x16xf32> to vector<16xf32>
      %mul3A_1036 = arith.mulf %get3A_52, %get3A_1035 : vector<16xf32>
      %get3A_1037 = arith.index_cast %scan3A_48 : i32 to index
      %get3A_1038 = arith.constant 976 : index
      %get3A_1039 = tpu.vector_load %arg10[%get3A_1037, %get3A_1038] {strides = array<i32>} : memref<32x1024xf32, #tpu.memory_space<vmem>>, vector<1x16xf32>,
      %get3A_1040 = vector.shape_cast %get3A_1039 : vector<1x16xf32> to vector<16xf32>
      %mul3A_1041 = arith.mulf %get3A_56, %get3A_1040 : vector<16xf32>
      %add3A_1042 = arith.addf %mul3A_1036, %mul3A_1041 : vector<16xf32>
      %swap3A_1043 = arith.index_cast %scan3A_48 : i32 to index
      %swap3A_1044 = arith.constant 976 : index
      %swap3A_1045 = tpu.vector_load %arg9[%swap3A_1043, %swap3A_1044] {strides = array<i32>} : memref<32x1024xf32, #tpu.memory_space<vmem>>, vector<1x16xf32>,
      %swap3A_1046 = vector.shape_cast %swap3A_1045 : vector<1x16xf32> to vector<16xf32>
      %swap3A_1047 = vector.shape_cast %add3A_1042 : vector<16xf32> to vector<1x16xf32>
      tpu.vector_store %arg9[%swap3A_1043, %swap3A_1044], %swap3A_1047 {strides = array<i32>} : memref<32x1024xf32, #tpu.memory_space<vmem>>, vector<1x16xf32>,
      %get3A_1048 = arith.index_cast %scan3A_48 : i32 to index
      %get3A_1049 = arith.constant 992 : index
      %get3A_1050 = tpu.vector_load %arg9[%get3A_1048, %get3A_1049] {strides = array<i32>} : memref<32x1024xf32, #tpu.memory_space<vmem>>, vector<1x16xf32>,
      %get3A_1051 = vector.shape_cast %get3A_1050 : vector<1x16xf32> to vector<16xf32>
      %mul3A_1052 = arith.mulf %get3A_52, %get3A_1051 : vector<16xf32>
      %get3A_1053 = arith.index_cast %scan3A_48 : i32 to index
      %get3A_1054 = arith.constant 992 : index
      %get3A_1055 = tpu.vector_load %arg10[%get3A_1053, %get3A_1054] {strides = array<i32>} : memref<32x1024xf32, #tpu.memory_space<vmem>>, vector<1x16xf32>,
      %get3A_1056 = vector.shape_cast %get3A_1055 : vector<1x16xf32> to vector<16xf32>
      %mul3A_1057 = arith.mulf %get3A_56, %get3A_1056 : vector<16xf32>
      %add3A_1058 = arith.addf %mul3A_1052, %mul3A_1057 : vector<16xf32>
      %swap3A_1059 = arith.index_cast %scan3A_48 : i32 to index
      %swap3A_1060 = arith.constant 992 : index
      %swap3A_1061 = tpu.vector_load %arg9[%swap3A_1059, %swap3A_1060] {strides = array<i32>} : memref<32x1024xf32, #tpu.memory_space<vmem>>, vector<1x16xf32>,
      %swap3A_1062 = vector.shape_cast %swap3A_1061 : vector<1x16xf32> to vector<16xf32>
      %swap3A_1063 = vector.shape_cast %add3A_1058 : vector<16xf32> to vector<1x16xf32>
      tpu.vector_store %arg9[%swap3A_1059, %swap3A_1060], %swap3A_1063 {strides = array<i32>} : memref<32x1024xf32, #tpu.memory_space<vmem>>, vector<1x16xf32>,
      %get3A_1064 = arith.index_cast %scan3A_48 : i32 to index
      %get3A_1065 = arith.constant 1008 : index
      %get3A_1066 = tpu.vector_load %arg9[%get3A_1064, %get3A_1065] {strides = array<i32>} : memref<32x1024xf32, #tpu.memory_space<vmem>>, vector<1x16xf32>,
      %get3A_1067 = vector.shape_cast %get3A_1066 : vector<1x16xf32> to vector<16xf32>
      %mul3A_1068 = arith.mulf %get3A_52, %get3A_1067 : vector<16xf32>
      %get3A_1069 = arith.index_cast %scan3A_48 : i32 to index
      %get3A_1070 = arith.constant 1008 : index
      %get3A_1071 = tpu.vector_load %arg10[%get3A_1069, %get3A_1070] {strides = array<i32>} : memref<32x1024xf32, #tpu.memory_space<vmem>>, vector<1x16xf32>,
      %get3A_1072 = vector.shape_cast %get3A_1071 : vector<1x16xf32> to vector<16xf32>
      %mul3A_1073 = arith.mulf %get3A_56, %get3A_1072 : vector<16xf32>
      %add3A_1074 = arith.addf %mul3A_1068, %mul3A_1073 : vector<16xf32>
      %swap3A_1075 = arith.index_cast %scan3A_48 : i32 to index
      %swap3A_1076 = arith.constant 1008 : index
      %swap3A_1077 = tpu.vector_load %arg9[%swap3A_1075, %swap3A_1076] {strides = array<i32>} : memref<32x1024xf32, #tpu.memory_space<vmem>>, vector<1x16xf32>,
      %swap3A_1078 = vector.shape_cast %swap3A_1077 : vector<1x16xf32> to vector<16xf32>
      %swap3A_1079 = vector.shape_cast %add3A_1074 : vector<16xf32> to vector<1x16xf32>
      tpu.vector_store %arg9[%swap3A_1075, %swap3A_1076], %swap3A_1079 {strides = array<i32>} : memref<32x1024xf32, #tpu.memory_space<vmem>>, vector<1x16xf32>,
      %scan3A_1080 = arith.constant 0 : i32
      scf.yield %scan3A_1080 : i32
    }
    %scan3A_47 = arith.constant 32 : i32
    "tpu.region"() ({
      %run_scoped3A = tpu.sem_alloc : memref<!tpu.dma_semaphore, #tpu.memory_space<semaphore_mem>>
      %dma_start3A_48 = arith.constant 0 : i32
      %dma_start3A_49 = tpu.memref_slice %arg6[%add3A_26, %dma_start3A_48] : memref<2048x1024xf32, #tpu.memory_space<hbm>> -> memref<32x1024xf32, #tpu.memory_space<hbm>>
      %dma_start3A_50 = arith.constant 0 : i32
      %dma_start3A_51 = tpu.memref_slice %arg6[%add3A_26, %dma_start3A_50] : memref<2048x1024xf32, #tpu.memory_space<hbm>> -> memref<32x1024xf32, #tpu.memory_space<hbm>>
      tpu.enqueue_dma source(%arg9 : memref<32x1024xf32, #tpu.memory_space<vmem>>) target(%dma_start3A_51 : memref<32x1024xf32, #tpu.memory_space<hbm>>) target_semaphore(%run_scoped3A : memref<!tpu.dma_semaphore, #tpu.memory_space<semaphore_mem>>)
      %dma_wait3A_52 = arith.constant 0 : i32
      %dma_wait3A_53 = tpu.memref_slice %arg6[%add3A_26, %dma_wait3A_52] : memref<2048x1024xf32, #tpu.memory_space<hbm>> -> memref<32x1024xf32, #tpu.memory_space<hbm>>
      %dma_wait3A_54 = arith.constant 0 : i32
      %dma_wait3A_55 = tpu.memref_slice %arg6[%add3A_26, %dma_wait3A_54] : memref<2048x1024xf32, #tpu.memory_space<hbm>> -> memref<32x1024xf32, #tpu.memory_space<hbm>>
      tpu.wait_dma2 semaphore(%run_scoped3A : memref<!tpu.dma_semaphore, #tpu.memory_space<semaphore_mem>>) src(%arg9 : memref<32x1024xf32, #tpu.memory_space<vmem>>) dst(%dma_wait3A_55 : memref<32x1024xf32, #tpu.memory_space<hbm>>)
      tpu.yield
    }) : () -> ()
    return
  }
}

module attributes {stable_mosaic.version = 14 : i64} {
  func.func @_wcast_body(%arg0: i32, %arg1: memref<512x1024xf32, #tpu.memory_space<vmem>>, %arg2: memref<512x1024xf32, #tpu.memory_space<vmem>>, %arg3: memref<256x1024xi32, #tpu.memory_space<vmem>>, %arg4: memref<256x1024xi32, #tpu.memory_space<vmem>>) attributes {dimension_semantics = [#tpu.dimension_semantics<arbitrary>], iteration_bounds = array<i64: 16>, scalar_prefetch = 0 : i64, scratch_operands = 0 : i64, tpu.core_type = #tpu.core_type<tc>, window_params = [{transform_indices = @transform_0, window_bounds = array<i64: 512, 1024>}, {transform_indices = @transform_1, window_bounds = array<i64: 512, 1024>}, {transform_indices = @transform_2, window_bounds = array<i64: 256, 1024>}, {transform_indices = @transform_3, window_bounds = array<i64: 256, 1024>}]} {
    %get3A = arith.constant 0 : index
    %get3A_0 = arith.constant 0 : index
    %get3A_1 = vector.load %arg1[%get3A, %get3A_0] : memref<512x1024xf32, #tpu.memory_space<vmem>>, vector<512x1024xf32>
    %convert_element_type3A = arith.truncf %get3A_1 : vector<512x1024xf32> to vector<512x1024xbf16>
    %bitcast3A = tpu.bitcast %convert_element_type3A : vector<512x1024xbf16> -> vector<256x1024xi32>
    %swap3A = arith.constant 0 : index
    %swap3A_2 = arith.constant 0 : index
    %swap3A_3 = vector.load %arg3[%swap3A, %swap3A_2] : memref<256x1024xi32, #tpu.memory_space<vmem>>, vector<256x1024xi32>
    tpu.vector_store %arg3[%swap3A, %swap3A_2], %bitcast3A {strides = array<i32>} : memref<256x1024xi32, #tpu.memory_space<vmem>>, vector<256x1024xi32>,
    %get3A_4 = arith.constant 0 : index
    %get3A_5 = arith.constant 0 : index
    %get3A_6 = vector.load %arg2[%get3A_4, %get3A_5] : memref<512x1024xf32, #tpu.memory_space<vmem>>, vector<512x1024xf32>
    %convert_element_type3A_7 = arith.truncf %get3A_6 : vector<512x1024xf32> to vector<512x1024xbf16>
    %bitcast3A_8 = tpu.bitcast %convert_element_type3A_7 : vector<512x1024xbf16> -> vector<256x1024xi32>
    %swap3A_9 = arith.constant 0 : index
    %swap3A_10 = arith.constant 0 : index
    %swap3A_11 = vector.load %arg4[%swap3A_9, %swap3A_10] : memref<256x1024xi32, #tpu.memory_space<vmem>>, vector<256x1024xi32>
    tpu.vector_store %arg4[%swap3A_9, %swap3A_10], %bitcast3A_8 {strides = array<i32>} : memref<256x1024xi32, #tpu.memory_space<vmem>>, vector<256x1024xi32>,
    return
  }
  func.func @transform_0(%arg0: i32) -> (i32, i32) {
    %c0_i32 = arith.constant 0 : i32
    %c0_i32_0 = arith.constant 0 : i32
    return %arg0, %c0_i32 : i32, i32
  }
  func.func @transform_1(%arg0: i32) -> (i32, i32) {
    %c0_i32 = arith.constant 0 : i32
    %c0_i32_0 = arith.constant 0 : i32
    return %arg0, %c0_i32 : i32, i32
  }
  func.func @transform_2(%arg0: i32) -> (i32, i32) {
    %c0_i32 = arith.constant 0 : i32
    %c0_i32_0 = arith.constant 0 : i32
    return %arg0, %c0_i32 : i32, i32
  }
  func.func @transform_3(%arg0: i32) -> (i32, i32) {
    %c0_i32 = arith.constant 0 : i32
    %c0_i32_0 = arith.constant 0 : i32
    return %arg0, %c0_i32 : i32, i32
  }
}

module attributes {stable_mosaic.version = 14 : i64} {
  func.func @_router_body(%arg0: i32, %arg1: memref<2048x1024xf32, #tpu.memory_space<vmem>>, %arg2: memref<8x1024xf32, #tpu.memory_space<vmem>>, %arg3: memref<1x8xf32, #tpu.memory_space<vmem>>, %arg4: memref<1024x1024xf32, #tpu.memory_space<vmem>>, %arg5: memref<4096x1xi32, #tpu.memory_space<vmem>>, %arg6: memref<2048x16xf32, #tpu.memory_space<vmem>>, %arg7: memref<2048x16xf32, #tpu.memory_space<vmem>>, %arg8: memref<16x1xi32, #tpu.memory_space<vmem>>, %arg9: memref<1x1xi32, #tpu.memory_space<vmem>>, %arg10: memref<1024x1024xbf16, #tpu.memory_space<vmem>>) attributes {dimension_semantics = [#tpu.dimension_semantics<arbitrary>], iteration_bounds = array<i64: 8>, scalar_prefetch = 0 : i64, scratch_operands = 0 : i64, tpu.core_type = #tpu.core_type<tc>, window_params = [{pipeline_mode = #tpu.pipeline_mode<synchronous>, transform_indices = @transform_0, window_bounds = array<i64: 2048, 1024>}, {pipeline_mode = #tpu.pipeline_mode<synchronous>, transform_indices = @transform_1, window_bounds = array<i64: 8, 1024>}, {pipeline_mode = #tpu.pipeline_mode<synchronous>, transform_indices = @transform_2, window_bounds = array<i64: 1, 8>}, {transform_indices = @transform_3, window_bounds = array<i64: 1024, 1024>}, {pipeline_mode = #tpu.pipeline_mode<synchronous>, transform_indices = @transform_4, window_bounds = array<i64: 4096, 1>}, {pipeline_mode = #tpu.pipeline_mode<synchronous>, transform_indices = @transform_5, window_bounds = array<i64: 2048, 16>}, {pipeline_mode = #tpu.pipeline_mode<synchronous>, transform_indices = @transform_6, window_bounds = array<i64: 2048, 16>}, {pipeline_mode = #tpu.pipeline_mode<synchronous>, transform_indices = @transform_7, window_bounds = array<i64: 16, 1>}, {pipeline_mode = #tpu.pipeline_mode<synchronous>, transform_indices = @transform_8, window_bounds = array<i64: 1, 1>}, {transform_indices = @transform_9, window_bounds = array<i64: 1024, 1024>}]} {
    %get3A = arith.constant 0 : index
    %get3A_0 = arith.constant 0 : index
    %get3A_1 = vector.load %arg4[%get3A, %get3A_0] : memref<1024x1024xf32, #tpu.memory_space<vmem>>, vector<1024x1024xf32>
    %convert_element_type3A = arith.truncf %get3A_1 : vector<1024x1024xf32> to vector<1024x1024xbf16>
    %swap3A = arith.constant 0 : index
    %swap3A_2 = arith.constant 0 : index
    %swap3A_3 = vector.load %arg10[%swap3A, %swap3A_2] : memref<1024x1024xbf16, #tpu.memory_space<vmem>>, vector<1024x1024xbf16>
    tpu.vector_store %arg10[%swap3A, %swap3A_2], %convert_element_type3A {strides = array<i32>} : memref<1024x1024xbf16, #tpu.memory_space<vmem>>, vector<1024x1024xbf16>,
    %eq3A = arith.constant 0 : i32
    %eq3A_4 = arith.cmpi eq, %arg0, %eq3A : i32
    %convert_element_type3A_5 = arith.extui %eq3A_4 : i1 to i32
    %cond3A = arith.constant 0 : i32
    %cond3A_6 = arith.cmpi ne, %convert_element_type3A_5, %cond3A : i32
    scf.if %cond3A_6 {
      %get3A_7 = arith.constant 0 : index
      %get3A_8 = arith.constant 0 : index
      %get3A_9 = vector.load %arg1[%get3A_7, %get3A_8] : memref<2048x1024xf32, #tpu.memory_space<vmem>>, vector<2048x1024xf32>
      %get3A_10 = arith.constant 0 : index
      %get3A_11 = arith.constant 0 : index
      %get3A_12 = vector.load %arg2[%get3A_10, %get3A_11] : memref<8x1024xf32, #tpu.memory_space<vmem>>, vector<8x1024xf32>
      %dot_general3A = arith.constant dense<0.000000e+00> : vector<2048x8xf32>
      %dot_general3A_13 = tpu.matmul %get3A_9, %get3A_12, %dot_general3A {dimension_numbers = #tpu.dot_dimension_numbers<[1], [1], [0], [0], [0, 0, 1, 0], [], []>, transpose_lhs_hint = false} : vector<2048x1024xf32>, vector<8x1024xf32>, vector<2048x8xf32> -> vector<2048x8xf32>
      %logistic3A = arith.negf %dot_general3A_13 : vector<2048x8xf32>
      %logistic3A_14 = math.exp %logistic3A : vector<2048x8xf32>
      %logistic3A_15 = arith.constant 1.000000e+00 : f32
      %logistic3A_16 = vector.broadcast %logistic3A_15 : f32 to vector<2048x8xf32>
      %logistic3A_17 = arith.addf %logistic3A_16, %logistic3A_14 : vector<2048x8xf32>
      %logistic3A_18 = arith.divf %logistic3A_16, %logistic3A_17 : vector<2048x8xf32>
      %get3A_19 = arith.constant 0 : index
      %get3A_20 = arith.constant 0 : index
      %get3A_21 = vector.load %arg3[%get3A_19, %get3A_20] : memref<1x8xf32, #tpu.memory_space<vmem>>, vector<1x8xf32>
      %add3A = vector.broadcast %get3A_21 : vector<1x8xf32> to vector<2048x8xf32>
      %add3A_22 = arith.addf %logistic3A_18, %add3A : vector<2048x8xf32>
      %iota3A = tpu.iota {dimensions = array<i32: 1>} : vector<2048x8xi32>
      %reduce_max3A = arith.constant dense<0xFF800000> : vector<2048xf32>
      %reduce_max3A_23 = vector.multi_reduction <maximumf>, %add3A_22, %reduce_max3A [1] : vector<2048x8xf32> to vector<2048xf32>
      %broadcast_in_dim3A = vector.shape_cast %reduce_max3A_23 : vector<2048xf32> to vector<2048x1xf32>
      %eq3A_24 = vector.broadcast %broadcast_in_dim3A : vector<2048x1xf32> to vector<2048x8xf32>
      %eq3A_25 = arith.cmpf oeq, %add3A_22, %eq3A_24 : vector<2048x8xf32>
      %jit3A = arith.constant 8 : i32
      %broadcast_in_dim3A_26 = vector.broadcast %jit3A : i32 to vector<2048x8xi32>
      %select_n3A = arith.select %eq3A_25, %iota3A, %broadcast_in_dim3A_26 : vector<2048x8xi1>, vector<2048x8xi32>
      %reduce_min3A = arith.constant dense<2147483647> : vector<2048xi32>
      %reduce_min3A_27 = vector.multi_reduction <minsi>, %select_n3A, %reduce_min3A [1] : vector<2048x8xi32> to vector<2048xi32>
      %broadcast_in_dim3A_28 = vector.shape_cast %reduce_min3A_27 : vector<2048xi32> to vector<2048x1xi32>
      %eq3A_29 = vector.broadcast %broadcast_in_dim3A_28 : vector<2048x1xi32> to vector<2048x8xi32>
      %eq3A_30 = arith.cmpi eq, %iota3A, %eq3A_29 : vector<2048x8xi32>
      %jit3A_31 = arith.constant 0xFF800000 : f32
      %broadcast_in_dim3A_32 = vector.broadcast %jit3A_31 : f32 to vector<2048x8xf32>
      %select_n3A_33 = arith.select %eq3A_30, %broadcast_in_dim3A_32, %add3A_22 : vector<2048x8xi1>, vector<2048x8xf32>
      %reduce_max3A_34 = arith.constant dense<0xFF800000> : vector<2048xf32>
      %reduce_max3A_35 = vector.multi_reduction <maximumf>, %select_n3A_33, %reduce_max3A_34 [1] : vector<2048x8xf32> to vector<2048xf32>
      %broadcast_in_dim3A_36 = vector.shape_cast %reduce_max3A_35 : vector<2048xf32> to vector<2048x1xf32>
      %eq3A_37 = vector.broadcast %broadcast_in_dim3A_36 : vector<2048x1xf32> to vector<2048x8xf32>
      %eq3A_38 = arith.cmpf oeq, %select_n3A_33, %eq3A_37 : vector<2048x8xf32>
      %jit3A_39 = arith.constant 8 : i32
      %broadcast_in_dim3A_40 = vector.broadcast %jit3A_39 : i32 to vector<2048x8xi32>
      %select_n3A_41 = arith.select %eq3A_38, %iota3A, %broadcast_in_dim3A_40 : vector<2048x8xi1>, vector<2048x8xi32>
      %reduce_min3A_42 = arith.constant dense<2147483647> : vector<2048xi32>
      %reduce_min3A_43 = vector.multi_reduction <minsi>, %select_n3A_41, %reduce_min3A_42 [1] : vector<2048x8xi32> to vector<2048xi32>
      %broadcast_in_dim3A_44 = vector.shape_cast %reduce_min3A_43 : vector<2048xi32> to vector<2048x1xi32>
      %eq3A_45 = vector.broadcast %broadcast_in_dim3A_28 : vector<2048x1xi32> to vector<2048x8xi32>
      %eq3A_46 = arith.cmpi eq, %iota3A, %eq3A_45 : vector<2048x8xi32>
      %convert_element_type3A_47 = arith.extui %eq3A_46 : vector<2048x8xi1> to vector<2048x8xi32>
      %convert_element_type3A_48 = arith.sitofp %convert_element_type3A_47 : vector<2048x8xi32> to vector<2048x8xf32>
      %eq3A_49 = vector.broadcast %broadcast_in_dim3A_44 : vector<2048x1xi32> to vector<2048x8xi32>
      %eq3A_50 = arith.cmpi eq, %iota3A, %eq3A_49 : vector<2048x8xi32>
      %convert_element_type3A_51 = arith.extui %eq3A_50 : vector<2048x8xi1> to vector<2048x8xi32>
      %convert_element_type3A_52 = arith.sitofp %convert_element_type3A_51 : vector<2048x8xi32> to vector<2048x8xf32>
      %mul3A = arith.mulf %convert_element_type3A_48, %logistic3A_18 : vector<2048x8xf32>
      %reduce_sum3A = arith.constant dense<0.000000e+00> : vector<2048xf32>
      %reduce_sum3A_53 = vector.multi_reduction <add>, %mul3A, %reduce_sum3A [1] : vector<2048x8xf32> to vector<2048xf32>
      %broadcast_in_dim3A_54 = vector.shape_cast %reduce_sum3A_53 : vector<2048xf32> to vector<2048x1xf32>
      %mul3A_55 = arith.mulf %convert_element_type3A_52, %logistic3A_18 : vector<2048x8xf32>
      %reduce_sum3A_56 = arith.constant dense<0.000000e+00> : vector<2048xf32>
      %reduce_sum3A_57 = vector.multi_reduction <add>, %mul3A_55, %reduce_sum3A_56 [1] : vector<2048x8xf32> to vector<2048xf32>
      %broadcast_in_dim3A_58 = vector.shape_cast %reduce_sum3A_57 : vector<2048xf32> to vector<2048x1xf32>
      %add3A_59 = arith.addf %broadcast_in_dim3A_54, %broadcast_in_dim3A_58 : vector<2048x1xf32>
      %div3A = arith.divf %broadcast_in_dim3A_54, %add3A_59 : vector<2048x1xf32>
      %broadcast_in_dim3A_60 = vector.shape_cast %div3A : vector<2048x1xf32> to vector<2048x1xf32>
      %broadcast_in_dim3A_61 = vector.broadcast %broadcast_in_dim3A_60 : vector<2048x1xf32> to vector<2048x16xf32>
      %swap3A_62 = arith.constant 0 : index
      %swap3A_63 = arith.constant 0 : index
      %swap3A_64 = vector.load %arg6[%swap3A_62, %swap3A_63] : memref<2048x16xf32, #tpu.memory_space<vmem>>, vector<2048x16xf32>
      tpu.vector_store %arg6[%swap3A_62, %swap3A_63], %broadcast_in_dim3A_61 {strides = array<i32>} : memref<2048x16xf32, #tpu.memory_space<vmem>>, vector<2048x16xf32>,
      %div3A_65 = arith.divf %broadcast_in_dim3A_58, %add3A_59 : vector<2048x1xf32>
      %broadcast_in_dim3A_66 = vector.shape_cast %div3A_65 : vector<2048x1xf32> to vector<2048x1xf32>
      %broadcast_in_dim3A_67 = vector.broadcast %broadcast_in_dim3A_66 : vector<2048x1xf32> to vector<2048x16xf32>
      %swap3A_68 = arith.constant 0 : index
      %swap3A_69 = arith.constant 0 : index
      %swap3A_70 = vector.load %arg7[%swap3A_68, %swap3A_69] : memref<2048x16xf32, #tpu.memory_space<vmem>>, vector<2048x16xf32>
      tpu.vector_store %arg7[%swap3A_68, %swap3A_69], %broadcast_in_dim3A_67 {strides = array<i32>} : memref<2048x16xf32, #tpu.memory_space<vmem>>, vector<2048x16xf32>,
      %reduce_sum3A_71 = arith.constant dense<0.000000e+00> : vector<8xf32>
      %reduce_sum3A_72 = vector.multi_reduction <add>, %convert_element_type3A_48, %reduce_sum3A_71 [0] : vector<2048x8xf32> to vector<8xf32>
      %broadcast_in_dim3A_73 = vector.shape_cast %reduce_sum3A_72 : vector<8xf32> to vector<1x8xf32>
      %reduce_sum3A_74 = arith.constant dense<0.000000e+00> : vector<8xf32>
      %reduce_sum3A_75 = vector.multi_reduction <add>, %convert_element_type3A_52, %reduce_sum3A_74 [0] : vector<2048x8xf32> to vector<8xf32>
      %broadcast_in_dim3A_76 = vector.shape_cast %reduce_sum3A_75 : vector<8xf32> to vector<1x8xf32>
      %add3A_77 = arith.addf %broadcast_in_dim3A_73, %broadcast_in_dim3A_76 : vector<1x8xf32>
      %mul3A_78 = arith.constant 0.001953125 : f32
      %mul3A_79 = vector.broadcast %mul3A_78 : f32 to vector<1x8xf32>
      %mul3A_80 = arith.mulf %add3A_77, %mul3A_79 : vector<1x8xf32>
      %ceil3A = math.ceil %mul3A_80 : vector<1x8xf32>
      %mul3A_81 = arith.constant 5.120000e+02 : f32
      %mul3A_82 = vector.broadcast %mul3A_81 : f32 to vector<1x8xf32>
      %mul3A_83 = arith.mulf %ceil3A, %mul3A_82 : vector<1x8xf32>
      %iota3A_84 = tpu.iota {dimensions = array<i32: 0>} : vector<8x8xi32>
      %iota3A_85 = tpu.iota {dimensions = array<i32: 1>} : vector<8x8xi32>
      %lt3A = arith.cmpi slt, %iota3A_84, %iota3A_85 : vector<8x8xi32>
      %convert_element_type3A_86 = arith.extui %lt3A : vector<8x8xi1> to vector<8x8xi32>
      %convert_element_type3A_87 = arith.sitofp %convert_element_type3A_86 : vector<8x8xi32> to vector<8x8xf32>
      %dot_general3A_88 = arith.constant dense<0.000000e+00> : vector<1x8xf32>
      %dot_general3A_89 = tpu.matmul %mul3A_83, %convert_element_type3A_87, %dot_general3A_88 {dimension_numbers = #tpu.dot_dimension_numbers<[1], [0], [0], [1], [0, 0, 1, 1], [], []>, transpose_lhs_hint = false} : vector<1x8xf32>, vector<8x8xf32>, vector<1x8xf32> -> vector<1x8xf32>
      %iota3A_90 = tpu.iota {dimensions = array<i32: 0>} : vector<256x256xi32>
      %iota3A_91 = tpu.iota {dimensions = array<i32: 1>} : vector<256x256xi32>
      %gt3A = arith.cmpi sgt, %iota3A_90, %iota3A_91 : vector<256x256xi32>
      %convert_element_type3A_92 = arith.extui %gt3A : vector<256x256xi1> to vector<256x256xi32>
      %convert_element_type3A_93 = arith.sitofp %convert_element_type3A_92 : vector<256x256xi32> to vector<256x256xf32>
      %broadcast_in_dim3A_94 = arith.constant 0.000000e+00 : f32
      %broadcast_in_dim3A_95 = vector.broadcast %broadcast_in_dim3A_94 : f32 to vector<1x8xf32>
      %slice3A = vector.extract_strided_slice %convert_element_type3A_48 {offsets = [0, 0], sizes = [256, 8], strides = [1, 1]} : vector<2048x8xf32> to vector<256x8xf32>
      %dot_general3A_96 = arith.constant dense<0.000000e+00> : vector<256x8xf32>
      %dot_general3A_97 = tpu.matmul %convert_element_type3A_93, %slice3A, %dot_general3A_96 {dimension_numbers = #tpu.dot_dimension_numbers<[1], [0], [0], [1], [0, 0, 1, 1], [], []>, transpose_lhs_hint = false} : vector<256x256xf32>, vector<256x8xf32>, vector<256x8xf32> -> vector<256x8xf32>
      %add3A_98 = vector.broadcast %broadcast_in_dim3A_95 : vector<1x8xf32> to vector<256x8xf32>
      %add3A_99 = arith.addf %add3A_98, %dot_general3A_97 : vector<256x8xf32>
      %add3A_100 = vector.broadcast %dot_general3A_89 : vector<1x8xf32> to vector<256x8xf32>
      %add3A_101 = arith.addf %add3A_100, %add3A_99 : vector<256x8xf32>
      %mul3A_102 = arith.mulf %slice3A, %add3A_101 : vector<256x8xf32>
      %reduce_sum3A_103 = arith.constant dense<0.000000e+00> : vector<256xf32>
      %reduce_sum3A_104 = vector.multi_reduction <add>, %mul3A_102, %reduce_sum3A_103 [1] : vector<256x8xf32> to vector<256xf32>
      %broadcast_in_dim3A_105 = vector.shape_cast %reduce_sum3A_104 : vector<256xf32> to vector<256x1xf32>
      %convert_element_type3A_106 = arith.fptosi %broadcast_in_dim3A_105 : vector<256x1xf32> to vector<256x1xi32>
      %swap3A_107 = arith.constant 0 : index
      %swap3A_108 = arith.constant 0 : index
      %swap3A_109 = vector.load %arg5[%swap3A_107, %swap3A_108] : memref<4096x1xi32, #tpu.memory_space<vmem>>, vector<256x1xi32>
      tpu.vector_store %arg5[%swap3A_107, %swap3A_108], %convert_element_type3A_106 {strides = array<i32>} : memref<4096x1xi32, #tpu.memory_space<vmem>>, vector<256x1xi32>,
      %reduce_sum3A_110 = arith.constant dense<0.000000e+00> : vector<8xf32>
      %reduce_sum3A_111 = vector.multi_reduction <add>, %slice3A, %reduce_sum3A_110 [0] : vector<256x8xf32> to vector<8xf32>
      %broadcast_in_dim3A_112 = vector.shape_cast %reduce_sum3A_111 : vector<8xf32> to vector<1x8xf32>
      %add3A_113 = arith.addf %broadcast_in_dim3A_95, %broadcast_in_dim3A_112 : vector<1x8xf32>
      %slice3A_114 = vector.extract_strided_slice %convert_element_type3A_48 {offsets = [256, 0], sizes = [256, 8], strides = [1, 1]} : vector<2048x8xf32> to vector<256x8xf32>
      %dot_general3A_115 = arith.constant dense<0.000000e+00> : vector<256x8xf32>
      %dot_general3A_116 = tpu.matmul %convert_element_type3A_93, %slice3A_114, %dot_general3A_115 {dimension_numbers = #tpu.dot_dimension_numbers<[1], [0], [0], [1], [0, 0, 1, 1], [], []>, transpose_lhs_hint = false} : vector<256x256xf32>, vector<256x8xf32>, vector<256x8xf32> -> vector<256x8xf32>
      %add3A_117 = vector.broadcast %add3A_113 : vector<1x8xf32> to vector<256x8xf32>
      %add3A_118 = arith.addf %add3A_117, %dot_general3A_116 : vector<256x8xf32>
      %add3A_119 = vector.broadcast %dot_general3A_89 : vector<1x8xf32> to vector<256x8xf32>
      %add3A_120 = arith.addf %add3A_119, %add3A_118 : vector<256x8xf32>
      %mul3A_121 = arith.mulf %slice3A_114, %add3A_120 : vector<256x8xf32>
      %reduce_sum3A_122 = arith.constant dense<0.000000e+00> : vector<256xf32>
      %reduce_sum3A_123 = vector.multi_reduction <add>, %mul3A_121, %reduce_sum3A_122 [1] : vector<256x8xf32> to vector<256xf32>
      %broadcast_in_dim3A_124 = vector.shape_cast %reduce_sum3A_123 : vector<256xf32> to vector<256x1xf32>
      %convert_element_type3A_125 = arith.fptosi %broadcast_in_dim3A_124 : vector<256x1xf32> to vector<256x1xi32>
      %swap3A_126 = arith.constant 256 : index
      %swap3A_127 = arith.constant 0 : index
      %swap3A_128 = vector.load %arg5[%swap3A_126, %swap3A_127] : memref<4096x1xi32, #tpu.memory_space<vmem>>, vector<256x1xi32>
      tpu.vector_store %arg5[%swap3A_126, %swap3A_127], %convert_element_type3A_125 {strides = array<i32>} : memref<4096x1xi32, #tpu.memory_space<vmem>>, vector<256x1xi32>,
      %reduce_sum3A_129 = arith.constant dense<0.000000e+00> : vector<8xf32>
      %reduce_sum3A_130 = vector.multi_reduction <add>, %slice3A_114, %reduce_sum3A_129 [0] : vector<256x8xf32> to vector<8xf32>
      %broadcast_in_dim3A_131 = vector.shape_cast %reduce_sum3A_130 : vector<8xf32> to vector<1x8xf32>
      %add3A_132 = arith.addf %add3A_113, %broadcast_in_dim3A_131 : vector<1x8xf32>
      %slice3A_133 = vector.extract_strided_slice %convert_element_type3A_48 {offsets = [512, 0], sizes = [256, 8], strides = [1, 1]} : vector<2048x8xf32> to vector<256x8xf32>
      %dot_general3A_134 = arith.constant dense<0.000000e+00> : vector<256x8xf32>
      %dot_general3A_135 = tpu.matmul %convert_element_type3A_93, %slice3A_133, %dot_general3A_134 {dimension_numbers = #tpu.dot_dimension_numbers<[1], [0], [0], [1], [0, 0, 1, 1], [], []>, transpose_lhs_hint = false} : vector<256x256xf32>, vector<256x8xf32>, vector<256x8xf32> -> vector<256x8xf32>
      %add3A_136 = vector.broadcast %add3A_132 : vector<1x8xf32> to vector<256x8xf32>
      %add3A_137 = arith.addf %add3A_136, %dot_general3A_135 : vector<256x8xf32>
      %add3A_138 = vector.broadcast %dot_general3A_89 : vector<1x8xf32> to vector<256x8xf32>
      %add3A_139 = arith.addf %add3A_138, %add3A_137 : vector<256x8xf32>
      %mul3A_140 = arith.mulf %slice3A_133, %add3A_139 : vector<256x8xf32>
      %reduce_sum3A_141 = arith.constant dense<0.000000e+00> : vector<256xf32>
      %reduce_sum3A_142 = vector.multi_reduction <add>, %mul3A_140, %reduce_sum3A_141 [1] : vector<256x8xf32> to vector<256xf32>
      %broadcast_in_dim3A_143 = vector.shape_cast %reduce_sum3A_142 : vector<256xf32> to vector<256x1xf32>
      %convert_element_type3A_144 = arith.fptosi %broadcast_in_dim3A_143 : vector<256x1xf32> to vector<256x1xi32>
      %swap3A_145 = arith.constant 512 : index
      %swap3A_146 = arith.constant 0 : index
      %swap3A_147 = vector.load %arg5[%swap3A_145, %swap3A_146] : memref<4096x1xi32, #tpu.memory_space<vmem>>, vector<256x1xi32>
      tpu.vector_store %arg5[%swap3A_145, %swap3A_146], %convert_element_type3A_144 {strides = array<i32>} : memref<4096x1xi32, #tpu.memory_space<vmem>>, vector<256x1xi32>,
      %reduce_sum3A_148 = arith.constant dense<0.000000e+00> : vector<8xf32>
      %reduce_sum3A_149 = vector.multi_reduction <add>, %slice3A_133, %reduce_sum3A_148 [0] : vector<256x8xf32> to vector<8xf32>
      %broadcast_in_dim3A_150 = vector.shape_cast %reduce_sum3A_149 : vector<8xf32> to vector<1x8xf32>
      %add3A_151 = arith.addf %add3A_132, %broadcast_in_dim3A_150 : vector<1x8xf32>
      %slice3A_152 = vector.extract_strided_slice %convert_element_type3A_48 {offsets = [768, 0], sizes = [256, 8], strides = [1, 1]} : vector<2048x8xf32> to vector<256x8xf32>
      %dot_general3A_153 = arith.constant dense<0.000000e+00> : vector<256x8xf32>
      %dot_general3A_154 = tpu.matmul %convert_element_type3A_93, %slice3A_152, %dot_general3A_153 {dimension_numbers = #tpu.dot_dimension_numbers<[1], [0], [0], [1], [0, 0, 1, 1], [], []>, transpose_lhs_hint = false} : vector<256x256xf32>, vector<256x8xf32>, vector<256x8xf32> -> vector<256x8xf32>
      %add3A_155 = vector.broadcast %add3A_151 : vector<1x8xf32> to vector<256x8xf32>
      %add3A_156 = arith.addf %add3A_155, %dot_general3A_154 : vector<256x8xf32>
      %add3A_157 = vector.broadcast %dot_general3A_89 : vector<1x8xf32> to vector<256x8xf32>
      %add3A_158 = arith.addf %add3A_157, %add3A_156 : vector<256x8xf32>
      %mul3A_159 = arith.mulf %slice3A_152, %add3A_158 : vector<256x8xf32>
      %reduce_sum3A_160 = arith.constant dense<0.000000e+00> : vector<256xf32>
      %reduce_sum3A_161 = vector.multi_reduction <add>, %mul3A_159, %reduce_sum3A_160 [1] : vector<256x8xf32> to vector<256xf32>
      %broadcast_in_dim3A_162 = vector.shape_cast %reduce_sum3A_161 : vector<256xf32> to vector<256x1xf32>
      %convert_element_type3A_163 = arith.fptosi %broadcast_in_dim3A_162 : vector<256x1xf32> to vector<256x1xi32>
      %swap3A_164 = arith.constant 768 : index
      %swap3A_165 = arith.constant 0 : index
      %swap3A_166 = vector.load %arg5[%swap3A_164, %swap3A_165] : memref<4096x1xi32, #tpu.memory_space<vmem>>, vector<256x1xi32>
      tpu.vector_store %arg5[%swap3A_164, %swap3A_165], %convert_element_type3A_163 {strides = array<i32>} : memref<4096x1xi32, #tpu.memory_space<vmem>>, vector<256x1xi32>,
      %reduce_sum3A_167 = arith.constant dense<0.000000e+00> : vector<8xf32>
      %reduce_sum3A_168 = vector.multi_reduction <add>, %slice3A_152, %reduce_sum3A_167 [0] : vector<256x8xf32> to vector<8xf32>
      %broadcast_in_dim3A_169 = vector.shape_cast %reduce_sum3A_168 : vector<8xf32> to vector<1x8xf32>
      %add3A_170 = arith.addf %add3A_151, %broadcast_in_dim3A_169 : vector<1x8xf32>
      %slice3A_171 = vector.extract_strided_slice %convert_element_type3A_48 {offsets = [1024, 0], sizes = [256, 8], strides = [1, 1]} : vector<2048x8xf32> to vector<256x8xf32>
      %dot_general3A_172 = arith.constant dense<0.000000e+00> : vector<256x8xf32>
      %dot_general3A_173 = tpu.matmul %convert_element_type3A_93, %slice3A_171, %dot_general3A_172 {dimension_numbers = #tpu.dot_dimension_numbers<[1], [0], [0], [1], [0, 0, 1, 1], [], []>, transpose_lhs_hint = false} : vector<256x256xf32>, vector<256x8xf32>, vector<256x8xf32> -> vector<256x8xf32>
      %add3A_174 = vector.broadcast %add3A_170 : vector<1x8xf32> to vector<256x8xf32>
      %add3A_175 = arith.addf %add3A_174, %dot_general3A_173 : vector<256x8xf32>
      %add3A_176 = vector.broadcast %dot_general3A_89 : vector<1x8xf32> to vector<256x8xf32>
      %add3A_177 = arith.addf %add3A_176, %add3A_175 : vector<256x8xf32>
      %mul3A_178 = arith.mulf %slice3A_171, %add3A_177 : vector<256x8xf32>
      %reduce_sum3A_179 = arith.constant dense<0.000000e+00> : vector<256xf32>
      %reduce_sum3A_180 = vector.multi_reduction <add>, %mul3A_178, %reduce_sum3A_179 [1] : vector<256x8xf32> to vector<256xf32>
      %broadcast_in_dim3A_181 = vector.shape_cast %reduce_sum3A_180 : vector<256xf32> to vector<256x1xf32>
      %convert_element_type3A_182 = arith.fptosi %broadcast_in_dim3A_181 : vector<256x1xf32> to vector<256x1xi32>
      %swap3A_183 = arith.constant 1024 : index
      %swap3A_184 = arith.constant 0 : index
      %swap3A_185 = vector.load %arg5[%swap3A_183, %swap3A_184] : memref<4096x1xi32, #tpu.memory_space<vmem>>, vector<256x1xi32>
      tpu.vector_store %arg5[%swap3A_183, %swap3A_184], %convert_element_type3A_182 {strides = array<i32>} : memref<4096x1xi32, #tpu.memory_space<vmem>>, vector<256x1xi32>,
      %reduce_sum3A_186 = arith.constant dense<0.000000e+00> : vector<8xf32>
      %reduce_sum3A_187 = vector.multi_reduction <add>, %slice3A_171, %reduce_sum3A_186 [0] : vector<256x8xf32> to vector<8xf32>
      %broadcast_in_dim3A_188 = vector.shape_cast %reduce_sum3A_187 : vector<8xf32> to vector<1x8xf32>
      %add3A_189 = arith.addf %add3A_170, %broadcast_in_dim3A_188 : vector<1x8xf32>
      %slice3A_190 = vector.extract_strided_slice %convert_element_type3A_48 {offsets = [1280, 0], sizes = [256, 8], strides = [1, 1]} : vector<2048x8xf32> to vector<256x8xf32>
      %dot_general3A_191 = arith.constant dense<0.000000e+00> : vector<256x8xf32>
      %dot_general3A_192 = tpu.matmul %convert_element_type3A_93, %slice3A_190, %dot_general3A_191 {dimension_numbers = #tpu.dot_dimension_numbers<[1], [0], [0], [1], [0, 0, 1, 1], [], []>, transpose_lhs_hint = false} : vector<256x256xf32>, vector<256x8xf32>, vector<256x8xf32> -> vector<256x8xf32>
      %add3A_193 = vector.broadcast %add3A_189 : vector<1x8xf32> to vector<256x8xf32>
      %add3A_194 = arith.addf %add3A_193, %dot_general3A_192 : vector<256x8xf32>
      %add3A_195 = vector.broadcast %dot_general3A_89 : vector<1x8xf32> to vector<256x8xf32>
      %add3A_196 = arith.addf %add3A_195, %add3A_194 : vector<256x8xf32>
      %mul3A_197 = arith.mulf %slice3A_190, %add3A_196 : vector<256x8xf32>
      %reduce_sum3A_198 = arith.constant dense<0.000000e+00> : vector<256xf32>
      %reduce_sum3A_199 = vector.multi_reduction <add>, %mul3A_197, %reduce_sum3A_198 [1] : vector<256x8xf32> to vector<256xf32>
      %broadcast_in_dim3A_200 = vector.shape_cast %reduce_sum3A_199 : vector<256xf32> to vector<256x1xf32>
      %convert_element_type3A_201 = arith.fptosi %broadcast_in_dim3A_200 : vector<256x1xf32> to vector<256x1xi32>
      %swap3A_202 = arith.constant 1280 : index
      %swap3A_203 = arith.constant 0 : index
      %swap3A_204 = vector.load %arg5[%swap3A_202, %swap3A_203] : memref<4096x1xi32, #tpu.memory_space<vmem>>, vector<256x1xi32>
      tpu.vector_store %arg5[%swap3A_202, %swap3A_203], %convert_element_type3A_201 {strides = array<i32>} : memref<4096x1xi32, #tpu.memory_space<vmem>>, vector<256x1xi32>,
      %reduce_sum3A_205 = arith.constant dense<0.000000e+00> : vector<8xf32>
      %reduce_sum3A_206 = vector.multi_reduction <add>, %slice3A_190, %reduce_sum3A_205 [0] : vector<256x8xf32> to vector<8xf32>
      %broadcast_in_dim3A_207 = vector.shape_cast %reduce_sum3A_206 : vector<8xf32> to vector<1x8xf32>
      %add3A_208 = arith.addf %add3A_189, %broadcast_in_dim3A_207 : vector<1x8xf32>
      %slice3A_209 = vector.extract_strided_slice %convert_element_type3A_48 {offsets = [1536, 0], sizes = [256, 8], strides = [1, 1]} : vector<2048x8xf32> to vector<256x8xf32>
      %dot_general3A_210 = arith.constant dense<0.000000e+00> : vector<256x8xf32>
      %dot_general3A_211 = tpu.matmul %convert_element_type3A_93, %slice3A_209, %dot_general3A_210 {dimension_numbers = #tpu.dot_dimension_numbers<[1], [0], [0], [1], [0, 0, 1, 1], [], []>, transpose_lhs_hint = false} : vector<256x256xf32>, vector<256x8xf32>, vector<256x8xf32> -> vector<256x8xf32>
      %add3A_212 = vector.broadcast %add3A_208 : vector<1x8xf32> to vector<256x8xf32>
      %add3A_213 = arith.addf %add3A_212, %dot_general3A_211 : vector<256x8xf32>
      %add3A_214 = vector.broadcast %dot_general3A_89 : vector<1x8xf32> to vector<256x8xf32>
      %add3A_215 = arith.addf %add3A_214, %add3A_213 : vector<256x8xf32>
      %mul3A_216 = arith.mulf %slice3A_209, %add3A_215 : vector<256x8xf32>
      %reduce_sum3A_217 = arith.constant dense<0.000000e+00> : vector<256xf32>
      %reduce_sum3A_218 = vector.multi_reduction <add>, %mul3A_216, %reduce_sum3A_217 [1] : vector<256x8xf32> to vector<256xf32>
      %broadcast_in_dim3A_219 = vector.shape_cast %reduce_sum3A_218 : vector<256xf32> to vector<256x1xf32>
      %convert_element_type3A_220 = arith.fptosi %broadcast_in_dim3A_219 : vector<256x1xf32> to vector<256x1xi32>
      %swap3A_221 = arith.constant 1536 : index
      %swap3A_222 = arith.constant 0 : index
      %swap3A_223 = vector.load %arg5[%swap3A_221, %swap3A_222] : memref<4096x1xi32, #tpu.memory_space<vmem>>, vector<256x1xi32>
      tpu.vector_store %arg5[%swap3A_221, %swap3A_222], %convert_element_type3A_220 {strides = array<i32>} : memref<4096x1xi32, #tpu.memory_space<vmem>>, vector<256x1xi32>,
      %reduce_sum3A_224 = arith.constant dense<0.000000e+00> : vector<8xf32>
      %reduce_sum3A_225 = vector.multi_reduction <add>, %slice3A_209, %reduce_sum3A_224 [0] : vector<256x8xf32> to vector<8xf32>
      %broadcast_in_dim3A_226 = vector.shape_cast %reduce_sum3A_225 : vector<8xf32> to vector<1x8xf32>
      %add3A_227 = arith.addf %add3A_208, %broadcast_in_dim3A_226 : vector<1x8xf32>
      %slice3A_228 = vector.extract_strided_slice %convert_element_type3A_48 {offsets = [1792, 0], sizes = [256, 8], strides = [1, 1]} : vector<2048x8xf32> to vector<256x8xf32>
      %dot_general3A_229 = arith.constant dense<0.000000e+00> : vector<256x8xf32>
      %dot_general3A_230 = tpu.matmul %convert_element_type3A_93, %slice3A_228, %dot_general3A_229 {dimension_numbers = #tpu.dot_dimension_numbers<[1], [0], [0], [1], [0, 0, 1, 1], [], []>, transpose_lhs_hint = false} : vector<256x256xf32>, vector<256x8xf32>, vector<256x8xf32> -> vector<256x8xf32>
      %add3A_231 = vector.broadcast %add3A_227 : vector<1x8xf32> to vector<256x8xf32>
      %add3A_232 = arith.addf %add3A_231, %dot_general3A_230 : vector<256x8xf32>
      %add3A_233 = vector.broadcast %dot_general3A_89 : vector<1x8xf32> to vector<256x8xf32>
      %add3A_234 = arith.addf %add3A_233, %add3A_232 : vector<256x8xf32>
      %mul3A_235 = arith.mulf %slice3A_228, %add3A_234 : vector<256x8xf32>
      %reduce_sum3A_236 = arith.constant dense<0.000000e+00> : vector<256xf32>
      %reduce_sum3A_237 = vector.multi_reduction <add>, %mul3A_235, %reduce_sum3A_236 [1] : vector<256x8xf32> to vector<256xf32>
      %broadcast_in_dim3A_238 = vector.shape_cast %reduce_sum3A_237 : vector<256xf32> to vector<256x1xf32>
      %convert_element_type3A_239 = arith.fptosi %broadcast_in_dim3A_238 : vector<256x1xf32> to vector<256x1xi32>
      %swap3A_240 = arith.constant 1792 : index
      %swap3A_241 = arith.constant 0 : index
      %swap3A_242 = vector.load %arg5[%swap3A_240, %swap3A_241] : memref<4096x1xi32, #tpu.memory_space<vmem>>, vector<256x1xi32>
      tpu.vector_store %arg5[%swap3A_240, %swap3A_241], %convert_element_type3A_239 {strides = array<i32>} : memref<4096x1xi32, #tpu.memory_space<vmem>>, vector<256x1xi32>,
      %add3A_243 = arith.addf %dot_general3A_89, %broadcast_in_dim3A_73 : vector<1x8xf32>
      %broadcast_in_dim3A_244 = arith.constant 0.000000e+00 : f32
      %broadcast_in_dim3A_245 = vector.broadcast %broadcast_in_dim3A_244 : f32 to vector<1x8xf32>
      %slice3A_246 = vector.extract_strided_slice %convert_element_type3A_52 {offsets = [0, 0], sizes = [256, 8], strides = [1, 1]} : vector<2048x8xf32> to vector<256x8xf32>
      %dot_general3A_247 = arith.constant dense<0.000000e+00> : vector<256x8xf32>
      %dot_general3A_248 = tpu.matmul %convert_element_type3A_93, %slice3A_246, %dot_general3A_247 {dimension_numbers = #tpu.dot_dimension_numbers<[1], [0], [0], [1], [0, 0, 1, 1], [], []>, transpose_lhs_hint = false} : vector<256x256xf32>, vector<256x8xf32>, vector<256x8xf32> -> vector<256x8xf32>
      %add3A_249 = vector.broadcast %broadcast_in_dim3A_245 : vector<1x8xf32> to vector<256x8xf32>
      %add3A_250 = arith.addf %add3A_249, %dot_general3A_248 : vector<256x8xf32>
      %add3A_251 = vector.broadcast %add3A_243 : vector<1x8xf32> to vector<256x8xf32>
      %add3A_252 = arith.addf %add3A_251, %add3A_250 : vector<256x8xf32>
      %mul3A_253 = arith.mulf %slice3A_246, %add3A_252 : vector<256x8xf32>
      %reduce_sum3A_254 = arith.constant dense<0.000000e+00> : vector<256xf32>
      %reduce_sum3A_255 = vector.multi_reduction <add>, %mul3A_253, %reduce_sum3A_254 [1] : vector<256x8xf32> to vector<256xf32>
      %broadcast_in_dim3A_256 = vector.shape_cast %reduce_sum3A_255 : vector<256xf32> to vector<256x1xf32>
      %convert_element_type3A_257 = arith.fptosi %broadcast_in_dim3A_256 : vector<256x1xf32> to vector<256x1xi32>
      %swap3A_258 = arith.constant 2048 : index
      %swap3A_259 = arith.constant 0 : index
      %swap3A_260 = vector.load %arg5[%swap3A_258, %swap3A_259] : memref<4096x1xi32, #tpu.memory_space<vmem>>, vector<256x1xi32>
      tpu.vector_store %arg5[%swap3A_258, %swap3A_259], %convert_element_type3A_257 {strides = array<i32>} : memref<4096x1xi32, #tpu.memory_space<vmem>>, vector<256x1xi32>,
      %reduce_sum3A_261 = arith.constant dense<0.000000e+00> : vector<8xf32>
      %reduce_sum3A_262 = vector.multi_reduction <add>, %slice3A_246, %reduce_sum3A_261 [0] : vector<256x8xf32> to vector<8xf32>
      %broadcast_in_dim3A_263 = vector.shape_cast %reduce_sum3A_262 : vector<8xf32> to vector<1x8xf32>
      %add3A_264 = arith.addf %broadcast_in_dim3A_245, %broadcast_in_dim3A_263 : vector<1x8xf32>
      %slice3A_265 = vector.extract_strided_slice %convert_element_type3A_52 {offsets = [256, 0], sizes = [256, 8], strides = [1, 1]} : vector<2048x8xf32> to vector<256x8xf32>
      %dot_general3A_266 = arith.constant dense<0.000000e+00> : vector<256x8xf32>
      %dot_general3A_267 = tpu.matmul %convert_element_type3A_93, %slice3A_265, %dot_general3A_266 {dimension_numbers = #tpu.dot_dimension_numbers<[1], [0], [0], [1], [0, 0, 1, 1], [], []>, transpose_lhs_hint = false} : vector<256x256xf32>, vector<256x8xf32>, vector<256x8xf32> -> vector<256x8xf32>
      %add3A_268 = vector.broadcast %add3A_264 : vector<1x8xf32> to vector<256x8xf32>
      %add3A_269 = arith.addf %add3A_268, %dot_general3A_267 : vector<256x8xf32>
      %add3A_270 = vector.broadcast %add3A_243 : vector<1x8xf32> to vector<256x8xf32>
      %add3A_271 = arith.addf %add3A_270, %add3A_269 : vector<256x8xf32>
      %mul3A_272 = arith.mulf %slice3A_265, %add3A_271 : vector<256x8xf32>
      %reduce_sum3A_273 = arith.constant dense<0.000000e+00> : vector<256xf32>
      %reduce_sum3A_274 = vector.multi_reduction <add>, %mul3A_272, %reduce_sum3A_273 [1] : vector<256x8xf32> to vector<256xf32>
      %broadcast_in_dim3A_275 = vector.shape_cast %reduce_sum3A_274 : vector<256xf32> to vector<256x1xf32>
      %convert_element_type3A_276 = arith.fptosi %broadcast_in_dim3A_275 : vector<256x1xf32> to vector<256x1xi32>
      %swap3A_277 = arith.constant 2304 : index
      %swap3A_278 = arith.constant 0 : index
      %swap3A_279 = vector.load %arg5[%swap3A_277, %swap3A_278] : memref<4096x1xi32, #tpu.memory_space<vmem>>, vector<256x1xi32>
      tpu.vector_store %arg5[%swap3A_277, %swap3A_278], %convert_element_type3A_276 {strides = array<i32>} : memref<4096x1xi32, #tpu.memory_space<vmem>>, vector<256x1xi32>,
      %reduce_sum3A_280 = arith.constant dense<0.000000e+00> : vector<8xf32>
      %reduce_sum3A_281 = vector.multi_reduction <add>, %slice3A_265, %reduce_sum3A_280 [0] : vector<256x8xf32> to vector<8xf32>
      %broadcast_in_dim3A_282 = vector.shape_cast %reduce_sum3A_281 : vector<8xf32> to vector<1x8xf32>
      %add3A_283 = arith.addf %add3A_264, %broadcast_in_dim3A_282 : vector<1x8xf32>
      %slice3A_284 = vector.extract_strided_slice %convert_element_type3A_52 {offsets = [512, 0], sizes = [256, 8], strides = [1, 1]} : vector<2048x8xf32> to vector<256x8xf32>
      %dot_general3A_285 = arith.constant dense<0.000000e+00> : vector<256x8xf32>
      %dot_general3A_286 = tpu.matmul %convert_element_type3A_93, %slice3A_284, %dot_general3A_285 {dimension_numbers = #tpu.dot_dimension_numbers<[1], [0], [0], [1], [0, 0, 1, 1], [], []>, transpose_lhs_hint = false} : vector<256x256xf32>, vector<256x8xf32>, vector<256x8xf32> -> vector<256x8xf32>
      %add3A_287 = vector.broadcast %add3A_283 : vector<1x8xf32> to vector<256x8xf32>
      %add3A_288 = arith.addf %add3A_287, %dot_general3A_286 : vector<256x8xf32>
      %add3A_289 = vector.broadcast %add3A_243 : vector<1x8xf32> to vector<256x8xf32>
      %add3A_290 = arith.addf %add3A_289, %add3A_288 : vector<256x8xf32>
      %mul3A_291 = arith.mulf %slice3A_284, %add3A_290 : vector<256x8xf32>
      %reduce_sum3A_292 = arith.constant dense<0.000000e+00> : vector<256xf32>
      %reduce_sum3A_293 = vector.multi_reduction <add>, %mul3A_291, %reduce_sum3A_292 [1] : vector<256x8xf32> to vector<256xf32>
      %broadcast_in_dim3A_294 = vector.shape_cast %reduce_sum3A_293 : vector<256xf32> to vector<256x1xf32>
      %convert_element_type3A_295 = arith.fptosi %broadcast_in_dim3A_294 : vector<256x1xf32> to vector<256x1xi32>
      %swap3A_296 = arith.constant 2560 : index
      %swap3A_297 = arith.constant 0 : index
      %swap3A_298 = vector.load %arg5[%swap3A_296, %swap3A_297] : memref<4096x1xi32, #tpu.memory_space<vmem>>, vector<256x1xi32>
      tpu.vector_store %arg5[%swap3A_296, %swap3A_297], %convert_element_type3A_295 {strides = array<i32>} : memref<4096x1xi32, #tpu.memory_space<vmem>>, vector<256x1xi32>,
      %reduce_sum3A_299 = arith.constant dense<0.000000e+00> : vector<8xf32>
      %reduce_sum3A_300 = vector.multi_reduction <add>, %slice3A_284, %reduce_sum3A_299 [0] : vector<256x8xf32> to vector<8xf32>
      %broadcast_in_dim3A_301 = vector.shape_cast %reduce_sum3A_300 : vector<8xf32> to vector<1x8xf32>
      %add3A_302 = arith.addf %add3A_283, %broadcast_in_dim3A_301 : vector<1x8xf32>
      %slice3A_303 = vector.extract_strided_slice %convert_element_type3A_52 {offsets = [768, 0], sizes = [256, 8], strides = [1, 1]} : vector<2048x8xf32> to vector<256x8xf32>
      %dot_general3A_304 = arith.constant dense<0.000000e+00> : vector<256x8xf32>
      %dot_general3A_305 = tpu.matmul %convert_element_type3A_93, %slice3A_303, %dot_general3A_304 {dimension_numbers = #tpu.dot_dimension_numbers<[1], [0], [0], [1], [0, 0, 1, 1], [], []>, transpose_lhs_hint = false} : vector<256x256xf32>, vector<256x8xf32>, vector<256x8xf32> -> vector<256x8xf32>
      %add3A_306 = vector.broadcast %add3A_302 : vector<1x8xf32> to vector<256x8xf32>
      %add3A_307 = arith.addf %add3A_306, %dot_general3A_305 : vector<256x8xf32>
      %add3A_308 = vector.broadcast %add3A_243 : vector<1x8xf32> to vector<256x8xf32>
      %add3A_309 = arith.addf %add3A_308, %add3A_307 : vector<256x8xf32>
      %mul3A_310 = arith.mulf %slice3A_303, %add3A_309 : vector<256x8xf32>
      %reduce_sum3A_311 = arith.constant dense<0.000000e+00> : vector<256xf32>
      %reduce_sum3A_312 = vector.multi_reduction <add>, %mul3A_310, %reduce_sum3A_311 [1] : vector<256x8xf32> to vector<256xf32>
      %broadcast_in_dim3A_313 = vector.shape_cast %reduce_sum3A_312 : vector<256xf32> to vector<256x1xf32>
      %convert_element_type3A_314 = arith.fptosi %broadcast_in_dim3A_313 : vector<256x1xf32> to vector<256x1xi32>
      %swap3A_315 = arith.constant 2816 : index
      %swap3A_316 = arith.constant 0 : index
      %swap3A_317 = vector.load %arg5[%swap3A_315, %swap3A_316] : memref<4096x1xi32, #tpu.memory_space<vmem>>, vector<256x1xi32>
      tpu.vector_store %arg5[%swap3A_315, %swap3A_316], %convert_element_type3A_314 {strides = array<i32>} : memref<4096x1xi32, #tpu.memory_space<vmem>>, vector<256x1xi32>,
      %reduce_sum3A_318 = arith.constant dense<0.000000e+00> : vector<8xf32>
      %reduce_sum3A_319 = vector.multi_reduction <add>, %slice3A_303, %reduce_sum3A_318 [0] : vector<256x8xf32> to vector<8xf32>
      %broadcast_in_dim3A_320 = vector.shape_cast %reduce_sum3A_319 : vector<8xf32> to vector<1x8xf32>
      %add3A_321 = arith.addf %add3A_302, %broadcast_in_dim3A_320 : vector<1x8xf32>
      %slice3A_322 = vector.extract_strided_slice %convert_element_type3A_52 {offsets = [1024, 0], sizes = [256, 8], strides = [1, 1]} : vector<2048x8xf32> to vector<256x8xf32>
      %dot_general3A_323 = arith.constant dense<0.000000e+00> : vector<256x8xf32>
      %dot_general3A_324 = tpu.matmul %convert_element_type3A_93, %slice3A_322, %dot_general3A_323 {dimension_numbers = #tpu.dot_dimension_numbers<[1], [0], [0], [1], [0, 0, 1, 1], [], []>, transpose_lhs_hint = false} : vector<256x256xf32>, vector<256x8xf32>, vector<256x8xf32> -> vector<256x8xf32>
      %add3A_325 = vector.broadcast %add3A_321 : vector<1x8xf32> to vector<256x8xf32>
      %add3A_326 = arith.addf %add3A_325, %dot_general3A_324 : vector<256x8xf32>
      %add3A_327 = vector.broadcast %add3A_243 : vector<1x8xf32> to vector<256x8xf32>
      %add3A_328 = arith.addf %add3A_327, %add3A_326 : vector<256x8xf32>
      %mul3A_329 = arith.mulf %slice3A_322, %add3A_328 : vector<256x8xf32>
      %reduce_sum3A_330 = arith.constant dense<0.000000e+00> : vector<256xf32>
      %reduce_sum3A_331 = vector.multi_reduction <add>, %mul3A_329, %reduce_sum3A_330 [1] : vector<256x8xf32> to vector<256xf32>
      %broadcast_in_dim3A_332 = vector.shape_cast %reduce_sum3A_331 : vector<256xf32> to vector<256x1xf32>
      %convert_element_type3A_333 = arith.fptosi %broadcast_in_dim3A_332 : vector<256x1xf32> to vector<256x1xi32>
      %swap3A_334 = arith.constant 3072 : index
      %swap3A_335 = arith.constant 0 : index
      %swap3A_336 = vector.load %arg5[%swap3A_334, %swap3A_335] : memref<4096x1xi32, #tpu.memory_space<vmem>>, vector<256x1xi32>
      tpu.vector_store %arg5[%swap3A_334, %swap3A_335], %convert_element_type3A_333 {strides = array<i32>} : memref<4096x1xi32, #tpu.memory_space<vmem>>, vector<256x1xi32>,
      %reduce_sum3A_337 = arith.constant dense<0.000000e+00> : vector<8xf32>
      %reduce_sum3A_338 = vector.multi_reduction <add>, %slice3A_322, %reduce_sum3A_337 [0] : vector<256x8xf32> to vector<8xf32>
      %broadcast_in_dim3A_339 = vector.shape_cast %reduce_sum3A_338 : vector<8xf32> to vector<1x8xf32>
      %add3A_340 = arith.addf %add3A_321, %broadcast_in_dim3A_339 : vector<1x8xf32>
      %slice3A_341 = vector.extract_strided_slice %convert_element_type3A_52 {offsets = [1280, 0], sizes = [256, 8], strides = [1, 1]} : vector<2048x8xf32> to vector<256x8xf32>
      %dot_general3A_342 = arith.constant dense<0.000000e+00> : vector<256x8xf32>
      %dot_general3A_343 = tpu.matmul %convert_element_type3A_93, %slice3A_341, %dot_general3A_342 {dimension_numbers = #tpu.dot_dimension_numbers<[1], [0], [0], [1], [0, 0, 1, 1], [], []>, transpose_lhs_hint = false} : vector<256x256xf32>, vector<256x8xf32>, vector<256x8xf32> -> vector<256x8xf32>
      %add3A_344 = vector.broadcast %add3A_340 : vector<1x8xf32> to vector<256x8xf32>
      %add3A_345 = arith.addf %add3A_344, %dot_general3A_343 : vector<256x8xf32>
      %add3A_346 = vector.broadcast %add3A_243 : vector<1x8xf32> to vector<256x8xf32>
      %add3A_347 = arith.addf %add3A_346, %add3A_345 : vector<256x8xf32>
      %mul3A_348 = arith.mulf %slice3A_341, %add3A_347 : vector<256x8xf32>
      %reduce_sum3A_349 = arith.constant dense<0.000000e+00> : vector<256xf32>
      %reduce_sum3A_350 = vector.multi_reduction <add>, %mul3A_348, %reduce_sum3A_349 [1] : vector<256x8xf32> to vector<256xf32>
      %broadcast_in_dim3A_351 = vector.shape_cast %reduce_sum3A_350 : vector<256xf32> to vector<256x1xf32>
      %convert_element_type3A_352 = arith.fptosi %broadcast_in_dim3A_351 : vector<256x1xf32> to vector<256x1xi32>
      %swap3A_353 = arith.constant 3328 : index
      %swap3A_354 = arith.constant 0 : index
      %swap3A_355 = vector.load %arg5[%swap3A_353, %swap3A_354] : memref<4096x1xi32, #tpu.memory_space<vmem>>, vector<256x1xi32>
      tpu.vector_store %arg5[%swap3A_353, %swap3A_354], %convert_element_type3A_352 {strides = array<i32>} : memref<4096x1xi32, #tpu.memory_space<vmem>>, vector<256x1xi32>,
      %reduce_sum3A_356 = arith.constant dense<0.000000e+00> : vector<8xf32>
      %reduce_sum3A_357 = vector.multi_reduction <add>, %slice3A_341, %reduce_sum3A_356 [0] : vector<256x8xf32> to vector<8xf32>
      %broadcast_in_dim3A_358 = vector.shape_cast %reduce_sum3A_357 : vector<8xf32> to vector<1x8xf32>
      %add3A_359 = arith.addf %add3A_340, %broadcast_in_dim3A_358 : vector<1x8xf32>
      %slice3A_360 = vector.extract_strided_slice %convert_element_type3A_52 {offsets = [1536, 0], sizes = [256, 8], strides = [1, 1]} : vector<2048x8xf32> to vector<256x8xf32>
      %dot_general3A_361 = arith.constant dense<0.000000e+00> : vector<256x8xf32>
      %dot_general3A_362 = tpu.matmul %convert_element_type3A_93, %slice3A_360, %dot_general3A_361 {dimension_numbers = #tpu.dot_dimension_numbers<[1], [0], [0], [1], [0, 0, 1, 1], [], []>, transpose_lhs_hint = false} : vector<256x256xf32>, vector<256x8xf32>, vector<256x8xf32> -> vector<256x8xf32>
      %add3A_363 = vector.broadcast %add3A_359 : vector<1x8xf32> to vector<256x8xf32>
      %add3A_364 = arith.addf %add3A_363, %dot_general3A_362 : vector<256x8xf32>
      %add3A_365 = vector.broadcast %add3A_243 : vector<1x8xf32> to vector<256x8xf32>
      %add3A_366 = arith.addf %add3A_365, %add3A_364 : vector<256x8xf32>
      %mul3A_367 = arith.mulf %slice3A_360, %add3A_366 : vector<256x8xf32>
      %reduce_sum3A_368 = arith.constant dense<0.000000e+00> : vector<256xf32>
      %reduce_sum3A_369 = vector.multi_reduction <add>, %mul3A_367, %reduce_sum3A_368 [1] : vector<256x8xf32> to vector<256xf32>
      %broadcast_in_dim3A_370 = vector.shape_cast %reduce_sum3A_369 : vector<256xf32> to vector<256x1xf32>
      %convert_element_type3A_371 = arith.fptosi %broadcast_in_dim3A_370 : vector<256x1xf32> to vector<256x1xi32>
      %swap3A_372 = arith.constant 3584 : index
      %swap3A_373 = arith.constant 0 : index
      %swap3A_374 = vector.load %arg5[%swap3A_372, %swap3A_373] : memref<4096x1xi32, #tpu.memory_space<vmem>>, vector<256x1xi32>
      tpu.vector_store %arg5[%swap3A_372, %swap3A_373], %convert_element_type3A_371 {strides = array<i32>} : memref<4096x1xi32, #tpu.memory_space<vmem>>, vector<256x1xi32>,
      %reduce_sum3A_375 = arith.constant dense<0.000000e+00> : vector<8xf32>
      %reduce_sum3A_376 = vector.multi_reduction <add>, %slice3A_360, %reduce_sum3A_375 [0] : vector<256x8xf32> to vector<8xf32>
      %broadcast_in_dim3A_377 = vector.shape_cast %reduce_sum3A_376 : vector<8xf32> to vector<1x8xf32>
      %add3A_378 = arith.addf %add3A_359, %broadcast_in_dim3A_377 : vector<1x8xf32>
      %slice3A_379 = vector.extract_strided_slice %convert_element_type3A_52 {offsets = [1792, 0], sizes = [256, 8], strides = [1, 1]} : vector<2048x8xf32> to vector<256x8xf32>
      %dot_general3A_380 = arith.constant dense<0.000000e+00> : vector<256x8xf32>
      %dot_general3A_381 = tpu.matmul %convert_element_type3A_93, %slice3A_379, %dot_general3A_380 {dimension_numbers = #tpu.dot_dimension_numbers<[1], [0], [0], [1], [0, 0, 1, 1], [], []>, transpose_lhs_hint = false} : vector<256x256xf32>, vector<256x8xf32>, vector<256x8xf32> -> vector<256x8xf32>
      %add3A_382 = vector.broadcast %add3A_378 : vector<1x8xf32> to vector<256x8xf32>
      %add3A_383 = arith.addf %add3A_382, %dot_general3A_381 : vector<256x8xf32>
      %add3A_384 = vector.broadcast %add3A_243 : vector<1x8xf32> to vector<256x8xf32>
      %add3A_385 = arith.addf %add3A_384, %add3A_383 : vector<256x8xf32>
      %mul3A_386 = arith.mulf %slice3A_379, %add3A_385 : vector<256x8xf32>
      %reduce_sum3A_387 = arith.constant dense<0.000000e+00> : vector<256xf32>
      %reduce_sum3A_388 = vector.multi_reduction <add>, %mul3A_386, %reduce_sum3A_387 [1] : vector<256x8xf32> to vector<256xf32>
      %broadcast_in_dim3A_389 = vector.shape_cast %reduce_sum3A_388 : vector<256xf32> to vector<256x1xf32>
      %convert_element_type3A_390 = arith.fptosi %broadcast_in_dim3A_389 : vector<256x1xf32> to vector<256x1xi32>
      %swap3A_391 = arith.constant 3840 : index
      %swap3A_392 = arith.constant 0 : index
      %swap3A_393 = vector.load %arg5[%swap3A_391, %swap3A_392] : memref<4096x1xi32, #tpu.memory_space<vmem>>, vector<256x1xi32>
      tpu.vector_store %arg5[%swap3A_391, %swap3A_392], %convert_element_type3A_390 {strides = array<i32>} : memref<4096x1xi32, #tpu.memory_space<vmem>>, vector<256x1xi32>,
      %iota3A_394 = tpu.iota {dimensions = array<i32: 0>} : vector<16x8xi32>
      %convert_element_type3A_395 = arith.sitofp %iota3A_394 : vector<16x8xi32> to vector<16x8xf32>
      %mul3A_396 = arith.constant 5.120000e+02 : f32
      %mul3A_397 = vector.broadcast %mul3A_396 : f32 to vector<16x8xf32>
      %mul3A_398 = arith.mulf %convert_element_type3A_395, %mul3A_397 : vector<16x8xf32>
      %ge3A = vector.broadcast %dot_general3A_89 : vector<1x8xf32> to vector<16x8xf32>
      %ge3A_399 = arith.cmpf oge, %mul3A_398, %ge3A : vector<16x8xf32>
      %convert_element_type3A_400 = arith.extui %ge3A_399 : vector<16x8xi1> to vector<16x8xi32>
      %convert_element_type3A_401 = arith.sitofp %convert_element_type3A_400 : vector<16x8xi32> to vector<16x8xf32>
      %reduce_sum3A_402 = arith.constant dense<0.000000e+00> : vector<16xf32>
      %reduce_sum3A_403 = vector.multi_reduction <add>, %convert_element_type3A_401, %reduce_sum3A_402 [1] : vector<16x8xf32> to vector<16xf32>
      %broadcast_in_dim3A_404 = vector.shape_cast %reduce_sum3A_403 : vector<16xf32> to vector<16x1xf32>
      %sub3A = arith.constant 1.000000e+00 : f32
      %sub3A_405 = vector.broadcast %sub3A : f32 to vector<16x1xf32>
      %sub3A_406 = arith.subf %broadcast_in_dim3A_404, %sub3A_405 : vector<16x1xf32>
      %convert_element_type3A_407 = arith.fptosi %sub3A_406 : vector<16x1xf32> to vector<16x1xi32>
      %swap3A_408 = arith.constant 0 : index
      %swap3A_409 = arith.constant 0 : index
      %swap3A_410 = vector.load %arg8[%swap3A_408, %swap3A_409] : memref<16x1xi32, #tpu.memory_space<vmem>>, vector<16x1xi32>
      tpu.vector_store %arg8[%swap3A_408, %swap3A_409], %convert_element_type3A_407 {strides = array<i32>} : memref<16x1xi32, #tpu.memory_space<vmem>>, vector<16x1xi32>,
      %reduce_sum3A_411 = arith.constant dense<0.000000e+00> : vector<1xf32>
      %reduce_sum3A_412 = vector.multi_reduction <add>, %mul3A_83, %reduce_sum3A_411 [1] : vector<1x8xf32> to vector<1xf32>
      %broadcast_in_dim3A_413 = vector.shape_cast %reduce_sum3A_412 : vector<1xf32> to vector<1x1xf32>
      %mul3A_414 = arith.constant 0.001953125 : f32
      %mul3A_415 = vector.broadcast %mul3A_414 : f32 to vector<1x1xf32>
      %mul3A_416 = arith.mulf %broadcast_in_dim3A_413, %mul3A_415 : vector<1x1xf32>
      %convert_element_type3A_417 = arith.fptosi %mul3A_416 : vector<1x1xf32> to vector<1x1xi32>
      %swap3A_418 = arith.constant 0 : index
      %swap3A_419 = arith.constant 0 : index
      %swap3A_420 = vector.load %arg9[%swap3A_418, %swap3A_419] : memref<1x1xi32, #tpu.memory_space<vmem>>, vector<1x1xi32>
      tpu.vector_store %arg9[%swap3A_418, %swap3A_419], %convert_element_type3A_417 {strides = array<i32>} : memref<1x1xi32, #tpu.memory_space<vmem>>, vector<1x1xi32>,
    } else {
    }
    return
  }
  func.func @transform_0(%arg0: i32) -> (i32, i32) {
    %c0_i32 = arith.constant 0 : i32
    %c0_i32_0 = arith.constant 0 : i32
    %c0_i32_1 = arith.constant 0 : i32
    return %c0_i32, %c0_i32_0 : i32, i32
  }
  func.func @transform_1(%arg0: i32) -> (i32, i32) {
    %c0_i32 = arith.constant 0 : i32
    %c0_i32_0 = arith.constant 0 : i32
    %c0_i32_1 = arith.constant 0 : i32
    return %c0_i32, %c0_i32_0 : i32, i32
  }
  func.func @transform_2(%arg0: i32) -> (i32, i32) {
    %c0_i32 = arith.constant 0 : i32
    %c0_i32_0 = arith.constant 0 : i32
    %c0_i32_1 = arith.constant 0 : i32
    return %c0_i32, %c0_i32_0 : i32, i32
  }
  func.func @transform_3(%arg0: i32) -> (i32, i32) {
    %c0_i32 = arith.constant 0 : i32
    %c0_i32_0 = arith.constant 0 : i32
    return %arg0, %c0_i32 : i32, i32
  }
  func.func @transform_4(%arg0: i32) -> (i32, i32) {
    %c0_i32 = arith.constant 0 : i32
    %c0_i32_0 = arith.constant 0 : i32
    %c0_i32_1 = arith.constant 0 : i32
    return %c0_i32, %c0_i32_0 : i32, i32
  }
  func.func @transform_5(%arg0: i32) -> (i32, i32) {
    %c0_i32 = arith.constant 0 : i32
    %c0_i32_0 = arith.constant 0 : i32
    %c0_i32_1 = arith.constant 0 : i32
    return %c0_i32, %c0_i32_0 : i32, i32
  }
  func.func @transform_6(%arg0: i32) -> (i32, i32) {
    %c0_i32 = arith.constant 0 : i32
    %c0_i32_0 = arith.constant 0 : i32
    %c0_i32_1 = arith.constant 0 : i32
    return %c0_i32, %c0_i32_0 : i32, i32
  }
  func.func @transform_7(%arg0: i32) -> (i32, i32) {
    %c0_i32 = arith.constant 0 : i32
    %c0_i32_0 = arith.constant 0 : i32
    %c0_i32_1 = arith.constant 0 : i32
    return %c0_i32, %c0_i32_0 : i32, i32
  }
  func.func @transform_8(%arg0: i32) -> (i32, i32) {
    %c0_i32 = arith.constant 0 : i32
    %c0_i32_0 = arith.constant 0 : i32
    %c0_i32_1 = arith.constant 0 : i32
    return %c0_i32, %c0_i32_0 : i32, i32
  }
  func.func @transform_9(%arg0: i32) -> (i32, i32) {
    %c0_i32 = arith.constant 0 : i32
    %c0_i32_0 = arith.constant 0 : i32
    return %arg0, %c0_i32 : i32, i32
  }
}

module attributes {stable_mosaic.version = 14 : i64} {
  func.func @_gmm_body(%arg0: i32, %arg1: memref<16xi32, #tpu.memory_space<smem>>, %arg2: memref<1xi32, #tpu.memory_space<smem>>, %arg3: memref<512x1024xf32, #tpu.memory_space<vmem>>, %arg4: memref<1x512x1024xi32, #tpu.memory_space<vmem>>, %arg5: memref<1x1024x1024xbf16, #tpu.memory_space<vmem>>, %arg6: memref<1x512x1024xi32, #tpu.memory_space<vmem>>, %arg7: memref<512x1024xf32, #tpu.memory_space<vmem>>) attributes {dimension_semantics = [#tpu.dimension_semantics<arbitrary>], iteration_bounds = array<i64: 16>, scalar_prefetch = 2 : i64, scratch_operands = 0 : i64, tpu.core_type = #tpu.core_type<tc>, window_params = [{transform_indices = @transform_0, window_bounds = array<i64: 512, 1024>}, {transform_indices = @transform_1, window_bounds = array<i64: 1, 512, 1024>}, {transform_indices = @transform_2, window_bounds = array<i64: 1, 1024, 1024>}, {transform_indices = @transform_3, window_bounds = array<i64: 1, 512, 1024>}, {transform_indices = @transform_4, window_bounds = array<i64: 512, 1024>}]} {
    %get3A = arith.constant 0 : index
    %get3A_0 = memref.load %arg2[%get3A] : memref<1xi32, #tpu.memory_space<smem>>
    %lt3A = arith.cmpi slt, %arg0, %get3A_0 : i32
    %convert_element_type3A = arith.extui %lt3A : i1 to i32
    %cond3A = arith.constant 0 : i32
    %cond3A_1 = arith.cmpi ne, %convert_element_type3A, %cond3A : i32
    scf.if %cond3A_1 {
      %get3A_2 = arith.constant 0 : index
      %get3A_3 = arith.constant 0 : index
      %get3A_4 = vector.load %arg3[%get3A_2, %get3A_3] : memref<512x1024xf32, #tpu.memory_space<vmem>>, vector<512x1024xf32>
      %convert_element_type3A_5 = arith.truncf %get3A_4 : vector<512x1024xf32> to vector<512x1024xbf16>
      %get3A_6 = arith.constant 0 : index
      %get3A_7 = arith.constant 0 : index
      %get3A_8 = arith.constant 0 : index
      %get3A_9 = vector.load %arg4[%get3A_6, %get3A_7, %get3A_8] : memref<1x512x1024xi32, #tpu.memory_space<vmem>>, vector<1x512x1024xi32>
      %get3A_10 = vector.shape_cast %get3A_9 : vector<1x512x1024xi32> to vector<512x1024xi32>
      %bitcast3A = tpu.bitcast %get3A_10 : vector<512x1024xi32> -> vector<1024x1024xbf16>
      %dot_general3A = arith.constant dense<0.000000e+00> : vector<512x1024xf32>
      %dot_general3A_11 = tpu.matmul %convert_element_type3A_5, %bitcast3A, %dot_general3A {dimension_numbers = #tpu.dot_dimension_numbers<[1], [1], [0], [0], [0, 0, 1, 0], [], []>, transpose_lhs_hint = false} : vector<512x1024xbf16>, vector<1024x1024xbf16>, vector<512x1024xf32> -> vector<512x1024xf32>
      %get3A_12 = arith.constant 0 : index
      %get3A_13 = arith.constant 0 : index
      %get3A_14 = arith.constant 0 : index
      %get3A_15 = vector.load %arg5[%get3A_12, %get3A_13, %get3A_14] : memref<1x1024x1024xbf16, #tpu.memory_space<vmem>>, vector<1x1024x1024xbf16>
      %get3A_16 = vector.shape_cast %get3A_15 : vector<1x1024x1024xbf16> to vector<1024x1024xbf16>
      %dot_general3A_17 = arith.constant dense<0.000000e+00> : vector<512x1024xf32>
      %dot_general3A_18 = tpu.matmul %convert_element_type3A_5, %get3A_16, %dot_general3A_17 {dimension_numbers = #tpu.dot_dimension_numbers<[1], [1], [0], [0], [0, 0, 1, 0], [], []>, transpose_lhs_hint = false} : vector<512x1024xbf16>, vector<1024x1024xbf16>, vector<512x1024xf32> -> vector<512x1024xf32>
      %logistic3A = arith.negf %dot_general3A_11 : vector<512x1024xf32>
      %logistic3A_19 = math.exp %logistic3A : vector<512x1024xf32>
      %logistic3A_20 = arith.constant 1.000000e+00 : f32
      %logistic3A_21 = vector.broadcast %logistic3A_20 : f32 to vector<512x1024xf32>
      %logistic3A_22 = arith.addf %logistic3A_21, %logistic3A_19 : vector<512x1024xf32>
      %logistic3A_23 = arith.divf %logistic3A_21, %logistic3A_22 : vector<512x1024xf32>
      %mul3A = arith.mulf %dot_general3A_11, %logistic3A_23 : vector<512x1024xf32>
      %mul3A_24 = arith.mulf %mul3A, %dot_general3A_18 : vector<512x1024xf32>
      %convert_element_type3A_25 = arith.truncf %mul3A_24 : vector<512x1024xf32> to vector<512x1024xbf16>
      %get3A_26 = arith.constant 0 : index
      %get3A_27 = arith.constant 0 : index
      %get3A_28 = arith.constant 0 : index
      %get3A_29 = vector.load %arg6[%get3A_26, %get3A_27, %get3A_28] : memref<1x512x1024xi32, #tpu.memory_space<vmem>>, vector<1x512x1024xi32>
      %get3A_30 = vector.shape_cast %get3A_29 : vector<1x512x1024xi32> to vector<512x1024xi32>
      %bitcast3A_31 = tpu.bitcast %get3A_30 : vector<512x1024xi32> -> vector<1024x1024xbf16>
      %dot_general3A_32 = arith.constant dense<0.000000e+00> : vector<512x1024xf32>
      %dot_general3A_33 = tpu.matmul %convert_element_type3A_25, %bitcast3A_31, %dot_general3A_32 {dimension_numbers = #tpu.dot_dimension_numbers<[1], [1], [0], [0], [0, 0, 1, 0], [], []>, transpose_lhs_hint = false} : vector<512x1024xbf16>, vector<1024x1024xbf16>, vector<512x1024xf32> -> vector<512x1024xf32>
      %swap3A = arith.constant 0 : index
      %swap3A_34 = arith.constant 0 : index
      %swap3A_35 = vector.load %arg7[%swap3A, %swap3A_34] : memref<512x1024xf32, #tpu.memory_space<vmem>>, vector<512x1024xf32>
      tpu.vector_store %arg7[%swap3A, %swap3A_34], %dot_general3A_33 {strides = array<i32>} : memref<512x1024xf32, #tpu.memory_space<vmem>>, vector<512x1024xf32>,
    } else {
    }
    return
  }
  func.func @transform_0(%arg0: i32, %arg1: memref<16xi32, #tpu.memory_space<smem>>, %arg2: memref<1xi32, #tpu.memory_space<smem>>) -> (i32, i32) {
    %get3A = arith.constant 0 : index
    %get3A_0 = memref.load %arg2[%get3A] : memref<1xi32, #tpu.memory_space<smem>>
    %lt3A = arith.cmpi slt, %arg0, %get3A_0 : i32
    %jit3A = arith.constant 15 : i32
    %select_n3A = arith.select %lt3A, %arg0, %jit3A : i32
    %c0_i32 = arith.constant 0 : i32
    %c0_i32_1 = arith.constant 0 : i32
    return %select_n3A, %c0_i32 : i32, i32
  }
  func.func @transform_1(%arg0: i32, %arg1: memref<16xi32, #tpu.memory_space<smem>>, %arg2: memref<1xi32, #tpu.memory_space<smem>>) -> (i32, i32, i32) {
    %get3A = arith.index_cast %arg0 : i32 to index
    %get3A_0 = memref.load %arg1[%get3A] : memref<16xi32, #tpu.memory_space<smem>>
    %c0_i32 = arith.constant 0 : i32
    %c0_i32_1 = arith.constant 0 : i32
    %c0_i32_2 = arith.constant 0 : i32
    return %get3A_0, %c0_i32, %c0_i32_1 : i32, i32, i32
  }
  func.func @transform_2(%arg0: i32, %arg1: memref<16xi32, #tpu.memory_space<smem>>, %arg2: memref<1xi32, #tpu.memory_space<smem>>) -> (i32, i32, i32) {
    %get3A = arith.index_cast %arg0 : i32 to index
    %get3A_0 = memref.load %arg1[%get3A] : memref<16xi32, #tpu.memory_space<smem>>
    %c0_i32 = arith.constant 0 : i32
    %c0_i32_1 = arith.constant 0 : i32
    %c0_i32_2 = arith.constant 0 : i32
    return %get3A_0, %c0_i32, %c0_i32_1 : i32, i32, i32
  }
  func.func @transform_3(%arg0: i32, %arg1: memref<16xi32, #tpu.memory_space<smem>>, %arg2: memref<1xi32, #tpu.memory_space<smem>>) -> (i32, i32, i32) {
    %get3A = arith.index_cast %arg0 : i32 to index
    %get3A_0 = memref.load %arg1[%get3A] : memref<16xi32, #tpu.memory_space<smem>>
    %c0_i32 = arith.constant 0 : i32
    %c0_i32_1 = arith.constant 0 : i32
    %c0_i32_2 = arith.constant 0 : i32
    return %get3A_0, %c0_i32, %c0_i32_1 : i32, i32, i32
  }
  func.func @transform_4(%arg0: i32, %arg1: memref<16xi32, #tpu.memory_space<smem>>, %arg2: memref<1xi32, #tpu.memory_space<smem>>) -> (i32, i32) {
    %get3A = arith.constant 0 : index
    %get3A_0 = memref.load %arg2[%get3A] : memref<1xi32, #tpu.memory_space<smem>>
    %lt3A = arith.cmpi slt, %arg0, %get3A_0 : i32
    %jit3A = arith.constant 15 : i32
    %select_n3A = arith.select %lt3A, %arg0, %jit3A : i32
    %c0_i32 = arith.constant 0 : i32
    %c0_i32_1 = arith.constant 0 : i32
    return %select_n3A, %c0_i32 : i32, i32
  }
}

</mosaic_0001>

<sc_bundles>
// kernel: kernel.10.cloned.1.call-start
scs
__scs_entry_jumppad:
0x0: {  	(pc) =	sbr.rel $0x88, $3  }
0x1: {  	(tag) =	ssettag $0x0;
	lr =	simm.s32 $0x1  }
0x2: {  	[smem:$0x3F9B] =	sst lr;
	_ =	strace $0xD0000000  }
0x3: {  	_ = 	snop  }
0x4: {  	_ = 	snop  }
0x5: {  	_ = 	snop  }
0x6: {  	_ = 	snop  }
0x7: {  	_ = 	snop  }
__scs_overlays_trampoline_lowered:
0x8: {  	[smem:$0x3FAA] =	sst s0  }
0x9: {  	[smem:$0x3FAB] =	sst s1  }
0xa: {  	[smem:$0x3FAC] =	sst s2  }
0xb: {  	[smem:$0x3FAD] =	sst s3  }
0xc: {  	[smem:$0x3FAE] =	sst s4  }
0xd: {  	[smem:$0x3FAF] =	sst s5  }
0xe: {  	[smem:$0x3FB0] =	sst s6  }
0xf: {  	[smem:$0x3FB1] =	sst s7  }
0x10: {  	[smem:$0x3FB2] =	sst s8  }
0x11: {  	[smem:$0x3FB3] =	sst s9;
	s0 =	simm.s32 @!p0 $0x0  }
0x12: {  	s1 =	sld [smem:$0x3F99];
	s0 =	simm.s32 @p0 $0x1  }
0x13: {  	[smem:$0x3FB4] =	sst s0;
	s0 =	simm.s32 @!p1 $0x0  }
0x14: {  	s2 =	sld [smem:$0x3F98];
	s0 =	simm.s32 @p1 $0x1  }
0x15: {  	[smem:$0x3FB5] =	sst s0;
	s0 =	simm.s32 @!p2 $0x0  }
0x16: {  	s3 =	sld [smem:$0x3FDB];
	s0 =	simm.s32 @p2 $0x1  }
0x17: {  	s4 =	simm.s32 $0x1BF5;
	[smem:$0x3FB7] =	sst s0  }
0x18: {  	s0 =	sld [smem:$0x3F9A];
	_ =	swait.ge [sflag:s4], $0x0  }
0x19: {  	s7 =	sld [smem:$0x3F9B]  }
0x1a: {  	s8 =	sadd.s32 $0xFFFFE003, lr  }
0x1b: {  	s9 =	sadd.s32 $0xFFFFFEF7, lr;
	s5 =	simm.s32 $0xFFFFFFFF;
	p2 =	slt.u32 s8, $0xFFFFF086  }
0x1c: {  	p1 =	slt.u32 s9, $0xF7A;
	s5 =	simm.s32 @!p2 $0x0  }
0x1d: {  	s5 =	simm.s32 @p1 $0x1;
	p0 =	seq.s32 s7, s2  }
0x1e: {  	s7 =	smul.u32 @!p0 $0xF7A, s2;
	p2 =	seq.s32 @!p0 s5, $0x0  }
0x1f: {  	s9 =	smul.u32 $0xF7A, s1;
	s8 =	simm.s32 @!p0 $0x1BF5;
	p2 =	por !p2, p0  }
0x20: {  	[sflag:s8] =	ssyncset.s32 @!p0 $0xFFFFF086;
	s6 =	sadd.s32 @!p0 s3, s7;
	s7 =	simm.s32 @!p0 $0x108  }
0x21: {  	s3 =	sadd.s32 s3, s9;
	s6 =	sadd.s32 @!p0 $0x88, s6;
	s7 =	simm.s32 @p2 $0x1082  }
0x22: {  	[simem:s7], [sflag:s8] =	dma.local @!p0 [hbm:s6], $0xF7A  }
0x23: {  	s9 =	sor.u32 $0xD0000000, s2;
	s6 =	simm.s32 $0x108;
	_ =	swait.ge @!p0 [sflag:s8], $0x0  }
0x24: {  	s3 =	sadd.s32 $0x88, s3;
	s6 =	simm.s32 @!p1 $0x1082;
	[sflag:s4] =	ssyncset.s32 $0xFFFFF086  }
0x25: {  	[simem:s6], [sflag:s4] =	dma.local [hbm:s3], $0xF7A  }
0x26: {  	[smem:$0x3F9B] =	sst s1;
	(tag) =	ssettag s2;
	_ =	strace s9  }
0x27: {  	s1 =	sld [smem:$0x3FAB]  }
0x28: {  	s2 =	sld [smem:$0x3FAC]  }
0x29: {  	s4 =	sld [smem:$0x3FAE]  }
0x2a: {  	p0 =	seq.s32 s5, $0x0;
	s5 =	sld [smem:$0x3FAF]  }
0x2b: {  	s6 =	sld [smem:$0x3FB0]  }
0x2c: {  	s7 =	sld [smem:$0x3FB1]  }
0x2d: {  	s3 =	simm.s32 $0x108;
	s8 =	sld [smem:$0x3FB2]  }
0x2e: {  	s3 =	simm.s32 @!p0 $0x1082;
	s9 =	sld [smem:$0x3FB3]  }
0x2f: {  	lr =	sadd.s32 s0, s3;
	s0 =	sld [smem:$0x3FAA]  }
0x30: {  	s3 =	sld [smem:$0x3FAD]  }
0x31: {  	[smem:$0x3FB6] =	sst s10  }
0x32: {  	s10 =	sld [smem:$0x3FB4];
	_ =	sdelay $0x3  }
0x33: {  	p0 =	seq.s32 s10, $0x1;
	s10 =	sld [smem:$0x3FB6];
	_ =	sdelay $0x3  }
0x34: {  	[smem:$0x3FB6] =	sst s10  }
0x35: {  	s10 =	sld [smem:$0x3FB5];
	_ =	sdelay $0x3  }
0x36: {  	p1 =	seq.s32 s10, $0x1;
	s10 =	sld [smem:$0x3FB6];
	_ =	sdelay $0x3  }
0x37: {  	[smem:$0x3FB6] =	sst s10  }
0x38: {  	s10 =	sld [smem:$0x3FB7]  }
0x39: {  	_ = 	snop;
	(pc) =	sbr.ind lr, $3  }
0x3a: {  	_ = 	snop  }
0x3b: {  	_ = 	snop  }
0x3c: {  	p2 =	seq.s32 s10, $0x1;
	s10 =	sld [smem:$0x3FB6]  }
0x3d: {  	_ =	shalt  }
0x3e: {  	_ =	shalt  }
0x3f: {  	_ =	shalt  }
0x40: {  	_ =	shalt  }
0x41: {  	_ =	shalt  }
0x42: {  	_ =	shalt  }
0x43: {  	_ =	shalt  }
0x44: {  	_ =	shalt  }
0x45: {  	_ =	shalt  }
0x46: {  	_ =	shalt  }
0x47: {  	_ =	shalt  }
0x48: {  	_ =	shalt  }
0x49: {  	_ =	shalt  }
0x4a: {  	_ =	shalt  }
0x4b: {  	_ =	shalt  }
0x4c: {  	_ =	shalt  }
0x4d: {  	_ =	shalt  }
0x4e: {  	_ =	shalt  }
0x4f: {  	_ =	shalt  }
0x50: {  	_ =	shalt  }
0x51: {  	_ =	shalt  }
0x52: {  	_ =	shalt  }
0x53: {  	_ =	shalt  }
0x54: {  	_ =	shalt  }
0x55: {  	_ =	shalt  }
0x56: {  	_ =	shalt  }
0x57: {  	_ =	shalt  }
0x58: {  	_ =	shalt  }
0x59: {  	_ =	shalt  }
0x5a: {  	_ =	shalt  }
0x5b: {  	_ =	shalt  }
0x5c: {  	_ =	shalt  }
0x5d: {  	_ =	shalt  }
0x5e: {  	_ =	shalt  }
0x5f: {  	_ =	shalt  }
0x60: {  	_ =	shalt  }
0x61: {  	_ =	shalt  }
0x62: {  	_ =	shalt  }
0x63: {  	_ =	shalt  }
0x64: {  	_ =	shalt  }
0x65: {  	_ =	shalt  }
0x66: {  	_ =	shalt  }
0x67: {  	_ =	shalt  }
0x68: {  	_ =	shalt  }
0x69: {  	_ =	shalt  }
0x6a: {  	_ =	shalt  }
0x6b: {  	_ =	shalt  }
0x6c: {  	_ =	shalt  }
0x6d: {  	_ =	shalt  }
0x6e: {  	_ =	shalt  }
0x6f: {  	_ =	shalt  }
0x70: {  	_ =	shalt  }
0x71: {  	_ =	shalt  }
0x72: {  	_ =	shalt  }
0x73: {  	_ =	shalt  }
0x74: {  	_ =	shalt  }
0x75: {  	_ =	shalt  }
0x76: {  	_ =	shalt  }
0x77: {  	_ =	shalt  }
0x78: {  	_ =	shalt  }
0x79: {  	_ =	shalt  }
0x7a: {  	_ =	shalt  }
0x7b: {  	_ =	shalt  }
0x7c: {  	_ =	shalt  }
0x7d: {  	_ =	shalt  }
0x7e: {  	_ =	shalt  }
0x7f: {  	_ =	shalt  }
0x80: {  	_ =	shalt  }
0x81: {  	_ =	shalt  }
0x82: {  	_ =	shalt  }
0x83: {  	_ =	shalt  }
0x84: {  	_ =	shalt  }
0x85: {  	_ =	shalt  }
0x86: {  	_ =	shalt  }
0x87: {  	_ =	shalt  }
.Lfunc_end0:
.L_simem_size_0:
called_computation.1_lowered:
.L_overlay_start_0:
0x88: {  	s2 =	sld [smem:$0x3FD9]  }
0x89: {  	s3 =	sld [smem:$0x3FFE];
	_ =	sdelay $0x1  }
0x8a: {  	s1 =	srdreg.scid  }
0x8b: {  	s0 =	sand.u32 $0x1, s1  }
0x8c: {  	s17 =	sshll.u32 s0, $0xA;
	s2 =	sadd.s32 s3, s2  }
0x8d: {  	s2 =	sadd.s32 s2, s17  }
0x8e: {  	[smem:$0x3FC2] =	sst s2  }
0x8f: {  	_ = 	snop  }
0x90: {  	s2 =	sld [smem:$0x3FD0];
	(tm) =	ssettm $0x1  }
0x91: {  	s18 =	sld [smem:$0x3FFB];
	_ =	sdelay $0x3  }
0x92: {  	_ =	strace s18  }
0x93: {  	s3 =	sld [smem:$0x3FFC];
	_ =	sdelay $0x3  }
0x94: {  	_ =	strace s3  }
0x95: {  	s3 =	sld [smem:$0x3FFD];
	_ =	sdelay $0x3  }
0x96: {  	_ =	strace s3  }
0x97: {  	_ =	strace $0x8FFFFFFF  }
0x98: {  	s19 =	sld [smem:$0x3FDB];
	_ =	sdelay $0x1  }
0x99: {  	s4 =	simm.s32 $_scs_section_size  }
0x9a: {  	s5 =	simm.s32 $_size__tile_overlayer_lowered;
	s6 =	simm.s32 $_tile_overlayer_lowered  }
0x9b: {  	s22 =	simm.s32 $0x1BFF;
	s21 =	sshll.u32 s6, $0x1;
	s3 =	sadd.s32 s4, s19  }
0x9c: {  	s7 =	simm.s32 $0x0;
	s20 =	sshll.u32 s5, $0x1;
	s5 =	sadd.s32 s21, s3  }
0x9d: {  	[timem:s7], [sflag:s22] =	dma.local [hbm:s5], s20  }
0x9e: {  	_ =	swait.ge [sflag:s22], s20  }
0x9f: {  	s4 =	ssub.s32 $0x0, s20;
	[sflag:s22] =	ssyncset.done $0x0  }
0xa0: {  	[sflag:s22] =	ssyncadd.s32 s4;
	_ =	sdelay $0x1  }
0xa1: {  	s23 =	simm.s32 $0x1B8B  }
0xa2: {  	_ =	swait.ge [sflag:s23], $0x1  }
0xa3: {  	[sflag:s23] =	ssyncset.done $0x0  }
0xa4: {  	s25 =	simm.s32 $0x1B8E;
	s24 =	sld [smem:$0x3FFE];
	[sflag:s23] =	ssyncadd.s32 $0xFFFFFFFF  }
0xa5: {  	s26 =	simm.s32 $execute0_lowered;
	[smem:$0x3FD2] =	sst s25  }
0xa6: {  	s5 =	sshll.u32 s26, $0x1;
	_ =	strace $0x80000049;
	[dreg:$0x1] =	wrdreg $0xFFFFFFFF  }
0xa7: {  	s28 =	simm.s32 $_size_execute0_lowered;
	s3 =	sadd.s32 s3, s5;
	[dreg:$0x0] =	wrdreg $0x0  }
0xa8: {  	s5 =	sshll.u32 s28, $0x1;
	[dreg:$0x2] =	wrdreg s3  }
0xa9: {  	[dreg:$0x3] =	wrdreg s5  }
0xaa: {  	[dreg:$0x4] =	wrdreg $0xC0  }
0xab: {  	_ =	task [dreg:s7], $0x5FFFF  }
0xac: {  	[dreg:$0x1] =	wrdreg $0xFFFFFFFF  }
0xad: {  	[dreg:$0x0] =	wrdreg $0x60  }
0xae: {  	[dreg:$0x2] =	wrdreg s24  }
0xaf: {  	[dreg:$0x3] =	wrdreg s2  }
0xb0: {  	[dreg:$0x4] =	wrdreg $0x9  }
0xb1: {  	_ =	task.clear_ibuf [dreg:s7], $0x5FFFF;
	_ =	strace $0x90000049  }
0xb2: {  	s29 =	simm.s32 $0x9;
	_ =	strace $0x8000004B  }
0xb3: {  	_ =	swait.ge [sflag:s29], $0x1  }
0xb4: {  	[sflag:s29] =	ssyncadd.s32 $0xFFFFFFFF  }
0xb5: {  	_ =	strace $0x9000004B  }
0xb6: {  	_ =	sfence  }
0xb7: {  	s30 =	sld [smem:$0x0];
	_ =	sdelay $0x2  }
0xb8: {  	s31 =	sshll.u32 s1, $0xD;
	s1 =	sshrl.u32 s1, $0x2  }
0xb9: {  	s3 =	sand.u32 $0x4000, s31;
	s1 =	sadd.s32 s1, s30  }
0xba: {  	s0 =	sor.u32 s3, s0;
	s1 =	sshll.u32 s1, $0x11  }
0xbb: {  	s0 =	sor.u32 s1, s0  }
0xbc: {  	s0 =	sadd.s32 $0x8F2B, s0  }
0xbd: {  	[sflag:s0] =	ssyncadd.remote.s32 $0x1  }
0xbe: {  	_ =	sfence.sel $0xFFFF  }
0xbf: {  	[dreg:$0x0] =	wrdreg $0xFFFFFFFF;
	(pc) =	sbr.abs _section_cstart, $3  }
0xc0: {  	[dreg:$0x1] =	wrdreg $0xFFFFFFFF  }
0xc1: {  	_ =	task.clear_ibuf [dreg:s7], $0x2FFFF;
	_ =	strace $0x9FFFFFFF  }
0xc2: {  	(tm) =	ssettm $0x7FFFFFFF  }
0xc3: {  	_ =	shalt  }
tec
execute0_lowered:
.L_overlay_start_1:
0x0: {  	(tag) =	ssettag $0x1  }
0x1: {  	s0 =	rddreg [dreg:$0x0]  }
0x2: {  	s2 =	rddreg [dreg:$0x1];
	s1 =	simm.s32 $0x0  }
0x3: {  	s4 =	srdreg.scid;
	s6 =	stileid.u32;
	s28 =	simm.s32 $0xC100  }
0x4: {  	s29 =	simm.s32 $0xC900;
	s30 =	simm.s32 $0xD900;
	s14 =	simm.s32 $0xE100  }
0x5: {  	s31 =	simm.s32 $0xE900;
	[smem:$0x7FF] =	sst s1;
	s3 =	sadd.s32 $0x210E00, s0  }
0x6: {  	s4 =	sand.u32 $0x1, s4;
	s5 =	sadd.s32 $0x90C00, s0;
	s6 =	sshll.u32 s6, $0x7  }
0x7: {  	s11 =	sadd.s32 $0x80C00, s0;
	s15 =	sadd.s32 $0x88C00, s0;
	s7 =	sshll.u32 s4, $0x6  }
0x8: {  	s10 =	sadd.s32 $0x211100, s0;
	s4 =	ssub.s32 $0x2, s4;
	s6 =	sor.u32 s7, s6  }
0x9: {  	_ =	strace $0x8000004A;
	s8 =	sshrl.u32 s4, $0x1;
	s9 =	sshrl.u32 s6, $0x3  }
0xa: {  	s12 =	ssub.s32 s4, s8;
	s16 =	sshll.u32 s6, $0x4;
	s13 =	sor.u32 $0x20, s6  }
0xb: {  	s18 =	sshll.u32 s6, $0x7;
	s4 =	sadd.s32 s5, s9;
	s17 =	sadd.s32 s11, s16  }
0xc: {  	s8 =	sadd.s32 s15, s16;
	s19 =	sshrl.u32 s13, $0x3;
	s21 =	sshll.u32 s13, $0x4  }
0xd: {  	s24 =	sshll.u32 s13, $0x7;
	s26 =	smax.u32 s12, $0x1;
	[dreg:$0x4] =	wrdreg s17  }
0xe: {  	s12 =	simm.s32 $0xB900;
	s13 =	simm.s32 $0xD100;
	[dreg:$0x5] =	wrdreg s8  }
0xf: {  	s9 =	sadd.s32 $0x100, s4;
	s8 =	sadd.s32 $0x210F00, s0;
	[dreg:$0xc] =	wrdreg s26  }
0x10: {  	s20 =	sadd.s32 s5, s19;
	s22 =	sadd.s32 $0x104, s4;
	[dreg:$0x3] =	wrdreg s9  }
0x11: {  	s23 =	sadd.s32 s11, s21;
	s25 =	sadd.s32 s2, s24;
	[dreg:$0x7] =	wrdreg s20  }
0x12: {  	s19 =	simm.s32 $0x1;
	s24 =	simm.s32 $0x9900;
	[dreg:$0x8] =	wrdreg s22  }
0x13: {  	v2 =	vlaneseq.u32;
	s11 =	simm.s32 $0xA900;
	s26 =	simm.s32 $0xB100;
	[dreg:$0x9] =	wrdreg s23  }
0x14: {  	v0 =	vand.u32 $0x7, v2;
	v1 =	vshrl.u32 v2, $0x3;
	s9 =	sadd.s32 $0x211000, s0;
	s0 =	sadd.s32 s2, s18;
	[dreg:$0xb] =	wrdreg s25  }
0x15: {  	v63 =	vor.u32 $0x8, v2;
	[tilespmem:$0x1FFD0] =	vst v0;
	v62 =	vmul.u32 $0x8, v1;
	s18 =	simm.s32 $0x2;
	s20 =	simm.s32 $0x100;
	s25 =	simm.s32 $0xA100  }
0x16: {  	[tilespmem:$0x1FFF0] =	vst v63;
	s2 =	simm.s32 $0x0;
	[dreg:$0x6] =	wrdreg s0;
	s0 =	sadd.s32 s15, s21  }
0x17: {  	vm0 =	vmmov $0xffff;
	[tilespmem:$0x1FFE0] =	vst v62;
	s15 =	simm.s32 $0xF900;
	[dreg:$0xa] =	wrdreg s0;
	s0 =	simm.s32 $0xF100  }
.LBB2_1:
0x18: {  	[tilespmem:s1], [sflag:$0x2] =	stream.linear.gather [hbm4b:s4+s1], $0x20, $0x38;
	[tilespmem:$0x12100] =	vst v63  }
0x19: {  	_ =	swait.ge [sflag:s18], $0x20  }
0x1a: {  	[sflag:s18] =	ssyncset.done $0x0  }
0x1b: {  	s6 =	simm.s32 $0x80;
	s5 =	rddreg [dreg:$0x3];
	[sflag:s18] =	ssyncadd.s32 $0xFFFFFFE0  }
0x1c: {  	[tilespmem:s6], [sflag:$0x2] =	stream.linear.gather [hbm4b:s5+s1], $0x20, $0x38;
	[tilespmem:$0x12100] =	vst v63  }
0x1d: {  	_ =	swait.ge [sflag:s18], $0x20  }
0x1e: {  	[sflag:s18] =	ssyncset.done $0x0  }
0x1f: {  	s16 =	simm.s32 $0x10100;
	s7 =	rddreg [dreg:$0x4];
	[sflag:s18] =	ssyncadd.s32 $0xFFFFFFE0  }
0x20: {  	[tilespmem:s16], [sflag:$0x2] =	stream.linear.gather [hbm4b:s7+s1], $0x1000, $0x38;
	[tilespmem:$0x12100] =	vst v63  }
0x21: {  	_ =	swait.ge [sflag:s18], $0x1000  }
0x22: {  	[sflag:s18] =	ssyncset.done $0x0  }
0x23: {  	s5 =	simm.s32 $0x11100;
	s17 =	rddreg [dreg:$0x5];
	[sflag:s18] =	ssyncadd.s32 $0xFFFFF000  }
0x24: {  	[tilespmem:s5], [sflag:$0x2] =	stream.linear.gather [hbm4b:s17+s1], $0x1000, $0x38;
	[tilespmem:$0x12100] =	vst v63  }
0x25: {  	_ =	swait.ge [sflag:s18], $0x1000  }
0x26: {  	[sflag:s18] =	ssyncset.done $0x0  }
0x27: {  	[sflag:s18] =	ssyncadd.s32 $0xFFFFF000  }
0x28: {  	v3 =	vld [tilespmem:$0x0];
	_ =	sdelay $0x2  }
0x29: {  	v0 =	vld [tilespmem:$0x1FFD0];
	_ =	sdelay $0x1  }
0x2a: {  	v1 =	vld [tilespmem:$0x1FFE0];
	v4 =	vshll.u32 v3, $0x3  }
0x2b: {  	v3 =	vand.u32 $0x7, v3;
	v4 =	vand.u32 $0xFFFFFFC0, v4  }
0x2c: {  	v3 =	vor.u32 v3, v4  }
0x2d: {  	v4 =	vperm.xlane v3, v0;
	_ =	sdelay $0x1  }
0x2e: {  	v4 =	vadd.s32 v1, v4  }
0x2f: {  	v2 =	vld [tilespmem:$0x1FFF0];
	_ =	sdelay $0x3  }
0x30: {  	[tilespmem:s20], [sflag:$0x1] =	stream.indirect_vreg.gather [hbm4b:s3+s1], $0x80, v4, vm0, $0xb8;
	[tilespmem:$0x12100] =	vst v63  }
0x31: {  	s21 =	simm.s32 $0x900;
	v3 =	vperm.xlane v3, v2  }
0x32: {  	[tilespmem:s21], [sflag:$0x1] =	stream.indirect_vreg.gather [hbm4b:s8+s1], $0x80, v4, vm0, $0xb8;
	[tilespmem:$0x12100] =	vst v63  }
0x33: {  	s22 =	simm.s32 $0x1100;
	v3 =	vadd.s32 v1, v3  }
0x34: {  	[tilespmem:s22], [sflag:$0x1] =	stream.indirect_vreg.gather [hbm4b:s9+s1], $0x80, v4, vm0, $0xb8;
	[tilespmem:$0x12100] =	vst v63  }
0x35: {  	s23 =	simm.s32 $0x1900  }
0x36: {  	[tilespmem:s23], [sflag:$0x1] =	stream.indirect_vreg.gather [hbm4b:s10+s1], $0x80, v4, vm0, $0xb8;
	[tilespmem:$0x12100] =	vst v63  }
0x37: {  	s7 =	simm.s32 $0x2100  }
0x38: {  	[tilespmem:s7], [sflag:$0x1] =	stream.indirect_vreg.gather [hbm4b:s3+s1], $0x80, v3, vm0, $0xb8;
	[tilespmem:$0x12100] =	vst v63  }
0x39: {  	s17 =	simm.s32 $0x2900  }
0x3a: {  	[tilespmem:s17], [sflag:$0x1] =	stream.indirect_vreg.gather [hbm4b:s8+s1], $0x80, v3, vm0, $0xb8;
	[tilespmem:$0x12100] =	vst v63  }
0x3b: {  	s21 =	simm.s32 $0x3100  }
0x3c: {  	[tilespmem:s21], [sflag:$0x1] =	stream.indirect_vreg.gather [hbm4b:s9+s1], $0x80, v3, vm0, $0xb8;
	[tilespmem:$0x12100] =	vst v63  }
0x3d: {  	s22 =	simm.s32 $0x3900  }
0x3e: {  	[tilespmem:s22], [sflag:$0x1] =	stream.indirect_vreg.gather [hbm4b:s10+s1], $0x80, v3, vm0, $0xb8;
	[tilespmem:$0x12100] =	vst v63  }
0x3f: {  	v3 =	vld [tilespmem:$0x10];
	_ =	sdelay $0x4  }
0x40: {  	v60 =	vshll.u32 v3, $0x3  }
0x41: {  	v3 =	vand.u32 $0x7, v3;
	v4 =	vand.u32 $0xFFFFFFC0, v60  }
0x42: {  	v3 =	vor.u32 v3, v4  }
0x43: {  	v4 =	vperm.xlane v3, v0;
	_ =	sdelay $0x1  }
0x44: {  	v4 =	vadd.s32 v1, v4;
	_ =	sdelay $0x3  }
0x45: {  	s23 =	simm.s32 $0x4100  }
0x46: {  	[tilespmem:s23], [sflag:$0x1] =	stream.indirect_vreg.gather [hbm4b:s3+s1], $0x80, v4, vm0, $0xb8;
	[tilespmem:$0x12100] =	vst v63  }
0x47: {  	s7 =	simm.s32 $0x4900;
	v3 =	vperm.xlane v3, v2  }
0x48: {  	[tilespmem:s7], [sflag:$0x1] =	stream.indirect_vreg.gather [hbm4b:s8+s1], $0x80, v4, vm0, $0xb8;
	[tilespmem:$0x12100] =	vst v63  }
0x49: {  	s17 =	simm.s32 $0x5100;
	v3 =	vadd.s32 v1, v3  }
0x4a: {  	[tilespmem:s17], [sflag:$0x1] =	stream.indirect_vreg.gather [hbm4b:s9+s1], $0x80, v4, vm0, $0xb8;
	[tilespmem:$0x12100] =	vst v63  }
0x4b: {  	s21 =	simm.s32 $0x5900  }
0x4c: {  	[tilespmem:s21], [sflag:$0x1] =	stream.indirect_vreg.gather [hbm4b:s10+s1], $0x80, v4, vm0, $0xb8;
	[tilespmem:$0x12100] =	vst v63  }
0x4d: {  	s22 =	simm.s32 $0x6100  }
0x4e: {  	[tilespmem:s22], [sflag:$0x1] =	stream.indirect_vreg.gather [hbm4b:s3+s1], $0x80, v3, vm0, $0xb8;
	[tilespmem:$0x12100] =	vst v63  }
0x4f: {  	s23 =	simm.s32 $0x6900  }
0x50: {  	[tilespmem:s23], [sflag:$0x1] =	stream.indirect_vreg.gather [hbm4b:s8+s1], $0x80, v3, vm0, $0xb8;
	[tilespmem:$0x12100] =	vst v63  }
0x51: {  	s7 =	simm.s32 $0x7100  }
0x52: {  	[tilespmem:s7], [sflag:$0x1] =	stream.indirect_vreg.gather [hbm4b:s9+s1], $0x80, v3, vm0, $0xb8;
	[tilespmem:$0x12100] =	vst v63  }
0x53: {  	s17 =	simm.s32 $0x7900  }
0x54: {  	[tilespmem:s17], [sflag:$0x1] =	stream.indirect_vreg.gather [hbm4b:s10+s1], $0x80, v3, vm0, $0xb8;
	[tilespmem:$0x12100] =	vst v63  }
0x55: {  	_ =	swait.ge [sflag:s19], $0x8000  }
0x56: {  	[sflag:s19] =	ssyncset.done $0x0  }
0x57: {  	[sflag:s19] =	ssyncadd.s32 $0xFFFF8000  }
0x58: {  	v61 =	vld [tilespmem:$0x80];
	_ =	sdelay $0x4  }
0x59: {  	v62 =	vshll.u32 v61, $0x3  }
0x5a: {  	v3 =	vand.u32 $0x7, v61;
	v4 =	vand.u32 $0xFFFFFFC0, v62  }
0x5b: {  	v3 =	vor.u32 v3, v4  }
0x5c: {  	v4 =	vperm.xlane v3, v0;
	_ =	sdelay $0x1  }
0x5d: {  	v4 =	vadd.s32 v1, v4;
	_ =	sdelay $0x3  }
0x5e: {  	s21 =	simm.s32 $0x8100  }
0x5f: {  	[tilespmem:s21], [sflag:$0x1] =	stream.indirect_vreg.gather [hbm4b:s3+s1], $0x80, v4, vm0, $0xb8;
	[tilespmem:$0x12100] =	vst v63  }
0x60: {  	s22 =	simm.s32 $0x8900;
	v3 =	vperm.xlane v3, v2  }
0x61: {  	[tilespmem:s22], [sflag:$0x1] =	stream.indirect_vreg.gather [hbm4b:s8+s1], $0x80, v4, vm0, $0xb8;
	[tilespmem:$0x12100] =	vst v63  }
0x62: {  	s23 =	simm.s32 $0x9100;
	v3 =	vadd.s32 v1, v3  }
0x63: {  	[tilespmem:s23], [sflag:$0x1] =	stream.indirect_vreg.gather [hbm4b:s9+s1], $0x80, v4, vm0, $0xb8;
	[tilespmem:$0x12100] =	vst v63  }
0x64: {  	_ = 	snop  }
0x65: {  	[tilespmem:s24], [sflag:$0x1] =	stream.indirect_vreg.gather [hbm4b:s10+s1], $0x80, v4, vm0, $0xb8;
	[tilespmem:$0x12100] =	vst v63  }
0x66: {  	_ = 	snop  }
0x67: {  	[tilespmem:s25], [sflag:$0x1] =	stream.indirect_vreg.gather [hbm4b:s3+s1], $0x80, v3, vm0, $0xb8;
	[tilespmem:$0x12100] =	vst v63  }
0x68: {  	_ = 	snop  }
0x69: {  	[tilespmem:s11], [sflag:$0x1] =	stream.indirect_vreg.gather [hbm4b:s8+s1], $0x80, v3, vm0, $0xb8;
	[tilespmem:$0x12100] =	vst v63  }
0x6a: {  	_ = 	snop  }
0x6b: {  	[tilespmem:s26], [sflag:$0x1] =	stream.indirect_vreg.gather [hbm4b:s9+s1], $0x80, v3, vm0, $0xb8;
	[tilespmem:$0x12100] =	vst v63  }
0x6c: {  	_ = 	snop  }
0x6d: {  	[tilespmem:s12], [sflag:$0x1] =	stream.indirect_vreg.gather [hbm4b:s10+s1], $0x80, v3, vm0, $0xb8;
	[tilespmem:$0x12100] =	vst v63  }
0x6e: {  	v3 =	vld [tilespmem:$0x90];
	_ =	sdelay $0x4  }
0x6f: {  	v63 =	vshll.u32 v3, $0x3  }
0x70: {  	v3 =	vand.u32 $0x7, v3;
	v4 =	vand.u32 $0xFFFFFFC0, v63  }
0x71: {  	v3 =	vor.u32 v3, v4  }
0x72: {  	v4 =	vperm.xlane v3, v0;
	_ =	sdelay $0x1  }
0x73: {  	v4 =	vadd.s32 v1, v4;
	_ =	sdelay $0x4  }
0x74: {  	[tilespmem:s28], [sflag:$0x1] =	stream.indirect_vreg.gather [hbm4b:s3+s1], $0x80, v4, vm0, $0xb8;
	[tilespmem:$0x12100] =	vst v63  }
0x75: {  	v3 =	vperm.xlane v3, v2  }
0x76: {  	[tilespmem:s29], [sflag:$0x1] =	stream.indirect_vreg.gather [hbm4b:s8+s1], $0x80, v4, vm0, $0xb8;
	[tilespmem:$0x12100] =	vst v63  }
0x77: {  	v3 =	vadd.s32 v1, v3  }
0x78: {  	[tilespmem:s13], [sflag:$0x1] =	stream.indirect_vreg.gather [hbm4b:s9+s1], $0x80, v4, vm0, $0xb8;
	[tilespmem:$0x12100] =	vst v63  }
0x79: {  	_ = 	snop  }
0x7a: {  	[tilespmem:s30], [sflag:$0x1] =	stream.indirect_vreg.gather [hbm4b:s10+s1], $0x80, v4, vm0, $0xb8;
	[tilespmem:$0x12100] =	vst v63  }
0x7b: {  	_ = 	snop  }
0x7c: {  	[tilespmem:s14], [sflag:$0x1] =	stream.indirect_vreg.gather [hbm4b:s3+s1], $0x80, v3, vm0, $0xb8;
	[tilespmem:$0x12100] =	vst v63  }
0x7d: {  	_ = 	snop  }
0x7e: {  	[tilespmem:s31], [sflag:$0x1] =	stream.indirect_vreg.gather [hbm4b:s8+s1], $0x80, v3, vm0, $0xb8;
	[tilespmem:$0x12100] =	vst v63  }
0x7f: {  	_ = 	snop  }
0x80: {  	[tilespmem:s0], [sflag:$0x1] =	stream.indirect_vreg.gather [hbm4b:s9+s1], $0x80, v3, vm0, $0xb8;
	[tilespmem:$0x12100] =	vst v63  }
0x81: {  	_ = 	snop  }
0x82: {  	[tilespmem:s15], [sflag:$0x1] =	stream.indirect_vreg.gather [hbm4b:s10+s1], $0x80, v3, vm0, $0xb8;
	[tilespmem:$0x12100] =	vst v63  }
0x83: {  	_ =	swait.ge [sflag:s19], $0x8000  }
0x84: {  	s6 =	simm.s32 $0x0;
	[sflag:s19] =	ssyncset.done $0x0  }
0x85: {  	s7 =	simm.s32 $0x0;
	s17 =	simm.s32 $0x0;
	[sflag:s19] =	ssyncadd.s32 $0xFFFF8000  }
.LBB2_2:
0x86: {  	v3 =	vld [tilespmem:s16+$0x0];
	s21 =	sand.u32 $0x6000, s6;
	s22 =	sand.u32 $0x380, s7  }
0x87: {  	v4 =	vld [tilespmem:s5+$0x0];
	s21 =	sor.u32 s22, s21  }
0x88: {  	v6 =	vld [tilespmem:s21+$0x100]  }
0x89: {  	v7 =	vld [tilespmem:s21+$0x8100]  }
0x8a: {  	v10 =	vld [tilespmem:s21+$0x110]  }
0x8b: {  	v11 =	vld [tilespmem:s21+$0x8110]  }
0x8c: {  	v14 =	vld [tilespmem:s21+$0x120]  }
0x8d: {  	v17 =	vld [tilespmem:s21+$0x8120]  }
0x8e: {  	v20 =	vld [tilespmem:s21+$0x130]  }
0x8f: {  	v21 =	vld [tilespmem:s21+$0x8130]  }
0x90: {  	v26 =	vld [tilespmem:s21+$0x140]  }
0x91: {  	v27 =	vld [tilespmem:s21+$0x8140]  }
0x92: {  	v28 =	vld [tilespmem:s21+$0x150]  }
0x93: {  	v29 =	vld [tilespmem:s21+$0x8150]  }
0x94: {  	v30 =	vld [tilespmem:s21+$0x160]  }
0x95: {  	v31 =	vld [tilespmem:s21+$0x8160]  }
0x96: {  	v32 =	vld [tilespmem:s21+$0x170]  }
0x97: {  	v33 =	vld [tilespmem:s21+$0x8170]  }
0x98: {  	v34 =	vld [tilespmem:s21+$0x500]  }
0x99: {  	v35 =	vld [tilespmem:s21+$0x8500]  }
0x9a: {  	v36 =	vld [tilespmem:s21+$0x510]  }
0x9b: {  	v37 =	vld [tilespmem:s21+$0x8510]  }
0x9c: {  	v38 =	vld [tilespmem:s21+$0x520]  }
0x9d: {  	v39 =	vld [tilespmem:s21+$0x8520]  }
0x9e: {  	v40 =	vld [tilespmem:s21+$0x530]  }
0x9f: {  	v41 =	vld [tilespmem:s21+$0x8530]  }
0xa0: {  	v42 =	vld [tilespmem:s21+$0x540]  }
0xa1: {  	v43 =	vld [tilespmem:s21+$0x8540]  }
0xa2: {  	v44 =	vld [tilespmem:s21+$0x550]  }
0xa3: {  	v45 =	vld [tilespmem:s21+$0x8550]  }
0xa4: {  	v46 =	vld [tilespmem:s21+$0x560]  }
0xa5: {  	v47 =	vld [tilespmem:s21+$0x8560]  }
0xa6: {  	v48 =	vld [tilespmem:s21+$0x570]  }
0xa7: {  	v49 =	vld [tilespmem:s21+$0x8570]  }
0xa8: {  	v50 =	vld [tilespmem:s21+$0x900]  }
0xa9: {  	v51 =	vld [tilespmem:s21+$0x8900]  }
0xaa: {  	v52 =	vld [tilespmem:s21+$0x910]  }
0xab: {  	v53 =	vld [tilespmem:s21+$0x8910]  }
0xac: {  	v54 =	vld [tilespmem:s21+$0x920]  }
0xad: {  	v55 =	vld [tilespmem:s21+$0x8920]  }
0xae: {  	v56 =	vld [tilespmem:s21+$0x930]  }
0xaf: {  	v57 =	vld [tilespmem:s21+$0x8930]  }
0xb0: {  	v58 =	vld [tilespmem:s21+$0x940]  }
0xb1: {  	v59 =	vld [tilespmem:s21+$0x8940]  }
0xb2: {  	v60 =	vld [tilespmem:s21+$0x950]  }
0xb3: {  	v61 =	vld [tilespmem:s21+$0x8950]  }
0xb4: {  	v62 =	vld [tilespmem:s21+$0x960]  }
0xb5: {  	v63 =	vld [tilespmem:s21+$0x8960]  }
0xb6: {  	v5 =	vld [tilespmem:s21+$0x970]  }
0xb7: {  	v2 =	vld [tilespmem:s21+$0x8970]  }
0xb8: {  	v24 =	vld [tilespmem:s21+$0xD00]  }
0xb9: {  	v25 =	vld [tilespmem:s21+$0x8D00]  }
0xba: {  	v22 =	vld [tilespmem:s21+$0xD10]  }
0xbb: {  	v23 =	vld [tilespmem:s21+$0x8D10]  }
0xbc: {  	v18 =	vld [tilespmem:s21+$0xD20]  }
0xbd: {  	v0 =	vld [tilespmem:s21+$0xD60]  }
0xbe: {  	v19 =	vld [tilespmem:s21+$0x8D20]  }
0xbf: {  	v15 =	vld [tilespmem:s21+$0xD30]  }
0xc0: {  	v16 =	vld [tilespmem:s21+$0x8D30]  }
0xc1: {  	v12 =	vld [tilespmem:s21+$0xD40];
	v1 =	vmul.f32 v6, v3  }
0xc2: {  	v13 =	vld [tilespmem:s21+$0x8D40];
	[tilespmem:$0x1FFC0] =	vst v0;
	v0 =	vmul.f32 v7, v4;
	v10 =	vmul.f32 v10, v3  }
0xc3: {  	v8 =	vld [tilespmem:s21+$0xD50];
	v11 =	vmul.f32 v11, v4;
	v14 =	vmul.f32 v14, v3  }
0xc4: {  	v9 =	vld [tilespmem:s21+$0x8D50];
	v17 =	vmul.f32 v17, v4;
	v20 =	vmul.f32 v20, v3  }
0xc5: {  	v7 =	vld [tilespmem:s21+$0x8D60];
	v21 =	vmul.f32 v21, v4;
	v26 =	vmul.f32 v26, v3  }
0xc6: {  	v6 =	vld [tilespmem:s21+$0xD70];
	v27 =	vmul.f32 v27, v4;
	v34 =	vmul.f32 v34, v3  }
0xc7: {  	v35 =	vmul.f32 v35, v4;
	v38 =	vmul.f32 v38, v3;
	v1 =	vadd.f32 v0, v1;
	v0 =	vld [tilespmem:s21+$0x8D70]  }
0xc8: {  	v39 =	vmul.f32 v39, v4;
	v40 =	vmul.f32 v40, v3;
	v10 =	vadd.f32 v11, v10;
	v11 =	vld [tilespmem:s21+$0x1100]  }
0xc9: {  	v5 =	vmul.f32 v5, v3;
	v2 =	vmul.f32 v2, v4;
	[tilespmem:s21+$0x100] =	vst v1;
	v1 =	vadd.f32 v17, v14;
	v14 =	vld [tilespmem:s21+$0x9100]  }
0xca: {  	[tilespmem:s21+$0x110] =	vst v10;
	v10 =	vadd.f32 v21, v20;
	v21 =	vmul.f32 v28, v3;
	v28 =	vmul.f32 v29, v4;
	v17 =	vld [tilespmem:s21+$0x1110]  }
0xcb: {  	v52 =	vmul.f32 v52, v3;
	v2 =	vadd.f32 v2, v5;
	v20 =	vld [tilespmem:s21+$0x9110];
	v29 =	vmul.f32 v33, v4;
	[tilespmem:s21+$0x120] =	vst v1  }
0xcc: {  	v1 =	vadd.f32 v27, v26;
	v26 =	vmul.f32 v30, v3;
	[tilespmem:s21+$0x130] =	vst v10;
	v10 =	vadd.f32 v28, v21;
	v21 =	vld [tilespmem:s21+$0x1120]  }
0xcd: {  	v27 =	vmul.f32 v31, v4;
	v28 =	vmul.f32 v32, v3;
	v31 =	vld [tilespmem:s21+$0x1130]  }
0xce: {  	v24 =	vmul.f32 v24, v3;
	v25 =	vmul.f32 v25, v4;
	[tilespmem:s21+$0x970] =	vst v2;
	v32 =	vld [tilespmem:s21+$0x9130]  }
0xcf: {  	v18 =	vmul.f32 v18, v3;
	v33 =	vadd.f32 v27, v26;
	v26 =	vld [tilespmem:s21+$0x9120];
	[tilespmem:s21+$0x150] =	vst v10;
	v10 =	vadd.f32 v29, v28  }
0xd0: {  	[tilespmem:s21+$0x140] =	vst v1;
	v28 =	vmul.f32 v36, v3;
	v36 =	vmul.f32 v37, v4;
	v37 =	vadd.f32 v35, v34;
	v34 =	vld [tilespmem:s21+$0x9140]  }
0xd1: {  	v19 =	vmul.f32 v19, v4;
	v12 =	vmul.f32 v12, v3;
	v35 =	vld [tilespmem:s21+$0x1150];
	[tilespmem:s21+$0x160] =	vst v33  }
0xd2: {  	v13 =	vmul.f32 v13, v4;
	v27 =	vld [tilespmem:s21+$0x9520];
	v29 =	vadd.f32 v25, v24;
	[tilespmem:s21+$0x170] =	vst v10;
	v10 =	vadd.f32 v36, v28  }
0xd3: {  	v36 =	vmul.f32 v41, v4;
	v33 =	vld [tilespmem:s21+$0x1140];
	[tilespmem:s21+$0x500] =	vst v37;
	v37 =	vadd.f32 v39, v38;
	v38 =	vmul.f32 v42, v3  }
0xd4: {  	v39 =	vmul.f32 v43, v4;
	v41 =	vmul.f32 v45, v4;
	v28 =	vld [tilespmem:s21+$0x1520];
	[tilespmem:s21+$0xD00] =	vst v29  }
0xd5: {  	v43 =	vmul.f32 v46, v3;
	[tilespmem:s21+$0x510] =	vst v10;
	v10 =	vadd.f32 v36, v40;
	v40 =	vmul.f32 v44, v3;
	v36 =	vld [tilespmem:s21+$0x9150]  }
0xd6: {  	v46 =	vmul.f32 v48, v3;
	[tilespmem:s21+$0x520] =	vst v37;
	v42 =	vadd.f32 v39, v38;
	v44 =	vmul.f32 v47, v4;
	v37 =	vld [tilespmem:s21+$0x1160]  }
0xd7: {  	v47 =	vmul.f32 v49, v4;
	v49 =	vmul.f32 v50, v3;
	v38 =	vld [tilespmem:s21+$0x9160];
	[tilespmem:s21+$0x530] =	vst v10;
	v45 =	vadd.f32 v41, v40  }
0xd8: {  	v50 =	vmul.f32 v51, v4;
	v39 =	vld [tilespmem:s21+$0x1170];
	[tilespmem:s21+$0x540] =	vst v42;
	v48 =	vadd.f32 v44, v43;
	v44 =	vmul.f32 v53, v4  }
0xd9: {  	v51 =	vadd.f32 v47, v46;
	v46 =	vmul.f32 v54, v3;
	v47 =	vmul.f32 v55, v4;
	v40 =	vld [tilespmem:s21+$0x9170];
	[tilespmem:s21+$0x550] =	vst v45  }
0xda: {  	v41 =	vld [tilespmem:s21+$0x1500];
	v53 =	vmul.f32 v59, v4;
	v55 =	vmul.f32 v60, v3;
	[tilespmem:s21+$0x560] =	vst v48;
	v45 =	vadd.f32 v50, v49  }
0xdb: {  	v42 =	vld [tilespmem:s21+$0x9500];
	v59 =	vmul.f32 v63, v4;
	v63 =	vmul.f32 v23, v4;
	[tilespmem:s21+$0x570] =	vst v51;
	v48 =	vadd.f32 v44, v52  }
0xdc: {  	v43 =	vld [tilespmem:s21+$0x1510];
	v49 =	vmul.f32 v56, v3;
	v50 =	vmul.f32 v57, v4;
	v51 =	vadd.f32 v47, v46;
	[tilespmem:s21+$0x900] =	vst v45  }
0xdd: {  	v23 =	vld [tilespmem:s21+$0x9530];
	v25 =	vmul.f32 v33, v3;
	v52 =	vmul.f32 v58, v3;
	v47 =	vadd.f32 v19, v18;
	[tilespmem:s21+$0x910] =	vst v48  }
0xde: {  	v56 =	vmul.f32 v61, v4;
	v58 =	vmul.f32 v62, v3;
	v44 =	vld [tilespmem:s21+$0x9510];
	v54 =	vadd.f32 v50, v49;
	[tilespmem:s21+$0x920] =	vst v51  }
0xdf: {  	v62 =	vmul.f32 v22, v3;
	v22 =	vld [tilespmem:s21+$0x1530];
	v46 =	vmul.f32 v16, v4;
	v57 =	vadd.f32 v53, v52;
	[tilespmem:s21+$0xD20] =	vst v47  }
0xe0: {  	v16 =	vld [tilespmem:s21+$0x9540];
	v33 =	vmul.f32 v37, v3;
	v60 =	vadd.f32 v56, v55;
	v45 =	vmul.f32 v15, v3;
	[tilespmem:s21+$0x930] =	vst v54  }
0xe1: {  	v18 =	vld [tilespmem:s21+$0x1910];
	v61 =	vadd.f32 v59, v58;
	v49 =	vmul.f32 v8, v3;
	v50 =	vmul.f32 v9, v4;
	[tilespmem:s21+$0x940] =	vst v57  }
0xe2: {  	v19 =	vld [tilespmem:s21+$0x9910];
	v30 =	vadd.f32 v63, v62;
	v56 =	vmul.f32 v11, v3;
	v58 =	vmul.f32 v17, v3;
	[tilespmem:s21+$0x950] =	vst v60  }
0xe3: {  	v15 =	vld [tilespmem:s21+$0x1540];
	v51 =	vadd.f32 v13, v12;
	v59 =	vmul.f32 v20, v4;
	v62 =	vmul.f32 v26, v4;
	[tilespmem:s21+$0x960] =	vst v61  }
0xe4: {  	v9 =	vld [tilespmem:s21+$0x1550];
	v20 =	vmul.f32 v31, v3;
	v26 =	vmul.f32 v34, v4;
	[tilespmem:s21+$0xD10] =	vst v30;
	v48 =	vadd.f32 v46, v45  }
0xe5: {  	v52 =	vld [tilespmem:$0x1FFC0];
	v31 =	vmul.f32 v36, v4;
	v34 =	vmul.f32 v38, v4;
	v53 =	vadd.f32 v50, v49;
	[tilespmem:s21+$0xD40] =	vst v51  }
0xe6: {  	v12 =	vld [tilespmem:s21+$0x9550];
	v36 =	vmul.f32 v39, v3;
	v37 =	vmul.f32 v40, v4;
	v63 =	vadd.f32 v59, v58;
	[tilespmem:s21+$0xD30] =	vst v48  }
0xe7: {  	v11 =	vld [tilespmem:s21+$0x1570];
	v61 =	vmul.f32 v21, v3;
	v21 =	vmul.f32 v32, v4;
	v32 =	vadd.f32 v26, v25;
	[tilespmem:s21+$0xD50] =	vst v53  }
0xe8: {  	v13 =	vld [tilespmem:s21+$0x9570];
	v39 =	vmul.f32 v41, v3;
	v40 =	vmul.f32 v42, v4;
	v38 =	vadd.f32 v34, v33;
	[tilespmem:s21+$0x1110] =	vst v63  }
0xe9: {  	v0 =	vmul.f32 v0, v4;
	v17 =	vld [tilespmem:s21+$0x9900];
	v54 =	vmul.f32 v6, v3;
	v42 =	vadd.f32 v37, v36;
	[tilespmem:s21+$0x1140] =	vst v32  }
0xea: {  	v41 =	vld [tilespmem:s21+$0x9920];
	v57 =	vmul.f32 v14, v4;
	v47 =	vadd.f32 v40, v39;
	[tilespmem:s21+$0x1160] =	vst v38  }
0xeb: {  	v6 =	vld [tilespmem:s21+$0x1560];
	v0 =	vadd.f32 v0, v54;
	[tilespmem:s21+$0x1170] =	vst v42  }
0xec: {  	v14 =	vld [tilespmem:s21+$0x1900];
	v60 =	vadd.f32 v57, v56;
	[tilespmem:s21+$0x1500] =	vst v47  }
0xed: {  	v7 =	vmul.f32 v7, v4;
	v30 =	vmul.f32 v35, v3;
	v46 =	vld [tilespmem:s21+$0x1930];
	v24 =	vadd.f32 v62, v61;
	[tilespmem:s21+$0xD70] =	vst v0  }
0xee: {  	v43 =	vmul.f32 v43, v3;
	v50 =	vld [tilespmem:s21+$0x9930];
	v45 =	vmul.f32 v44, v4;
	v29 =	vadd.f32 v21, v20;
	[tilespmem:s21+$0x1100] =	vst v60  }
0xef: {  	v49 =	vmul.f32 v27, v4;
	v58 =	vld [tilespmem:s21+$0x1950];
	v35 =	vadd.f32 v31, v30;
	v10 =	vmul.f32 v52, v3;
	[tilespmem:s21+$0x1120] =	vst v24  }
0xf0: {  	v36 =	vld [tilespmem:s21+$0x9970];
	v53 =	vmul.f32 v23, v4;
	v51 =	vadd.f32 v45, v43;
	v52 =	vmul.f32 v22, v3;
	[tilespmem:s21+$0x1130] =	vst v29  }
0xf1: {  	v40 =	vld [tilespmem:s21+$0x9940];
	v57 =	vmul.f32 v16, v4;
	v56 =	vmul.f32 v15, v3;
	[tilespmem:s21+$0x1150] =	vst v35;
	v55 =	vadd.f32 v7, v10  }
0xf2: {  	v20 =	vld [tilespmem:s21+$0x1920];
	v26 =	vmul.f32 v11, v3;
	v27 =	vmul.f32 v13, v4;
	[tilespmem:s21+$0x1510] =	vst v51;
	v59 =	vadd.f32 v53, v52  }
0xf3: {  	v62 =	vld [tilespmem:s21+$0x9950];
	v61 =	vmul.f32 v12, v4;
	v60 =	vmul.f32 v9, v3;
	v63 =	vadd.f32 v57, v56;
	[tilespmem:s21+$0xD60] =	vst v55  }
0xf4: {  	v34 =	vmul.f32 v18, v3;
	v16 =	vld [tilespmem:s21+$0x1960];
	v35 =	vmul.f32 v19, v4;
	v33 =	vadd.f32 v27, v26;
	[tilespmem:s21+$0x1530] =	vst v59  }
0xf5: {  	v48 =	vmul.f32 v28, v3;
	v28 =	vld [tilespmem:s21+$0x9960];
	v31 =	vmul.f32 v17, v4;
	v23 =	vadd.f32 v61, v60;
	[tilespmem:s21+$0x1540] =	vst v63  }
0xf6: {  	v32 =	vld [tilespmem:s21+$0x1970];
	v39 =	vmul.f32 v41, v4;
	v30 =	vmul.f32 v14, v3;
	v41 =	vadd.f32 v35, v34;
	[tilespmem:s21+$0x1570] =	vst v33  }
0xf7: {  	v10 =	vld [tilespmem:s21+$0x9560];
	v42 =	vmul.f32 v46, v3;
	v43 =	vmul.f32 v50, v4;
	v55 =	vadd.f32 v49, v48;
	[tilespmem:s21+$0x1550] =	vst v23  }
0xf8: {  	v54 =	vld [tilespmem:s21+$0x1940];
	v37 =	vadd.f32 v31, v30;
	v38 =	vmul.f32 v20, v3;
	[tilespmem:s21+$0x1910] =	vst v41  }
0xf9: {  	v45 =	vmul.f32 v58, v3;
	v46 =	vmul.f32 v62, v4;
	v47 =	vadd.f32 v43, v42;
	[tilespmem:s21+$0x1520] =	vst v55  }
0xfa: {  	v48 =	vmul.f32 v16, v3;
	v49 =	vmul.f32 v28, v4;
	[tilespmem:s21+$0x1900] =	vst v37;
	v44 =	vadd.f32 v39, v38  }
0xfb: {  	v52 =	vmul.f32 v36, v4;
	v51 =	vmul.f32 v32, v3;
	v50 =	vadd.f32 v46, v45;
	[tilespmem:s21+$0x1930] =	vst v47  }
0xfc: {  	v6 =	vmul.f32 v6, v3;
	v53 =	vadd.f32 v49, v48;
	v12 =	vmul.f32 v10, v4;
	[tilespmem:s21+$0x1920] =	vst v44  }
0xfd: {  	s23 =	sand.u32 $0x7, s17;
	v54 =	vmul.f32 v54, v3;
	v55 =	vmul.f32 v40, v4;
	v56 =	vadd.f32 v52, v51;
	[tilespmem:s21+$0x1950] =	vst v50  }
0xfe: {  	s22 =	sshll.u32 s23, $0x7;
	[tilespmem:s21+$0x1960] =	vst v53;
	v29 =	vadd.f32 v12, v6  }
0xff: {  	s22 =	sadd.s32 s22, s6;
	v2 =	vadd.f32 v55, v54;
	[tilespmem:s21+$0x1970] =	vst v56  }
0x100: {  	s23 =	sor.u32 $0x1C00, s22;
	[tilespmem:s21+$0x1560] =	vst v29  }
0x101: {  	[tilespmem:s21+$0x1940] =	vst v2;
	v0 =	vld [tilespmem:s23+$0x100]  }
0x102: {  	v1 =	vld [tilespmem:s23+$0x8100];
	_ =	sdelay $0x4  }
0x103: {  	v0 =	vmul.f32 v0, v3;
	v1 =	vmul.f32 v1, v4;
	_ =	sdelay $0x1  }
0x104: {  	v0 =	vadd.f32 v1, v0;
	_ =	sdelay $0x1  }
0x105: {  	[tilespmem:s23+$0x100] =	vst v0;
	s23 =	sor.u32 $0x1C10, s22  }
0x106: {  	v0 =	vld [tilespmem:s23+$0x100]  }
0x107: {  	v57 =	vld [tilespmem:s23+$0x8100];
	_ =	sdelay $0x4  }
0x108: {  	v0 =	vmul.f32 v0, v3;
	v1 =	vmul.f32 v57, v4;
	_ =	sdelay $0x1  }
0x109: {  	v0 =	vadd.f32 v1, v0;
	_ =	sdelay $0x1  }
0x10a: {  	[tilespmem:s23+$0x100] =	vst v0;
	s23 =	sor.u32 $0x1C20, s22  }
0x10b: {  	v0 =	vld [tilespmem:s23+$0x100]  }
0x10c: {  	v58 =	vld [tilespmem:s23+$0x8100];
	_ =	sdelay $0x4  }
0x10d: {  	v0 =	vmul.f32 v0, v3;
	v1 =	vmul.f32 v58, v4;
	_ =	sdelay $0x1  }
0x10e: {  	v0 =	vadd.f32 v1, v0;
	_ =	sdelay $0x1  }
0x10f: {  	[tilespmem:s23+$0x100] =	vst v0;
	s23 =	sor.u32 $0x1C30, s22  }
0x110: {  	v0 =	vld [tilespmem:s23+$0x100]  }
0x111: {  	v59 =	vld [tilespmem:s23+$0x8100];
	_ =	sdelay $0x4  }
0x112: {  	v0 =	vmul.f32 v0, v3;
	v1 =	vmul.f32 v59, v4;
	_ =	sdelay $0x1  }
0x113: {  	v0 =	vadd.f32 v1, v0;
	_ =	sdelay $0x1  }
0x114: {  	[tilespmem:s23+$0x100] =	vst v0;
	s23 =	sor.u32 $0x1C40, s22  }
0x115: {  	v0 =	vld [tilespmem:s23+$0x100]  }
0x116: {  	v60 =	vld [tilespmem:s23+$0x8100];
	_ =	sdelay $0x4  }
0x117: {  	v0 =	vmul.f32 v0, v3;
	v1 =	vmul.f32 v60, v4;
	_ =	sdelay $0x1  }
0x118: {  	v0 =	vadd.f32 v1, v0;
	_ =	sdelay $0x1  }
0x119: {  	[tilespmem:s23+$0x100] =	vst v0;
	s23 =	sor.u32 $0x1C50, s22  }
0x11a: {  	v0 =	vld [tilespmem:s23+$0x100]  }
0x11b: {  	v61 =	vld [tilespmem:s23+$0x8100];
	_ =	sdelay $0x4  }
0x11c: {  	v0 =	vmul.f32 v0, v3;
	v1 =	vmul.f32 v61, v4;
	_ =	sdelay $0x1  }
0x11d: {  	v0 =	vadd.f32 v1, v0;
	_ =	sdelay $0x1  }
0x11e: {  	[tilespmem:s23+$0x100] =	vst v0;
	s23 =	sor.u32 $0x1C60, s22  }
0x11f: {  	v0 =	vld [tilespmem:s23+$0x100]  }
0x120: {  	v62 =	vld [tilespmem:s23+$0x8100];
	_ =	sdelay $0x4  }
0x121: {  	v0 =	vmul.f32 v0, v3;
	v1 =	vmul.f32 v62, v4;
	_ =	sdelay $0x1  }
0x122: {  	v0 =	vadd.f32 v1, v0;
	_ =	sdelay $0x1  }
0x123: {  	[tilespmem:s23+$0x100] =	vst v0;
	s23 =	sor.u32 $0x1C70, s22  }
0x124: {  	v0 =	vld [tilespmem:s23+$0x100]  }
0x125: {  	v63 =	vld [tilespmem:s23+$0x8100];
	_ =	sdelay $0x3  }
0x126: {  	p0 =	sne.s32 s7, $0xF80  }
.Ltmp0:
0x127: {  	v0 =	vmul.f32 v0, v3;
	v1 =	vmul.f32 v63, v4;
	(pc) =	sbr.rel @p0 .LBB2_2-.Ltmp0, $4  }
0x128: {  	_ = 	snop  }
0x129: {  	v0 =	vadd.f32 v1, v0  }
0x12a: {  	s17 =	sadd.s32 $0x1, s17;
	s16 =	sadd.s32 $0x80, s16  }
0x12b: {  	s5 =	sadd.s32 $0x80, s5;
	s7 =	sadd.s32 $0x80, s7;
	s6 =	sadd.s32 $0x400, s6;
	[tilespmem:s23+$0x100] =	vst v0  }
0x12c: {  	s16 =	simm.s32 $0x0;
	s5 =	rddreg [dreg:$0x6]  }
0x12d: {  	[hbm4b:s5+s16] =	stream.linear.scatter [tilespmem:s20], [sflag:$0x2], $0x8000, $0x38;
	[tilespmem:$0x12100] =	vst v63  }
0x12e: {  	_ =	swait.ge [sflag:s18], $0x8000  }
0x12f: {  	[sflag:s18] =	ssyncset.done $0x0  }
0x130: {  	s6 =	rddreg [dreg:$0x7];
	[sflag:s18] =	ssyncadd.s32 $0xFFFF8000  }
0x131: {  	[tilespmem:s16], [sflag:$0x2] =	stream.linear.gather [hbm4b:s6+s16], $0x20, $0x38;
	[tilespmem:$0x12100] =	vst v63  }
0x132: {  	_ =	swait.ge [sflag:s18], $0x20  }
0x133: {  	[sflag:s18] =	ssyncset.done $0x0  }
0x134: {  	s6 =	simm.s32 $0x80;
	s7 =	rddreg [dreg:$0x8];
	[sflag:s18] =	ssyncadd.s32 $0xFFFFFFE0  }
0x135: {  	[tilespmem:s6], [sflag:$0x2] =	stream.linear.gather [hbm4b:s7+s16], $0x20, $0x38;
	[tilespmem:$0x12100] =	vst v63  }
0x136: {  	_ =	swait.ge [sflag:s18], $0x20  }
0x137: {  	[sflag:s18] =	ssyncset.done $0x0  }
0x138: {  	s5 =	simm.s32 $0x10100;
	s17 =	rddreg [dreg:$0x9];
	[sflag:s18] =	ssyncadd.s32 $0xFFFFFFE0  }
0x139: {  	[tilespmem:s5], [sflag:$0x2] =	stream.linear.gather [hbm4b:s17+s16], $0x1000, $0x38;
	[tilespmem:$0x12100] =	vst v63  }
0x13a: {  	_ =	swait.ge [sflag:s18], $0x1000  }
0x13b: {  	[sflag:s18] =	ssyncset.done $0x0  }
0x13c: {  	s17 =	simm.s32 $0x11100;
	s21 =	rddreg [dreg:$0xa];
	[sflag:s18] =	ssyncadd.s32 $0xFFFFF000  }
0x13d: {  	[tilespmem:s17], [sflag:$0x2] =	stream.linear.gather [hbm4b:s21+s16], $0x1000, $0x38;
	[tilespmem:$0x12100] =	vst v63  }
0x13e: {  	_ =	swait.ge [sflag:s18], $0x1000  }
0x13f: {  	[sflag:s18] =	ssyncset.done $0x0  }
0x140: {  	[sflag:s18] =	ssyncadd.s32 $0xFFFFF000  }
0x141: {  	v0 =	vld [tilespmem:$0x0];
	_ =	sdelay $0x2  }
0x142: {  	v2 =	vld [tilespmem:$0x1FFD0];
	_ =	sdelay $0x1  }
0x143: {  	v3 =	vld [tilespmem:$0x1FFE0];
	v1 =	vshll.u32 v0, $0x3  }
0x144: {  	v0 =	vand.u32 $0x7, v0;
	v1 =	vand.u32 $0xFFFFFFC0, v1  }
0x145: {  	v0 =	vor.u32 v0, v1  }
0x146: {  	v1 =	vperm.xlane v0, v2;
	_ =	sdelay $0x1  }
0x147: {  	v1 =	vadd.s32 v3, v1  }
0x148: {  	v4 =	vld [tilespmem:$0x1FFF0];
	_ =	sdelay $0x3  }
0x149: {  	[tilespmem:s20], [sflag:$0x1] =	stream.indirect_vreg.gather [hbm4b:s3+s16], $0x80, v1, vm0, $0xb8;
	[tilespmem:$0x12100] =	vst v63  }
0x14a: {  	s22 =	simm.s32 $0x900;
	v0 =	vperm.xlane v0, v4  }
0x14b: {  	[tilespmem:s22], [sflag:$0x1] =	stream.indirect_vreg.gather [hbm4b:s8+s16], $0x80, v1, vm0, $0xb8;
	[tilespmem:$0x12100] =	vst v63  }
0x14c: {  	s23 =	simm.s32 $0x1100;
	v0 =	vadd.s32 v3, v0  }
0x14d: {  	[tilespmem:s23], [sflag:$0x1] =	stream.indirect_vreg.gather [hbm4b:s9+s16], $0x80, v1, vm0, $0xb8;
	[tilespmem:$0x12100] =	vst v63  }
0x14e: {  	s7 =	simm.s32 $0x1900  }
0x14f: {  	[tilespmem:s7], [sflag:$0x1] =	stream.indirect_vreg.gather [hbm4b:s10+s16], $0x80, v1, vm0, $0xb8;
	[tilespmem:$0x12100] =	vst v63  }
0x150: {  	s21 =	simm.s32 $0x2100  }
0x151: {  	[tilespmem:s21], [sflag:$0x1] =	stream.indirect_vreg.gather [hbm4b:s3+s16], $0x80, v0, vm0, $0xb8;
	[tilespmem:$0x12100] =	vst v63  }
0x152: {  	s22 =	simm.s32 $0x2900  }
0x153: {  	[tilespmem:s22], [sflag:$0x1] =	stream.indirect_vreg.gather [hbm4b:s8+s16], $0x80, v0, vm0, $0xb8;
	[tilespmem:$0x12100] =	vst v63  }
0x154: {  	s23 =	simm.s32 $0x3100  }
0x155: {  	[tilespmem:s23], [sflag:$0x1] =	stream.indirect_vreg.gather [hbm4b:s9+s16], $0x80, v0, vm0, $0xb8;
	[tilespmem:$0x12100] =	vst v63  }
0x156: {  	s7 =	simm.s32 $0x3900  }
0x157: {  	[tilespmem:s7], [sflag:$0x1] =	stream.indirect_vreg.gather [hbm4b:s10+s16], $0x80, v0, vm0, $0xb8;
	[tilespmem:$0x12100] =	vst v63  }
0x158: {  	v0 =	vld [tilespmem:$0x10];
	_ =	sdelay $0x4  }
0x159: {  	v60 =	vshll.u32 v0, $0x3  }
0x15a: {  	v0 =	vand.u32 $0x7, v0;
	v1 =	vand.u32 $0xFFFFFFC0, v60  }
0x15b: {  	v0 =	vor.u32 v0, v1  }
0x15c: {  	v1 =	vperm.xlane v0, v2;
	_ =	sdelay $0x1  }
0x15d: {  	v1 =	vadd.s32 v3, v1;
	_ =	sdelay $0x3  }
0x15e: {  	s21 =	simm.s32 $0x4100  }
0x15f: {  	[tilespmem:s21], [sflag:$0x1] =	stream.indirect_vreg.gather [hbm4b:s3+s16], $0x80, v1, vm0, $0xb8;
	[tilespmem:$0x12100] =	vst v63  }
0x160: {  	s22 =	simm.s32 $0x4900;
	v0 =	vperm.xlane v0, v4  }
0x161: {  	[tilespmem:s22], [sflag:$0x1] =	stream.indirect_vreg.gather [hbm4b:s8+s16], $0x80, v1, vm0, $0xb8;
	[tilespmem:$0x12100] =	vst v63  }
0x162: {  	s23 =	simm.s32 $0x5100;
	v0 =	vadd.s32 v3, v0  }
0x163: {  	[tilespmem:s23], [sflag:$0x1] =	stream.indirect_vreg.gather [hbm4b:s9+s16], $0x80, v1, vm0, $0xb8;
	[tilespmem:$0x12100] =	vst v63  }
0x164: {  	s7 =	simm.s32 $0x5900  }
0x165: {  	[tilespmem:s7], [sflag:$0x1] =	stream.indirect_vreg.gather [hbm4b:s10+s16], $0x80, v1, vm0, $0xb8;
	[tilespmem:$0x12100] =	vst v63  }
0x166: {  	s21 =	simm.s32 $0x6100  }
0x167: {  	[tilespmem:s21], [sflag:$0x1] =	stream.indirect_vreg.gather [hbm4b:s3+s16], $0x80, v0, vm0, $0xb8;
	[tilespmem:$0x12100] =	vst v63  }
0x168: {  	s22 =	simm.s32 $0x6900  }
0x169: {  	[tilespmem:s22], [sflag:$0x1] =	stream.indirect_vreg.gather [hbm4b:s8+s16], $0x80, v0, vm0, $0xb8;
	[tilespmem:$0x12100] =	vst v63  }
0x16a: {  	s23 =	simm.s32 $0x7100  }
0x16b: {  	[tilespmem:s23], [sflag:$0x1] =	stream.indirect_vreg.gather [hbm4b:s9+s16], $0x80, v0, vm0, $0xb8;
	[tilespmem:$0x12100] =	vst v63  }
0x16c: {  	s7 =	simm.s32 $0x7900  }
0x16d: {  	[tilespmem:s7], [sflag:$0x1] =	stream.indirect_vreg.gather [hbm4b:s10+s16], $0x80, v0, vm0, $0xb8;
	[tilespmem:$0x12100] =	vst v63  }
0x16e: {  	_ =	swait.ge [sflag:s19], $0x8000  }
0x16f: {  	[sflag:s19] =	ssyncset.done $0x0  }
0x170: {  	[sflag:s19] =	ssyncadd.s32 $0xFFFF8000  }
0x171: {  	v61 =	vld [tilespmem:$0x80];
	_ =	sdelay $0x4  }
0x172: {  	v62 =	vshll.u32 v61, $0x3  }
0x173: {  	v0 =	vand.u32 $0x7, v61;
	v1 =	vand.u32 $0xFFFFFFC0, v62  }
0x174: {  	v0 =	vor.u32 v0, v1  }
0x175: {  	v1 =	vperm.xlane v0, v2;
	_ =	sdelay $0x1  }
0x176: {  	v1 =	vadd.s32 v3, v1;
	_ =	sdelay $0x3  }
0x177: {  	s21 =	simm.s32 $0x8100  }
0x178: {  	[tilespmem:s21], [sflag:$0x1] =	stream.indirect_vreg.gather [hbm4b:s3+s16], $0x80, v1, vm0, $0xb8;
	[tilespmem:$0x12100] =	vst v63  }
0x179: {  	s22 =	simm.s32 $0x8900;
	v0 =	vperm.xlane v0, v4  }
0x17a: {  	[tilespmem:s22], [sflag:$0x1] =	stream.indirect_vreg.gather [hbm4b:s8+s16], $0x80, v1, vm0, $0xb8;
	[tilespmem:$0x12100] =	vst v63  }
0x17b: {  	s23 =	simm.s32 $0x9100;
	v0 =	vadd.s32 v3, v0  }
0x17c: {  	[tilespmem:s23], [sflag:$0x1] =	stream.indirect_vreg.gather [hbm4b:s9+s16], $0x80, v1, vm0, $0xb8;
	[tilespmem:$0x12100] =	vst v63  }
0x17d: {  	_ = 	snop  }
0x17e: {  	[tilespmem:s24], [sflag:$0x1] =	stream.indirect_vreg.gather [hbm4b:s10+s16], $0x80, v1, vm0, $0xb8;
	[tilespmem:$0x12100] =	vst v63  }
0x17f: {  	_ = 	snop  }
0x180: {  	[tilespmem:s25], [sflag:$0x1] =	stream.indirect_vreg.gather [hbm4b:s3+s16], $0x80, v0, vm0, $0xb8;
	[tilespmem:$0x12100] =	vst v63  }
0x181: {  	_ = 	snop  }
0x182: {  	[tilespmem:s11], [sflag:$0x1] =	stream.indirect_vreg.gather [hbm4b:s8+s16], $0x80, v0, vm0, $0xb8;
	[tilespmem:$0x12100] =	vst v63  }
0x183: {  	_ = 	snop  }
0x184: {  	[tilespmem:s26], [sflag:$0x1] =	stream.indirect_vreg.gather [hbm4b:s9+s16], $0x80, v0, vm0, $0xb8;
	[tilespmem:$0x12100] =	vst v63  }
0x185: {  	_ = 	snop  }
0x186: {  	[tilespmem:s12], [sflag:$0x1] =	stream.indirect_vreg.gather [hbm4b:s10+s16], $0x80, v0, vm0, $0xb8;
	[tilespmem:$0x12100] =	vst v63  }
0x187: {  	v0 =	vld [tilespmem:$0x90];
	_ =	sdelay $0x4  }
0x188: {  	v63 =	vshll.u32 v0, $0x3  }
0x189: {  	v0 =	vand.u32 $0x7, v0;
	v1 =	vand.u32 $0xFFFFFFC0, v63  }
0x18a: {  	v0 =	vor.u32 v0, v1  }
0x18b: {  	v1 =	vperm.xlane v0, v2;
	_ =	sdelay $0x1  }
0x18c: {  	v1 =	vadd.s32 v3, v1;
	_ =	sdelay $0x4  }
0x18d: {  	[tilespmem:s28], [sflag:$0x1] =	stream.indirect_vreg.gather [hbm4b:s3+s16], $0x80, v1, vm0, $0xb8;
	[tilespmem:$0x12100] =	vst v63  }
0x18e: {  	v0 =	vperm.xlane v0, v4  }
0x18f: {  	[tilespmem:s29], [sflag:$0x1] =	stream.indirect_vreg.gather [hbm4b:s8+s16], $0x80, v1, vm0, $0xb8;
	[tilespmem:$0x12100] =	vst v63  }
0x190: {  	v0 =	vadd.s32 v3, v0  }
0x191: {  	[tilespmem:s13], [sflag:$0x1] =	stream.indirect_vreg.gather [hbm4b:s9+s16], $0x80, v1, vm0, $0xb8;
	[tilespmem:$0x12100] =	vst v63  }
0x192: {  	_ = 	snop  }
0x193: {  	[tilespmem:s30], [sflag:$0x1] =	stream.indirect_vreg.gather [hbm4b:s10+s16], $0x80, v1, vm0, $0xb8;
	[tilespmem:$0x12100] =	vst v63  }
0x194: {  	_ = 	snop  }
0x195: {  	[tilespmem:s14], [sflag:$0x1] =	stream.indirect_vreg.gather [hbm4b:s3+s16], $0x80, v0, vm0, $0xb8;
	[tilespmem:$0x12100] =	vst v63  }
0x196: {  	_ = 	snop  }
0x197: {  	[tilespmem:s31], [sflag:$0x1] =	stream.indirect_vreg.gather [hbm4b:s8+s16], $0x80, v0, vm0, $0xb8;
	[tilespmem:$0x12100] =	vst v63  }
0x198: {  	_ = 	snop  }
0x199: {  	[tilespmem:s0], [sflag:$0x1] =	stream.indirect_vreg.gather [hbm4b:s9+s16], $0x80, v0, vm0, $0xb8;
	[tilespmem:$0x12100] =	vst v63  }
0x19a: {  	_ = 	snop  }
0x19b: {  	[tilespmem:s15], [sflag:$0x1] =	stream.indirect_vreg.gather [hbm4b:s10+s16], $0x80, v0, vm0, $0xb8;
	[tilespmem:$0x12100] =	vst v63  }
0x19c: {  	_ =	swait.ge [sflag:s19], $0x8000  }
0x19d: {  	[sflag:s19] =	ssyncset.done $0x0  }
0x19e: {  	s6 =	simm.s32 $0x0;
	s7 =	simm.s32 $0x0;
	[sflag:s19] =	ssyncadd.s32 $0xFFFF8000  }
.LBB2_4:
0x19f: {  	v3 =	vld [tilespmem:s5+$0x0];
	s21 =	sand.u32 $0x6000, s6;
	s22 =	sand.u32 $0x380, s7  }
0x1a0: {  	v4 =	vld [tilespmem:s17+$0x0];
	s21 =	sor.u32 s22, s21  }
0x1a1: {  	v0 =	vld [tilespmem:s21+$0x100]  }
0x1a2: {  	v1 =	vld [tilespmem:s21+$0x8100]  }
0x1a3: {  	v2 =	vld [tilespmem:s21+$0x110]  }
0x1a4: {  	v6 =	vld [tilespmem:s21+$0x8110]  }
0x1a5: {  	v10 =	vld [tilespmem:s21+$0x120]  }
0x1a6: {  	v11 =	vld [tilespmem:s21+$0x8120]  }
0x1a7: {  	v14 =	vld [tilespmem:s21+$0x130]  }
0x1a8: {  	v17 =	vld [tilespmem:s21+$0x8130]  }
0x1a9: {  	v20 =	vld [tilespmem:s21+$0x140]  }
0x1aa: {  	v21 =	vld [tilespmem:s21+$0x8140]  }
0x1ab: {  	v26 =	vld [tilespmem:s21+$0x150]  }
0x1ac: {  	v27 =	vld [tilespmem:s21+$0x8150]  }
0x1ad: {  	v28 =	vld [tilespmem:s21+$0x160]  }
0x1ae: {  	v29 =	vld [tilespmem:s21+$0x8160]  }
0x1af: {  	v30 =	vld [tilespmem:s21+$0x170]  }
0x1b0: {  	v31 =	vld [tilespmem:s21+$0x8170]  }
0x1b1: {  	v32 =	vld [tilespmem:s21+$0x500]  }
0x1b2: {  	v33 =	vld [tilespmem:s21+$0x8500]  }
0x1b3: {  	v34 =	vld [tilespmem:s21+$0x510]  }
0x1b4: {  	v35 =	vld [tilespmem:s21+$0x8510]  }
0x1b5: {  	v36 =	vld [tilespmem:s21+$0x520]  }
0x1b6: {  	v37 =	vld [tilespmem:s21+$0x8520]  }
0x1b7: {  	v38 =	vld [tilespmem:s21+$0x530]  }
0x1b8: {  	v39 =	vld [tilespmem:s21+$0x8530]  }
0x1b9: {  	v40 =	vld [tilespmem:s21+$0x540]  }
0x1ba: {  	v41 =	vld [tilespmem:s21+$0x8540]  }
0x1bb: {  	v42 =	vld [tilespmem:s21+$0x550]  }
0x1bc: {  	v43 =	vld [tilespmem:s21+$0x8550]  }
0x1bd: {  	v44 =	vld [tilespmem:s21+$0x560]  }
0x1be: {  	v45 =	vld [tilespmem:s21+$0x8560]  }
0x1bf: {  	v46 =	vld [tilespmem:s21+$0x570]  }
0x1c0: {  	v47 =	vld [tilespmem:s21+$0x8570]  }
0x1c1: {  	v48 =	vld [tilespmem:s21+$0x900]  }
0x1c2: {  	v49 =	vld [tilespmem:s21+$0x8900]  }
0x1c3: {  	v50 =	vld [tilespmem:s21+$0x910]  }
0x1c4: {  	v51 =	vld [tilespmem:s21+$0x8910]  }
0x1c5: {  	v52 =	vld [tilespmem:s21+$0x920]  }
0x1c6: {  	v53 =	vld [tilespmem:s21+$0x8920]  }
0x1c7: {  	v54 =	vld [tilespmem:s21+$0x930]  }
0x1c8: {  	v55 =	vld [tilespmem:s21+$0x8930]  }
0x1c9: {  	v56 =	vld [tilespmem:s21+$0x940]  }
0x1ca: {  	v57 =	vld [tilespmem:s21+$0x8940]  }
0x1cb: {  	v58 =	vld [tilespmem:s21+$0x950]  }
0x1cc: {  	v59 =	vld [tilespmem:s21+$0x8950]  }
0x1cd: {  	v60 =	vld [tilespmem:s21+$0x960]  }
0x1ce: {  	v61 =	vld [tilespmem:s21+$0x8960]  }
0x1cf: {  	v62 =	vld [tilespmem:s21+$0x970]  }
0x1d0: {  	v63 =	vld [tilespmem:s21+$0x8970]  }
0x1d1: {  	v24 =	vld [tilespmem:s21+$0xD00]  }
0x1d2: {  	v25 =	vld [tilespmem:s21+$0x8D00]  }
0x1d3: {  	v22 =	vld [tilespmem:s21+$0xD10]  }
0x1d4: {  	v23 =	vld [tilespmem:s21+$0x8D10]  }
0x1d5: {  	v18 =	vld [tilespmem:s21+$0xD20]  }
0x1d6: {  	v19 =	vld [tilespmem:s21+$0x8D20]  }
0x1d7: {  	v15 =	vld [tilespmem:s21+$0xD30]  }
0x1d8: {  	v16 =	vld [tilespmem:s21+$0x8D30]  }
0x1d9: {  	v5 =	vld [tilespmem:s21+$0xD60]  }
0x1da: {  	v12 =	vld [tilespmem:s21+$0xD40]  }
0x1db: {  	v13 =	vld [tilespmem:s21+$0x8D40]  }
0x1dc: {  	v8 =	vld [tilespmem:s21+$0xD50]  }
0x1dd: {  	v9 =	vld [tilespmem:s21+$0x8D50];
	v0 =	vmul.f32 v0, v3;
	v1 =	vmul.f32 v1, v4  }
0x1de: {  	v7 =	vld [tilespmem:s21+$0x8D60];
	[tilespmem:$0x1FFA0] =	vst v5;
	v5 =	vmul.f32 v2, v3;
	v2 =	vmul.f32 v6, v4  }
0x1df: {  	v6 =	vld [tilespmem:s21+$0xD70];
	v17 =	vmul.f32 v17, v4;
	v0 =	vadd.f32 v1, v0  }
0x1e0: {  	v1 =	vmul.f32 v10, v3;
	v10 =	vld [tilespmem:s21+$0x8D70];
	v5 =	vadd.f32 v2, v5;
	v2 =	vmul.f32 v14, v3  }
0x1e1: {  	v11 =	vmul.f32 v11, v4;
	v14 =	vld [tilespmem:s21+$0x9100]  }
0x1e2: {  	v26 =	vmul.f32 v26, v3;
	v2 =	vadd.f32 v17, v2;
	v17 =	vld [tilespmem:s21+$0x1110]  }
0x1e3: {  	[tilespmem:s21+$0x100] =	vst v0;
	v0 =	vadd.f32 v11, v1;
	v1 =	vmul.f32 v20, v3;
	v11 =	vmul.f32 v21, v4;
	v20 =	vld [tilespmem:s21+$0x9110]  }
0x1e4: {  	v27 =	vmul.f32 v27, v4;
	v30 =	vmul.f32 v30, v3;
	v21 =	vld [tilespmem:s21+$0x1120];
	[tilespmem:$0x1FFB0] =	vst v6  }
0x1e5: {  	v31 =	vmul.f32 v31, v4;
	v33 =	vmul.f32 v33, v4;
	v6 =	vld [tilespmem:s21+$0x1100];
	[tilespmem:s21+$0x120] =	vst v0;
	v0 =	vadd.f32 v11, v1  }
0x1e6: {  	v1 =	vmul.f32 v28, v3;
	v11 =	vmul.f32 v29, v4;
	[tilespmem:s21+$0x130] =	vst v2;
	v2 =	vadd.f32 v27, v26;
	v26 =	vld [tilespmem:s21+$0x9120]  }
0x1e7: {  	v42 =	vmul.f32 v42, v3;
	[tilespmem:s21+$0x110] =	vst v5;
	v5 =	vmul.f32 v34, v3;
	v28 =	vld [tilespmem:s21+$0x1130]  }
0x1e8: {  	v34 =	vmul.f32 v37, v4;
	v29 =	vld [tilespmem:s21+$0x9130];
	[tilespmem:s21+$0x140] =	vst v0;
	v0 =	vadd.f32 v11, v1;
	v1 =	vmul.f32 v32, v3  }
0x1e9: {  	v37 =	vmul.f32 v39, v4;
	[tilespmem:s21+$0x150] =	vst v2;
	v2 =	vadd.f32 v31, v30;
	v32 =	vmul.f32 v35, v4;
	v30 =	vld [tilespmem:s21+$0x1140]  }
0x1ea: {  	v31 =	vld [tilespmem:s21+$0x9140];
	[tilespmem:s21+$0x160] =	vst v0;
	v0 =	vadd.f32 v33, v1;
	v33 =	vmul.f32 v36, v3;
	v36 =	vmul.f32 v38, v3  }
0x1eb: {  	v39 =	vmul.f32 v40, v3;
	v40 =	vmul.f32 v41, v4;
	v11 =	vld [tilespmem:s21+$0x9550];
	[tilespmem:s21+$0x170] =	vst v2;
	v35 =	vadd.f32 v32, v5  }
0x1ec: {  	v56 =	vmul.f32 v56, v3;
	v32 =	vld [tilespmem:s21+$0x1150];
	[tilespmem:s21+$0x500] =	vst v0;
	v38 =	vadd.f32 v34, v33;
	v41 =	vadd.f32 v37, v36  }
0x1ed: {  	[tilespmem:s21+$0x510] =	vst v35;
	v36 =	vmul.f32 v43, v4;
	v37 =	vadd.f32 v40, v39;
	v39 =	vmul.f32 v45, v4;
	v33 =	vld [tilespmem:s21+$0x9150]  }
0x1ee: {  	v34 =	vld [tilespmem:s21+$0x1160];
	v45 =	vmul.f32 v49, v4;
	[tilespmem:s21+$0x520] =	vst v38;
	v38 =	vmul.f32 v44, v3  }
0x1ef: {  	v35 =	vld [tilespmem:s21+$0x9160];
	[tilespmem:s21+$0x530] =	vst v41;
	v40 =	vadd.f32 v36, v42;
	v41 =	vmul.f32 v46, v3;
	v42 =	vmul.f32 v47, v4  }
0x1f0: {  	[tilespmem:s21+$0x540] =	vst v37;
	v44 =	vmul.f32 v48, v3;
	v47 =	vmul.f32 v50, v3;
	v36 =	vld [tilespmem:s21+$0x1170];
	v43 =	vadd.f32 v39, v38  }
0x1f1: {  	v48 =	vmul.f32 v51, v4;
	v50 =	vmul.f32 v52, v3;
	v37 =	vld [tilespmem:s21+$0x9170];
	[tilespmem:s21+$0x550] =	vst v40;
	v46 =	vadd.f32 v42, v41  }
0x1f2: {  	v51 =	vmul.f32 v53, v4;
	v53 =	vmul.f32 v54, v3;
	v49 =	vadd.f32 v45, v44;
	v38 =	vld [tilespmem:s21+$0x1500];
	[tilespmem:s21+$0x560] =	vst v43  }
0x1f3: {  	v54 =	vmul.f32 v55, v4;
	v52 =	vadd.f32 v48, v47;
	v44 =	vmul.f32 v57, v4;
	v39 =	vld [tilespmem:s21+$0x9500];
	[tilespmem:s21+$0x570] =	vst v46  }
0x1f4: {  	v55 =	vadd.f32 v51, v50;
	v47 =	vmul.f32 v59, v4;
	v40 =	vld [tilespmem:s21+$0x1510];
	v50 =	vmul.f32 v61, v4;
	[tilespmem:s21+$0x900] =	vst v49  }
0x1f5: {  	v45 =	vadd.f32 v54, v53;
	v41 =	vld [tilespmem:s21+$0x9510];
	v53 =	vmul.f32 v63, v4;
	[tilespmem:s21+$0x910] =	vst v52;
	v46 =	vmul.f32 v58, v3  }
0x1f6: {  	v42 =	vld [tilespmem:s21+$0x1520];
	v59 =	vmul.f32 v23, v4;
	[tilespmem:s21+$0x920] =	vst v55;
	v48 =	vadd.f32 v44, v56;
	v49 =	vmul.f32 v60, v3  }
0x1f7: {  	v23 =	vld [tilespmem:s21+$0x1530];
	v61 =	vmul.f32 v18, v3;
	[tilespmem:s21+$0x930] =	vst v45;
	v52 =	vmul.f32 v62, v3;
	v51 =	vadd.f32 v47, v46  }
0x1f8: {  	v18 =	vld [tilespmem:s21+$0x9530];
	v55 =	vmul.f32 v24, v3;
	v56 =	vmul.f32 v25, v4;
	[tilespmem:s21+$0x940] =	vst v48;
	v54 =	vadd.f32 v50, v49  }
0x1f9: {  	v24 =	vld [tilespmem:s21+$0x9520];
	v58 =	vmul.f32 v22, v3;
	v62 =	vmul.f32 v19, v4;
	v57 =	vadd.f32 v53, v52;
	[tilespmem:s21+$0x950] =	vst v51  }
0x1fa: {  	v22 =	vmul.f32 v15, v3;
	v25 =	vmul.f32 v16, v4;
	v16 =	vld [tilespmem:s21+$0x1540];
	v60 =	vadd.f32 v56, v55;
	[tilespmem:s21+$0x960] =	vst v54  }
0x1fb: {  	v43 =	vmul.f32 v12, v3;
	v44 =	vmul.f32 v13, v4;
	v12 =	vld [tilespmem:s21+$0x9540];
	v63 =	vadd.f32 v59, v58;
	[tilespmem:s21+$0x970] =	vst v57  }
0x1fc: {  	v13 =	vld [tilespmem:s21+$0x1570];
	v27 =	vadd.f32 v62, v61;
	v46 =	vmul.f32 v8, v3;
	v47 =	vmul.f32 v9, v4;
	[tilespmem:s21+$0xD00] =	vst v60  }
0x1fd: {  	v15 =	vld [tilespmem:s21+$0x1900];
	v45 =	vadd.f32 v25, v22;
	v55 =	vmul.f32 v14, v4;
	v58 =	vmul.f32 v20, v4;
	[tilespmem:s21+$0xD10] =	vst v63  }
0x1fe: {  	v19 =	vld [tilespmem:s21+$0x1910];
	v48 =	vadd.f32 v44, v43;
	v22 =	vmul.f32 v30, v3;
	v25 =	vmul.f32 v31, v4;
	[tilespmem:s21+$0xD20] =	vst v27  }
0x1ff: {  	v9 =	vld [tilespmem:s21+$0x1550];
	v30 =	vmul.f32 v34, v3;
	v31 =	vmul.f32 v35, v4;
	[tilespmem:s21+$0xD30] =	vst v45;
	v50 =	vadd.f32 v47, v46  }
0x200: {  	v49 =	vld [tilespmem:$0x1FFA0];
	v20 =	vmul.f32 v29, v4;
	[tilespmem:s21+$0xD40] =	vst v48;
	v54 =	vmul.f32 v6, v3;
	v29 =	vadd.f32 v25, v22  }
0x201: {  	v52 =	vmul.f32 v10, v4;
	v10 =	vld [tilespmem:s21+$0x1560];
	v57 =	vmul.f32 v17, v3;
	v35 =	vadd.f32 v31, v30;
	[tilespmem:s21+$0xD50] =	vst v50  }
0x202: {  	v61 =	vmul.f32 v26, v4;
	v14 =	vld [tilespmem:s21+$0x9570];
	v60 =	vmul.f32 v21, v3;
	v59 =	vadd.f32 v55, v54;
	[tilespmem:s21+$0x1140] =	vst v29  }
0x203: {  	v7 =	vmul.f32 v7, v4;
	v44 =	vld [tilespmem:s21+$0x1930];
	v63 =	vmul.f32 v28, v3;
	v62 =	vadd.f32 v58, v57;
	[tilespmem:s21+$0x1160] =	vst v35  }
0x204: {  	v51 =	vld [tilespmem:$0x1FFB0];
	v27 =	vmul.f32 v32, v3;
	v28 =	vmul.f32 v33, v4;
	v21 =	vadd.f32 v61, v60;
	[tilespmem:s21+$0x1100] =	vst v59  }
0x205: {  	v34 =	vmul.f32 v37, v4;
	v17 =	vld [tilespmem:s21+$0x9900];
	v33 =	vmul.f32 v36, v3;
	v26 =	vadd.f32 v20, v63;
	[tilespmem:s21+$0x1110] =	vst v62  }
0x206: {  	v37 =	vmul.f32 v39, v4;
	v36 =	vmul.f32 v38, v3;
	v38 =	vld [tilespmem:s21+$0x9920];
	v32 =	vadd.f32 v28, v27;
	[tilespmem:s21+$0x1120] =	vst v21  }
0x207: {  	v40 =	vmul.f32 v40, v3;
	v43 =	vmul.f32 v41, v4;
	v48 =	vld [tilespmem:s21+$0x9930];
	v39 =	vadd.f32 v34, v33;
	[tilespmem:s21+$0x1130] =	vst v26  }
0x208: {  	v31 =	vld [tilespmem:s21+$0x1970];
	v45 =	vadd.f32 v37, v36;
	v50 =	vmul.f32 v23, v3;
	v1 =	vmul.f32 v49, v3;
	[tilespmem:s21+$0x1150] =	vst v32  }
0x209: {  	v20 =	vld [tilespmem:s21+$0x9910];
	v23 =	vmul.f32 v13, v3;
	v49 =	vadd.f32 v43, v40;
	[tilespmem:s21+$0x1170] =	vst v39;
	v26 =	vmul.f32 v14, v4  }
0x20a: {  	v46 =	vmul.f32 v42, v3;
	v55 =	vld [tilespmem:s21+$0x1950];
	[tilespmem:s21+$0x1500] =	vst v45;
	v5 =	vmul.f32 v51, v3;
	v53 =	vadd.f32 v7, v1  }
0x20b: {  	v47 =	vmul.f32 v24, v4;
	v58 =	vmul.f32 v11, v4;
	v63 =	vld [tilespmem:s21+$0x1960];
	[tilespmem:s21+$0x1510] =	vst v49;
	v32 =	vadd.f32 v26, v23  }
0x20c: {  	v27 =	vld [tilespmem:s21+$0x9960];
	v29 =	vmul.f32 v15, v3;
	v57 =	vmul.f32 v9, v3;
	v56 =	vadd.f32 v52, v5;
	[tilespmem:s21+$0xD60] =	vst v53  }
0x20d: {  	v35 =	vld [tilespmem:s21+$0x9970];
	v41 =	vmul.f32 v44, v3;
	v30 =	vmul.f32 v17, v4;
	v52 =	vadd.f32 v47, v46;
	[tilespmem:s21+$0x1570] =	vst v32  }
0x20e: {  	v21 =	vld [tilespmem:s21+$0x1920];
	v42 =	vmul.f32 v48, v4;
	v53 =	vmul.f32 v16, v3;
	v16 =	vadd.f32 v58, v57;
	[tilespmem:s21+$0xD70] =	vst v56  }
0x20f: {  	v59 =	vld [tilespmem:s21+$0x9950];
	v51 =	vmul.f32 v18, v4;
	v36 =	vadd.f32 v30, v29;
	[tilespmem:s21+$0x1520] =	vst v52  }
0x210: {  	v54 =	vmul.f32 v12, v4;
	v39 =	vld [tilespmem:s21+$0x9940];
	v46 =	vadd.f32 v42, v41;
	[tilespmem:s21+$0x1550] =	vst v16  }
0x211: {  	v33 =	vmul.f32 v19, v3;
	v7 =	vld [tilespmem:s21+$0x9560];
	v34 =	vmul.f32 v20, v4;
	v56 =	vadd.f32 v51, v50;
	[tilespmem:s21+$0x1900] =	vst v36  }
0x212: {  	v18 =	vld [tilespmem:s21+$0x1940];
	v47 =	vmul.f32 v63, v3;
	v48 =	vmul.f32 v27, v4;
	v60 =	vadd.f32 v54, v53;
	[tilespmem:s21+$0x1930] =	vst v46  }
0x213: {  	v38 =	vmul.f32 v38, v4;
	v37 =	vmul.f32 v21, v3;
	v40 =	vadd.f32 v34, v33;
	[tilespmem:s21+$0x1530] =	vst v56  }
0x214: {  	v44 =	vmul.f32 v55, v3;
	v45 =	vmul.f32 v59, v4;
	v52 =	vadd.f32 v48, v47;
	[tilespmem:s21+$0x1540] =	vst v60  }
0x215: {  	v50 =	vmul.f32 v31, v3;
	v51 =	vmul.f32 v35, v4;
	v43 =	vadd.f32 v38, v37;
	[tilespmem:s21+$0x1910] =	vst v40  }
0x216: {  	v61 =	vmul.f32 v10, v3;
	v62 =	vmul.f32 v7, v4;
	v49 =	vadd.f32 v45, v44;
	[tilespmem:s21+$0x1960] =	vst v52  }
0x217: {  	s23 =	sand.u32 $0x7, s16;
	v54 =	vmul.f32 v39, v4;
	v53 =	vmul.f32 v18, v3;
	v55 =	vadd.f32 v51, v50;
	[tilespmem:s21+$0x1920] =	vst v43  }
0x218: {  	s22 =	sshll.u32 s23, $0x7;
	v28 =	vadd.f32 v62, v61;
	[tilespmem:s21+$0x1950] =	vst v49  }
0x219: {  	s22 =	sadd.s32 s22, s6;
	v56 =	vadd.f32 v54, v53;
	[tilespmem:s21+$0x1970] =	vst v55  }
0x21a: {  	s23 =	sor.u32 $0x1C00, s22;
	[tilespmem:s21+$0x1560] =	vst v28  }
0x21b: {  	[tilespmem:s21+$0x1940] =	vst v56;
	v0 =	vld [tilespmem:s23+$0x100]  }
0x21c: {  	v1 =	vld [tilespmem:s23+$0x8100];
	_ =	sdelay $0x4  }
0x21d: {  	v0 =	vmul.f32 v0, v3;
	v1 =	vmul.f32 v1, v4;
	_ =	sdelay $0x1  }
0x21e: {  	v0 =	vadd.f32 v1, v0;
	_ =	sdelay $0x1  }
0x21f: {  	[tilespmem:s23+$0x100] =	vst v0;
	s23 =	sor.u32 $0x1C10, s22  }
0x220: {  	v0 =	vld [tilespmem:s23+$0x100]  }
0x221: {  	v57 =	vld [tilespmem:s23+$0x8100];
	_ =	sdelay $0x4  }
0x222: {  	v0 =	vmul.f32 v0, v3;
	v1 =	vmul.f32 v57, v4;
	_ =	sdelay $0x1  }
0x223: {  	v0 =	vadd.f32 v1, v0;
	_ =	sdelay $0x1  }
0x224: {  	[tilespmem:s23+$0x100] =	vst v0;
	s23 =	sor.u32 $0x1C20, s22  }
0x225: {  	v0 =	vld [tilespmem:s23+$0x100]  }
0x226: {  	v58 =	vld [tilespmem:s23+$0x8100];
	_ =	sdelay $0x4  }
0x227: {  	v0 =	vmul.f32 v0, v3;
	v1 =	vmul.f32 v58, v4;
	_ =	sdelay $0x1  }
0x228: {  	v0 =	vadd.f32 v1, v0;
	_ =	sdelay $0x1  }
0x229: {  	[tilespmem:s23+$0x100] =	vst v0;
	s23 =	sor.u32 $0x1C30, s22  }
0x22a: {  	v0 =	vld [tilespmem:s23+$0x100]  }
0x22b: {  	v59 =	vld [tilespmem:s23+$0x8100];
	_ =	sdelay $0x4  }
0x22c: {  	v0 =	vmul.f32 v0, v3;
	v1 =	vmul.f32 v59, v4;
	_ =	sdelay $0x1  }
0x22d: {  	v0 =	vadd.f32 v1, v0;
	_ =	sdelay $0x1  }
0x22e: {  	[tilespmem:s23+$0x100] =	vst v0;
	s23 =	sor.u32 $0x1C40, s22  }
0x22f: {  	v0 =	vld [tilespmem:s23+$0x100]  }
0x230: {  	v60 =	vld [tilespmem:s23+$0x8100];
	_ =	sdelay $0x4  }
0x231: {  	v0 =	vmul.f32 v0, v3;
	v1 =	vmul.f32 v60, v4;
	_ =	sdelay $0x1  }
0x232: {  	v0 =	vadd.f32 v1, v0;
	_ =	sdelay $0x1  }
0x233: {  	[tilespmem:s23+$0x100] =	vst v0;
	s23 =	sor.u32 $0x1C50, s22  }
0x234: {  	v0 =	vld [tilespmem:s23+$0x100]  }
0x235: {  	v61 =	vld [tilespmem:s23+$0x8100];
	_ =	sdelay $0x4  }
0x236: {  	v0 =	vmul.f32 v0, v3;
	v1 =	vmul.f32 v61, v4;
	_ =	sdelay $0x1  }
0x237: {  	v0 =	vadd.f32 v1, v0;
	_ =	sdelay $0x1  }
0x238: {  	[tilespmem:s23+$0x100] =	vst v0;
	s23 =	sor.u32 $0x1C60, s22  }
0x239: {  	v0 =	vld [tilespmem:s23+$0x100]  }
0x23a: {  	v62 =	vld [tilespmem:s23+$0x8100];
	_ =	sdelay $0x4  }
0x23b: {  	v0 =	vmul.f32 v0, v3;
	v1 =	vmul.f32 v62, v4;
	_ =	sdelay $0x1  }
0x23c: {  	v0 =	vadd.f32 v1, v0;
	_ =	sdelay $0x1  }
0x23d: {  	[tilespmem:s23+$0x100] =	vst v0;
	s23 =	sor.u32 $0x1C70, s22  }
0x23e: {  	v0 =	vld [tilespmem:s23+$0x100]  }
0x23f: {  	v63 =	vld [tilespmem:s23+$0x8100];
	_ =	sdelay $0x3  }
0x240: {  	p0 =	sne.s32 s7, $0xF80  }
.Ltmp1:
0x241: {  	v0 =	vmul.f32 v0, v3;
	v1 =	vmul.f32 v63, v4;
	(pc) =	sbr.rel @p0 .LBB2_4-.Ltmp1, $4  }
0x242: {  	_ = 	snop  }
0x243: {  	v0 =	vadd.f32 v1, v0  }
0x244: {  	s16 =	sadd.s32 $0x1, s16;
	s5 =	sadd.s32 $0x80, s5  }
0x245: {  	s17 =	sadd.s32 $0x80, s17;
	s7 =	sadd.s32 $0x80, s7;
	s6 =	sadd.s32 $0x400, s6;
	[tilespmem:s23+$0x100] =	vst v0  }
0x246: {  	s5 =	rddreg [dreg:$0xb]  }
0x247: {  	[hbm4b:s5+s1] =	stream.linear.scatter [tilespmem:s20], [sflag:$0x2], $0x8000, $0x38;
	[tilespmem:$0x12100] =	vst v63  }
0x248: {  	_ =	swait.ge [sflag:s18], $0x8000  }
0x249: {  	s2 =	sadd.s32 $0x1, s2;
	s23 =	rddreg [dreg:$0xc]  }
0x24a: {  	p0 =	sne.s32 s2, s23  }
.Ltmp2:
0x24b: {  	_ = 	snop;
	(pc) =	sbr.rel @p0 .LBB2_1-.Ltmp2, $3  }
0x24c: {  	_ =	sdelay $0x1  }
0x24d: {  	[sflag:s18] =	ssyncset.done $0x0  }
0x24e: {  	[sflag:s18] =	ssyncadd.s32 $0xFFFF8000  }
0x24f: {  	_ =	sfence.sel $0x180000  }
0x250: {  	[bflag:$0x0] =	sbarrier.arrive $0xFFFF  }
0x251: {  	_ =	strace $0x9000004A  }
0x252: {  	s0 =	stileid.u32;
	[bflag:$0x2] =	sbarrier.arrive $0xFFFF  }
0x253: {  	p0 =	sne.s32 s0, $0x0;
	s0 =	rddreg [dreg:$0x2]  }
0x254: {  	s0 =	sadd.s32 @!p0 $0x100000, s0  }
0x255: {  	[sflag:s0] =	ssyncadd.tile.s32 @!p0 $0x1;
	_ =	shalt  }
.Lfunc_end2:
_tile_overlayer_lowered:
.L_overlay_start_2:
0x256: {  	(tag) =	ssettag $0x2  }
0x257: {  	s0 =	rddreg [dreg:$0x0];
	s2 =	stileid.u32  }
0x258: {  	s1 =	rddreg [dreg:$0x1];
	p0 =	sne.s32 s2, $0x0  }
0x259: {  	s3 =	rddreg [dreg:$0x2];
	[bflag:$0x3] =	sbarrier.arrive $0xFFFF;
	s2 =	simm.s32 @!p0 $0x1C02  }
0x25a: {  	[timem:s3], [sflag:s2] =	dma.local @!p0 [hbm:s0], s1  }
0x25b: {  	s0 =	simm.s32 @!p0 $0x2  }
0x25c: {  	_ =	swait.ge @!p0 [sflag:s0], s1  }
0x25d: {  	s1 =	ssub.s32 @!p0 $0x0, s1;
	[sflag:s0] =	ssyncset.done @!p0 $0x0  }
0x25e: {  	[sflag:s0] =	ssyncadd.s32 @!p0 s1  }
0x25f: {  	[bflag:$0x3] =	sbarrier.arrive $0xFFFF  }
0x260: {  	_ =	shalt  }

// kernel: kernel.7.cloned.1.call-start
scs
__scs_entry_jumppad:
0x0: {  	(pc) =	sbr.rel $0x88, $3  }
0x1: {  	(tag) =	ssettag $0x0;
	lr =	simm.s32 $0x1  }
0x2: {  	[smem:$0x3F9B] =	sst lr;
	_ =	strace $0xD0000000  }
0x3: {  	_ = 	snop  }
0x4: {  	_ = 	snop  }
0x5: {  	_ = 	snop  }
0x6: {  	_ = 	snop  }
0x7: {  	_ = 	snop  }
__scs_overlays_trampoline_lowered:
0x8: {  	[smem:$0x3FAA] =	sst s0  }
0x9: {  	[smem:$0x3FAB] =	sst s1  }
0xa: {  	[smem:$0x3FAC] =	sst s2  }
0xb: {  	[smem:$0x3FAD] =	sst s3  }
0xc: {  	[smem:$0x3FAE] =	sst s4  }
0xd: {  	[smem:$0x3FAF] =	sst s5  }
0xe: {  	[smem:$0x3FB0] =	sst s6  }
0xf: {  	[smem:$0x3FB1] =	sst s7  }
0x10: {  	[smem:$0x3FB2] =	sst s8  }
0x11: {  	[smem:$0x3FB3] =	sst s9;
	s0 =	simm.s32 @!p0 $0x0  }
0x12: {  	s1 =	sld [smem:$0x3F99];
	s0 =	simm.s32 @p0 $0x1  }
0x13: {  	[smem:$0x3FB4] =	sst s0;
	s0 =	simm.s32 @!p1 $0x0  }
0x14: {  	s2 =	sld [smem:$0x3F98];
	s0 =	simm.s32 @p1 $0x1  }
0x15: {  	[smem:$0x3FB5] =	sst s0;
	s0 =	simm.s32 @!p2 $0x0  }
0x16: {  	s3 =	sld [smem:$0x3FDB];
	s0 =	simm.s32 @p2 $0x1  }
0x17: {  	s4 =	simm.s32 $0x1BF5;
	[smem:$0x3FB7] =	sst s0  }
0x18: {  	s0 =	sld [smem:$0x3F9A];
	_ =	swait.ge [sflag:s4], $0x0  }
0x19: {  	s7 =	sld [smem:$0x3F9B]  }
0x1a: {  	s8 =	sadd.s32 $0xFFFFE003, lr  }
0x1b: {  	s9 =	sadd.s32 $0xFFFFFEF7, lr;
	s5 =	simm.s32 $0xFFFFFFFF;
	p2 =	slt.u32 s8, $0xFFFFF086  }
0x1c: {  	p1 =	slt.u32 s9, $0xF7A;
	s5 =	simm.s32 @!p2 $0x0  }
0x1d: {  	s5 =	simm.s32 @p1 $0x1;
	p0 =	seq.s32 s7, s2  }
0x1e: {  	s7 =	smul.u32 @!p0 $0xF7A, s2;
	p2 =	seq.s32 @!p0 s5, $0x0  }
0x1f: {  	s9 =	smul.u32 $0xF7A, s1;
	s8 =	simm.s32 @!p0 $0x1BF5;
	p2 =	por !p2, p0  }
0x20: {  	[sflag:s8] =	ssyncset.s32 @!p0 $0xFFFFF086;
	s6 =	sadd.s32 @!p0 s3, s7;
	s7 =	simm.s32 @!p0 $0x108  }
0x21: {  	s3 =	sadd.s32 s3, s9;
	s6 =	sadd.s32 @!p0 $0x88, s6;
	s7 =	simm.s32 @p2 $0x1082  }
0x22: {  	[simem:s7], [sflag:s8] =	dma.local @!p0 [hbm:s6], $0xF7A  }
0x23: {  	s9 =	sor.u32 $0xD0000000, s2;
	s6 =	simm.s32 $0x108;
	_ =	swait.ge @!p0 [sflag:s8], $0x0  }
0x24: {  	s3 =	sadd.s32 $0x88, s3;
	s6 =	simm.s32 @!p1 $0x1082;
	[sflag:s4] =	ssyncset.s32 $0xFFFFF086  }
0x25: {  	[simem:s6], [sflag:s4] =	dma.local [hbm:s3], $0xF7A  }
0x26: {  	[smem:$0x3F9B] =	sst s1;
	(tag) =	ssettag s2;
	_ =	strace s9  }
0x27: {  	s1 =	sld [smem:$0x3FAB]  }
0x28: {  	s2 =	sld [smem:$0x3FAC]  }
0x29: {  	s4 =	sld [smem:$0x3FAE]  }
0x2a: {  	p0 =	seq.s32 s5, $0x0;
	s5 =	sld [smem:$0x3FAF]  }
0x2b: {  	s6 =	sld [smem:$0x3FB0]  }
0x2c: {  	s7 =	sld [smem:$0x3FB1]  }
0x2d: {  	s3 =	simm.s32 $0x108;
	s8 =	sld [smem:$0x3FB2]  }
0x2e: {  	s3 =	simm.s32 @!p0 $0x1082;
	s9 =	sld [smem:$0x3FB3]  }
0x2f: {  	lr =	sadd.s32 s0, s3;
	s0 =	sld [smem:$0x3FAA]  }
0x30: {  	s3 =	sld [smem:$0x3FAD]  }
0x31: {  	[smem:$0x3FB6] =	sst s10  }
0x32: {  	s10 =	sld [smem:$0x3FB4];
	_ =	sdelay $0x3  }
0x33: {  	p0 =	seq.s32 s10, $0x1;
	s10 =	sld [smem:$0x3FB6];
	_ =	sdelay $0x3  }
0x34: {  	[smem:$0x3FB6] =	sst s10  }
0x35: {  	s10 =	sld [smem:$0x3FB5];
	_ =	sdelay $0x3  }
0x36: {  	p1 =	seq.s32 s10, $0x1;
	s10 =	sld [smem:$0x3FB6];
	_ =	sdelay $0x3  }
0x37: {  	[smem:$0x3FB6] =	sst s10  }
0x38: {  	s10 =	sld [smem:$0x3FB7]  }
0x39: {  	_ = 	snop;
	(pc) =	sbr.ind lr, $3  }
0x3a: {  	_ = 	snop  }
0x3b: {  	_ = 	snop  }
0x3c: {  	p2 =	seq.s32 s10, $0x1;
	s10 =	sld [smem:$0x3FB6]  }
0x3d: {  	_ =	shalt  }
0x3e: {  	_ =	shalt  }
0x3f: {  	_ =	shalt  }
0x40: {  	_ =	shalt  }
0x41: {  	_ =	shalt  }
0x42: {  	_ =	shalt  }
0x43: {  	_ =	shalt  }
0x44: {  	_ =	shalt  }
0x45: {  	_ =	shalt  }
0x46: {  	_ =	shalt  }
0x47: {  	_ =	shalt  }
0x48: {  	_ =	shalt  }
0x49: {  	_ =	shalt  }
0x4a: {  	_ =	shalt  }
0x4b: {  	_ =	shalt  }
0x4c: {  	_ =	shalt  }
0x4d: {  	_ =	shalt  }
0x4e: {  	_ =	shalt  }
0x4f: {  	_ =	shalt  }
0x50: {  	_ =	shalt  }
0x51: {  	_ =	shalt  }
0x52: {  	_ =	shalt  }
0x53: {  	_ =	shalt  }
0x54: {  	_ =	shalt  }
0x55: {  	_ =	shalt  }
0x56: {  	_ =	shalt  }
0x57: {  	_ =	shalt  }
0x58: {  	_ =	shalt  }
0x59: {  	_ =	shalt  }
0x5a: {  	_ =	shalt  }
0x5b: {  	_ =	shalt  }
0x5c: {  	_ =	shalt  }
0x5d: {  	_ =	shalt  }
0x5e: {  	_ =	shalt  }
0x5f: {  	_ =	shalt  }
0x60: {  	_ =	shalt  }
0x61: {  	_ =	shalt  }
0x62: {  	_ =	shalt  }
0x63: {  	_ =	shalt  }
0x64: {  	_ =	shalt  }
0x65: {  	_ =	shalt  }
0x66: {  	_ =	shalt  }
0x67: {  	_ =	shalt  }
0x68: {  	_ =	shalt  }
0x69: {  	_ =	shalt  }
0x6a: {  	_ =	shalt  }
0x6b: {  	_ =	shalt  }
0x6c: {  	_ =	shalt  }
0x6d: {  	_ =	shalt  }
0x6e: {  	_ =	shalt  }
0x6f: {  	_ =	shalt  }
0x70: {  	_ =	shalt  }
0x71: {  	_ =	shalt  }
0x72: {  	_ =	shalt  }
0x73: {  	_ =	shalt  }
0x74: {  	_ =	shalt  }
0x75: {  	_ =	shalt  }
0x76: {  	_ =	shalt  }
0x77: {  	_ =	shalt  }
0x78: {  	_ =	shalt  }
0x79: {  	_ =	shalt  }
0x7a: {  	_ =	shalt  }
0x7b: {  	_ =	shalt  }
0x7c: {  	_ =	shalt  }
0x7d: {  	_ =	shalt  }
0x7e: {  	_ =	shalt  }
0x7f: {  	_ =	shalt  }
0x80: {  	_ =	shalt  }
0x81: {  	_ =	shalt  }
0x82: {  	_ =	shalt  }
0x83: {  	_ =	shalt  }
0x84: {  	_ =	shalt  }
0x85: {  	_ =	shalt  }
0x86: {  	_ =	shalt  }
0x87: {  	_ =	shalt  }
.Lfunc_end0:
.L_simem_size_0:
called_computation_lowered:
.L_overlay_start_0:
0x88: {  	s2 =	sld [smem:$0x3FD9]  }
0x89: {  	s3 =	sld [smem:$0x3FFE];
	_ =	sdelay $0x1  }
0x8a: {  	s1 =	srdreg.scid  }
0x8b: {  	s0 =	sand.u32 $0x1, s1  }
0x8c: {  	s17 =	sshll.u32 s0, $0xA;
	s2 =	sadd.s32 s3, s2  }
0x8d: {  	s2 =	sadd.s32 s2, s17  }
0x8e: {  	[smem:$0x3FC2] =	sst s2  }
0x8f: {  	_ = 	snop  }
0x90: {  	s2 =	sld [smem:$0x3FC9];
	(tm) =	ssettm $0x1  }
0x91: {  	s18 =	sld [smem:$0x3FFB];
	_ =	sdelay $0x3  }
0x92: {  	_ =	strace s18  }
0x93: {  	s3 =	sld [smem:$0x3FFC];
	_ =	sdelay $0x3  }
0x94: {  	_ =	strace s3  }
0x95: {  	s3 =	sld [smem:$0x3FFD];
	_ =	sdelay $0x3  }
0x96: {  	_ =	strace s3  }
0x97: {  	_ =	strace $0x8FFFFFFF  }
0x98: {  	s19 =	sld [smem:$0x3FDB];
	_ =	sdelay $0x1  }
0x99: {  	s4 =	simm.s32 $_scs_section_size  }
0x9a: {  	s5 =	simm.s32 $_size__tile_overlayer_lowered;
	s6 =	simm.s32 $_tile_overlayer_lowered  }
0x9b: {  	s22 =	simm.s32 $0x1BFF;
	s21 =	sshll.u32 s6, $0x1;
	s3 =	sadd.s32 s4, s19  }
0x9c: {  	s7 =	simm.s32 $0x0;
	s20 =	sshll.u32 s5, $0x1;
	s5 =	sadd.s32 s21, s3  }
0x9d: {  	[timem:s7], [sflag:s22] =	dma.local [hbm:s5], s20  }
0x9e: {  	_ =	swait.ge [sflag:s22], s20  }
0x9f: {  	s4 =	ssub.s32 $0x0, s20;
	[sflag:s22] =	ssyncset.done $0x0  }
0xa0: {  	[sflag:s22] =	ssyncadd.s32 s4;
	_ =	sdelay $0x1  }
0xa1: {  	s23 =	simm.s32 $0x1B8B  }
0xa2: {  	_ =	swait.ge [sflag:s23], $0x1  }
0xa3: {  	[sflag:s23] =	ssyncset.done $0x0  }
0xa4: {  	s25 =	simm.s32 $0x1B8E;
	s24 =	sld [smem:$0x3FFE];
	[sflag:s23] =	ssyncadd.s32 $0xFFFFFFFF  }
0xa5: {  	s26 =	simm.s32 $execute0_lowered;
	[smem:$0x3FD2] =	sst s25  }
0xa6: {  	s5 =	sshll.u32 s26, $0x1;
	_ =	strace $0x80000046;
	[dreg:$0x1] =	wrdreg $0xFFFFFFFF  }
0xa7: {  	s28 =	simm.s32 $_size_execute0_lowered;
	s3 =	sadd.s32 s3, s5;
	[dreg:$0x0] =	wrdreg $0x0  }
0xa8: {  	s5 =	sshll.u32 s28, $0x1;
	[dreg:$0x2] =	wrdreg s3  }
0xa9: {  	[dreg:$0x3] =	wrdreg s5  }
0xaa: {  	[dreg:$0x4] =	wrdreg $0xC0  }
0xab: {  	_ =	task [dreg:s7], $0x5FFFF  }
0xac: {  	[dreg:$0x1] =	wrdreg $0xFFFFFFFF  }
0xad: {  	[dreg:$0x0] =	wrdreg $0x60  }
0xae: {  	[dreg:$0x2] =	wrdreg s2  }
0xaf: {  	[dreg:$0x3] =	wrdreg s24  }
0xb0: {  	[dreg:$0x4] =	wrdreg $0x9  }
0xb1: {  	_ =	task.clear_ibuf [dreg:s7], $0x5FFFF;
	_ =	strace $0x90000046  }
0xb2: {  	s29 =	simm.s32 $0x9;
	_ =	strace $0x80000048  }
0xb3: {  	_ =	swait.ge [sflag:s29], $0x1  }
0xb4: {  	[sflag:s29] =	ssyncadd.s32 $0xFFFFFFFF  }
0xb5: {  	_ =	strace $0x90000048  }
0xb6: {  	_ =	sfence  }
0xb7: {  	s30 =	sld [smem:$0x0];
	_ =	sdelay $0x2  }
0xb8: {  	s31 =	sshll.u32 s1, $0xD;
	s1 =	sshrl.u32 s1, $0x2  }
0xb9: {  	s3 =	sand.u32 $0x4000, s31;
	s1 =	sadd.s32 s1, s30  }
0xba: {  	s0 =	sor.u32 s3, s0;
	s1 =	sshll.u32 s1, $0x11  }
0xbb: {  	s0 =	sor.u32 s1, s0  }
0xbc: {  	s0 =	sadd.s32 $0x8F2B, s0  }
0xbd: {  	[sflag:s0] =	ssyncadd.remote.s32 $0x1  }
0xbe: {  	_ =	sfence.sel $0xFFFF  }
0xbf: {  	[dreg:$0x0] =	wrdreg $0xFFFFFFFF;
	(pc) =	sbr.abs _section_cstart, $3  }
0xc0: {  	[dreg:$0x1] =	wrdreg $0xFFFFFFFF  }
0xc1: {  	_ =	task.clear_ibuf [dreg:s7], $0x2FFFF;
	_ =	strace $0x9FFFFFFF  }
0xc2: {  	(tm) =	ssettm $0x7FFFFFFF  }
0xc3: {  	_ =	shalt  }
tec
execute0_lowered:
.L_overlay_start_1:
0x0: {  	(tag) =	ssettag $0x1  }
0x1: {  	s0 =	rddreg [dreg:$0x0]  }
0x2: {  	s1 =	rddreg [dreg:$0x1];
	s3 =	srdreg.scid  }
0x3: {  	s2 =	simm.s32 $0x0;
	s5 =	stileid.u32;
	s18 =	simm.s32 $0x1  }
0x4: {  	s20 =	simm.s32 $0x880;
	s28 =	simm.s32 $0x4080;
	s29 =	simm.s32 $0x4880  }
0x5: {  	s30 =	simm.s32 $0x5080;
	s31 =	simm.s32 $0x5880;
	s10 =	simm.s32 $0x7080  }
0x6: {  	s11 =	simm.s32 $0x7880;
	s12 =	simm.s32 $0x8080;
	s13 =	simm.s32 $0x8880  }
0x7: {  	s14 =	simm.s32 $0x9080;
	s15 =	simm.s32 $0x9880;
	s16 =	simm.s32 $0xA080  }
0x8: {  	s17 =	simm.s32 $0xA880;
	s4 =	sand.u32 $0x1, s3;
	[smem:$0x7FF] =	sst s2  }
0x9: {  	s21 =	sshll.u32 s5, $0x8;
	s6 =	sadd.s32 $0x90C00, s1;
	s3 =	sadd.s32 $0x90E00, s1  }
0xa: {  	s22 =	sshll.u32 s4, $0x7;
	_ =	strace $0x80000047;
	s4 =	ssub.s32 $0x2, s4  }
0xb: {  	s5 =	sor.u32 s22, s21;
	s9 =	sshrl.u32 s4, $0x1;
	s21 =	simm.s32 $0x1080  }
0xc: {  	s22 =	simm.s32 $0x1880;
	s7 =	sshrl.u32 s5, $0x3;
	s8 =	sshll.u32 s5, $0x7  }
0xd: {  	s24 =	ssub.s32 s4, s9;
	s5 =	sor.u32 $0x40, s5;
	s4 =	sadd.s32 $0x90F00, s1  }
0xe: {  	s7 =	sadd.s32 s6, s7;
	s8 =	sand.u32 $0x3C000, s8;
	s25 =	sshrl.u32 s5, $0x3  }
0xf: {  	s26 =	sshll.u32 s5, $0x7;
	s5 =	sadd.s32 $0x91000, s1;
	[dreg:$0x3] =	wrdreg s7  }
0x10: {  	s23 =	sadd.s32 s0, s8;
	s7 =	sadd.s32 s6, s25;
	s9 =	sand.u32 $0x3E000, s26  }
0x11: {  	s6 =	sadd.s32 $0x91100, s1;
	s8 =	simm.s32 $0x2;
	[dreg:$0x4] =	wrdreg s23  }
0x12: {  	v2 =	vlaneseq.u32;
	s25 =	simm.s32 $0x3080;
	s26 =	simm.s32 $0x3880;
	[dreg:$0x5] =	wrdreg s7  }
0x13: {  	vm0 =	vmmov $0xffff;
	v1 =	vshrl.u32 v2, $0x3;
	s0 =	sadd.s32 s0, s9;
	s7 =	smax.u32 s24, $0x1;
	s23 =	simm.s32 $0x2080  }
0x14: {  	v0 =	vand.u32 $0x7, v2;
	v2 =	vor.u32 $0x8, v2;
	v1 =	vmul.u32 $0x8, v1;
	s24 =	simm.s32 $0x2880;
	s9 =	simm.s32 $0xB080;
	[dreg:$0x6] =	wrdreg s0  }
.LBB2_1:
0x15: {  	s19 =	rddreg [dreg:$0x3]  }
0x16: {  	[tilespmem:s2], [sflag:$0x2] =	stream.linear.gather [hbm4b:s19+s2], $0x40, $0x38;
	[tilespmem:$0x10080] =	vst v63  }
0x17: {  	_ =	swait.ge [sflag:s8], $0x40  }
0x18: {  	[sflag:s8] =	ssyncset.done $0x0  }
0x19: {  	s0 =	simm.s32 $0x80;
	s1 =	rddreg [dreg:$0x4];
	[sflag:s8] =	ssyncadd.s32 $0xFFFFFFC0  }
0x1a: {  	[tilespmem:s0], [sflag:$0x2] =	stream.linear.gather [hbm4b:s1+s2], $0x10000, $0x38;
	[tilespmem:$0x10080] =	vst v63  }
0x1b: {  	_ =	swait.ge [sflag:s8], $0x10000  }
0x1c: {  	[sflag:s8] =	ssyncset.done $0x0  }
0x1d: {  	[sflag:s8] =	ssyncadd.s32 $0xFFFF0000  }
0x1e: {  	v3 =	vld [tilespmem:$0x0];
	_ =	sdelay $0x4  }
0x1f: {  	v4 =	vshll.u32 v3, $0x3  }
0x20: {  	v3 =	vand.u32 $0x7, v3;
	v4 =	vand.u32 $0xFFFFFFC0, v4  }
0x21: {  	v3 =	vor.u32 v3, v4  }
0x22: {  	v4 =	vperm.xlane v3, v0;
	_ =	sdelay $0x1  }
0x23: {  	v4 =	vadd.s32 v1, v4;
	_ =	sdelay $0x4  }
0x24: {  	[hbm4b:s3+s2] =	stream.indirect_vreg.scatter [tilespmem:s0], [sflag:$0x1], $0x80, v4, vm0, $0xb8;
	[tilespmem:$0x10080] =	vst v63  }
0x25: {  	v3 =	vperm.xlane v3, v2  }
0x26: {  	[hbm4b:s4+s2] =	stream.indirect_vreg.scatter [tilespmem:s20], [sflag:$0x1], $0x80, v4, vm0, $0xb8;
	[tilespmem:$0x10080] =	vst v63  }
0x27: {  	v3 =	vadd.s32 v1, v3  }
0x28: {  	[hbm4b:s5+s2] =	stream.indirect_vreg.scatter [tilespmem:s21], [sflag:$0x1], $0x80, v4, vm0, $0xb8;
	[tilespmem:$0x10080] =	vst v63  }
0x29: {  	_ = 	snop  }
0x2a: {  	[hbm4b:s6+s2] =	stream.indirect_vreg.scatter [tilespmem:s22], [sflag:$0x1], $0x80, v4, vm0, $0xb8;
	[tilespmem:$0x10080] =	vst v63  }
0x2b: {  	_ = 	snop  }
0x2c: {  	[hbm4b:s3+s2] =	stream.indirect_vreg.scatter [tilespmem:s23], [sflag:$0x1], $0x80, v3, vm0, $0xb8;
	[tilespmem:$0x10080] =	vst v63  }
0x2d: {  	_ = 	snop  }
0x2e: {  	[hbm4b:s4+s2] =	stream.indirect_vreg.scatter [tilespmem:s24], [sflag:$0x1], $0x80, v3, vm0, $0xb8;
	[tilespmem:$0x10080] =	vst v63  }
0x2f: {  	_ = 	snop  }
0x30: {  	[hbm4b:s5+s2] =	stream.indirect_vreg.scatter [tilespmem:s25], [sflag:$0x1], $0x80, v3, vm0, $0xb8;
	[tilespmem:$0x10080] =	vst v63  }
0x31: {  	_ = 	snop  }
0x32: {  	[hbm4b:s6+s2] =	stream.indirect_vreg.scatter [tilespmem:s26], [sflag:$0x1], $0x80, v3, vm0, $0xb8;
	[tilespmem:$0x10080] =	vst v63  }
0x33: {  	v3 =	vld [tilespmem:$0x10];
	_ =	sdelay $0x4  }
0x34: {  	v57 =	vshll.u32 v3, $0x3  }
0x35: {  	v3 =	vand.u32 $0x7, v3;
	v4 =	vand.u32 $0xFFFFFFC0, v57  }
0x36: {  	v3 =	vor.u32 v3, v4  }
0x37: {  	v4 =	vperm.xlane v3, v0;
	_ =	sdelay $0x1  }
0x38: {  	v4 =	vadd.s32 v1, v4;
	_ =	sdelay $0x4  }
0x39: {  	[hbm4b:s3+s2] =	stream.indirect_vreg.scatter [tilespmem:s28], [sflag:$0x1], $0x80, v4, vm0, $0xb8;
	[tilespmem:$0x10080] =	vst v63  }
0x3a: {  	v3 =	vperm.xlane v3, v2  }
0x3b: {  	[hbm4b:s4+s2] =	stream.indirect_vreg.scatter [tilespmem:s29], [sflag:$0x1], $0x80, v4, vm0, $0xb8;
	[tilespmem:$0x10080] =	vst v63  }
0x3c: {  	v3 =	vadd.s32 v1, v3  }
0x3d: {  	[hbm4b:s5+s2] =	stream.indirect_vreg.scatter [tilespmem:s30], [sflag:$0x1], $0x80, v4, vm0, $0xb8;
	[tilespmem:$0x10080] =	vst v63  }
0x3e: {  	_ = 	snop  }
0x3f: {  	[hbm4b:s6+s2] =	stream.indirect_vreg.scatter [tilespmem:s31], [sflag:$0x1], $0x80, v4, vm0, $0xb8;
	[tilespmem:$0x10080] =	vst v63  }
0x40: {  	s1 =	simm.s32 $0x6080  }
0x41: {  	[hbm4b:s3+s2] =	stream.indirect_vreg.scatter [tilespmem:s1], [sflag:$0x1], $0x80, v3, vm0, $0xb8;
	[tilespmem:$0x10080] =	vst v63  }
0x42: {  	s1 =	simm.s32 $0x6880  }
0x43: {  	[hbm4b:s4+s2] =	stream.indirect_vreg.scatter [tilespmem:s1], [sflag:$0x1], $0x80, v3, vm0, $0xb8;
	[tilespmem:$0x10080] =	vst v63  }
0x44: {  	_ = 	snop  }
0x45: {  	[hbm4b:s5+s2] =	stream.indirect_vreg.scatter [tilespmem:s10], [sflag:$0x1], $0x80, v3, vm0, $0xb8;
	[tilespmem:$0x10080] =	vst v63  }
0x46: {  	_ = 	snop  }
0x47: {  	[hbm4b:s6+s2] =	stream.indirect_vreg.scatter [tilespmem:s11], [sflag:$0x1], $0x80, v3, vm0, $0xb8;
	[tilespmem:$0x10080] =	vst v63  }
0x48: {  	v3 =	vld [tilespmem:$0x20];
	_ =	sdelay $0x4  }
0x49: {  	v58 =	vshll.u32 v3, $0x3  }
0x4a: {  	v3 =	vand.u32 $0x7, v3;
	v4 =	vand.u32 $0xFFFFFFC0, v58  }
0x4b: {  	v3 =	vor.u32 v3, v4  }
0x4c: {  	v4 =	vperm.xlane v3, v0;
	_ =	sdelay $0x1  }
0x4d: {  	v4 =	vadd.s32 v1, v4;
	_ =	sdelay $0x4  }
0x4e: {  	[hbm4b:s3+s2] =	stream.indirect_vreg.scatter [tilespmem:s12], [sflag:$0x1], $0x80, v4, vm0, $0xb8;
	[tilespmem:$0x10080] =	vst v63  }
0x4f: {  	v3 =	vperm.xlane v3, v2  }
0x50: {  	[hbm4b:s4+s2] =	stream.indirect_vreg.scatter [tilespmem:s13], [sflag:$0x1], $0x80, v4, vm0, $0xb8;
	[tilespmem:$0x10080] =	vst v63  }
0x51: {  	v3 =	vadd.s32 v1, v3  }
0x52: {  	[hbm4b:s5+s2] =	stream.indirect_vreg.scatter [tilespmem:s14], [sflag:$0x1], $0x80, v4, vm0, $0xb8;
	[tilespmem:$0x10080] =	vst v63  }
0x53: {  	_ = 	snop  }
0x54: {  	[hbm4b:s6+s2] =	stream.indirect_vreg.scatter [tilespmem:s15], [sflag:$0x1], $0x80, v4, vm0, $0xb8;
	[tilespmem:$0x10080] =	vst v63  }
0x55: {  	_ = 	snop  }
0x56: {  	[hbm4b:s3+s2] =	stream.indirect_vreg.scatter [tilespmem:s16], [sflag:$0x1], $0x80, v3, vm0, $0xb8;
	[tilespmem:$0x10080] =	vst v63  }
0x57: {  	_ = 	snop  }
0x58: {  	[hbm4b:s4+s2] =	stream.indirect_vreg.scatter [tilespmem:s17], [sflag:$0x1], $0x80, v3, vm0, $0xb8;
	[tilespmem:$0x10080] =	vst v63  }
0x59: {  	_ = 	snop  }
0x5a: {  	[hbm4b:s5+s2] =	stream.indirect_vreg.scatter [tilespmem:s9], [sflag:$0x1], $0x80, v3, vm0, $0xb8;
	[tilespmem:$0x10080] =	vst v63  }
0x5b: {  	s19 =	simm.s32 $0xB880  }
0x5c: {  	[hbm4b:s6+s2] =	stream.indirect_vreg.scatter [tilespmem:s19], [sflag:$0x1], $0x80, v3, vm0, $0xb8;
	[tilespmem:$0x10080] =	vst v63  }
0x5d: {  	v3 =	vld [tilespmem:$0x30];
	_ =	sdelay $0x4  }
0x5e: {  	v59 =	vshll.u32 v3, $0x3  }
0x5f: {  	v3 =	vand.u32 $0x7, v3;
	v4 =	vand.u32 $0xFFFFFFC0, v59  }
0x60: {  	v3 =	vor.u32 v3, v4  }
0x61: {  	v4 =	vperm.xlane v3, v0;
	_ =	sdelay $0x1  }
0x62: {  	v4 =	vadd.s32 v1, v4;
	_ =	sdelay $0x3  }
0x63: {  	s19 =	simm.s32 $0xC080  }
0x64: {  	[hbm4b:s3+s2] =	stream.indirect_vreg.scatter [tilespmem:s19], [sflag:$0x1], $0x80, v4, vm0, $0xb8;
	[tilespmem:$0x10080] =	vst v63  }
0x65: {  	v3 =	vperm.xlane v3, v2;
	s19 =	simm.s32 $0xC880  }
0x66: {  	[hbm4b:s4+s2] =	stream.indirect_vreg.scatter [tilespmem:s19], [sflag:$0x1], $0x80, v4, vm0, $0xb8;
	[tilespmem:$0x10080] =	vst v63  }
0x67: {  	v3 =	vadd.s32 v1, v3;
	s19 =	simm.s32 $0xD080  }
0x68: {  	[hbm4b:s5+s2] =	stream.indirect_vreg.scatter [tilespmem:s19], [sflag:$0x1], $0x80, v4, vm0, $0xb8;
	[tilespmem:$0x10080] =	vst v63  }
0x69: {  	s19 =	simm.s32 $0xD880  }
0x6a: {  	[hbm4b:s6+s2] =	stream.indirect_vreg.scatter [tilespmem:s19], [sflag:$0x1], $0x80, v4, vm0, $0xb8;
	[tilespmem:$0x10080] =	vst v63  }
0x6b: {  	s19 =	simm.s32 $0xE080  }
0x6c: {  	[hbm4b:s3+s2] =	stream.indirect_vreg.scatter [tilespmem:s19], [sflag:$0x1], $0x80, v3, vm0, $0xb8;
	[tilespmem:$0x10080] =	vst v63  }
0x6d: {  	s19 =	simm.s32 $0xE880  }
0x6e: {  	[hbm4b:s4+s2] =	stream.indirect_vreg.scatter [tilespmem:s19], [sflag:$0x1], $0x80, v3, vm0, $0xb8;
	[tilespmem:$0x10080] =	vst v63  }
0x6f: {  	s19 =	simm.s32 $0xF080  }
0x70: {  	[hbm4b:s5+s2] =	stream.indirect_vreg.scatter [tilespmem:s19], [sflag:$0x1], $0x80, v3, vm0, $0xb8;
	[tilespmem:$0x10080] =	vst v63  }
0x71: {  	s19 =	simm.s32 $0xF880  }
0x72: {  	[hbm4b:s6+s2] =	stream.indirect_vreg.scatter [tilespmem:s19], [sflag:$0x1], $0x80, v3, vm0, $0xb8;
	[tilespmem:$0x10080] =	vst v63  }
0x73: {  	_ =	swait.ge [sflag:s18], $0x10000  }
0x74: {  	[sflag:s18] =	ssyncset.done $0x0  }
0x75: {  	s19 =	rddreg [dreg:$0x5];
	[sflag:s18] =	ssyncadd.s32 $0xFFFF0000  }
0x76: {  	[tilespmem:s2], [sflag:$0x2] =	stream.linear.gather [hbm4b:s19+s2], $0x40, $0x38;
	[tilespmem:$0x10080] =	vst v63  }
0x77: {  	_ =	swait.ge [sflag:s8], $0x40  }
0x78: {  	[sflag:s8] =	ssyncset.done $0x0  }
0x79: {  	s19 =	rddreg [dreg:$0x6];
	[sflag:s8] =	ssyncadd.s32 $0xFFFFFFC0  }
0x7a: {  	[tilespmem:s0], [sflag:$0x2] =	stream.linear.gather [hbm4b:s19+s2], $0x10000, $0x38;
	[tilespmem:$0x10080] =	vst v63  }
0x7b: {  	_ =	swait.ge [sflag:s8], $0x10000  }
0x7c: {  	[sflag:s8] =	ssyncset.done $0x0  }
0x7d: {  	[sflag:s8] =	ssyncadd.s32 $0xFFFF0000  }
0x7e: {  	v3 =	vld [tilespmem:$0x0];
	_ =	sdelay $0x4  }
0x7f: {  	v60 =	vshll.u32 v3, $0x3  }
0x80: {  	v3 =	vand.u32 $0x7, v3;
	v4 =	vand.u32 $0xFFFFFFC0, v60  }
0x81: {  	v3 =	vor.u32 v3, v4  }
0x82: {  	v4 =	vperm.xlane v3, v0;
	_ =	sdelay $0x1  }
0x83: {  	v4 =	vadd.s32 v1, v4;
	_ =	sdelay $0x4  }
0x84: {  	[hbm4b:s3+s2] =	stream.indirect_vreg.scatter [tilespmem:s0], [sflag:$0x1], $0x80, v4, vm0, $0xb8;
	[tilespmem:$0x10080] =	vst v63  }
0x85: {  	v3 =	vperm.xlane v3, v2  }
0x86: {  	[hbm4b:s4+s2] =	stream.indirect_vreg.scatter [tilespmem:s20], [sflag:$0x1], $0x80, v4, vm0, $0xb8;
	[tilespmem:$0x10080] =	vst v63  }
0x87: {  	v3 =	vadd.s32 v1, v3  }
0x88: {  	[hbm4b:s5+s2] =	stream.indirect_vreg.scatter [tilespmem:s21], [sflag:$0x1], $0x80, v4, vm0, $0xb8;
	[tilespmem:$0x10080] =	vst v63  }
0x89: {  	_ = 	snop  }
0x8a: {  	[hbm4b:s6+s2] =	stream.indirect_vreg.scatter [tilespmem:s22], [sflag:$0x1], $0x80, v4, vm0, $0xb8;
	[tilespmem:$0x10080] =	vst v63  }
0x8b: {  	_ = 	snop  }
0x8c: {  	[hbm4b:s3+s2] =	stream.indirect_vreg.scatter [tilespmem:s23], [sflag:$0x1], $0x80, v3, vm0, $0xb8;
	[tilespmem:$0x10080] =	vst v63  }
0x8d: {  	_ = 	snop  }
0x8e: {  	[hbm4b:s4+s2] =	stream.indirect_vreg.scatter [tilespmem:s24], [sflag:$0x1], $0x80, v3, vm0, $0xb8;
	[tilespmem:$0x10080] =	vst v63  }
0x8f: {  	_ = 	snop  }
0x90: {  	[hbm4b:s5+s2] =	stream.indirect_vreg.scatter [tilespmem:s25], [sflag:$0x1], $0x80, v3, vm0, $0xb8;
	[tilespmem:$0x10080] =	vst v63  }
0x91: {  	_ = 	snop  }
0x92: {  	[hbm4b:s6+s2] =	stream.indirect_vreg.scatter [tilespmem:s26], [sflag:$0x1], $0x80, v3, vm0, $0xb8;
	[tilespmem:$0x10080] =	vst v63  }
0x93: {  	v3 =	vld [tilespmem:$0x10];
	_ =	sdelay $0x4  }
0x94: {  	v61 =	vshll.u32 v3, $0x3  }
0x95: {  	v3 =	vand.u32 $0x7, v3;
	v4 =	vand.u32 $0xFFFFFFC0, v61  }
0x96: {  	v3 =	vor.u32 v3, v4  }
0x97: {  	v4 =	vperm.xlane v3, v0;
	_ =	sdelay $0x1  }
0x98: {  	v4 =	vadd.s32 v1, v4;
	_ =	sdelay $0x4  }
0x99: {  	[hbm4b:s3+s2] =	stream.indirect_vreg.scatter [tilespmem:s28], [sflag:$0x1], $0x80, v4, vm0, $0xb8;
	[tilespmem:$0x10080] =	vst v63  }
0x9a: {  	v3 =	vperm.xlane v3, v2  }
0x9b: {  	[hbm4b:s4+s2] =	stream.indirect_vreg.scatter [tilespmem:s29], [sflag:$0x1], $0x80, v4, vm0, $0xb8;
	[tilespmem:$0x10080] =	vst v63  }
0x9c: {  	v3 =	vadd.s32 v1, v3  }
0x9d: {  	[hbm4b:s5+s2] =	stream.indirect_vreg.scatter [tilespmem:s30], [sflag:$0x1], $0x80, v4, vm0, $0xb8;
	[tilespmem:$0x10080] =	vst v63  }
0x9e: {  	_ = 	snop  }
0x9f: {  	[hbm4b:s6+s2] =	stream.indirect_vreg.scatter [tilespmem:s31], [sflag:$0x1], $0x80, v4, vm0, $0xb8;
	[tilespmem:$0x10080] =	vst v63  }
0xa0: {  	s19 =	simm.s32 $0x6080  }
0xa1: {  	[hbm4b:s3+s2] =	stream.indirect_vreg.scatter [tilespmem:s19], [sflag:$0x1], $0x80, v3, vm0, $0xb8;
	[tilespmem:$0x10080] =	vst v63  }
0xa2: {  	_ = 	snop  }
0xa3: {  	[hbm4b:s4+s2] =	stream.indirect_vreg.scatter [tilespmem:s1], [sflag:$0x1], $0x80, v3, vm0, $0xb8;
	[tilespmem:$0x10080] =	vst v63  }
0xa4: {  	_ = 	snop  }
0xa5: {  	[hbm4b:s5+s2] =	stream.indirect_vreg.scatter [tilespmem:s10], [sflag:$0x1], $0x80, v3, vm0, $0xb8;
	[tilespmem:$0x10080] =	vst v63  }
0xa6: {  	_ = 	snop  }
0xa7: {  	[hbm4b:s6+s2] =	stream.indirect_vreg.scatter [tilespmem:s11], [sflag:$0x1], $0x80, v3, vm0, $0xb8;
	[tilespmem:$0x10080] =	vst v63  }
0xa8: {  	v3 =	vld [tilespmem:$0x20];
	_ =	sdelay $0x4  }
0xa9: {  	v62 =	vshll.u32 v3, $0x3  }
0xaa: {  	v3 =	vand.u32 $0x7, v3;
	v4 =	vand.u32 $0xFFFFFFC0, v62  }
0xab: {  	v3 =	vor.u32 v3, v4  }
0xac: {  	v4 =	vperm.xlane v3, v0;
	_ =	sdelay $0x1  }
0xad: {  	v4 =	vadd.s32 v1, v4;
	_ =	sdelay $0x4  }
0xae: {  	[hbm4b:s3+s2] =	stream.indirect_vreg.scatter [tilespmem:s12], [sflag:$0x1], $0x80, v4, vm0, $0xb8;
	[tilespmem:$0x10080] =	vst v63  }
0xaf: {  	v3 =	vperm.xlane v3, v2  }
0xb0: {  	[hbm4b:s4+s2] =	stream.indirect_vreg.scatter [tilespmem:s13], [sflag:$0x1], $0x80, v4, vm0, $0xb8;
	[tilespmem:$0x10080] =	vst v63  }
0xb1: {  	v3 =	vadd.s32 v1, v3  }
0xb2: {  	[hbm4b:s5+s2] =	stream.indirect_vreg.scatter [tilespmem:s14], [sflag:$0x1], $0x80, v4, vm0, $0xb8;
	[tilespmem:$0x10080] =	vst v63  }
0xb3: {  	_ = 	snop  }
0xb4: {  	[hbm4b:s6+s2] =	stream.indirect_vreg.scatter [tilespmem:s15], [sflag:$0x1], $0x80, v4, vm0, $0xb8;
	[tilespmem:$0x10080] =	vst v63  }
0xb5: {  	_ = 	snop  }
0xb6: {  	[hbm4b:s3+s2] =	stream.indirect_vreg.scatter [tilespmem:s16], [sflag:$0x1], $0x80, v3, vm0, $0xb8;
	[tilespmem:$0x10080] =	vst v63  }
0xb7: {  	_ = 	snop  }
0xb8: {  	[hbm4b:s4+s2] =	stream.indirect_vreg.scatter [tilespmem:s17], [sflag:$0x1], $0x80, v3, vm0, $0xb8;
	[tilespmem:$0x10080] =	vst v63  }
0xb9: {  	_ = 	snop  }
0xba: {  	[hbm4b:s5+s2] =	stream.indirect_vreg.scatter [tilespmem:s9], [sflag:$0x1], $0x80, v3, vm0, $0xb8;
	[tilespmem:$0x10080] =	vst v63  }
0xbb: {  	s19 =	simm.s32 $0xB880  }
0xbc: {  	[hbm4b:s6+s2] =	stream.indirect_vreg.scatter [tilespmem:s19], [sflag:$0x1], $0x80, v3, vm0, $0xb8;
	[tilespmem:$0x10080] =	vst v63  }
0xbd: {  	v3 =	vld [tilespmem:$0x30];
	_ =	sdelay $0x4  }
0xbe: {  	v63 =	vshll.u32 v3, $0x3  }
0xbf: {  	v3 =	vand.u32 $0x7, v3;
	v4 =	vand.u32 $0xFFFFFFC0, v63  }
0xc0: {  	v3 =	vor.u32 v3, v4  }
0xc1: {  	v4 =	vperm.xlane v3, v0;
	_ =	sdelay $0x1  }
0xc2: {  	v4 =	vadd.s32 v1, v4;
	_ =	sdelay $0x3  }
0xc3: {  	s1 =	simm.s32 $0xC080  }
0xc4: {  	[hbm4b:s3+s2] =	stream.indirect_vreg.scatter [tilespmem:s1], [sflag:$0x1], $0x80, v4, vm0, $0xb8;
	[tilespmem:$0x10080] =	vst v63  }
0xc5: {  	s19 =	simm.s32 $0xC880;
	v3 =	vperm.xlane v3, v2  }
0xc6: {  	[hbm4b:s4+s2] =	stream.indirect_vreg.scatter [tilespmem:s19], [sflag:$0x1], $0x80, v4, vm0, $0xb8;
	[tilespmem:$0x10080] =	vst v63  }
0xc7: {  	v3 =	vadd.s32 v1, v3;
	s1 =	simm.s32 $0xD080  }
0xc8: {  	[hbm4b:s5+s2] =	stream.indirect_vreg.scatter [tilespmem:s1], [sflag:$0x1], $0x80, v4, vm0, $0xb8;
	[tilespmem:$0x10080] =	vst v63  }
0xc9: {  	s19 =	simm.s32 $0xD880  }
0xca: {  	[hbm4b:s6+s2] =	stream.indirect_vreg.scatter [tilespmem:s19], [sflag:$0x1], $0x80, v4, vm0, $0xb8;
	[tilespmem:$0x10080] =	vst v63  }
0xcb: {  	s1 =	simm.s32 $0xE080  }
0xcc: {  	[hbm4b:s3+s2] =	stream.indirect_vreg.scatter [tilespmem:s1], [sflag:$0x1], $0x80, v3, vm0, $0xb8;
	[tilespmem:$0x10080] =	vst v63  }
0xcd: {  	s19 =	simm.s32 $0xE880  }
0xce: {  	[hbm4b:s4+s2] =	stream.indirect_vreg.scatter [tilespmem:s19], [sflag:$0x1], $0x80, v3, vm0, $0xb8;
	[tilespmem:$0x10080] =	vst v63  }
0xcf: {  	p0 =	sne.s32 s7, $0x1;
	s1 =	simm.s32 $0xF080  }
0xd0: {  	[hbm4b:s5+s2] =	stream.indirect_vreg.scatter [tilespmem:s1], [sflag:$0x1], $0x80, v3, vm0, $0xb8;
	[tilespmem:$0x10080] =	vst v63  }
.Ltmp0:
0xd1: {  	s19 =	simm.s32 $0xF880;
	(pc) =	sbr.rel @p0 .LBB2_1-.Ltmp0, $4  }
0xd2: {  	[hbm4b:s6+s2] =	stream.indirect_vreg.scatter [tilespmem:s19], [sflag:$0x1], $0x80, v3, vm0, $0xb8;
	[tilespmem:$0x10080] =	vst v63  }
0xd3: {  	_ =	swait.ge [sflag:s18], $0x10000  }
0xd4: {  	[sflag:s18] =	ssyncset.done $0x0  }
0xd5: {  	s7 =	sadd.s32 $0xFFFFFFFF, s7;
	[sflag:s18] =	ssyncadd.s32 $0xFFFF0000  }
0xd6: {  	_ =	sfence.sel $0x180000  }
0xd7: {  	[bflag:$0x0] =	sbarrier.arrive $0xFFFF  }
0xd8: {  	_ =	strace $0x90000047  }
0xd9: {  	s0 =	stileid.u32;
	[bflag:$0x2] =	sbarrier.arrive $0xFFFF  }
0xda: {  	p0 =	sne.s32 s0, $0x0;
	s0 =	rddreg [dreg:$0x2]  }
0xdb: {  	s0 =	sadd.s32 @!p0 $0x100000, s0  }
0xdc: {  	[sflag:s0] =	ssyncadd.tile.s32 @!p0 $0x1;
	_ =	shalt  }
.Lfunc_end2:
_tile_overlayer_lowered:
.L_overlay_start_2:
0xdd: {  	(tag) =	ssettag $0x2  }
0xde: {  	s0 =	rddreg [dreg:$0x0];
	s2 =	stileid.u32  }
0xdf: {  	s1 =	rddreg [dreg:$0x1];
	p0 =	sne.s32 s2, $0x0  }
0xe0: {  	s3 =	rddreg [dreg:$0x2];
	[bflag:$0x3] =	sbarrier.arrive $0xFFFF;
	s2 =	simm.s32 @!p0 $0x1C02  }
0xe1: {  	[timem:s3], [sflag:s2] =	dma.local @!p0 [hbm:s0], s1  }
0xe2: {  	s0 =	simm.s32 @!p0 $0x2  }
0xe3: {  	_ =	swait.ge @!p0 [sflag:s0], s1  }
0xe4: {  	s1 =	ssub.s32 @!p0 $0x0, s1;
	[sflag:s0] =	ssyncset.done @!p0 $0x0  }
0xe5: {  	[sflag:s0] =	ssyncadd.s32 @!p0 s1  }
0xe6: {  	[bflag:$0x3] =	sbarrier.arrive $0xFFFF  }
0xe7: {  	_ =	shalt  }

</sc_bundles>
